<compile_context>
chip_gen: v7x
topology: tpu7x:2x2x1
jax: 0.10.2.dev20260603
libtpu: 0.0.44.dev20260713+nightly
codegen_flags: <defaults>
</compile_context>

<pallas_src>
import jax
import jax.numpy as jnp
from jax import lax
from jax.experimental import pallas as pl
from jax.experimental.pallas import tpu as pltpu
from jax.experimental.pallas import tpu_sc as plsc

_NC = 2
_NS = 16
_L = 16

_B, _T, _P, _H = 8, 4, 1025, 1280
_CH = 16
_NCH = 64
_JV = _H // _L
_JG = 16


def _sc_body(hid, ids, table, gate16, out,
             ids_v, gate_v, rows16_v, row_v, last_v, in_bufs, out_bufs,
             row_sem, last_sem, in_sems, out_sems):
    wid = lax.axis_index("s") * _NC + lax.axis_index("c")
    b = wid // _T
    t = wid % _T

    pltpu.sync_copy(ids, ids_v.at[pl.ds(0, _B)])
    pltpu.sync_copy(gate16, gate_v)
    pltpu.async_copy(hid.at[b, t, pl.ds(_P - 1, 1)], last_v, last_sem).wait()

    gv = gate_v[...]
    gt = 1.0 - 2.0 / (jnp.exp(2.0 * gv) + 1.0)

    bvec = jnp.full((_L,), b, dtype=jnp.int32)
    rid_vec = plsc.load_gather(ids_v, [bvec])
    idx_vec = rid_vec * _T + t
    pltpu.async_copy(table.at[idx_vec], rows16_v, row_sem).wait()

    for j in range(_JV):
        sl = pl.ds(j * _L, _L)
        row_v[sl] = rows16_v[0, sl] * gt

    for j in range(_JV):
        sl = pl.ds(j * _L, _L)
        last_v[0, sl] = last_v[0, sl] + row_v[sl]
    pltpu.async_copy(last_v, out.at[b, t, pl.ds(_P - 1, 1)], last_sem).wait()

    def in_copy(off, k):
        return pltpu.make_async_copy(
            hid.at[b, t, pl.ds(off, _CH)], in_bufs.at[k], in_sems.at[k])

    def out_copy(off, k):
        return pltpu.make_async_copy(
            out_bufs.at[k], out.at[b, t, pl.ds(off, _CH)], out_sems.at[k])

    def add_rows(k):
        for jg in range(_JV // _JG):
            rv = [row_v[pl.ds((jg * _JG + u) * _L, _L)] for u in range(_JG)]

            def row_step(r, _):
                for u in range(_JG):
                    sl = pl.ds((jg * _JG + u) * _L, _L)
                    out_bufs[k, r, sl] = in_bufs[k, r, sl] + rv[u]
                return 0
            lax.fori_loop(0, _CH, row_step, 0)

    in_copy(0, 0).start()
    in_copy(_CH, 1).start()

    def chunk_step(c, _):
        k = lax.rem(c, 2)

        @pl.when(c >= 2)
        def _():
            out_copy((c - 2) * _CH, k).wait()

        in_copy(c * _CH, k).wait()
        add_rows(k)
        out_copy(c * _CH, k).start()

        @pl.when(c + 2 < _NCH)
        def _():
            in_copy((c + 2) * _CH, k).start()
        return 0

    lax.fori_loop(0, _NCH, chunk_step, 0)

    out_copy((_NCH - 2) * _CH, 0).wait()
    out_copy((_NCH - 1) * _CH, 1).wait()


@jax.jit
def _sc_call(hidden_state, ids32, table_rows, gate16):
    mesh = plsc.VectorSubcoreMesh(
        core_axis_name="c", subcore_axis_name="s",
        num_cores=_NC, num_subcores=_NS)
    fn = pl.kernel(
        _sc_body,
        out_type=jax.ShapeDtypeStruct((_B, _T, _P, _H), jnp.float32),
        mesh=mesh,
        scratch_types=[
            pltpu.VMEM((2 * _L,), jnp.int32),
            pltpu.VMEM((_L,), jnp.float32),
            pltpu.VMEM((_L, _H), jnp.float32),
            pltpu.VMEM((_H,), jnp.float32),
            pltpu.VMEM((1, _H), jnp.float32),
            pltpu.VMEM((2, _CH, _H), jnp.float32),
            pltpu.VMEM((2, _CH, _H), jnp.float32),
            pltpu.SemaphoreType.DMA,
            pltpu.SemaphoreType.DMA,
            pltpu.SemaphoreType.DMA((2,)),
            pltpu.SemaphoreType.DMA((2,)),
        ],
        compiler_params=pltpu.CompilerParams(needs_layout_passes=False),
    )
    return fn(hidden_state, ids32, table_rows, gate16)


def kernel(hidden_state, aspect_ratio_ids, embedding_table, gate):
    B, T, P, H = hidden_state.shape
    V = embedding_table.shape[0]
    table_rows = embedding_table.reshape(V * T, H)
    ids32 = aspect_ratio_ids.astype(jnp.int32)
    gate16 = jnp.broadcast_to(gate.astype(jnp.float32), (_L,))
    return _sc_call(hidden_state, ids32, table_rows, gate16)

# --- scband reference (transcript-rebuilt; emitter-appended) ---
"""Pipeline reference for scband-mllama-precomputed-aspect-ratio-embedding-738734375667 (READ-ONLY COPY).

The authoritative reference and input builder live on the scoring server;
editing this copy changes nothing except your own understanding.
"""

import jax, jax.numpy as jnp
import numpy as np

MAX_NUM_TILES = 4
HIDDEN_SIZE = 1280
MAX_ASPECT_RATIO_ID = 8
BATCH = 8
NUM_PATCHES = 1025

def setup_inputs(seed: int = 0) -> dict:
    key = jax.random.key(seed)
    k1, k2, k3, k4 = jax.random.split(key, 4)
    hidden_state = jax.random.normal(k1, (BATCH, MAX_NUM_TILES, NUM_PATCHES, HIDDEN_SIZE), dtype=jnp.float32)
    aspect_ratio_ids = jax.random.randint(k2, (BATCH,), 0, MAX_ASPECT_RATIO_ID + 1, dtype=jnp.int64) if jax.config.jax_enable_x64 else jax.random.randint(k2, (BATCH,), 0, MAX_ASPECT_RATIO_ID + 1).astype(jnp.int32)
    embedding_table = jax.random.normal(k3, (MAX_ASPECT_RATIO_ID + 1, MAX_NUM_TILES * HIDDEN_SIZE), dtype=jnp.float32)
    gate = jax.random.normal(k4, (1,), dtype=jnp.float32)
    return {
        'hidden_state': hidden_state,
        'aspect_ratio_ids': aspect_ratio_ids,
        'embedding_table': embedding_table,
        'gate': gate,
    }

def reference(hidden_state, aspect_ratio_ids, embedding_table, gate):
    # embedding lookup: [B] -> [B, max_num_tiles * hidden_size]
    embeddings = jnp.take(embedding_table, aspect_ratio_ids, axis=0)
    embeddings = embeddings.reshape(-1, MAX_NUM_TILES, 1, HIDDEN_SIZE)
    embeddings = embeddings * jnp.tanh(gate)
    hidden_state = hidden_state + embeddings
    return hidden_state

if __name__ == "__main__":
    import jax
    _d = setup_inputs()
    print(jax.jit(kernel)(*tuple(_d.values())))

</pallas_src>

<mosaic_0001>
#map = affine_map<(d0, d1) -> (0, 0, 0, 0)>
#map1 = affine_map<(d0, d1) -> (0)>
#map2 = affine_map<(d0, d1) -> (0, 0)>
module attributes {stable_mosaic.version = 14 : i64} {
  func.func @_sc_body(%arg0: i32, %arg1: i32, %arg2: memref<8x4x1025x1280xf32, #tpu.memory_space<hbm>>, %arg3: memref<8xi32, #tpu.memory_space<hbm>>, %arg4: memref<36x1280xf32, #tpu.memory_space<hbm>>, %arg5: memref<16xf32, #tpu.memory_space<hbm>>, %arg6: memref<8x4x1025x1280xf32, #tpu.memory_space<hbm>>, %arg7: memref<32xi32, #tpu.memory_space<vmem>>, %arg8: memref<16xf32, #tpu.memory_space<vmem>>, %arg9: memref<16x1280xf32, #tpu.memory_space<vmem>>, %arg10: memref<1280xf32, #tpu.memory_space<vmem>>, %arg11: memref<1x1280xf32, #tpu.memory_space<vmem>>, %arg12: memref<2x16x1280xf32, #tpu.memory_space<vmem>>, %arg13: memref<2x16x1280xf32, #tpu.memory_space<vmem>>, %arg14: memref<!tpu.dma_semaphore, #tpu.memory_space<semaphore_mem>>, %arg15: memref<!tpu.dma_semaphore, #tpu.memory_space<semaphore_mem>>, %arg16: memref<2x!tpu.dma_semaphore, #tpu.memory_space<semaphore_mem>>, %arg17: memref<2x!tpu.dma_semaphore, #tpu.memory_space<semaphore_mem>>) attributes {dimension_semantics = [#tpu.dimension_semantics<core_parallel>, #tpu.dimension_semantics<subcore_parallel>], iteration_bounds = array<i64: 2, 16>, scalar_prefetch = 0 : i64, scratch_operands = 11 : i64, tpu.core_type = #tpu.core_type<sc_vector_subcore>, window_params = [{transform_indices = #map}, {transform_indices = #map1}, {transform_indices = #map2}, {transform_indices = #map1}, {transform_indices = #map}]} {
    %mul3A = arith.constant 2 : i32
    %mul3A_0 = arith.muli %arg1, %mul3A : i32
    %add3A = arith.addi %mul3A_0, %arg0 : i32
    %jit3A = arith.constant 4 : i32
    %div3A = arith.divsi %add3A, %jit3A : i32
    %sign3A = arith.constant 0 : i32
    %sign3A_1 = arith.cmpi sgt, %add3A, %sign3A : i32
    %sign3A_2 = arith.extui %sign3A_1 : i1 to i32
    %sign3A_3 = arith.constant 0 : i32
    %sign3A_4 = arith.cmpi slt, %add3A, %sign3A_3 : i32
    %sign3A_5 = arith.extui %sign3A_4 : i1 to i32
    %sign3A_6 = arith.subi %sign3A_2, %sign3A_5 : i32
    %sign3A_7 = arith.constant 0 : i32
    %sign3A_8 = arith.cmpi sgt, %jit3A, %sign3A_7 : i32
    %sign3A_9 = arith.extui %sign3A_8 : i1 to i32
    %sign3A_10 = arith.constant 0 : i32
    %sign3A_11 = arith.cmpi slt, %jit3A, %sign3A_10 : i32
    %sign3A_12 = arith.extui %sign3A_11 : i1 to i32
    %sign3A_13 = arith.subi %sign3A_9, %sign3A_12 : i32
    %ne3A = arith.cmpi ne, %sign3A_6, %sign3A_13 : i32
    %rem3A = arith.remsi %add3A, %jit3A : i32
    %ne3A_14 = arith.constant 0 : i32
    %ne3A_15 = arith.cmpi ne, %rem3A, %ne3A_14 : i32
    %and3A = arith.andi %ne3A, %ne3A_15 : i1
    %sub3A = arith.constant 1 : i32
    %sub3A_16 = arith.subi %div3A, %sub3A : i32
    %select_n3A = arith.select %and3A, %sub3A_16, %div3A : i32
    %jit3A_17 = arith.constant 4 : i32
    %eq3A = arith.constant 0 : i32
    %eq3A_18 = arith.cmpi eq, %jit3A_17, %eq3A : i32
    %jit3A_19 = arith.constant 1 : i32
    %select_n3A_20 = arith.select %eq3A_18, %jit3A_19, %jit3A_17 : i32
    %rem3A_21 = arith.remsi %add3A, %select_n3A_20 : i32
    %ne3A_22 = arith.constant 0 : i32
    %ne3A_23 = arith.cmpi ne, %rem3A_21, %ne3A_22 : i32
    %lt3A = arith.constant 0 : i32
    %lt3A_24 = arith.cmpi slt, %rem3A_21, %lt3A : i32
    %lt3A_25 = arith.constant 0 : i32
    %lt3A_26 = arith.cmpi slt, %select_n3A_20, %lt3A_25 : i32
    %ne3A_27 = arith.xori %lt3A_24, %lt3A_26 : i1
    %and3A_28 = arith.andi %ne3A_27, %ne3A_23 : i1
    %add3A_29 = arith.addi %rem3A_21, %select_n3A_20 : i32
    %select_n3A_30 = arith.select %and3A_28, %add3A_29, %rem3A_21 : i32
    "tpu.region"() ({
      %run_scoped3A = tpu.sem_alloc : memref<!tpu.dma_semaphore, #tpu.memory_space<semaphore_mem>>
      %dma_start3A_1610 = arith.constant 0 : i32
      %dma_start3A_1611 = tpu.memref_slice %arg7[%dma_start3A_1610] : memref<32xi32, #tpu.memory_space<vmem>> -> memref<8xi32, #tpu.memory_space<vmem>>
      %dma_start3A_1612 = arith.constant 0 : i32
      %dma_start3A_1613 = tpu.memref_slice %arg7[%dma_start3A_1612] : memref<32xi32, #tpu.memory_space<vmem>> -> memref<8xi32, #tpu.memory_space<vmem>>
      tpu.enqueue_dma source(%arg3 : memref<8xi32, #tpu.memory_space<hbm>>) target(%dma_start3A_1613 : memref<8xi32, #tpu.memory_space<vmem>>) target_semaphore(%run_scoped3A : memref<!tpu.dma_semaphore, #tpu.memory_space<semaphore_mem>>)
      %dma_wait3A_1614 = arith.constant 0 : i32
      %dma_wait3A_1615 = tpu.memref_slice %arg7[%dma_wait3A_1614] : memref<32xi32, #tpu.memory_space<vmem>> -> memref<8xi32, #tpu.memory_space<vmem>>
      %dma_wait3A_1616 = arith.constant 0 : i32
      %dma_wait3A_1617 = tpu.memref_slice %arg7[%dma_wait3A_1616] : memref<32xi32, #tpu.memory_space<vmem>> -> memref<8xi32, #tpu.memory_space<vmem>>
      tpu.wait_dma2 semaphore(%run_scoped3A : memref<!tpu.dma_semaphore, #tpu.memory_space<semaphore_mem>>) src(%arg3 : memref<8xi32, #tpu.memory_space<hbm>>) dst(%dma_wait3A_1617 : memref<8xi32, #tpu.memory_space<vmem>>)
      tpu.yield
    }) : () -> ()
    "tpu.region"() ({
      %run_scoped3A = tpu.sem_alloc : memref<!tpu.dma_semaphore, #tpu.memory_space<semaphore_mem>>
      tpu.enqueue_dma source(%arg5 : memref<16xf32, #tpu.memory_space<hbm>>) target(%arg8 : memref<16xf32, #tpu.memory_space<vmem>>) target_semaphore(%run_scoped3A : memref<!tpu.dma_semaphore, #tpu.memory_space<semaphore_mem>>)
      tpu.wait_dma2 semaphore(%run_scoped3A : memref<!tpu.dma_semaphore, #tpu.memory_space<semaphore_mem>>) src(%arg5 : memref<16xf32, #tpu.memory_space<hbm>>) dst(%arg8 : memref<16xf32, #tpu.memory_space<vmem>>)
      tpu.yield
    }) : () -> ()
    %dma_start3A = arith.constant 1024 : i32
    %dma_start3A_31 = arith.constant 0 : i32
    %dma_start3A_32 = tpu.memref_slice %arg2[%select_n3A, %select_n3A_30, %dma_start3A, %dma_start3A_31] : memref<8x4x1025x1280xf32, #tpu.memory_space<hbm>> -> memref<1x1x1x1280xf32, #tpu.memory_space<hbm>>
    %dma_start3A_33 = tpu.memref_squeeze %dma_start3A_32 : memref<1x1x1x1280xf32, #tpu.memory_space<hbm>> -> memref<1x1280xf32, #tpu.memory_space<hbm>>
    %dma_start3A_34 = arith.constant 1024 : i32
    %dma_start3A_35 = arith.constant 0 : i32
    %dma_start3A_36 = tpu.memref_slice %arg2[%select_n3A, %select_n3A_30, %dma_start3A_34, %dma_start3A_35] : memref<8x4x1025x1280xf32, #tpu.memory_space<hbm>> -> memref<1x1x1x1280xf32, #tpu.memory_space<hbm>>
    %dma_start3A_37 = tpu.memref_squeeze %dma_start3A_36 : memref<1x1x1x1280xf32, #tpu.memory_space<hbm>> -> memref<1x1280xf32, #tpu.memory_space<hbm>>
    tpu.enqueue_dma source(%dma_start3A_37 : memref<1x1280xf32, #tpu.memory_space<hbm>>) target(%arg11 : memref<1x1280xf32, #tpu.memory_space<vmem>>) target_semaphore(%arg15 : memref<!tpu.dma_semaphore, #tpu.memory_space<semaphore_mem>>)
    %dma_wait3A = arith.constant 1024 : i32
    %dma_wait3A_38 = arith.constant 0 : i32
    %dma_wait3A_39 = tpu.memref_slice %arg2[%select_n3A, %select_n3A_30, %dma_wait3A, %dma_wait3A_38] : memref<8x4x1025x1280xf32, #tpu.memory_space<hbm>> -> memref<1x1x1x1280xf32, #tpu.memory_space<hbm>>
    %dma_wait3A_40 = tpu.memref_squeeze %dma_wait3A_39 : memref<1x1x1x1280xf32, #tpu.memory_space<hbm>> -> memref<1x1280xf32, #tpu.memory_space<hbm>>
    %dma_wait3A_41 = arith.constant 1024 : i32
    %dma_wait3A_42 = arith.constant 0 : i32
    %dma_wait3A_43 = tpu.memref_slice %arg2[%select_n3A, %select_n3A_30, %dma_wait3A_41, %dma_wait3A_42] : memref<8x4x1025x1280xf32, #tpu.memory_space<hbm>> -> memref<1x1x1x1280xf32, #tpu.memory_space<hbm>>
    %dma_wait3A_44 = tpu.memref_squeeze %dma_wait3A_43 : memref<1x1x1x1280xf32, #tpu.memory_space<hbm>> -> memref<1x1280xf32, #tpu.memory_space<hbm>>
    tpu.wait_dma2 semaphore(%arg15 : memref<!tpu.dma_semaphore, #tpu.memory_space<semaphore_mem>>) src(%dma_wait3A_44 : memref<1x1280xf32, #tpu.memory_space<hbm>>) dst(%arg11 : memref<1x1280xf32, #tpu.memory_space<vmem>>)
    %get3A = arith.constant 0 : index
    %get3A_45 = tpu.vector_load %arg8[%get3A] {strides = array<i32>} : memref<16xf32, #tpu.memory_space<vmem>>, vector<16xf32>,
    %mul3A_46 = arith.constant 2.000000e+00 : f32
    %mul3A_47 = vector.broadcast %mul3A_46 : f32 to vector<16xf32>
    %mul3A_48 = arith.mulf %mul3A_47, %get3A_45 : vector<16xf32>
    %exp3A = math.exp %mul3A_48 : vector<16xf32>
    %add3A_49 = arith.constant 1.000000e+00 : f32
    %add3A_50 = vector.broadcast %add3A_49 : f32 to vector<16xf32>
    %add3A_51 = arith.addf %exp3A, %add3A_50 : vector<16xf32>
    %div3A_52 = arith.constant 2.000000e+00 : f32
    %div3A_53 = vector.broadcast %div3A_52 : f32 to vector<16xf32>
    %div3A_54 = arith.divf %div3A_53, %add3A_51 : vector<16xf32>
    %sub3A_55 = arith.constant 1.000000e+00 : f32
    %sub3A_56 = vector.broadcast %sub3A_55 : f32 to vector<16xf32>
    %sub3A_57 = arith.subf %sub3A_56, %div3A_54 : vector<16xf32>
    %broadcast_in_dim3A = vector.broadcast %select_n3A : i32 to vector<16xi32>
    %gather3A = tpu.vector_load_idx %arg7[%broadcast_in_dim3A] : memref<32xi32, #tpu.memory_space<vmem>>[vector<16xi32>], vector<16xi32>,
    %mul3A_58 = arith.constant 4 : i32
    %mul3A_59 = vector.broadcast %mul3A_58 : i32 to vector<16xi32>
    %mul3A_60 = arith.muli %gather3A, %mul3A_59 : vector<16xi32>
    %add3A_61 = vector.broadcast %select_n3A_30 : i32 to vector<16xi32>
    %add3A_62 = arith.addi %mul3A_60, %add3A_61 : vector<16xi32>
    %dma_start3A_63 = arith.constant 0 : i32
    %dma_start3A_64 = arith.constant 0 : i32
    %dma_start3A_65 = tpu.memref_slice %arg4[%dma_start3A_63, %dma_start3A_64] : memref<36x1280xf32, #tpu.memory_space<hbm>> -> memref<36x1280xf32, #tpu.memory_space<hbm>>
    tpu.enqueue_indirect_dma source(%dma_start3A_65 : memref<36x1280xf32, #tpu.memory_space<hbm>>) target(%arg9 : memref<16x1280xf32, #tpu.memory_space<vmem>>) offsets(%add3A_62 : vector<16xi32>) semaphore(%arg14 : memref<!tpu.dma_semaphore, #tpu.memory_space<semaphore_mem>>)
    %dma_wait3A_66 = arith.constant 0 : i32
    %dma_wait3A_67 = arith.constant 0 : i32
    %dma_wait3A_68 = tpu.memref_slice %arg4[%dma_wait3A_66, %dma_wait3A_67] : memref<36x1280xf32, #tpu.memory_space<hbm>> -> memref<36x1280xf32, #tpu.memory_space<hbm>>
    tpu.wait_indirect_dma semaphore(%arg14 : memref<!tpu.dma_semaphore, #tpu.memory_space<semaphore_mem>>) src(%dma_wait3A_68 : memref<36x1280xf32, #tpu.memory_space<hbm>>) dst(%arg9 : memref<16x1280xf32, #tpu.memory_space<vmem>>)
    %get3A_69 = arith.constant 0 : i32
    %get3A_70 = arith.index_cast %get3A_69 : i32 to index
    %get3A_71 = arith.constant 0 : index
    %get3A_72 = tpu.vector_load %arg9[%get3A_70, %get3A_71] {strides = array<i32>} : memref<16x1280xf32, #tpu.memory_space<vmem>>, vector<16xf32>,
    %mul3A_73 = arith.mulf %get3A_72, %sub3A_57 : vector<16xf32>
    %swap3A = arith.constant 0 : index
    %swap3A_74 = tpu.vector_load %arg10[%swap3A] {strides = array<i32>} : memref<1280xf32, #tpu.memory_space<vmem>>, vector<16xf32>,
    tpu.vector_store %arg10[%swap3A], %mul3A_73 {strides = array<i32>} : memref<1280xf32, #tpu.memory_space<vmem>>, vector<16xf32>,
    %get3A_75 = arith.constant 0 : i32
    %get3A_76 = arith.index_cast %get3A_75 : i32 to index
    %get3A_77 = arith.constant 16 : index
    %get3A_78 = tpu.vector_load %arg9[%get3A_76, %get3A_77] {strides = array<i32>} : memref<16x1280xf32, #tpu.memory_space<vmem>>, vector<16xf32>,
    %mul3A_79 = arith.mulf %get3A_78, %sub3A_57 : vector<16xf32>
    %swap3A_80 = arith.constant 16 : index
    %swap3A_81 = tpu.vector_load %arg10[%swap3A_80] {strides = array<i32>} : memref<1280xf32, #tpu.memory_space<vmem>>, vector<16xf32>,
    tpu.vector_store %arg10[%swap3A_80], %mul3A_79 {strides = array<i32>} : memref<1280xf32, #tpu.memory_space<vmem>>, vector<16xf32>,
    %get3A_82 = arith.constant 0 : i32
    %get3A_83 = arith.index_cast %get3A_82 : i32 to index
    %get3A_84 = arith.constant 32 : index
    %get3A_85 = tpu.vector_load %arg9[%get3A_83, %get3A_84] {strides = array<i32>} : memref<16x1280xf32, #tpu.memory_space<vmem>>, vector<16xf32>,
    %mul3A_86 = arith.mulf %get3A_85, %sub3A_57 : vector<16xf32>
    %swap3A_87 = arith.constant 32 : index
    %swap3A_88 = tpu.vector_load %arg10[%swap3A_87] {strides = array<i32>} : memref<1280xf32, #tpu.memory_space<vmem>>, vector<16xf32>,
    tpu.vector_store %arg10[%swap3A_87], %mul3A_86 {strides = array<i32>} : memref<1280xf32, #tpu.memory_space<vmem>>, vector<16xf32>,
    %get3A_89 = arith.constant 0 : i32
    %get3A_90 = arith.index_cast %get3A_89 : i32 to index
    %get3A_91 = arith.constant 48 : index
    %get3A_92 = tpu.vector_load %arg9[%get3A_90, %get3A_91] {strides = array<i32>} : memref<16x1280xf32, #tpu.memory_space<vmem>>, vector<16xf32>,
    %mul3A_93 = arith.mulf %get3A_92, %sub3A_57 : vector<16xf32>
    %swap3A_94 = arith.constant 48 : index
    %swap3A_95 = tpu.vector_load %arg10[%swap3A_94] {strides = array<i32>} : memref<1280xf32, #tpu.memory_space<vmem>>, vector<16xf32>,
    tpu.vector_store %arg10[%swap3A_94], %mul3A_93 {strides = array<i32>} : memref<1280xf32, #tpu.memory_space<vmem>>, vector<16xf32>,
    %get3A_96 = arith.constant 0 : i32
    %get3A_97 = arith.index_cast %get3A_96 : i32 to index
    %get3A_98 = arith.constant 64 : index
    %get3A_99 = tpu.vector_load %arg9[%get3A_97, %get3A_98] {strides = array<i32>} : memref<16x1280xf32, #tpu.memory_space<vmem>>, vector<16xf32>,
    %mul3A_100 = arith.mulf %get3A_99, %sub3A_57 : vector<16xf32>
    %swap3A_101 = arith.constant 64 : index
    %swap3A_102 = tpu.vector_load %arg10[%swap3A_101] {strides = array<i32>} : memref<1280xf32, #tpu.memory_space<vmem>>, vector<16xf32>,
    tpu.vector_store %arg10[%swap3A_101], %mul3A_100 {strides = array<i32>} : memref<1280xf32, #tpu.memory_space<vmem>>, vector<16xf32>,
    %get3A_103 = arith.constant 0 : i32
    %get3A_104 = arith.index_cast %get3A_103 : i32 to index
    %get3A_105 = arith.constant 80 : index
    %get3A_106 = tpu.vector_load %arg9[%get3A_104, %get3A_105] {strides = array<i32>} : memref<16x1280xf32, #tpu.memory_space<vmem>>, vector<16xf32>,
    %mul3A_107 = arith.mulf %get3A_106, %sub3A_57 : vector<16xf32>
    %swap3A_108 = arith.constant 80 : index
    %swap3A_109 = tpu.vector_load %arg10[%swap3A_108] {strides = array<i32>} : memref<1280xf32, #tpu.memory_space<vmem>>, vector<16xf32>,
    tpu.vector_store %arg10[%swap3A_108], %mul3A_107 {strides = array<i32>} : memref<1280xf32, #tpu.memory_space<vmem>>, vector<16xf32>,
    %get3A_110 = arith.constant 0 : i32
    %get3A_111 = arith.index_cast %get3A_110 : i32 to index
    %get3A_112 = arith.constant 96 : index
    %get3A_113 = tpu.vector_load %arg9[%get3A_111, %get3A_112] {strides = array<i32>} : memref<16x1280xf32, #tpu.memory_space<vmem>>, vector<16xf32>,
    %mul3A_114 = arith.mulf %get3A_113, %sub3A_57 : vector<16xf32>
    %swap3A_115 = arith.constant 96 : index
    %swap3A_116 = tpu.vector_load %arg10[%swap3A_115] {strides = array<i32>} : memref<1280xf32, #tpu.memory_space<vmem>>, vector<16xf32>,
    tpu.vector_store %arg10[%swap3A_115], %mul3A_114 {strides = array<i32>} : memref<1280xf32, #tpu.memory_space<vmem>>, vector<16xf32>,
    %get3A_117 = arith.constant 0 : i32
    %get3A_118 = arith.index_cast %get3A_117 : i32 to index
    %get3A_119 = arith.constant 112 : index
    %get3A_120 = tpu.vector_load %arg9[%get3A_118, %get3A_119] {strides = array<i32>} : memref<16x1280xf32, #tpu.memory_space<vmem>>, vector<16xf32>,
    %mul3A_121 = arith.mulf %get3A_120, %sub3A_57 : vector<16xf32>
    %swap3A_122 = arith.constant 112 : index
    %swap3A_123 = tpu.vector_load %arg10[%swap3A_122] {strides = array<i32>} : memref<1280xf32, #tpu.memory_space<vmem>>, vector<16xf32>,
    tpu.vector_store %arg10[%swap3A_122], %mul3A_121 {strides = array<i32>} : memref<1280xf32, #tpu.memory_space<vmem>>, vector<16xf32>,
    %get3A_124 = arith.constant 0 : i32
    %get3A_125 = arith.index_cast %get3A_124 : i32 to index
    %get3A_126 = arith.constant 128 : index
    %get3A_127 = tpu.vector_load %arg9[%get3A_125, %get3A_126] {strides = array<i32>} : memref<16x1280xf32, #tpu.memory_space<vmem>>, vector<16xf32>,
    %mul3A_128 = arith.mulf %get3A_127, %sub3A_57 : vector<16xf32>
    %swap3A_129 = arith.constant 128 : index
    %swap3A_130 = tpu.vector_load %arg10[%swap3A_129] {strides = array<i32>} : memref<1280xf32, #tpu.memory_space<vmem>>, vector<16xf32>,
    tpu.vector_store %arg10[%swap3A_129], %mul3A_128 {strides = array<i32>} : memref<1280xf32, #tpu.memory_space<vmem>>, vector<16xf32>,
    %get3A_131 = arith.constant 0 : i32
    %get3A_132 = arith.index_cast %get3A_131 : i32 to index
    %get3A_133 = arith.constant 144 : index
    %get3A_134 = tpu.vector_load %arg9[%get3A_132, %get3A_133] {strides = array<i32>} : memref<16x1280xf32, #tpu.memory_space<vmem>>, vector<16xf32>,
    %mul3A_135 = arith.mulf %get3A_134, %sub3A_57 : vector<16xf32>
    %swap3A_136 = arith.constant 144 : index
    %swap3A_137 = tpu.vector_load %arg10[%swap3A_136] {strides = array<i32>} : memref<1280xf32, #tpu.memory_space<vmem>>, vector<16xf32>,
    tpu.vector_store %arg10[%swap3A_136], %mul3A_135 {strides = array<i32>} : memref<1280xf32, #tpu.memory_space<vmem>>, vector<16xf32>,
    %get3A_138 = arith.constant 0 : i32
    %get3A_139 = arith.index_cast %get3A_138 : i32 to index
    %get3A_140 = arith.constant 160 : index
    %get3A_141 = tpu.vector_load %arg9[%get3A_139, %get3A_140] {strides = array<i32>} : memref<16x1280xf32, #tpu.memory_space<vmem>>, vector<16xf32>,
    %mul3A_142 = arith.mulf %get3A_141, %sub3A_57 : vector<16xf32>
    %swap3A_143 = arith.constant 160 : index
    %swap3A_144 = tpu.vector_load %arg10[%swap3A_143] {strides = array<i32>} : memref<1280xf32, #tpu.memory_space<vmem>>, vector<16xf32>,
    tpu.vector_store %arg10[%swap3A_143], %mul3A_142 {strides = array<i32>} : memref<1280xf32, #tpu.memory_space<vmem>>, vector<16xf32>,
    %get3A_145 = arith.constant 0 : i32
    %get3A_146 = arith.index_cast %get3A_145 : i32 to index
    %get3A_147 = arith.constant 176 : index
    %get3A_148 = tpu.vector_load %arg9[%get3A_146, %get3A_147] {strides = array<i32>} : memref<16x1280xf32, #tpu.memory_space<vmem>>, vector<16xf32>,
    %mul3A_149 = arith.mulf %get3A_148, %sub3A_57 : vector<16xf32>
    %swap3A_150 = arith.constant 176 : index
    %swap3A_151 = tpu.vector_load %arg10[%swap3A_150] {strides = array<i32>} : memref<1280xf32, #tpu.memory_space<vmem>>, vector<16xf32>,
    tpu.vector_store %arg10[%swap3A_150], %mul3A_149 {strides = array<i32>} : memref<1280xf32, #tpu.memory_space<vmem>>, vector<16xf32>,
    %get3A_152 = arith.constant 0 : i32
    %get3A_153 = arith.index_cast %get3A_152 : i32 to index
    %get3A_154 = arith.constant 192 : index
    %get3A_155 = tpu.vector_load %arg9[%get3A_153, %get3A_154] {strides = array<i32>} : memref<16x1280xf32, #tpu.memory_space<vmem>>, vector<16xf32>,
    %mul3A_156 = arith.mulf %get3A_155, %sub3A_57 : vector<16xf32>
    %swap3A_157 = arith.constant 192 : index
    %swap3A_158 = tpu.vector_load %arg10[%swap3A_157] {strides = array<i32>} : memref<1280xf32, #tpu.memory_space<vmem>>, vector<16xf32>,
    tpu.vector_store %arg10[%swap3A_157], %mul3A_156 {strides = array<i32>} : memref<1280xf32, #tpu.memory_space<vmem>>, vector<16xf32>,
    %get3A_159 = arith.constant 0 : i32
    %get3A_160 = arith.index_cast %get3A_159 : i32 to index
    %get3A_161 = arith.constant 208 : index
    %get3A_162 = tpu.vector_load %arg9[%get3A_160, %get3A_161] {strides = array<i32>} : memref<16x1280xf32, #tpu.memory_space<vmem>>, vector<16xf32>,
    %mul3A_163 = arith.mulf %get3A_162, %sub3A_57 : vector<16xf32>
    %swap3A_164 = arith.constant 208 : index
    %swap3A_165 = tpu.vector_load %arg10[%swap3A_164] {strides = array<i32>} : memref<1280xf32, #tpu.memory_space<vmem>>, vector<16xf32>,
    tpu.vector_store %arg10[%swap3A_164], %mul3A_163 {strides = array<i32>} : memref<1280xf32, #tpu.memory_space<vmem>>, vector<16xf32>,
    %get3A_166 = arith.constant 0 : i32
    %get3A_167 = arith.index_cast %get3A_166 : i32 to index
    %get3A_168 = arith.constant 224 : index
    %get3A_169 = tpu.vector_load %arg9[%get3A_167, %get3A_168] {strides = array<i32>} : memref<16x1280xf32, #tpu.memory_space<vmem>>, vector<16xf32>,
    %mul3A_170 = arith.mulf %get3A_169, %sub3A_57 : vector<16xf32>
    %swap3A_171 = arith.constant 224 : index
    %swap3A_172 = tpu.vector_load %arg10[%swap3A_171] {strides = array<i32>} : memref<1280xf32, #tpu.memory_space<vmem>>, vector<16xf32>,
    tpu.vector_store %arg10[%swap3A_171], %mul3A_170 {strides = array<i32>} : memref<1280xf32, #tpu.memory_space<vmem>>, vector<16xf32>,
    %get3A_173 = arith.constant 0 : i32
    %get3A_174 = arith.index_cast %get3A_173 : i32 to index
    %get3A_175 = arith.constant 240 : index
    %get3A_176 = tpu.vector_load %arg9[%get3A_174, %get3A_175] {strides = array<i32>} : memref<16x1280xf32, #tpu.memory_space<vmem>>, vector<16xf32>,
    %mul3A_177 = arith.mulf %get3A_176, %sub3A_57 : vector<16xf32>
    %swap3A_178 = arith.constant 240 : index
    %swap3A_179 = tpu.vector_load %arg10[%swap3A_178] {strides = array<i32>} : memref<1280xf32, #tpu.memory_space<vmem>>, vector<16xf32>,
    tpu.vector_store %arg10[%swap3A_178], %mul3A_177 {strides = array<i32>} : memref<1280xf32, #tpu.memory_space<vmem>>, vector<16xf32>,
    %get3A_180 = arith.constant 0 : i32
    %get3A_181 = arith.index_cast %get3A_180 : i32 to index
    %get3A_182 = arith.constant 256 : index
    %get3A_183 = tpu.vector_load %arg9[%get3A_181, %get3A_182] {strides = array<i32>} : memref<16x1280xf32, #tpu.memory_space<vmem>>, vector<16xf32>,
    %mul3A_184 = arith.mulf %get3A_183, %sub3A_57 : vector<16xf32>
    %swap3A_185 = arith.constant 256 : index
    %swap3A_186 = tpu.vector_load %arg10[%swap3A_185] {strides = array<i32>} : memref<1280xf32, #tpu.memory_space<vmem>>, vector<16xf32>,
    tpu.vector_store %arg10[%swap3A_185], %mul3A_184 {strides = array<i32>} : memref<1280xf32, #tpu.memory_space<vmem>>, vector<16xf32>,
    %get3A_187 = arith.constant 0 : i32
    %get3A_188 = arith.index_cast %get3A_187 : i32 to index
    %get3A_189 = arith.constant 272 : index
    %get3A_190 = tpu.vector_load %arg9[%get3A_188, %get3A_189] {strides = array<i32>} : memref<16x1280xf32, #tpu.memory_space<vmem>>, vector<16xf32>,
    %mul3A_191 = arith.mulf %get3A_190, %sub3A_57 : vector<16xf32>
    %swap3A_192 = arith.constant 272 : index
    %swap3A_193 = tpu.vector_load %arg10[%swap3A_192] {strides = array<i32>} : memref<1280xf32, #tpu.memory_space<vmem>>, vector<16xf32>,
    tpu.vector_store %arg10[%swap3A_192], %mul3A_191 {strides = array<i32>} : memref<1280xf32, #tpu.memory_space<vmem>>, vector<16xf32>,
    %get3A_194 = arith.constant 0 : i32
    %get3A_195 = arith.index_cast %get3A_194 : i32 to index
    %get3A_196 = arith.constant 288 : index
    %get3A_197 = tpu.vector_load %arg9[%get3A_195, %get3A_196] {strides = array<i32>} : memref<16x1280xf32, #tpu.memory_space<vmem>>, vector<16xf32>,
    %mul3A_198 = arith.mulf %get3A_197, %sub3A_57 : vector<16xf32>
    %swap3A_199 = arith.constant 288 : index
    %swap3A_200 = tpu.vector_load %arg10[%swap3A_199] {strides = array<i32>} : memref<1280xf32, #tpu.memory_space<vmem>>, vector<16xf32>,
    tpu.vector_store %arg10[%swap3A_199], %mul3A_198 {strides = array<i32>} : memref<1280xf32, #tpu.memory_space<vmem>>, vector<16xf32>,
    %get3A_201 = arith.constant 0 : i32
    %get3A_202 = arith.index_cast %get3A_201 : i32 to index
    %get3A_203 = arith.constant 304 : index
    %get3A_204 = tpu.vector_load %arg9[%get3A_202, %get3A_203] {strides = array<i32>} : memref<16x1280xf32, #tpu.memory_space<vmem>>, vector<16xf32>,
    %mul3A_205 = arith.mulf %get3A_204, %sub3A_57 : vector<16xf32>
    %swap3A_206 = arith.constant 304 : index
    %swap3A_207 = tpu.vector_load %arg10[%swap3A_206] {strides = array<i32>} : memref<1280xf32, #tpu.memory_space<vmem>>, vector<16xf32>,
    tpu.vector_store %arg10[%swap3A_206], %mul3A_205 {strides = array<i32>} : memref<1280xf32, #tpu.memory_space<vmem>>, vector<16xf32>,
    %get3A_208 = arith.constant 0 : i32
    %get3A_209 = arith.index_cast %get3A_208 : i32 to index
    %get3A_210 = arith.constant 320 : index
    %get3A_211 = tpu.vector_load %arg9[%get3A_209, %get3A_210] {strides = array<i32>} : memref<16x1280xf32, #tpu.memory_space<vmem>>, vector<16xf32>,
    %mul3A_212 = arith.mulf %get3A_211, %sub3A_57 : vector<16xf32>
    %swap3A_213 = arith.constant 320 : index
    %swap3A_214 = tpu.vector_load %arg10[%swap3A_213] {strides = array<i32>} : memref<1280xf32, #tpu.memory_space<vmem>>, vector<16xf32>,
    tpu.vector_store %arg10[%swap3A_213], %mul3A_212 {strides = array<i32>} : memref<1280xf32, #tpu.memory_space<vmem>>, vector<16xf32>,
    %get3A_215 = arith.constant 0 : i32
    %get3A_216 = arith.index_cast %get3A_215 : i32 to index
    %get3A_217 = arith.constant 336 : index
    %get3A_218 = tpu.vector_load %arg9[%get3A_216, %get3A_217] {strides = array<i32>} : memref<16x1280xf32, #tpu.memory_space<vmem>>, vector<16xf32>,
    %mul3A_219 = arith.mulf %get3A_218, %sub3A_57 : vector<16xf32>
    %swap3A_220 = arith.constant 336 : index
    %swap3A_221 = tpu.vector_load %arg10[%swap3A_220] {strides = array<i32>} : memref<1280xf32, #tpu.memory_space<vmem>>, vector<16xf32>,
    tpu.vector_store %arg10[%swap3A_220], %mul3A_219 {strides = array<i32>} : memref<1280xf32, #tpu.memory_space<vmem>>, vector<16xf32>,
    %get3A_222 = arith.constant 0 : i32
    %get3A_223 = arith.index_cast %get3A_222 : i32 to index
    %get3A_224 = arith.constant 352 : index
    %get3A_225 = tpu.vector_load %arg9[%get3A_223, %get3A_224] {strides = array<i32>} : memref<16x1280xf32, #tpu.memory_space<vmem>>, vector<16xf32>,
    %mul3A_226 = arith.mulf %get3A_225, %sub3A_57 : vector<16xf32>
    %swap3A_227 = arith.constant 352 : index
    %swap3A_228 = tpu.vector_load %arg10[%swap3A_227] {strides = array<i32>} : memref<1280xf32, #tpu.memory_space<vmem>>, vector<16xf32>,
    tpu.vector_store %arg10[%swap3A_227], %mul3A_226 {strides = array<i32>} : memref<1280xf32, #tpu.memory_space<vmem>>, vector<16xf32>,
    %get3A_229 = arith.constant 0 : i32
    %get3A_230 = arith.index_cast %get3A_229 : i32 to index
    %get3A_231 = arith.constant 368 : index
    %get3A_232 = tpu.vector_load %arg9[%get3A_230, %get3A_231] {strides = array<i32>} : memref<16x1280xf32, #tpu.memory_space<vmem>>, vector<16xf32>,
    %mul3A_233 = arith.mulf %get3A_232, %sub3A_57 : vector<16xf32>
    %swap3A_234 = arith.constant 368 : index
    %swap3A_235 = tpu.vector_load %arg10[%swap3A_234] {strides = array<i32>} : memref<1280xf32, #tpu.memory_space<vmem>>, vector<16xf32>,
    tpu.vector_store %arg10[%swap3A_234], %mul3A_233 {strides = array<i32>} : memref<1280xf32, #tpu.memory_space<vmem>>, vector<16xf32>,
    %get3A_236 = arith.constant 0 : i32
    %get3A_237 = arith.index_cast %get3A_236 : i32 to index
    %get3A_238 = arith.constant 384 : index
    %get3A_239 = tpu.vector_load %arg9[%get3A_237, %get3A_238] {strides = array<i32>} : memref<16x1280xf32, #tpu.memory_space<vmem>>, vector<16xf32>,
    %mul3A_240 = arith.mulf %get3A_239, %sub3A_57 : vector<16xf32>
    %swap3A_241 = arith.constant 384 : index
    %swap3A_242 = tpu.vector_load %arg10[%swap3A_241] {strides = array<i32>} : memref<1280xf32, #tpu.memory_space<vmem>>, vector<16xf32>,
    tpu.vector_store %arg10[%swap3A_241], %mul3A_240 {strides = array<i32>} : memref<1280xf32, #tpu.memory_space<vmem>>, vector<16xf32>,
    %get3A_243 = arith.constant 0 : i32
    %get3A_244 = arith.index_cast %get3A_243 : i32 to index
    %get3A_245 = arith.constant 400 : index
    %get3A_246 = tpu.vector_load %arg9[%get3A_244, %get3A_245] {strides = array<i32>} : memref<16x1280xf32, #tpu.memory_space<vmem>>, vector<16xf32>,
    %mul3A_247 = arith.mulf %get3A_246, %sub3A_57 : vector<16xf32>
    %swap3A_248 = arith.constant 400 : index
    %swap3A_249 = tpu.vector_load %arg10[%swap3A_248] {strides = array<i32>} : memref<1280xf32, #tpu.memory_space<vmem>>, vector<16xf32>,
    tpu.vector_store %arg10[%swap3A_248], %mul3A_247 {strides = array<i32>} : memref<1280xf32, #tpu.memory_space<vmem>>, vector<16xf32>,
    %get3A_250 = arith.constant 0 : i32
    %get3A_251 = arith.index_cast %get3A_250 : i32 to index
    %get3A_252 = arith.constant 416 : index
    %get3A_253 = tpu.vector_load %arg9[%get3A_251, %get3A_252] {strides = array<i32>} : memref<16x1280xf32, #tpu.memory_space<vmem>>, vector<16xf32>,
    %mul3A_254 = arith.mulf %get3A_253, %sub3A_57 : vector<16xf32>
    %swap3A_255 = arith.constant 416 : index
    %swap3A_256 = tpu.vector_load %arg10[%swap3A_255] {strides = array<i32>} : memref<1280xf32, #tpu.memory_space<vmem>>, vector<16xf32>,
    tpu.vector_store %arg10[%swap3A_255], %mul3A_254 {strides = array<i32>} : memref<1280xf32, #tpu.memory_space<vmem>>, vector<16xf32>,
    %get3A_257 = arith.constant 0 : i32
    %get3A_258 = arith.index_cast %get3A_257 : i32 to index
    %get3A_259 = arith.constant 432 : index
    %get3A_260 = tpu.vector_load %arg9[%get3A_258, %get3A_259] {strides = array<i32>} : memref<16x1280xf32, #tpu.memory_space<vmem>>, vector<16xf32>,
    %mul3A_261 = arith.mulf %get3A_260, %sub3A_57 : vector<16xf32>
    %swap3A_262 = arith.constant 432 : index
    %swap3A_263 = tpu.vector_load %arg10[%swap3A_262] {strides = array<i32>} : memref<1280xf32, #tpu.memory_space<vmem>>, vector<16xf32>,
    tpu.vector_store %arg10[%swap3A_262], %mul3A_261 {strides = array<i32>} : memref<1280xf32, #tpu.memory_space<vmem>>, vector<16xf32>,
    %get3A_264 = arith.constant 0 : i32
    %get3A_265 = arith.index_cast %get3A_264 : i32 to index
    %get3A_266 = arith.constant 448 : index
    %get3A_267 = tpu.vector_load %arg9[%get3A_265, %get3A_266] {strides = array<i32>} : memref<16x1280xf32, #tpu.memory_space<vmem>>, vector<16xf32>,
    %mul3A_268 = arith.mulf %get3A_267, %sub3A_57 : vector<16xf32>
    %swap3A_269 = arith.constant 448 : index
    %swap3A_270 = tpu.vector_load %arg10[%swap3A_269] {strides = array<i32>} : memref<1280xf32, #tpu.memory_space<vmem>>, vector<16xf32>,
    tpu.vector_store %arg10[%swap3A_269], %mul3A_268 {strides = array<i32>} : memref<1280xf32, #tpu.memory_space<vmem>>, vector<16xf32>,
    %get3A_271 = arith.constant 0 : i32
    %get3A_272 = arith.index_cast %get3A_271 : i32 to index
    %get3A_273 = arith.constant 464 : index
    %get3A_274 = tpu.vector_load %arg9[%get3A_272, %get3A_273] {strides = array<i32>} : memref<16x1280xf32, #tpu.memory_space<vmem>>, vector<16xf32>,
    %mul3A_275 = arith.mulf %get3A_274, %sub3A_57 : vector<16xf32>
    %swap3A_276 = arith.constant 464 : index
    %swap3A_277 = tpu.vector_load %arg10[%swap3A_276] {strides = array<i32>} : memref<1280xf32, #tpu.memory_space<vmem>>, vector<16xf32>,
    tpu.vector_store %arg10[%swap3A_276], %mul3A_275 {strides = array<i32>} : memref<1280xf32, #tpu.memory_space<vmem>>, vector<16xf32>,
    %get3A_278 = arith.constant 0 : i32
    %get3A_279 = arith.index_cast %get3A_278 : i32 to index
    %get3A_280 = arith.constant 480 : index
    %get3A_281 = tpu.vector_load %arg9[%get3A_279, %get3A_280] {strides = array<i32>} : memref<16x1280xf32, #tpu.memory_space<vmem>>, vector<16xf32>,
    %mul3A_282 = arith.mulf %get3A_281, %sub3A_57 : vector<16xf32>
    %swap3A_283 = arith.constant 480 : index
    %swap3A_284 = tpu.vector_load %arg10[%swap3A_283] {strides = array<i32>} : memref<1280xf32, #tpu.memory_space<vmem>>, vector<16xf32>,
    tpu.vector_store %arg10[%swap3A_283], %mul3A_282 {strides = array<i32>} : memref<1280xf32, #tpu.memory_space<vmem>>, vector<16xf32>,
    %get3A_285 = arith.constant 0 : i32
    %get3A_286 = arith.index_cast %get3A_285 : i32 to index
    %get3A_287 = arith.constant 496 : index
    %get3A_288 = tpu.vector_load %arg9[%get3A_286, %get3A_287] {strides = array<i32>} : memref<16x1280xf32, #tpu.memory_space<vmem>>, vector<16xf32>,
    %mul3A_289 = arith.mulf %get3A_288, %sub3A_57 : vector<16xf32>
    %swap3A_290 = arith.constant 496 : index
    %swap3A_291 = tpu.vector_load %arg10[%swap3A_290] {strides = array<i32>} : memref<1280xf32, #tpu.memory_space<vmem>>, vector<16xf32>,
    tpu.vector_store %arg10[%swap3A_290], %mul3A_289 {strides = array<i32>} : memref<1280xf32, #tpu.memory_space<vmem>>, vector<16xf32>,
    %get3A_292 = arith.constant 0 : i32
    %get3A_293 = arith.index_cast %get3A_292 : i32 to index
    %get3A_294 = arith.constant 512 : index
    %get3A_295 = tpu.vector_load %arg9[%get3A_293, %get3A_294] {strides = array<i32>} : memref<16x1280xf32, #tpu.memory_space<vmem>>, vector<16xf32>,
    %mul3A_296 = arith.mulf %get3A_295, %sub3A_57 : vector<16xf32>
    %swap3A_297 = arith.constant 512 : index
    %swap3A_298 = tpu.vector_load %arg10[%swap3A_297] {strides = array<i32>} : memref<1280xf32, #tpu.memory_space<vmem>>, vector<16xf32>,
    tpu.vector_store %arg10[%swap3A_297], %mul3A_296 {strides = array<i32>} : memref<1280xf32, #tpu.memory_space<vmem>>, vector<16xf32>,
    %get3A_299 = arith.constant 0 : i32
    %get3A_300 = arith.index_cast %get3A_299 : i32 to index
    %get3A_301 = arith.constant 528 : index
    %get3A_302 = tpu.vector_load %arg9[%get3A_300, %get3A_301] {strides = array<i32>} : memref<16x1280xf32, #tpu.memory_space<vmem>>, vector<16xf32>,
    %mul3A_303 = arith.mulf %get3A_302, %sub3A_57 : vector<16xf32>
    %swap3A_304 = arith.constant 528 : index
    %swap3A_305 = tpu.vector_load %arg10[%swap3A_304] {strides = array<i32>} : memref<1280xf32, #tpu.memory_space<vmem>>, vector<16xf32>,
    tpu.vector_store %arg10[%swap3A_304], %mul3A_303 {strides = array<i32>} : memref<1280xf32, #tpu.memory_space<vmem>>, vector<16xf32>,
    %get3A_306 = arith.constant 0 : i32
    %get3A_307 = arith.index_cast %get3A_306 : i32 to index
    %get3A_308 = arith.constant 544 : index
    %get3A_309 = tpu.vector_load %arg9[%get3A_307, %get3A_308] {strides = array<i32>} : memref<16x1280xf32, #tpu.memory_space<vmem>>, vector<16xf32>,
    %mul3A_310 = arith.mulf %get3A_309, %sub3A_57 : vector<16xf32>
    %swap3A_311 = arith.constant 544 : index
    %swap3A_312 = tpu.vector_load %arg10[%swap3A_311] {strides = array<i32>} : memref<1280xf32, #tpu.memory_space<vmem>>, vector<16xf32>,
    tpu.vector_store %arg10[%swap3A_311], %mul3A_310 {strides = array<i32>} : memref<1280xf32, #tpu.memory_space<vmem>>, vector<16xf32>,
    %get3A_313 = arith.constant 0 : i32
    %get3A_314 = arith.index_cast %get3A_313 : i32 to index
    %get3A_315 = arith.constant 560 : index
    %get3A_316 = tpu.vector_load %arg9[%get3A_314, %get3A_315] {strides = array<i32>} : memref<16x1280xf32, #tpu.memory_space<vmem>>, vector<16xf32>,
    %mul3A_317 = arith.mulf %get3A_316, %sub3A_57 : vector<16xf32>
    %swap3A_318 = arith.constant 560 : index
    %swap3A_319 = tpu.vector_load %arg10[%swap3A_318] {strides = array<i32>} : memref<1280xf32, #tpu.memory_space<vmem>>, vector<16xf32>,
    tpu.vector_store %arg10[%swap3A_318], %mul3A_317 {strides = array<i32>} : memref<1280xf32, #tpu.memory_space<vmem>>, vector<16xf32>,
    %get3A_320 = arith.constant 0 : i32
    %get3A_321 = arith.index_cast %get3A_320 : i32 to index
    %get3A_322 = arith.constant 576 : index
    %get3A_323 = tpu.vector_load %arg9[%get3A_321, %get3A_322] {strides = array<i32>} : memref<16x1280xf32, #tpu.memory_space<vmem>>, vector<16xf32>,
    %mul3A_324 = arith.mulf %get3A_323, %sub3A_57 : vector<16xf32>
    %swap3A_325 = arith.constant 576 : index
    %swap3A_326 = tpu.vector_load %arg10[%swap3A_325] {strides = array<i32>} : memref<1280xf32, #tpu.memory_space<vmem>>, vector<16xf32>,
    tpu.vector_store %arg10[%swap3A_325], %mul3A_324 {strides = array<i32>} : memref<1280xf32, #tpu.memory_space<vmem>>, vector<16xf32>,
    %get3A_327 = arith.constant 0 : i32
    %get3A_328 = arith.index_cast %get3A_327 : i32 to index
    %get3A_329 = arith.constant 592 : index
    %get3A_330 = tpu.vector_load %arg9[%get3A_328, %get3A_329] {strides = array<i32>} : memref<16x1280xf32, #tpu.memory_space<vmem>>, vector<16xf32>,
    %mul3A_331 = arith.mulf %get3A_330, %sub3A_57 : vector<16xf32>
    %swap3A_332 = arith.constant 592 : index
    %swap3A_333 = tpu.vector_load %arg10[%swap3A_332] {strides = array<i32>} : memref<1280xf32, #tpu.memory_space<vmem>>, vector<16xf32>,
    tpu.vector_store %arg10[%swap3A_332], %mul3A_331 {strides = array<i32>} : memref<1280xf32, #tpu.memory_space<vmem>>, vector<16xf32>,
    %get3A_334 = arith.constant 0 : i32
    %get3A_335 = arith.index_cast %get3A_334 : i32 to index
    %get3A_336 = arith.constant 608 : index
    %get3A_337 = tpu.vector_load %arg9[%get3A_335, %get3A_336] {strides = array<i32>} : memref<16x1280xf32, #tpu.memory_space<vmem>>, vector<16xf32>,
    %mul3A_338 = arith.mulf %get3A_337, %sub3A_57 : vector<16xf32>
    %swap3A_339 = arith.constant 608 : index
    %swap3A_340 = tpu.vector_load %arg10[%swap3A_339] {strides = array<i32>} : memref<1280xf32, #tpu.memory_space<vmem>>, vector<16xf32>,
    tpu.vector_store %arg10[%swap3A_339], %mul3A_338 {strides = array<i32>} : memref<1280xf32, #tpu.memory_space<vmem>>, vector<16xf32>,
    %get3A_341 = arith.constant 0 : i32
    %get3A_342 = arith.index_cast %get3A_341 : i32 to index
    %get3A_343 = arith.constant 624 : index
    %get3A_344 = tpu.vector_load %arg9[%get3A_342, %get3A_343] {strides = array<i32>} : memref<16x1280xf32, #tpu.memory_space<vmem>>, vector<16xf32>,
    %mul3A_345 = arith.mulf %get3A_344, %sub3A_57 : vector<16xf32>
    %swap3A_346 = arith.constant 624 : index
    %swap3A_347 = tpu.vector_load %arg10[%swap3A_346] {strides = array<i32>} : memref<1280xf32, #tpu.memory_space<vmem>>, vector<16xf32>,
    tpu.vector_store %arg10[%swap3A_346], %mul3A_345 {strides = array<i32>} : memref<1280xf32, #tpu.memory_space<vmem>>, vector<16xf32>,
    %get3A_348 = arith.constant 0 : i32
    %get3A_349 = arith.index_cast %get3A_348 : i32 to index
    %get3A_350 = arith.constant 640 : index
    %get3A_351 = tpu.vector_load %arg9[%get3A_349, %get3A_350] {strides = array<i32>} : memref<16x1280xf32, #tpu.memory_space<vmem>>, vector<16xf32>,
    %mul3A_352 = arith.mulf %get3A_351, %sub3A_57 : vector<16xf32>
    %swap3A_353 = arith.constant 640 : index
    %swap3A_354 = tpu.vector_load %arg10[%swap3A_353] {strides = array<i32>} : memref<1280xf32, #tpu.memory_space<vmem>>, vector<16xf32>,
    tpu.vector_store %arg10[%swap3A_353], %mul3A_352 {strides = array<i32>} : memref<1280xf32, #tpu.memory_space<vmem>>, vector<16xf32>,
    %get3A_355 = arith.constant 0 : i32
    %get3A_356 = arith.index_cast %get3A_355 : i32 to index
    %get3A_357 = arith.constant 656 : index
    %get3A_358 = tpu.vector_load %arg9[%get3A_356, %get3A_357] {strides = array<i32>} : memref<16x1280xf32, #tpu.memory_space<vmem>>, vector<16xf32>,
    %mul3A_359 = arith.mulf %get3A_358, %sub3A_57 : vector<16xf32>
    %swap3A_360 = arith.constant 656 : index
    %swap3A_361 = tpu.vector_load %arg10[%swap3A_360] {strides = array<i32>} : memref<1280xf32, #tpu.memory_space<vmem>>, vector<16xf32>,
    tpu.vector_store %arg10[%swap3A_360], %mul3A_359 {strides = array<i32>} : memref<1280xf32, #tpu.memory_space<vmem>>, vector<16xf32>,
    %get3A_362 = arith.constant 0 : i32
    %get3A_363 = arith.index_cast %get3A_362 : i32 to index
    %get3A_364 = arith.constant 672 : index
    %get3A_365 = tpu.vector_load %arg9[%get3A_363, %get3A_364] {strides = array<i32>} : memref<16x1280xf32, #tpu.memory_space<vmem>>, vector<16xf32>,
    %mul3A_366 = arith.mulf %get3A_365, %sub3A_57 : vector<16xf32>
    %swap3A_367 = arith.constant 672 : index
    %swap3A_368 = tpu.vector_load %arg10[%swap3A_367] {strides = array<i32>} : memref<1280xf32, #tpu.memory_space<vmem>>, vector<16xf32>,
    tpu.vector_store %arg10[%swap3A_367], %mul3A_366 {strides = array<i32>} : memref<1280xf32, #tpu.memory_space<vmem>>, vector<16xf32>,
    %get3A_369 = arith.constant 0 : i32
    %get3A_370 = arith.index_cast %get3A_369 : i32 to index
    %get3A_371 = arith.constant 688 : index
    %get3A_372 = tpu.vector_load %arg9[%get3A_370, %get3A_371] {strides = array<i32>} : memref<16x1280xf32, #tpu.memory_space<vmem>>, vector<16xf32>,
    %mul3A_373 = arith.mulf %get3A_372, %sub3A_57 : vector<16xf32>
    %swap3A_374 = arith.constant 688 : index
    %swap3A_375 = tpu.vector_load %arg10[%swap3A_374] {strides = array<i32>} : memref<1280xf32, #tpu.memory_space<vmem>>, vector<16xf32>,
    tpu.vector_store %arg10[%swap3A_374], %mul3A_373 {strides = array<i32>} : memref<1280xf32, #tpu.memory_space<vmem>>, vector<16xf32>,
    %get3A_376 = arith.constant 0 : i32
    %get3A_377 = arith.index_cast %get3A_376 : i32 to index
    %get3A_378 = arith.constant 704 : index
    %get3A_379 = tpu.vector_load %arg9[%get3A_377, %get3A_378] {strides = array<i32>} : memref<16x1280xf32, #tpu.memory_space<vmem>>, vector<16xf32>,
    %mul3A_380 = arith.mulf %get3A_379, %sub3A_57 : vector<16xf32>
    %swap3A_381 = arith.constant 704 : index
    %swap3A_382 = tpu.vector_load %arg10[%swap3A_381] {strides = array<i32>} : memref<1280xf32, #tpu.memory_space<vmem>>, vector<16xf32>,
    tpu.vector_store %arg10[%swap3A_381], %mul3A_380 {strides = array<i32>} : memref<1280xf32, #tpu.memory_space<vmem>>, vector<16xf32>,
    %get3A_383 = arith.constant 0 : i32
    %get3A_384 = arith.index_cast %get3A_383 : i32 to index
    %get3A_385 = arith.constant 720 : index
    %get3A_386 = tpu.vector_load %arg9[%get3A_384, %get3A_385] {strides = array<i32>} : memref<16x1280xf32, #tpu.memory_space<vmem>>, vector<16xf32>,
    %mul3A_387 = arith.mulf %get3A_386, %sub3A_57 : vector<16xf32>
    %swap3A_388 = arith.constant 720 : index
    %swap3A_389 = tpu.vector_load %arg10[%swap3A_388] {strides = array<i32>} : memref<1280xf32, #tpu.memory_space<vmem>>, vector<16xf32>,
    tpu.vector_store %arg10[%swap3A_388], %mul3A_387 {strides = array<i32>} : memref<1280xf32, #tpu.memory_space<vmem>>, vector<16xf32>,
    %get3A_390 = arith.constant 0 : i32
    %get3A_391 = arith.index_cast %get3A_390 : i32 to index
    %get3A_392 = arith.constant 736 : index
    %get3A_393 = tpu.vector_load %arg9[%get3A_391, %get3A_392] {strides = array<i32>} : memref<16x1280xf32, #tpu.memory_space<vmem>>, vector<16xf32>,
    %mul3A_394 = arith.mulf %get3A_393, %sub3A_57 : vector<16xf32>
    %swap3A_395 = arith.constant 736 : index
    %swap3A_396 = tpu.vector_load %arg10[%swap3A_395] {strides = array<i32>} : memref<1280xf32, #tpu.memory_space<vmem>>, vector<16xf32>,
    tpu.vector_store %arg10[%swap3A_395], %mul3A_394 {strides = array<i32>} : memref<1280xf32, #tpu.memory_space<vmem>>, vector<16xf32>,
    %get3A_397 = arith.constant 0 : i32
    %get3A_398 = arith.index_cast %get3A_397 : i32 to index
    %get3A_399 = arith.constant 752 : index
    %get3A_400 = tpu.vector_load %arg9[%get3A_398, %get3A_399] {strides = array<i32>} : memref<16x1280xf32, #tpu.memory_space<vmem>>, vector<16xf32>,
    %mul3A_401 = arith.mulf %get3A_400, %sub3A_57 : vector<16xf32>
    %swap3A_402 = arith.constant 752 : index
    %swap3A_403 = tpu.vector_load %arg10[%swap3A_402] {strides = array<i32>} : memref<1280xf32, #tpu.memory_space<vmem>>, vector<16xf32>,
    tpu.vector_store %arg10[%swap3A_402], %mul3A_401 {strides = array<i32>} : memref<1280xf32, #tpu.memory_space<vmem>>, vector<16xf32>,
    %get3A_404 = arith.constant 0 : i32
    %get3A_405 = arith.index_cast %get3A_404 : i32 to index
    %get3A_406 = arith.constant 768 : index
    %get3A_407 = tpu.vector_load %arg9[%get3A_405, %get3A_406] {strides = array<i32>} : memref<16x1280xf32, #tpu.memory_space<vmem>>, vector<16xf32>,
    %mul3A_408 = arith.mulf %get3A_407, %sub3A_57 : vector<16xf32>
    %swap3A_409 = arith.constant 768 : index
    %swap3A_410 = tpu.vector_load %arg10[%swap3A_409] {strides = array<i32>} : memref<1280xf32, #tpu.memory_space<vmem>>, vector<16xf32>,
    tpu.vector_store %arg10[%swap3A_409], %mul3A_408 {strides = array<i32>} : memref<1280xf32, #tpu.memory_space<vmem>>, vector<16xf32>,
    %get3A_411 = arith.constant 0 : i32
    %get3A_412 = arith.index_cast %get3A_411 : i32 to index
    %get3A_413 = arith.constant 784 : index
    %get3A_414 = tpu.vector_load %arg9[%get3A_412, %get3A_413] {strides = array<i32>} : memref<16x1280xf32, #tpu.memory_space<vmem>>, vector<16xf32>,
    %mul3A_415 = arith.mulf %get3A_414, %sub3A_57 : vector<16xf32>
    %swap3A_416 = arith.constant 784 : index
    %swap3A_417 = tpu.vector_load %arg10[%swap3A_416] {strides = array<i32>} : memref<1280xf32, #tpu.memory_space<vmem>>, vector<16xf32>,
    tpu.vector_store %arg10[%swap3A_416], %mul3A_415 {strides = array<i32>} : memref<1280xf32, #tpu.memory_space<vmem>>, vector<16xf32>,
    %get3A_418 = arith.constant 0 : i32
    %get3A_419 = arith.index_cast %get3A_418 : i32 to index
    %get3A_420 = arith.constant 800 : index
    %get3A_421 = tpu.vector_load %arg9[%get3A_419, %get3A_420] {strides = array<i32>} : memref<16x1280xf32, #tpu.memory_space<vmem>>, vector<16xf32>,
    %mul3A_422 = arith.mulf %get3A_421, %sub3A_57 : vector<16xf32>
    %swap3A_423 = arith.constant 800 : index
    %swap3A_424 = tpu.vector_load %arg10[%swap3A_423] {strides = array<i32>} : memref<1280xf32, #tpu.memory_space<vmem>>, vector<16xf32>,
    tpu.vector_store %arg10[%swap3A_423], %mul3A_422 {strides = array<i32>} : memref<1280xf32, #tpu.memory_space<vmem>>, vector<16xf32>,
    %get3A_425 = arith.constant 0 : i32
    %get3A_426 = arith.index_cast %get3A_425 : i32 to index
    %get3A_427 = arith.constant 816 : index
    %get3A_428 = tpu.vector_load %arg9[%get3A_426, %get3A_427] {strides = array<i32>} : memref<16x1280xf32, #tpu.memory_space<vmem>>, vector<16xf32>,
    %mul3A_429 = arith.mulf %get3A_428, %sub3A_57 : vector<16xf32>
    %swap3A_430 = arith.constant 816 : index
    %swap3A_431 = tpu.vector_load %arg10[%swap3A_430] {strides = array<i32>} : memref<1280xf32, #tpu.memory_space<vmem>>, vector<16xf32>,
    tpu.vector_store %arg10[%swap3A_430], %mul3A_429 {strides = array<i32>} : memref<1280xf32, #tpu.memory_space<vmem>>, vector<16xf32>,
    %get3A_432 = arith.constant 0 : i32
    %get3A_433 = arith.index_cast %get3A_432 : i32 to index
    %get3A_434 = arith.constant 832 : index
    %get3A_435 = tpu.vector_load %arg9[%get3A_433, %get3A_434] {strides = array<i32>} : memref<16x1280xf32, #tpu.memory_space<vmem>>, vector<16xf32>,
    %mul3A_436 = arith.mulf %get3A_435, %sub3A_57 : vector<16xf32>
    %swap3A_437 = arith.constant 832 : index
    %swap3A_438 = tpu.vector_load %arg10[%swap3A_437] {strides = array<i32>} : memref<1280xf32, #tpu.memory_space<vmem>>, vector<16xf32>,
    tpu.vector_store %arg10[%swap3A_437], %mul3A_436 {strides = array<i32>} : memref<1280xf32, #tpu.memory_space<vmem>>, vector<16xf32>,
    %get3A_439 = arith.constant 0 : i32
    %get3A_440 = arith.index_cast %get3A_439 : i32 to index
    %get3A_441 = arith.constant 848 : index
    %get3A_442 = tpu.vector_load %arg9[%get3A_440, %get3A_441] {strides = array<i32>} : memref<16x1280xf32, #tpu.memory_space<vmem>>, vector<16xf32>,
    %mul3A_443 = arith.mulf %get3A_442, %sub3A_57 : vector<16xf32>
    %swap3A_444 = arith.constant 848 : index
    %swap3A_445 = tpu.vector_load %arg10[%swap3A_444] {strides = array<i32>} : memref<1280xf32, #tpu.memory_space<vmem>>, vector<16xf32>,
    tpu.vector_store %arg10[%swap3A_444], %mul3A_443 {strides = array<i32>} : memref<1280xf32, #tpu.memory_space<vmem>>, vector<16xf32>,
    %get3A_446 = arith.constant 0 : i32
    %get3A_447 = arith.index_cast %get3A_446 : i32 to index
    %get3A_448 = arith.constant 864 : index
    %get3A_449 = tpu.vector_load %arg9[%get3A_447, %get3A_448] {strides = array<i32>} : memref<16x1280xf32, #tpu.memory_space<vmem>>, vector<16xf32>,
    %mul3A_450 = arith.mulf %get3A_449, %sub3A_57 : vector<16xf32>
    %swap3A_451 = arith.constant 864 : index
    %swap3A_452 = tpu.vector_load %arg10[%swap3A_451] {strides = array<i32>} : memref<1280xf32, #tpu.memory_space<vmem>>, vector<16xf32>,
    tpu.vector_store %arg10[%swap3A_451], %mul3A_450 {strides = array<i32>} : memref<1280xf32, #tpu.memory_space<vmem>>, vector<16xf32>,
    %get3A_453 = arith.constant 0 : i32
    %get3A_454 = arith.index_cast %get3A_453 : i32 to index
    %get3A_455 = arith.constant 880 : index
    %get3A_456 = tpu.vector_load %arg9[%get3A_454, %get3A_455] {strides = array<i32>} : memref<16x1280xf32, #tpu.memory_space<vmem>>, vector<16xf32>,
    %mul3A_457 = arith.mulf %get3A_456, %sub3A_57 : vector<16xf32>
    %swap3A_458 = arith.constant 880 : index
    %swap3A_459 = tpu.vector_load %arg10[%swap3A_458] {strides = array<i32>} : memref<1280xf32, #tpu.memory_space<vmem>>, vector<16xf32>,
    tpu.vector_store %arg10[%swap3A_458], %mul3A_457 {strides = array<i32>} : memref<1280xf32, #tpu.memory_space<vmem>>, vector<16xf32>,
    %get3A_460 = arith.constant 0 : i32
    %get3A_461 = arith.index_cast %get3A_460 : i32 to index
    %get3A_462 = arith.constant 896 : index
    %get3A_463 = tpu.vector_load %arg9[%get3A_461, %get3A_462] {strides = array<i32>} : memref<16x1280xf32, #tpu.memory_space<vmem>>, vector<16xf32>,
    %mul3A_464 = arith.mulf %get3A_463, %sub3A_57 : vector<16xf32>
    %swap3A_465 = arith.constant 896 : index
    %swap3A_466 = tpu.vector_load %arg10[%swap3A_465] {strides = array<i32>} : memref<1280xf32, #tpu.memory_space<vmem>>, vector<16xf32>,
    tpu.vector_store %arg10[%swap3A_465], %mul3A_464 {strides = array<i32>} : memref<1280xf32, #tpu.memory_space<vmem>>, vector<16xf32>,
    %get3A_467 = arith.constant 0 : i32
    %get3A_468 = arith.index_cast %get3A_467 : i32 to index
    %get3A_469 = arith.constant 912 : index
    %get3A_470 = tpu.vector_load %arg9[%get3A_468, %get3A_469] {strides = array<i32>} : memref<16x1280xf32, #tpu.memory_space<vmem>>, vector<16xf32>,
    %mul3A_471 = arith.mulf %get3A_470, %sub3A_57 : vector<16xf32>
    %swap3A_472 = arith.constant 912 : index
    %swap3A_473 = tpu.vector_load %arg10[%swap3A_472] {strides = array<i32>} : memref<1280xf32, #tpu.memory_space<vmem>>, vector<16xf32>,
    tpu.vector_store %arg10[%swap3A_472], %mul3A_471 {strides = array<i32>} : memref<1280xf32, #tpu.memory_space<vmem>>, vector<16xf32>,
    %get3A_474 = arith.constant 0 : i32
    %get3A_475 = arith.index_cast %get3A_474 : i32 to index
    %get3A_476 = arith.constant 928 : index
    %get3A_477 = tpu.vector_load %arg9[%get3A_475, %get3A_476] {strides = array<i32>} : memref<16x1280xf32, #tpu.memory_space<vmem>>, vector<16xf32>,
    %mul3A_478 = arith.mulf %get3A_477, %sub3A_57 : vector<16xf32>
    %swap3A_479 = arith.constant 928 : index
    %swap3A_480 = tpu.vector_load %arg10[%swap3A_479] {strides = array<i32>} : memref<1280xf32, #tpu.memory_space<vmem>>, vector<16xf32>,
    tpu.vector_store %arg10[%swap3A_479], %mul3A_478 {strides = array<i32>} : memref<1280xf32, #tpu.memory_space<vmem>>, vector<16xf32>,
    %get3A_481 = arith.constant 0 : i32
    %get3A_482 = arith.index_cast %get3A_481 : i32 to index
    %get3A_483 = arith.constant 944 : index
    %get3A_484 = tpu.vector_load %arg9[%get3A_482, %get3A_483] {strides = array<i32>} : memref<16x1280xf32, #tpu.memory_space<vmem>>, vector<16xf32>,
    %mul3A_485 = arith.mulf %get3A_484, %sub3A_57 : vector<16xf32>
    %swap3A_486 = arith.constant 944 : index
    %swap3A_487 = tpu.vector_load %arg10[%swap3A_486] {strides = array<i32>} : memref<1280xf32, #tpu.memory_space<vmem>>, vector<16xf32>,
    tpu.vector_store %arg10[%swap3A_486], %mul3A_485 {strides = array<i32>} : memref<1280xf32, #tpu.memory_space<vmem>>, vector<16xf32>,
    %get3A_488 = arith.constant 0 : i32
    %get3A_489 = arith.index_cast %get3A_488 : i32 to index
    %get3A_490 = arith.constant 960 : index
    %get3A_491 = tpu.vector_load %arg9[%get3A_489, %get3A_490] {strides = array<i32>} : memref<16x1280xf32, #tpu.memory_space<vmem>>, vector<16xf32>,
    %mul3A_492 = arith.mulf %get3A_491, %sub3A_57 : vector<16xf32>
    %swap3A_493 = arith.constant 960 : index
    %swap3A_494 = tpu.vector_load %arg10[%swap3A_493] {strides = array<i32>} : memref<1280xf32, #tpu.memory_space<vmem>>, vector<16xf32>,
    tpu.vector_store %arg10[%swap3A_493], %mul3A_492 {strides = array<i32>} : memref<1280xf32, #tpu.memory_space<vmem>>, vector<16xf32>,
    %get3A_495 = arith.constant 0 : i32
    %get3A_496 = arith.index_cast %get3A_495 : i32 to index
    %get3A_497 = arith.constant 976 : index
    %get3A_498 = tpu.vector_load %arg9[%get3A_496, %get3A_497] {strides = array<i32>} : memref<16x1280xf32, #tpu.memory_space<vmem>>, vector<16xf32>,
    %mul3A_499 = arith.mulf %get3A_498, %sub3A_57 : vector<16xf32>
    %swap3A_500 = arith.constant 976 : index
    %swap3A_501 = tpu.vector_load %arg10[%swap3A_500] {strides = array<i32>} : memref<1280xf32, #tpu.memory_space<vmem>>, vector<16xf32>,
    tpu.vector_store %arg10[%swap3A_500], %mul3A_499 {strides = array<i32>} : memref<1280xf32, #tpu.memory_space<vmem>>, vector<16xf32>,
    %get3A_502 = arith.constant 0 : i32
    %get3A_503 = arith.index_cast %get3A_502 : i32 to index
    %get3A_504 = arith.constant 992 : index
    %get3A_505 = tpu.vector_load %arg9[%get3A_503, %get3A_504] {strides = array<i32>} : memref<16x1280xf32, #tpu.memory_space<vmem>>, vector<16xf32>,
    %mul3A_506 = arith.mulf %get3A_505, %sub3A_57 : vector<16xf32>
    %swap3A_507 = arith.constant 992 : index
    %swap3A_508 = tpu.vector_load %arg10[%swap3A_507] {strides = array<i32>} : memref<1280xf32, #tpu.memory_space<vmem>>, vector<16xf32>,
    tpu.vector_store %arg10[%swap3A_507], %mul3A_506 {strides = array<i32>} : memref<1280xf32, #tpu.memory_space<vmem>>, vector<16xf32>,
    %get3A_509 = arith.constant 0 : i32
    %get3A_510 = arith.index_cast %get3A_509 : i32 to index
    %get3A_511 = arith.constant 1008 : index
    %get3A_512 = tpu.vector_load %arg9[%get3A_510, %get3A_511] {strides = array<i32>} : memref<16x1280xf32, #tpu.memory_space<vmem>>, vector<16xf32>,
    %mul3A_513 = arith.mulf %get3A_512, %sub3A_57 : vector<16xf32>
    %swap3A_514 = arith.constant 1008 : index
    %swap3A_515 = tpu.vector_load %arg10[%swap3A_514] {strides = array<i32>} : memref<1280xf32, #tpu.memory_space<vmem>>, vector<16xf32>,
    tpu.vector_store %arg10[%swap3A_514], %mul3A_513 {strides = array<i32>} : memref<1280xf32, #tpu.memory_space<vmem>>, vector<16xf32>,
    %get3A_516 = arith.constant 0 : i32
    %get3A_517 = arith.index_cast %get3A_516 : i32 to index
    %get3A_518 = arith.constant 1024 : index
    %get3A_519 = tpu.vector_load %arg9[%get3A_517, %get3A_518] {strides = array<i32>} : memref<16x1280xf32, #tpu.memory_space<vmem>>, vector<16xf32>,
    %mul3A_520 = arith.mulf %get3A_519, %sub3A_57 : vector<16xf32>
    %swap3A_521 = arith.constant 1024 : index
    %swap3A_522 = tpu.vector_load %arg10[%swap3A_521] {strides = array<i32>} : memref<1280xf32, #tpu.memory_space<vmem>>, vector<16xf32>,
    tpu.vector_store %arg10[%swap3A_521], %mul3A_520 {strides = array<i32>} : memref<1280xf32, #tpu.memory_space<vmem>>, vector<16xf32>,
    %get3A_523 = arith.constant 0 : i32
    %get3A_524 = arith.index_cast %get3A_523 : i32 to index
    %get3A_525 = arith.constant 1040 : index
    %get3A_526 = tpu.vector_load %arg9[%get3A_524, %get3A_525] {strides = array<i32>} : memref<16x1280xf32, #tpu.memory_space<vmem>>, vector<16xf32>,
    %mul3A_527 = arith.mulf %get3A_526, %sub3A_57 : vector<16xf32>
    %swap3A_528 = arith.constant 1040 : index
    %swap3A_529 = tpu.vector_load %arg10[%swap3A_528] {strides = array<i32>} : memref<1280xf32, #tpu.memory_space<vmem>>, vector<16xf32>,
    tpu.vector_store %arg10[%swap3A_528], %mul3A_527 {strides = array<i32>} : memref<1280xf32, #tpu.memory_space<vmem>>, vector<16xf32>,
    %get3A_530 = arith.constant 0 : i32
    %get3A_531 = arith.index_cast %get3A_530 : i32 to index
    %get3A_532 = arith.constant 1056 : index
    %get3A_533 = tpu.vector_load %arg9[%get3A_531, %get3A_532] {strides = array<i32>} : memref<16x1280xf32, #tpu.memory_space<vmem>>, vector<16xf32>,
    %mul3A_534 = arith.mulf %get3A_533, %sub3A_57 : vector<16xf32>
    %swap3A_535 = arith.constant 1056 : index
    %swap3A_536 = tpu.vector_load %arg10[%swap3A_535] {strides = array<i32>} : memref<1280xf32, #tpu.memory_space<vmem>>, vector<16xf32>,
    tpu.vector_store %arg10[%swap3A_535], %mul3A_534 {strides = array<i32>} : memref<1280xf32, #tpu.memory_space<vmem>>, vector<16xf32>,
    %get3A_537 = arith.constant 0 : i32
    %get3A_538 = arith.index_cast %get3A_537 : i32 to index
    %get3A_539 = arith.constant 1072 : index
    %get3A_540 = tpu.vector_load %arg9[%get3A_538, %get3A_539] {strides = array<i32>} : memref<16x1280xf32, #tpu.memory_space<vmem>>, vector<16xf32>,
    %mul3A_541 = arith.mulf %get3A_540, %sub3A_57 : vector<16xf32>
    %swap3A_542 = arith.constant 1072 : index
    %swap3A_543 = tpu.vector_load %arg10[%swap3A_542] {strides = array<i32>} : memref<1280xf32, #tpu.memory_space<vmem>>, vector<16xf32>,
    tpu.vector_store %arg10[%swap3A_542], %mul3A_541 {strides = array<i32>} : memref<1280xf32, #tpu.memory_space<vmem>>, vector<16xf32>,
    %get3A_544 = arith.constant 0 : i32
    %get3A_545 = arith.index_cast %get3A_544 : i32 to index
    %get3A_546 = arith.constant 1088 : index
    %get3A_547 = tpu.vector_load %arg9[%get3A_545, %get3A_546] {strides = array<i32>} : memref<16x1280xf32, #tpu.memory_space<vmem>>, vector<16xf32>,
    %mul3A_548 = arith.mulf %get3A_547, %sub3A_57 : vector<16xf32>
    %swap3A_549 = arith.constant 1088 : index
    %swap3A_550 = tpu.vector_load %arg10[%swap3A_549] {strides = array<i32>} : memref<1280xf32, #tpu.memory_space<vmem>>, vector<16xf32>,
    tpu.vector_store %arg10[%swap3A_549], %mul3A_548 {strides = array<i32>} : memref<1280xf32, #tpu.memory_space<vmem>>, vector<16xf32>,
    %get3A_551 = arith.constant 0 : i32
    %get3A_552 = arith.index_cast %get3A_551 : i32 to index
    %get3A_553 = arith.constant 1104 : index
    %get3A_554 = tpu.vector_load %arg9[%get3A_552, %get3A_553] {strides = array<i32>} : memref<16x1280xf32, #tpu.memory_space<vmem>>, vector<16xf32>,
    %mul3A_555 = arith.mulf %get3A_554, %sub3A_57 : vector<16xf32>
    %swap3A_556 = arith.constant 1104 : index
    %swap3A_557 = tpu.vector_load %arg10[%swap3A_556] {strides = array<i32>} : memref<1280xf32, #tpu.memory_space<vmem>>, vector<16xf32>,
    tpu.vector_store %arg10[%swap3A_556], %mul3A_555 {strides = array<i32>} : memref<1280xf32, #tpu.memory_space<vmem>>, vector<16xf32>,
    %get3A_558 = arith.constant 0 : i32
    %get3A_559 = arith.index_cast %get3A_558 : i32 to index
    %get3A_560 = arith.constant 1120 : index
    %get3A_561 = tpu.vector_load %arg9[%get3A_559, %get3A_560] {strides = array<i32>} : memref<16x1280xf32, #tpu.memory_space<vmem>>, vector<16xf32>,
    %mul3A_562 = arith.mulf %get3A_561, %sub3A_57 : vector<16xf32>
    %swap3A_563 = arith.constant 1120 : index
    %swap3A_564 = tpu.vector_load %arg10[%swap3A_563] {strides = array<i32>} : memref<1280xf32, #tpu.memory_space<vmem>>, vector<16xf32>,
    tpu.vector_store %arg10[%swap3A_563], %mul3A_562 {strides = array<i32>} : memref<1280xf32, #tpu.memory_space<vmem>>, vector<16xf32>,
    %get3A_565 = arith.constant 0 : i32
    %get3A_566 = arith.index_cast %get3A_565 : i32 to index
    %get3A_567 = arith.constant 1136 : index
    %get3A_568 = tpu.vector_load %arg9[%get3A_566, %get3A_567] {strides = array<i32>} : memref<16x1280xf32, #tpu.memory_space<vmem>>, vector<16xf32>,
    %mul3A_569 = arith.mulf %get3A_568, %sub3A_57 : vector<16xf32>
    %swap3A_570 = arith.constant 1136 : index
    %swap3A_571 = tpu.vector_load %arg10[%swap3A_570] {strides = array<i32>} : memref<1280xf32, #tpu.memory_space<vmem>>, vector<16xf32>,
    tpu.vector_store %arg10[%swap3A_570], %mul3A_569 {strides = array<i32>} : memref<1280xf32, #tpu.memory_space<vmem>>, vector<16xf32>,
    %get3A_572 = arith.constant 0 : i32
    %get3A_573 = arith.index_cast %get3A_572 : i32 to index
    %get3A_574 = arith.constant 1152 : index
    %get3A_575 = tpu.vector_load %arg9[%get3A_573, %get3A_574] {strides = array<i32>} : memref<16x1280xf32, #tpu.memory_space<vmem>>, vector<16xf32>,
    %mul3A_576 = arith.mulf %get3A_575, %sub3A_57 : vector<16xf32>
    %swap3A_577 = arith.constant 1152 : index
    %swap3A_578 = tpu.vector_load %arg10[%swap3A_577] {strides = array<i32>} : memref<1280xf32, #tpu.memory_space<vmem>>, vector<16xf32>,
    tpu.vector_store %arg10[%swap3A_577], %mul3A_576 {strides = array<i32>} : memref<1280xf32, #tpu.memory_space<vmem>>, vector<16xf32>,
    %get3A_579 = arith.constant 0 : i32
    %get3A_580 = arith.index_cast %get3A_579 : i32 to index
    %get3A_581 = arith.constant 1168 : index
    %get3A_582 = tpu.vector_load %arg9[%get3A_580, %get3A_581] {strides = array<i32>} : memref<16x1280xf32, #tpu.memory_space<vmem>>, vector<16xf32>,
    %mul3A_583 = arith.mulf %get3A_582, %sub3A_57 : vector<16xf32>
    %swap3A_584 = arith.constant 1168 : index
    %swap3A_585 = tpu.vector_load %arg10[%swap3A_584] {strides = array<i32>} : memref<1280xf32, #tpu.memory_space<vmem>>, vector<16xf32>,
    tpu.vector_store %arg10[%swap3A_584], %mul3A_583 {strides = array<i32>} : memref<1280xf32, #tpu.memory_space<vmem>>, vector<16xf32>,
    %get3A_586 = arith.constant 0 : i32
    %get3A_587 = arith.index_cast %get3A_586 : i32 to index
    %get3A_588 = arith.constant 1184 : index
    %get3A_589 = tpu.vector_load %arg9[%get3A_587, %get3A_588] {strides = array<i32>} : memref<16x1280xf32, #tpu.memory_space<vmem>>, vector<16xf32>,
    %mul3A_590 = arith.mulf %get3A_589, %sub3A_57 : vector<16xf32>
    %swap3A_591 = arith.constant 1184 : index
    %swap3A_592 = tpu.vector_load %arg10[%swap3A_591] {strides = array<i32>} : memref<1280xf32, #tpu.memory_space<vmem>>, vector<16xf32>,
    tpu.vector_store %arg10[%swap3A_591], %mul3A_590 {strides = array<i32>} : memref<1280xf32, #tpu.memory_space<vmem>>, vector<16xf32>,
    %get3A_593 = arith.constant 0 : i32
    %get3A_594 = arith.index_cast %get3A_593 : i32 to index
    %get3A_595 = arith.constant 1200 : index
    %get3A_596 = tpu.vector_load %arg9[%get3A_594, %get3A_595] {strides = array<i32>} : memref<16x1280xf32, #tpu.memory_space<vmem>>, vector<16xf32>,
    %mul3A_597 = arith.mulf %get3A_596, %sub3A_57 : vector<16xf32>
    %swap3A_598 = arith.constant 1200 : index
    %swap3A_599 = tpu.vector_load %arg10[%swap3A_598] {strides = array<i32>} : memref<1280xf32, #tpu.memory_space<vmem>>, vector<16xf32>,
    tpu.vector_store %arg10[%swap3A_598], %mul3A_597 {strides = array<i32>} : memref<1280xf32, #tpu.memory_space<vmem>>, vector<16xf32>,
    %get3A_600 = arith.constant 0 : i32
    %get3A_601 = arith.index_cast %get3A_600 : i32 to index
    %get3A_602 = arith.constant 1216 : index
    %get3A_603 = tpu.vector_load %arg9[%get3A_601, %get3A_602] {strides = array<i32>} : memref<16x1280xf32, #tpu.memory_space<vmem>>, vector<16xf32>,
    %mul3A_604 = arith.mulf %get3A_603, %sub3A_57 : vector<16xf32>
    %swap3A_605 = arith.constant 1216 : index
    %swap3A_606 = tpu.vector_load %arg10[%swap3A_605] {strides = array<i32>} : memref<1280xf32, #tpu.memory_space<vmem>>, vector<16xf32>,
    tpu.vector_store %arg10[%swap3A_605], %mul3A_604 {strides = array<i32>} : memref<1280xf32, #tpu.memory_space<vmem>>, vector<16xf32>,
    %get3A_607 = arith.constant 0 : i32
    %get3A_608 = arith.index_cast %get3A_607 : i32 to index
    %get3A_609 = arith.constant 1232 : index
    %get3A_610 = tpu.vector_load %arg9[%get3A_608, %get3A_609] {strides = array<i32>} : memref<16x1280xf32, #tpu.memory_space<vmem>>, vector<16xf32>,
    %mul3A_611 = arith.mulf %get3A_610, %sub3A_57 : vector<16xf32>
    %swap3A_612 = arith.constant 1232 : index
    %swap3A_613 = tpu.vector_load %arg10[%swap3A_612] {strides = array<i32>} : memref<1280xf32, #tpu.memory_space<vmem>>, vector<16xf32>,
    tpu.vector_store %arg10[%swap3A_612], %mul3A_611 {strides = array<i32>} : memref<1280xf32, #tpu.memory_space<vmem>>, vector<16xf32>,
    %get3A_614 = arith.constant 0 : i32
    %get3A_615 = arith.index_cast %get3A_614 : i32 to index
    %get3A_616 = arith.constant 1248 : index
    %get3A_617 = tpu.vector_load %arg9[%get3A_615, %get3A_616] {strides = array<i32>} : memref<16x1280xf32, #tpu.memory_space<vmem>>, vector<16xf32>,
    %mul3A_618 = arith.mulf %get3A_617, %sub3A_57 : vector<16xf32>
    %swap3A_619 = arith.constant 1248 : index
    %swap3A_620 = tpu.vector_load %arg10[%swap3A_619] {strides = array<i32>} : memref<1280xf32, #tpu.memory_space<vmem>>, vector<16xf32>,
    tpu.vector_store %arg10[%swap3A_619], %mul3A_618 {strides = array<i32>} : memref<1280xf32, #tpu.memory_space<vmem>>, vector<16xf32>,
    %get3A_621 = arith.constant 0 : i32
    %get3A_622 = arith.index_cast %get3A_621 : i32 to index
    %get3A_623 = arith.constant 1264 : index
    %get3A_624 = tpu.vector_load %arg9[%get3A_622, %get3A_623] {strides = array<i32>} : memref<16x1280xf32, #tpu.memory_space<vmem>>, vector<16xf32>,
    %mul3A_625 = arith.mulf %get3A_624, %sub3A_57 : vector<16xf32>
    %swap3A_626 = arith.constant 1264 : index
    %swap3A_627 = tpu.vector_load %arg10[%swap3A_626] {strides = array<i32>} : memref<1280xf32, #tpu.memory_space<vmem>>, vector<16xf32>,
    tpu.vector_store %arg10[%swap3A_626], %mul3A_625 {strides = array<i32>} : memref<1280xf32, #tpu.memory_space<vmem>>, vector<16xf32>,
    %get3A_628 = arith.constant 0 : i32
    %get3A_629 = arith.index_cast %get3A_628 : i32 to index
    %get3A_630 = arith.constant 0 : index
    %get3A_631 = tpu.vector_load %arg11[%get3A_629, %get3A_630] {strides = array<i32>} : memref<1x1280xf32, #tpu.memory_space<vmem>>, vector<16xf32>,
    %get3A_632 = arith.constant 0 : index
    %get3A_633 = tpu.vector_load %arg10[%get3A_632] {strides = array<i32>} : memref<1280xf32, #tpu.memory_space<vmem>>, vector<16xf32>,
    %add3A_634 = arith.addf %get3A_631, %get3A_633 : vector<16xf32>
    %swap3A_635 = arith.constant 0 : i32
    %swap3A_636 = arith.index_cast %swap3A_635 : i32 to index
    %swap3A_637 = arith.constant 0 : index
    %swap3A_638 = tpu.vector_load %arg11[%swap3A_636, %swap3A_637] {strides = array<i32>} : memref<1x1280xf32, #tpu.memory_space<vmem>>, vector<16xf32>,
    tpu.vector_store %arg11[%swap3A_636, %swap3A_637], %add3A_634 {strides = array<i32>} : memref<1x1280xf32, #tpu.memory_space<vmem>>, vector<16xf32>,
    %get3A_639 = arith.constant 0 : i32
    %get3A_640 = arith.index_cast %get3A_639 : i32 to index
    %get3A_641 = arith.constant 16 : index
    %get3A_642 = tpu.vector_load %arg11[%get3A_640, %get3A_641] {strides = array<i32>} : memref<1x1280xf32, #tpu.memory_space<vmem>>, vector<16xf32>,
    %get3A_643 = arith.constant 16 : index
    %get3A_644 = tpu.vector_load %arg10[%get3A_643] {strides = array<i32>} : memref<1280xf32, #tpu.memory_space<vmem>>, vector<16xf32>,
    %add3A_645 = arith.addf %get3A_642, %get3A_644 : vector<16xf32>
    %swap3A_646 = arith.constant 0 : i32
    %swap3A_647 = arith.index_cast %swap3A_646 : i32 to index
    %swap3A_648 = arith.constant 16 : index
    %swap3A_649 = tpu.vector_load %arg11[%swap3A_647, %swap3A_648] {strides = array<i32>} : memref<1x1280xf32, #tpu.memory_space<vmem>>, vector<16xf32>,
    tpu.vector_store %arg11[%swap3A_647, %swap3A_648], %add3A_645 {strides = array<i32>} : memref<1x1280xf32, #tpu.memory_space<vmem>>, vector<16xf32>,
    %get3A_650 = arith.constant 0 : i32
    %get3A_651 = arith.index_cast %get3A_650 : i32 to index
    %get3A_652 = arith.constant 32 : index
    %get3A_653 = tpu.vector_load %arg11[%get3A_651, %get3A_652] {strides = array<i32>} : memref<1x1280xf32, #tpu.memory_space<vmem>>, vector<16xf32>,
    %get3A_654 = arith.constant 32 : index
    %get3A_655 = tpu.vector_load %arg10[%get3A_654] {strides = array<i32>} : memref<1280xf32, #tpu.memory_space<vmem>>, vector<16xf32>,
    %add3A_656 = arith.addf %get3A_653, %get3A_655 : vector<16xf32>
    %swap3A_657 = arith.constant 0 : i32
    %swap3A_658 = arith.index_cast %swap3A_657 : i32 to index
    %swap3A_659 = arith.constant 32 : index
    %swap3A_660 = tpu.vector_load %arg11[%swap3A_658, %swap3A_659] {strides = array<i32>} : memref<1x1280xf32, #tpu.memory_space<vmem>>, vector<16xf32>,
    tpu.vector_store %arg11[%swap3A_658, %swap3A_659], %add3A_656 {strides = array<i32>} : memref<1x1280xf32, #tpu.memory_space<vmem>>, vector<16xf32>,
    %get3A_661 = arith.constant 0 : i32
    %get3A_662 = arith.index_cast %get3A_661 : i32 to index
    %get3A_663 = arith.constant 48 : index
    %get3A_664 = tpu.vector_load %arg11[%get3A_662, %get3A_663] {strides = array<i32>} : memref<1x1280xf32, #tpu.memory_space<vmem>>, vector<16xf32>,
    %get3A_665 = arith.constant 48 : index
    %get3A_666 = tpu.vector_load %arg10[%get3A_665] {strides = array<i32>} : memref<1280xf32, #tpu.memory_space<vmem>>, vector<16xf32>,
    %add3A_667 = arith.addf %get3A_664, %get3A_666 : vector<16xf32>
    %swap3A_668 = arith.constant 0 : i32
    %swap3A_669 = arith.index_cast %swap3A_668 : i32 to index
    %swap3A_670 = arith.constant 48 : index
    %swap3A_671 = tpu.vector_load %arg11[%swap3A_669, %swap3A_670] {strides = array<i32>} : memref<1x1280xf32, #tpu.memory_space<vmem>>, vector<16xf32>,
    tpu.vector_store %arg11[%swap3A_669, %swap3A_670], %add3A_667 {strides = array<i32>} : memref<1x1280xf32, #tpu.memory_space<vmem>>, vector<16xf32>,
    %get3A_672 = arith.constant 0 : i32
    %get3A_673 = arith.index_cast %get3A_672 : i32 to index
    %get3A_674 = arith.constant 64 : index
    %get3A_675 = tpu.vector_load %arg11[%get3A_673, %get3A_674] {strides = array<i32>} : memref<1x1280xf32, #tpu.memory_space<vmem>>, vector<16xf32>,
    %get3A_676 = arith.constant 64 : index
    %get3A_677 = tpu.vector_load %arg10[%get3A_676] {strides = array<i32>} : memref<1280xf32, #tpu.memory_space<vmem>>, vector<16xf32>,
    %add3A_678 = arith.addf %get3A_675, %get3A_677 : vector<16xf32>
    %swap3A_679 = arith.constant 0 : i32
    %swap3A_680 = arith.index_cast %swap3A_679 : i32 to index
    %swap3A_681 = arith.constant 64 : index
    %swap3A_682 = tpu.vector_load %arg11[%swap3A_680, %swap3A_681] {strides = array<i32>} : memref<1x1280xf32, #tpu.memory_space<vmem>>, vector<16xf32>,
    tpu.vector_store %arg11[%swap3A_680, %swap3A_681], %add3A_678 {strides = array<i32>} : memref<1x1280xf32, #tpu.memory_space<vmem>>, vector<16xf32>,
    %get3A_683 = arith.constant 0 : i32
    %get3A_684 = arith.index_cast %get3A_683 : i32 to index
    %get3A_685 = arith.constant 80 : index
    %get3A_686 = tpu.vector_load %arg11[%get3A_684, %get3A_685] {strides = array<i32>} : memref<1x1280xf32, #tpu.memory_space<vmem>>, vector<16xf32>,
    %get3A_687 = arith.constant 80 : index
    %get3A_688 = tpu.vector_load %arg10[%get3A_687] {strides = array<i32>} : memref<1280xf32, #tpu.memory_space<vmem>>, vector<16xf32>,
    %add3A_689 = arith.addf %get3A_686, %get3A_688 : vector<16xf32>
    %swap3A_690 = arith.constant 0 : i32
    %swap3A_691 = arith.index_cast %swap3A_690 : i32 to index
    %swap3A_692 = arith.constant 80 : index
    %swap3A_693 = tpu.vector_load %arg11[%swap3A_691, %swap3A_692] {strides = array<i32>} : memref<1x1280xf32, #tpu.memory_space<vmem>>, vector<16xf32>,
    tpu.vector_store %arg11[%swap3A_691, %swap3A_692], %add3A_689 {strides = array<i32>} : memref<1x1280xf32, #tpu.memory_space<vmem>>, vector<16xf32>,
    %get3A_694 = arith.constant 0 : i32
    %get3A_695 = arith.index_cast %get3A_694 : i32 to index
    %get3A_696 = arith.constant 96 : index
    %get3A_697 = tpu.vector_load %arg11[%get3A_695, %get3A_696] {strides = array<i32>} : memref<1x1280xf32, #tpu.memory_space<vmem>>, vector<16xf32>,
    %get3A_698 = arith.constant 96 : index
    %get3A_699 = tpu.vector_load %arg10[%get3A_698] {strides = array<i32>} : memref<1280xf32, #tpu.memory_space<vmem>>, vector<16xf32>,
    %add3A_700 = arith.addf %get3A_697, %get3A_699 : vector<16xf32>
    %swap3A_701 = arith.constant 0 : i32
    %swap3A_702 = arith.index_cast %swap3A_701 : i32 to index
    %swap3A_703 = arith.constant 96 : index
    %swap3A_704 = tpu.vector_load %arg11[%swap3A_702, %swap3A_703] {strides = array<i32>} : memref<1x1280xf32, #tpu.memory_space<vmem>>, vector<16xf32>,
    tpu.vector_store %arg11[%swap3A_702, %swap3A_703], %add3A_700 {strides = array<i32>} : memref<1x1280xf32, #tpu.memory_space<vmem>>, vector<16xf32>,
    %get3A_705 = arith.constant 0 : i32
    %get3A_706 = arith.index_cast %get3A_705 : i32 to index
    %get3A_707 = arith.constant 112 : index
    %get3A_708 = tpu.vector_load %arg11[%get3A_706, %get3A_707] {strides = array<i32>} : memref<1x1280xf32, #tpu.memory_space<vmem>>, vector<16xf32>,
    %get3A_709 = arith.constant 112 : index
    %get3A_710 = tpu.vector_load %arg10[%get3A_709] {strides = array<i32>} : memref<1280xf32, #tpu.memory_space<vmem>>, vector<16xf32>,
    %add3A_711 = arith.addf %get3A_708, %get3A_710 : vector<16xf32>
    %swap3A_712 = arith.constant 0 : i32
    %swap3A_713 = arith.index_cast %swap3A_712 : i32 to index
    %swap3A_714 = arith.constant 112 : index
    %swap3A_715 = tpu.vector_load %arg11[%swap3A_713, %swap3A_714] {strides = array<i32>} : memref<1x1280xf32, #tpu.memory_space<vmem>>, vector<16xf32>,
    tpu.vector_store %arg11[%swap3A_713, %swap3A_714], %add3A_711 {strides = array<i32>} : memref<1x1280xf32, #tpu.memory_space<vmem>>, vector<16xf32>,
    %get3A_716 = arith.constant 0 : i32
    %get3A_717 = arith.index_cast %get3A_716 : i32 to index
    %get3A_718 = arith.constant 128 : index
    %get3A_719 = tpu.vector_load %arg11[%get3A_717, %get3A_718] {strides = array<i32>} : memref<1x1280xf32, #tpu.memory_space<vmem>>, vector<16xf32>,
    %get3A_720 = arith.constant 128 : index
    %get3A_721 = tpu.vector_load %arg10[%get3A_720] {strides = array<i32>} : memref<1280xf32, #tpu.memory_space<vmem>>, vector<16xf32>,
    %add3A_722 = arith.addf %get3A_719, %get3A_721 : vector<16xf32>
    %swap3A_723 = arith.constant 0 : i32
    %swap3A_724 = arith.index_cast %swap3A_723 : i32 to index
    %swap3A_725 = arith.constant 128 : index
    %swap3A_726 = tpu.vector_load %arg11[%swap3A_724, %swap3A_725] {strides = array<i32>} : memref<1x1280xf32, #tpu.memory_space<vmem>>, vector<16xf32>,
    tpu.vector_store %arg11[%swap3A_724, %swap3A_725], %add3A_722 {strides = array<i32>} : memref<1x1280xf32, #tpu.memory_space<vmem>>, vector<16xf32>,
    %get3A_727 = arith.constant 0 : i32
    %get3A_728 = arith.index_cast %get3A_727 : i32 to index
    %get3A_729 = arith.constant 144 : index
    %get3A_730 = tpu.vector_load %arg11[%get3A_728, %get3A_729] {strides = array<i32>} : memref<1x1280xf32, #tpu.memory_space<vmem>>, vector<16xf32>,
    %get3A_731 = arith.constant 144 : index
    %get3A_732 = tpu.vector_load %arg10[%get3A_731] {strides = array<i32>} : memref<1280xf32, #tpu.memory_space<vmem>>, vector<16xf32>,
    %add3A_733 = arith.addf %get3A_730, %get3A_732 : vector<16xf32>
    %swap3A_734 = arith.constant 0 : i32
    %swap3A_735 = arith.index_cast %swap3A_734 : i32 to index
    %swap3A_736 = arith.constant 144 : index
    %swap3A_737 = tpu.vector_load %arg11[%swap3A_735, %swap3A_736] {strides = array<i32>} : memref<1x1280xf32, #tpu.memory_space<vmem>>, vector<16xf32>,
    tpu.vector_store %arg11[%swap3A_735, %swap3A_736], %add3A_733 {strides = array<i32>} : memref<1x1280xf32, #tpu.memory_space<vmem>>, vector<16xf32>,
    %get3A_738 = arith.constant 0 : i32
    %get3A_739 = arith.index_cast %get3A_738 : i32 to index
    %get3A_740 = arith.constant 160 : index
    %get3A_741 = tpu.vector_load %arg11[%get3A_739, %get3A_740] {strides = array<i32>} : memref<1x1280xf32, #tpu.memory_space<vmem>>, vector<16xf32>,
    %get3A_742 = arith.constant 160 : index
    %get3A_743 = tpu.vector_load %arg10[%get3A_742] {strides = array<i32>} : memref<1280xf32, #tpu.memory_space<vmem>>, vector<16xf32>,
    %add3A_744 = arith.addf %get3A_741, %get3A_743 : vector<16xf32>
    %swap3A_745 = arith.constant 0 : i32
    %swap3A_746 = arith.index_cast %swap3A_745 : i32 to index
    %swap3A_747 = arith.constant 160 : index
    %swap3A_748 = tpu.vector_load %arg11[%swap3A_746, %swap3A_747] {strides = array<i32>} : memref<1x1280xf32, #tpu.memory_space<vmem>>, vector<16xf32>,
    tpu.vector_store %arg11[%swap3A_746, %swap3A_747], %add3A_744 {strides = array<i32>} : memref<1x1280xf32, #tpu.memory_space<vmem>>, vector<16xf32>,
    %get3A_749 = arith.constant 0 : i32
    %get3A_750 = arith.index_cast %get3A_749 : i32 to index
    %get3A_751 = arith.constant 176 : index
    %get3A_752 = tpu.vector_load %arg11[%get3A_750, %get3A_751] {strides = array<i32>} : memref<1x1280xf32, #tpu.memory_space<vmem>>, vector<16xf32>,
    %get3A_753 = arith.constant 176 : index
    %get3A_754 = tpu.vector_load %arg10[%get3A_753] {strides = array<i32>} : memref<1280xf32, #tpu.memory_space<vmem>>, vector<16xf32>,
    %add3A_755 = arith.addf %get3A_752, %get3A_754 : vector<16xf32>
    %swap3A_756 = arith.constant 0 : i32
    %swap3A_757 = arith.index_cast %swap3A_756 : i32 to index
    %swap3A_758 = arith.constant 176 : index
    %swap3A_759 = tpu.vector_load %arg11[%swap3A_757, %swap3A_758] {strides = array<i32>} : memref<1x1280xf32, #tpu.memory_space<vmem>>, vector<16xf32>,
    tpu.vector_store %arg11[%swap3A_757, %swap3A_758], %add3A_755 {strides = array<i32>} : memref<1x1280xf32, #tpu.memory_space<vmem>>, vector<16xf32>,
    %get3A_760 = arith.constant 0 : i32
    %get3A_761 = arith.index_cast %get3A_760 : i32 to index
    %get3A_762 = arith.constant 192 : index
    %get3A_763 = tpu.vector_load %arg11[%get3A_761, %get3A_762] {strides = array<i32>} : memref<1x1280xf32, #tpu.memory_space<vmem>>, vector<16xf32>,
    %get3A_764 = arith.constant 192 : index
    %get3A_765 = tpu.vector_load %arg10[%get3A_764] {strides = array<i32>} : memref<1280xf32, #tpu.memory_space<vmem>>, vector<16xf32>,
    %add3A_766 = arith.addf %get3A_763, %get3A_765 : vector<16xf32>
    %swap3A_767 = arith.constant 0 : i32
    %swap3A_768 = arith.index_cast %swap3A_767 : i32 to index
    %swap3A_769 = arith.constant 192 : index
    %swap3A_770 = tpu.vector_load %arg11[%swap3A_768, %swap3A_769] {strides = array<i32>} : memref<1x1280xf32, #tpu.memory_space<vmem>>, vector<16xf32>,
    tpu.vector_store %arg11[%swap3A_768, %swap3A_769], %add3A_766 {strides = array<i32>} : memref<1x1280xf32, #tpu.memory_space<vmem>>, vector<16xf32>,
    %get3A_771 = arith.constant 0 : i32
    %get3A_772 = arith.index_cast %get3A_771 : i32 to index
    %get3A_773 = arith.constant 208 : index
    %get3A_774 = tpu.vector_load %arg11[%get3A_772, %get3A_773] {strides = array<i32>} : memref<1x1280xf32, #tpu.memory_space<vmem>>, vector<16xf32>,
    %get3A_775 = arith.constant 208 : index
    %get3A_776 = tpu.vector_load %arg10[%get3A_775] {strides = array<i32>} : memref<1280xf32, #tpu.memory_space<vmem>>, vector<16xf32>,
    %add3A_777 = arith.addf %get3A_774, %get3A_776 : vector<16xf32>
    %swap3A_778 = arith.constant 0 : i32
    %swap3A_779 = arith.index_cast %swap3A_778 : i32 to index
    %swap3A_780 = arith.constant 208 : index
    %swap3A_781 = tpu.vector_load %arg11[%swap3A_779, %swap3A_780] {strides = array<i32>} : memref<1x1280xf32, #tpu.memory_space<vmem>>, vector<16xf32>,
    tpu.vector_store %arg11[%swap3A_779, %swap3A_780], %add3A_777 {strides = array<i32>} : memref<1x1280xf32, #tpu.memory_space<vmem>>, vector<16xf32>,
    %get3A_782 = arith.constant 0 : i32
    %get3A_783 = arith.index_cast %get3A_782 : i32 to index
    %get3A_784 = arith.constant 224 : index
    %get3A_785 = tpu.vector_load %arg11[%get3A_783, %get3A_784] {strides = array<i32>} : memref<1x1280xf32, #tpu.memory_space<vmem>>, vector<16xf32>,
    %get3A_786 = arith.constant 224 : index
    %get3A_787 = tpu.vector_load %arg10[%get3A_786] {strides = array<i32>} : memref<1280xf32, #tpu.memory_space<vmem>>, vector<16xf32>,
    %add3A_788 = arith.addf %get3A_785, %get3A_787 : vector<16xf32>
    %swap3A_789 = arith.constant 0 : i32
    %swap3A_790 = arith.index_cast %swap3A_789 : i32 to index
    %swap3A_791 = arith.constant 224 : index
    %swap3A_792 = tpu.vector_load %arg11[%swap3A_790, %swap3A_791] {strides = array<i32>} : memref<1x1280xf32, #tpu.memory_space<vmem>>, vector<16xf32>,
    tpu.vector_store %arg11[%swap3A_790, %swap3A_791], %add3A_788 {strides = array<i32>} : memref<1x1280xf32, #tpu.memory_space<vmem>>, vector<16xf32>,
    %get3A_793 = arith.constant 0 : i32
    %get3A_794 = arith.index_cast %get3A_793 : i32 to index
    %get3A_795 = arith.constant 240 : index
    %get3A_796 = tpu.vector_load %arg11[%get3A_794, %get3A_795] {strides = array<i32>} : memref<1x1280xf32, #tpu.memory_space<vmem>>, vector<16xf32>,
    %get3A_797 = arith.constant 240 : index
    %get3A_798 = tpu.vector_load %arg10[%get3A_797] {strides = array<i32>} : memref<1280xf32, #tpu.memory_space<vmem>>, vector<16xf32>,
    %add3A_799 = arith.addf %get3A_796, %get3A_798 : vector<16xf32>
    %swap3A_800 = arith.constant 0 : i32
    %swap3A_801 = arith.index_cast %swap3A_800 : i32 to index
    %swap3A_802 = arith.constant 240 : index
    %swap3A_803 = tpu.vector_load %arg11[%swap3A_801, %swap3A_802] {strides = array<i32>} : memref<1x1280xf32, #tpu.memory_space<vmem>>, vector<16xf32>,
    tpu.vector_store %arg11[%swap3A_801, %swap3A_802], %add3A_799 {strides = array<i32>} : memref<1x1280xf32, #tpu.memory_space<vmem>>, vector<16xf32>,
    %get3A_804 = arith.constant 0 : i32
    %get3A_805 = arith.index_cast %get3A_804 : i32 to index
    %get3A_806 = arith.constant 256 : index
    %get3A_807 = tpu.vector_load %arg11[%get3A_805, %get3A_806] {strides = array<i32>} : memref<1x1280xf32, #tpu.memory_space<vmem>>, vector<16xf32>,
    %get3A_808 = arith.constant 256 : index
    %get3A_809 = tpu.vector_load %arg10[%get3A_808] {strides = array<i32>} : memref<1280xf32, #tpu.memory_space<vmem>>, vector<16xf32>,
    %add3A_810 = arith.addf %get3A_807, %get3A_809 : vector<16xf32>
    %swap3A_811 = arith.constant 0 : i32
    %swap3A_812 = arith.index_cast %swap3A_811 : i32 to index
    %swap3A_813 = arith.constant 256 : index
    %swap3A_814 = tpu.vector_load %arg11[%swap3A_812, %swap3A_813] {strides = array<i32>} : memref<1x1280xf32, #tpu.memory_space<vmem>>, vector<16xf32>,
    tpu.vector_store %arg11[%swap3A_812, %swap3A_813], %add3A_810 {strides = array<i32>} : memref<1x1280xf32, #tpu.memory_space<vmem>>, vector<16xf32>,
    %get3A_815 = arith.constant 0 : i32
    %get3A_816 = arith.index_cast %get3A_815 : i32 to index
    %get3A_817 = arith.constant 272 : index
    %get3A_818 = tpu.vector_load %arg11[%get3A_816, %get3A_817] {strides = array<i32>} : memref<1x1280xf32, #tpu.memory_space<vmem>>, vector<16xf32>,
    %get3A_819 = arith.constant 272 : index
    %get3A_820 = tpu.vector_load %arg10[%get3A_819] {strides = array<i32>} : memref<1280xf32, #tpu.memory_space<vmem>>, vector<16xf32>,
    %add3A_821 = arith.addf %get3A_818, %get3A_820 : vector<16xf32>
    %swap3A_822 = arith.constant 0 : i32
    %swap3A_823 = arith.index_cast %swap3A_822 : i32 to index
    %swap3A_824 = arith.constant 272 : index
    %swap3A_825 = tpu.vector_load %arg11[%swap3A_823, %swap3A_824] {strides = array<i32>} : memref<1x1280xf32, #tpu.memory_space<vmem>>, vector<16xf32>,
    tpu.vector_store %arg11[%swap3A_823, %swap3A_824], %add3A_821 {strides = array<i32>} : memref<1x1280xf32, #tpu.memory_space<vmem>>, vector<16xf32>,
    %get3A_826 = arith.constant 0 : i32
    %get3A_827 = arith.index_cast %get3A_826 : i32 to index
    %get3A_828 = arith.constant 288 : index
    %get3A_829 = tpu.vector_load %arg11[%get3A_827, %get3A_828] {strides = array<i32>} : memref<1x1280xf32, #tpu.memory_space<vmem>>, vector<16xf32>,
    %get3A_830 = arith.constant 288 : index
    %get3A_831 = tpu.vector_load %arg10[%get3A_830] {strides = array<i32>} : memref<1280xf32, #tpu.memory_space<vmem>>, vector<16xf32>,
    %add3A_832 = arith.addf %get3A_829, %get3A_831 : vector<16xf32>
    %swap3A_833 = arith.constant 0 : i32
    %swap3A_834 = arith.index_cast %swap3A_833 : i32 to index
    %swap3A_835 = arith.constant 288 : index
    %swap3A_836 = tpu.vector_load %arg11[%swap3A_834, %swap3A_835] {strides = array<i32>} : memref<1x1280xf32, #tpu.memory_space<vmem>>, vector<16xf32>,
    tpu.vector_store %arg11[%swap3A_834, %swap3A_835], %add3A_832 {strides = array<i32>} : memref<1x1280xf32, #tpu.memory_space<vmem>>, vector<16xf32>,
    %get3A_837 = arith.constant 0 : i32
    %get3A_838 = arith.index_cast %get3A_837 : i32 to index
    %get3A_839 = arith.constant 304 : index
    %get3A_840 = tpu.vector_load %arg11[%get3A_838, %get3A_839] {strides = array<i32>} : memref<1x1280xf32, #tpu.memory_space<vmem>>, vector<16xf32>,
    %get3A_841 = arith.constant 304 : index
    %get3A_842 = tpu.vector_load %arg10[%get3A_841] {strides = array<i32>} : memref<1280xf32, #tpu.memory_space<vmem>>, vector<16xf32>,
    %add3A_843 = arith.addf %get3A_840, %get3A_842 : vector<16xf32>
    %swap3A_844 = arith.constant 0 : i32
    %swap3A_845 = arith.index_cast %swap3A_844 : i32 to index
    %swap3A_846 = arith.constant 304 : index
    %swap3A_847 = tpu.vector_load %arg11[%swap3A_845, %swap3A_846] {strides = array<i32>} : memref<1x1280xf32, #tpu.memory_space<vmem>>, vector<16xf32>,
    tpu.vector_store %arg11[%swap3A_845, %swap3A_846], %add3A_843 {strides = array<i32>} : memref<1x1280xf32, #tpu.memory_space<vmem>>, vector<16xf32>,
    %get3A_848 = arith.constant 0 : i32
    %get3A_849 = arith.index_cast %get3A_848 : i32 to index
    %get3A_850 = arith.constant 320 : index
    %get3A_851 = tpu.vector_load %arg11[%get3A_849, %get3A_850] {strides = array<i32>} : memref<1x1280xf32, #tpu.memory_space<vmem>>, vector<16xf32>,
    %get3A_852 = arith.constant 320 : index
    %get3A_853 = tpu.vector_load %arg10[%get3A_852] {strides = array<i32>} : memref<1280xf32, #tpu.memory_space<vmem>>, vector<16xf32>,
    %add3A_854 = arith.addf %get3A_851, %get3A_853 : vector<16xf32>
    %swap3A_855 = arith.constant 0 : i32
    %swap3A_856 = arith.index_cast %swap3A_855 : i32 to index
    %swap3A_857 = arith.constant 320 : index
    %swap3A_858 = tpu.vector_load %arg11[%swap3A_856, %swap3A_857] {strides = array<i32>} : memref<1x1280xf32, #tpu.memory_space<vmem>>, vector<16xf32>,
    tpu.vector_store %arg11[%swap3A_856, %swap3A_857], %add3A_854 {strides = array<i32>} : memref<1x1280xf32, #tpu.memory_space<vmem>>, vector<16xf32>,
    %get3A_859 = arith.constant 0 : i32
    %get3A_860 = arith.index_cast %get3A_859 : i32 to index
    %get3A_861 = arith.constant 336 : index
    %get3A_862 = tpu.vector_load %arg11[%get3A_860, %get3A_861] {strides = array<i32>} : memref<1x1280xf32, #tpu.memory_space<vmem>>, vector<16xf32>,
    %get3A_863 = arith.constant 336 : index
    %get3A_864 = tpu.vector_load %arg10[%get3A_863] {strides = array<i32>} : memref<1280xf32, #tpu.memory_space<vmem>>, vector<16xf32>,
    %add3A_865 = arith.addf %get3A_862, %get3A_864 : vector<16xf32>
    %swap3A_866 = arith.constant 0 : i32
    %swap3A_867 = arith.index_cast %swap3A_866 : i32 to index
    %swap3A_868 = arith.constant 336 : index
    %swap3A_869 = tpu.vector_load %arg11[%swap3A_867, %swap3A_868] {strides = array<i32>} : memref<1x1280xf32, #tpu.memory_space<vmem>>, vector<16xf32>,
    tpu.vector_store %arg11[%swap3A_867, %swap3A_868], %add3A_865 {strides = array<i32>} : memref<1x1280xf32, #tpu.memory_space<vmem>>, vector<16xf32>,
    %get3A_870 = arith.constant 0 : i32
    %get3A_871 = arith.index_cast %get3A_870 : i32 to index
    %get3A_872 = arith.constant 352 : index
    %get3A_873 = tpu.vector_load %arg11[%get3A_871, %get3A_872] {strides = array<i32>} : memref<1x1280xf32, #tpu.memory_space<vmem>>, vector<16xf32>,
    %get3A_874 = arith.constant 352 : index
    %get3A_875 = tpu.vector_load %arg10[%get3A_874] {strides = array<i32>} : memref<1280xf32, #tpu.memory_space<vmem>>, vector<16xf32>,
    %add3A_876 = arith.addf %get3A_873, %get3A_875 : vector<16xf32>
    %swap3A_877 = arith.constant 0 : i32
    %swap3A_878 = arith.index_cast %swap3A_877 : i32 to index
    %swap3A_879 = arith.constant 352 : index
    %swap3A_880 = tpu.vector_load %arg11[%swap3A_878, %swap3A_879] {strides = array<i32>} : memref<1x1280xf32, #tpu.memory_space<vmem>>, vector<16xf32>,
    tpu.vector_store %arg11[%swap3A_878, %swap3A_879], %add3A_876 {strides = array<i32>} : memref<1x1280xf32, #tpu.memory_space<vmem>>, vector<16xf32>,
    %get3A_881 = arith.constant 0 : i32
    %get3A_882 = arith.index_cast %get3A_881 : i32 to index
    %get3A_883 = arith.constant 368 : index
    %get3A_884 = tpu.vector_load %arg11[%get3A_882, %get3A_883] {strides = array<i32>} : memref<1x1280xf32, #tpu.memory_space<vmem>>, vector<16xf32>,
    %get3A_885 = arith.constant 368 : index
    %get3A_886 = tpu.vector_load %arg10[%get3A_885] {strides = array<i32>} : memref<1280xf32, #tpu.memory_space<vmem>>, vector<16xf32>,
    %add3A_887 = arith.addf %get3A_884, %get3A_886 : vector<16xf32>
    %swap3A_888 = arith.constant 0 : i32
    %swap3A_889 = arith.index_cast %swap3A_888 : i32 to index
    %swap3A_890 = arith.constant 368 : index
    %swap3A_891 = tpu.vector_load %arg11[%swap3A_889, %swap3A_890] {strides = array<i32>} : memref<1x1280xf32, #tpu.memory_space<vmem>>, vector<16xf32>,
    tpu.vector_store %arg11[%swap3A_889, %swap3A_890], %add3A_887 {strides = array<i32>} : memref<1x1280xf32, #tpu.memory_space<vmem>>, vector<16xf32>,
    %get3A_892 = arith.constant 0 : i32
    %get3A_893 = arith.index_cast %get3A_892 : i32 to index
    %get3A_894 = arith.constant 384 : index
    %get3A_895 = tpu.vector_load %arg11[%get3A_893, %get3A_894] {strides = array<i32>} : memref<1x1280xf32, #tpu.memory_space<vmem>>, vector<16xf32>,
    %get3A_896 = arith.constant 384 : index
    %get3A_897 = tpu.vector_load %arg10[%get3A_896] {strides = array<i32>} : memref<1280xf32, #tpu.memory_space<vmem>>, vector<16xf32>,
    %add3A_898 = arith.addf %get3A_895, %get3A_897 : vector<16xf32>
    %swap3A_899 = arith.constant 0 : i32
    %swap3A_900 = arith.index_cast %swap3A_899 : i32 to index
    %swap3A_901 = arith.constant 384 : index
    %swap3A_902 = tpu.vector_load %arg11[%swap3A_900, %swap3A_901] {strides = array<i32>} : memref<1x1280xf32, #tpu.memory_space<vmem>>, vector<16xf32>,
    tpu.vector_store %arg11[%swap3A_900, %swap3A_901], %add3A_898 {strides = array<i32>} : memref<1x1280xf32, #tpu.memory_space<vmem>>, vector<16xf32>,
    %get3A_903 = arith.constant 0 : i32
    %get3A_904 = arith.index_cast %get3A_903 : i32 to index
    %get3A_905 = arith.constant 400 : index
    %get3A_906 = tpu.vector_load %arg11[%get3A_904, %get3A_905] {strides = array<i32>} : memref<1x1280xf32, #tpu.memory_space<vmem>>, vector<16xf32>,
    %get3A_907 = arith.constant 400 : index
    %get3A_908 = tpu.vector_load %arg10[%get3A_907] {strides = array<i32>} : memref<1280xf32, #tpu.memory_space<vmem>>, vector<16xf32>,
    %add3A_909 = arith.addf %get3A_906, %get3A_908 : vector<16xf32>
    %swap3A_910 = arith.constant 0 : i32
    %swap3A_911 = arith.index_cast %swap3A_910 : i32 to index
    %swap3A_912 = arith.constant 400 : index
    %swap3A_913 = tpu.vector_load %arg11[%swap3A_911, %swap3A_912] {strides = array<i32>} : memref<1x1280xf32, #tpu.memory_space<vmem>>, vector<16xf32>,
    tpu.vector_store %arg11[%swap3A_911, %swap3A_912], %add3A_909 {strides = array<i32>} : memref<1x1280xf32, #tpu.memory_space<vmem>>, vector<16xf32>,
    %get3A_914 = arith.constant 0 : i32
    %get3A_915 = arith.index_cast %get3A_914 : i32 to index
    %get3A_916 = arith.constant 416 : index
    %get3A_917 = tpu.vector_load %arg11[%get3A_915, %get3A_916] {strides = array<i32>} : memref<1x1280xf32, #tpu.memory_space<vmem>>, vector<16xf32>,
    %get3A_918 = arith.constant 416 : index
    %get3A_919 = tpu.vector_load %arg10[%get3A_918] {strides = array<i32>} : memref<1280xf32, #tpu.memory_space<vmem>>, vector<16xf32>,
    %add3A_920 = arith.addf %get3A_917, %get3A_919 : vector<16xf32>
    %swap3A_921 = arith.constant 0 : i32
    %swap3A_922 = arith.index_cast %swap3A_921 : i32 to index
    %swap3A_923 = arith.constant 416 : index
    %swap3A_924 = tpu.vector_load %arg11[%swap3A_922, %swap3A_923] {strides = array<i32>} : memref<1x1280xf32, #tpu.memory_space<vmem>>, vector<16xf32>,
    tpu.vector_store %arg11[%swap3A_922, %swap3A_923], %add3A_920 {strides = array<i32>} : memref<1x1280xf32, #tpu.memory_space<vmem>>, vector<16xf32>,
    %get3A_925 = arith.constant 0 : i32
    %get3A_926 = arith.index_cast %get3A_925 : i32 to index
    %get3A_927 = arith.constant 432 : index
    %get3A_928 = tpu.vector_load %arg11[%get3A_926, %get3A_927] {strides = array<i32>} : memref<1x1280xf32, #tpu.memory_space<vmem>>, vector<16xf32>,
    %get3A_929 = arith.constant 432 : index
    %get3A_930 = tpu.vector_load %arg10[%get3A_929] {strides = array<i32>} : memref<1280xf32, #tpu.memory_space<vmem>>, vector<16xf32>,
    %add3A_931 = arith.addf %get3A_928, %get3A_930 : vector<16xf32>
    %swap3A_932 = arith.constant 0 : i32
    %swap3A_933 = arith.index_cast %swap3A_932 : i32 to index
    %swap3A_934 = arith.constant 432 : index
    %swap3A_935 = tpu.vector_load %arg11[%swap3A_933, %swap3A_934] {strides = array<i32>} : memref<1x1280xf32, #tpu.memory_space<vmem>>, vector<16xf32>,
    tpu.vector_store %arg11[%swap3A_933, %swap3A_934], %add3A_931 {strides = array<i32>} : memref<1x1280xf32, #tpu.memory_space<vmem>>, vector<16xf32>,
    %get3A_936 = arith.constant 0 : i32
    %get3A_937 = arith.index_cast %get3A_936 : i32 to index
    %get3A_938 = arith.constant 448 : index
    %get3A_939 = tpu.vector_load %arg11[%get3A_937, %get3A_938] {strides = array<i32>} : memref<1x1280xf32, #tpu.memory_space<vmem>>, vector<16xf32>,
    %get3A_940 = arith.constant 448 : index
    %get3A_941 = tpu.vector_load %arg10[%get3A_940] {strides = array<i32>} : memref<1280xf32, #tpu.memory_space<vmem>>, vector<16xf32>,
    %add3A_942 = arith.addf %get3A_939, %get3A_941 : vector<16xf32>
    %swap3A_943 = arith.constant 0 : i32
    %swap3A_944 = arith.index_cast %swap3A_943 : i32 to index
    %swap3A_945 = arith.constant 448 : index
    %swap3A_946 = tpu.vector_load %arg11[%swap3A_944, %swap3A_945] {strides = array<i32>} : memref<1x1280xf32, #tpu.memory_space<vmem>>, vector<16xf32>,
    tpu.vector_store %arg11[%swap3A_944, %swap3A_945], %add3A_942 {strides = array<i32>} : memref<1x1280xf32, #tpu.memory_space<vmem>>, vector<16xf32>,
    %get3A_947 = arith.constant 0 : i32
    %get3A_948 = arith.index_cast %get3A_947 : i32 to index
    %get3A_949 = arith.constant 464 : index
    %get3A_950 = tpu.vector_load %arg11[%get3A_948, %get3A_949] {strides = array<i32>} : memref<1x1280xf32, #tpu.memory_space<vmem>>, vector<16xf32>,
    %get3A_951 = arith.constant 464 : index
    %get3A_952 = tpu.vector_load %arg10[%get3A_951] {strides = array<i32>} : memref<1280xf32, #tpu.memory_space<vmem>>, vector<16xf32>,
    %add3A_953 = arith.addf %get3A_950, %get3A_952 : vector<16xf32>
    %swap3A_954 = arith.constant 0 : i32
    %swap3A_955 = arith.index_cast %swap3A_954 : i32 to index
    %swap3A_956 = arith.constant 464 : index
    %swap3A_957 = tpu.vector_load %arg11[%swap3A_955, %swap3A_956] {strides = array<i32>} : memref<1x1280xf32, #tpu.memory_space<vmem>>, vector<16xf32>,
    tpu.vector_store %arg11[%swap3A_955, %swap3A_956], %add3A_953 {strides = array<i32>} : memref<1x1280xf32, #tpu.memory_space<vmem>>, vector<16xf32>,
    %get3A_958 = arith.constant 0 : i32
    %get3A_959 = arith.index_cast %get3A_958 : i32 to index
    %get3A_960 = arith.constant 480 : index
    %get3A_961 = tpu.vector_load %arg11[%get3A_959, %get3A_960] {strides = array<i32>} : memref<1x1280xf32, #tpu.memory_space<vmem>>, vector<16xf32>,
    %get3A_962 = arith.constant 480 : index
    %get3A_963 = tpu.vector_load %arg10[%get3A_962] {strides = array<i32>} : memref<1280xf32, #tpu.memory_space<vmem>>, vector<16xf32>,
    %add3A_964 = arith.addf %get3A_961, %get3A_963 : vector<16xf32>
    %swap3A_965 = arith.constant 0 : i32
    %swap3A_966 = arith.index_cast %swap3A_965 : i32 to index
    %swap3A_967 = arith.constant 480 : index
    %swap3A_968 = tpu.vector_load %arg11[%swap3A_966, %swap3A_967] {strides = array<i32>} : memref<1x1280xf32, #tpu.memory_space<vmem>>, vector<16xf32>,
    tpu.vector_store %arg11[%swap3A_966, %swap3A_967], %add3A_964 {strides = array<i32>} : memref<1x1280xf32, #tpu.memory_space<vmem>>, vector<16xf32>,
    %get3A_969 = arith.constant 0 : i32
    %get3A_970 = arith.index_cast %get3A_969 : i32 to index
    %get3A_971 = arith.constant 496 : index
    %get3A_972 = tpu.vector_load %arg11[%get3A_970, %get3A_971] {strides = array<i32>} : memref<1x1280xf32, #tpu.memory_space<vmem>>, vector<16xf32>,
    %get3A_973 = arith.constant 496 : index
    %get3A_974 = tpu.vector_load %arg10[%get3A_973] {strides = array<i32>} : memref<1280xf32, #tpu.memory_space<vmem>>, vector<16xf32>,
    %add3A_975 = arith.addf %get3A_972, %get3A_974 : vector<16xf32>
    %swap3A_976 = arith.constant 0 : i32
    %swap3A_977 = arith.index_cast %swap3A_976 : i32 to index
    %swap3A_978 = arith.constant 496 : index
    %swap3A_979 = tpu.vector_load %arg11[%swap3A_977, %swap3A_978] {strides = array<i32>} : memref<1x1280xf32, #tpu.memory_space<vmem>>, vector<16xf32>,
    tpu.vector_store %arg11[%swap3A_977, %swap3A_978], %add3A_975 {strides = array<i32>} : memref<1x1280xf32, #tpu.memory_space<vmem>>, vector<16xf32>,
    %get3A_980 = arith.constant 0 : i32
    %get3A_981 = arith.index_cast %get3A_980 : i32 to index
    %get3A_982 = arith.constant 512 : index
    %get3A_983 = tpu.vector_load %arg11[%get3A_981, %get3A_982] {strides = array<i32>} : memref<1x1280xf32, #tpu.memory_space<vmem>>, vector<16xf32>,
    %get3A_984 = arith.constant 512 : index
    %get3A_985 = tpu.vector_load %arg10[%get3A_984] {strides = array<i32>} : memref<1280xf32, #tpu.memory_space<vmem>>, vector<16xf32>,
    %add3A_986 = arith.addf %get3A_983, %get3A_985 : vector<16xf32>
    %swap3A_987 = arith.constant 0 : i32
    %swap3A_988 = arith.index_cast %swap3A_987 : i32 to index
    %swap3A_989 = arith.constant 512 : index
    %swap3A_990 = tpu.vector_load %arg11[%swap3A_988, %swap3A_989] {strides = array<i32>} : memref<1x1280xf32, #tpu.memory_space<vmem>>, vector<16xf32>,
    tpu.vector_store %arg11[%swap3A_988, %swap3A_989], %add3A_986 {strides = array<i32>} : memref<1x1280xf32, #tpu.memory_space<vmem>>, vector<16xf32>,
    %get3A_991 = arith.constant 0 : i32
    %get3A_992 = arith.index_cast %get3A_991 : i32 to index
    %get3A_993 = arith.constant 528 : index
    %get3A_994 = tpu.vector_load %arg11[%get3A_992, %get3A_993] {strides = array<i32>} : memref<1x1280xf32, #tpu.memory_space<vmem>>, vector<16xf32>,
    %get3A_995 = arith.constant 528 : index
    %get3A_996 = tpu.vector_load %arg10[%get3A_995] {strides = array<i32>} : memref<1280xf32, #tpu.memory_space<vmem>>, vector<16xf32>,
    %add3A_997 = arith.addf %get3A_994, %get3A_996 : vector<16xf32>
    %swap3A_998 = arith.constant 0 : i32
    %swap3A_999 = arith.index_cast %swap3A_998 : i32 to index
    %swap3A_1000 = arith.constant 528 : index
    %swap3A_1001 = tpu.vector_load %arg11[%swap3A_999, %swap3A_1000] {strides = array<i32>} : memref<1x1280xf32, #tpu.memory_space<vmem>>, vector<16xf32>,
    tpu.vector_store %arg11[%swap3A_999, %swap3A_1000], %add3A_997 {strides = array<i32>} : memref<1x1280xf32, #tpu.memory_space<vmem>>, vector<16xf32>,
    %get3A_1002 = arith.constant 0 : i32
    %get3A_1003 = arith.index_cast %get3A_1002 : i32 to index
    %get3A_1004 = arith.constant 544 : index
    %get3A_1005 = tpu.vector_load %arg11[%get3A_1003, %get3A_1004] {strides = array<i32>} : memref<1x1280xf32, #tpu.memory_space<vmem>>, vector<16xf32>,
    %get3A_1006 = arith.constant 544 : index
    %get3A_1007 = tpu.vector_load %arg10[%get3A_1006] {strides = array<i32>} : memref<1280xf32, #tpu.memory_space<vmem>>, vector<16xf32>,
    %add3A_1008 = arith.addf %get3A_1005, %get3A_1007 : vector<16xf32>
    %swap3A_1009 = arith.constant 0 : i32
    %swap3A_1010 = arith.index_cast %swap3A_1009 : i32 to index
    %swap3A_1011 = arith.constant 544 : index
    %swap3A_1012 = tpu.vector_load %arg11[%swap3A_1010, %swap3A_1011] {strides = array<i32>} : memref<1x1280xf32, #tpu.memory_space<vmem>>, vector<16xf32>,
    tpu.vector_store %arg11[%swap3A_1010, %swap3A_1011], %add3A_1008 {strides = array<i32>} : memref<1x1280xf32, #tpu.memory_space<vmem>>, vector<16xf32>,
    %get3A_1013 = arith.constant 0 : i32
    %get3A_1014 = arith.index_cast %get3A_1013 : i32 to index
    %get3A_1015 = arith.constant 560 : index
    %get3A_1016 = tpu.vector_load %arg11[%get3A_1014, %get3A_1015] {strides = array<i32>} : memref<1x1280xf32, #tpu.memory_space<vmem>>, vector<16xf32>,
    %get3A_1017 = arith.constant 560 : index
    %get3A_1018 = tpu.vector_load %arg10[%get3A_1017] {strides = array<i32>} : memref<1280xf32, #tpu.memory_space<vmem>>, vector<16xf32>,
    %add3A_1019 = arith.addf %get3A_1016, %get3A_1018 : vector<16xf32>
    %swap3A_1020 = arith.constant 0 : i32
    %swap3A_1021 = arith.index_cast %swap3A_1020 : i32 to index
    %swap3A_1022 = arith.constant 560 : index
    %swap3A_1023 = tpu.vector_load %arg11[%swap3A_1021, %swap3A_1022] {strides = array<i32>} : memref<1x1280xf32, #tpu.memory_space<vmem>>, vector<16xf32>,
    tpu.vector_store %arg11[%swap3A_1021, %swap3A_1022], %add3A_1019 {strides = array<i32>} : memref<1x1280xf32, #tpu.memory_space<vmem>>, vector<16xf32>,
    %get3A_1024 = arith.constant 0 : i32
    %get3A_1025 = arith.index_cast %get3A_1024 : i32 to index
    %get3A_1026 = arith.constant 576 : index
    %get3A_1027 = tpu.vector_load %arg11[%get3A_1025, %get3A_1026] {strides = array<i32>} : memref<1x1280xf32, #tpu.memory_space<vmem>>, vector<16xf32>,
    %get3A_1028 = arith.constant 576 : index
    %get3A_1029 = tpu.vector_load %arg10[%get3A_1028] {strides = array<i32>} : memref<1280xf32, #tpu.memory_space<vmem>>, vector<16xf32>,
    %add3A_1030 = arith.addf %get3A_1027, %get3A_1029 : vector<16xf32>
    %swap3A_1031 = arith.constant 0 : i32
    %swap3A_1032 = arith.index_cast %swap3A_1031 : i32 to index
    %swap3A_1033 = arith.constant 576 : index
    %swap3A_1034 = tpu.vector_load %arg11[%swap3A_1032, %swap3A_1033] {strides = array<i32>} : memref<1x1280xf32, #tpu.memory_space<vmem>>, vector<16xf32>,
    tpu.vector_store %arg11[%swap3A_1032, %swap3A_1033], %add3A_1030 {strides = array<i32>} : memref<1x1280xf32, #tpu.memory_space<vmem>>, vector<16xf32>,
    %get3A_1035 = arith.constant 0 : i32
    %get3A_1036 = arith.index_cast %get3A_1035 : i32 to index
    %get3A_1037 = arith.constant 592 : index
    %get3A_1038 = tpu.vector_load %arg11[%get3A_1036, %get3A_1037] {strides = array<i32>} : memref<1x1280xf32, #tpu.memory_space<vmem>>, vector<16xf32>,
    %get3A_1039 = arith.constant 592 : index
    %get3A_1040 = tpu.vector_load %arg10[%get3A_1039] {strides = array<i32>} : memref<1280xf32, #tpu.memory_space<vmem>>, vector<16xf32>,
    %add3A_1041 = arith.addf %get3A_1038, %get3A_1040 : vector<16xf32>
    %swap3A_1042 = arith.constant 0 : i32
    %swap3A_1043 = arith.index_cast %swap3A_1042 : i32 to index
    %swap3A_1044 = arith.constant 592 : index
    %swap3A_1045 = tpu.vector_load %arg11[%swap3A_1043, %swap3A_1044] {strides = array<i32>} : memref<1x1280xf32, #tpu.memory_space<vmem>>, vector<16xf32>,
    tpu.vector_store %arg11[%swap3A_1043, %swap3A_1044], %add3A_1041 {strides = array<i32>} : memref<1x1280xf32, #tpu.memory_space<vmem>>, vector<16xf32>,
    %get3A_1046 = arith.constant 0 : i32
    %get3A_1047 = arith.index_cast %get3A_1046 : i32 to index
    %get3A_1048 = arith.constant 608 : index
    %get3A_1049 = tpu.vector_load %arg11[%get3A_1047, %get3A_1048] {strides = array<i32>} : memref<1x1280xf32, #tpu.memory_space<vmem>>, vector<16xf32>,
    %get3A_1050 = arith.constant 608 : index
    %get3A_1051 = tpu.vector_load %arg10[%get3A_1050] {strides = array<i32>} : memref<1280xf32, #tpu.memory_space<vmem>>, vector<16xf32>,
    %add3A_1052 = arith.addf %get3A_1049, %get3A_1051 : vector<16xf32>
    %swap3A_1053 = arith.constant 0 : i32
    %swap3A_1054 = arith.index_cast %swap3A_1053 : i32 to index
    %swap3A_1055 = arith.constant 608 : index
    %swap3A_1056 = tpu.vector_load %arg11[%swap3A_1054, %swap3A_1055] {strides = array<i32>} : memref<1x1280xf32, #tpu.memory_space<vmem>>, vector<16xf32>,
    tpu.vector_store %arg11[%swap3A_1054, %swap3A_1055], %add3A_1052 {strides = array<i32>} : memref<1x1280xf32, #tpu.memory_space<vmem>>, vector<16xf32>,
    %get3A_1057 = arith.constant 0 : i32
    %get3A_1058 = arith.index_cast %get3A_1057 : i32 to index
    %get3A_1059 = arith.constant 624 : index
    %get3A_1060 = tpu.vector_load %arg11[%get3A_1058, %get3A_1059] {strides = array<i32>} : memref<1x1280xf32, #tpu.memory_space<vmem>>, vector<16xf32>,
    %get3A_1061 = arith.constant 624 : index
    %get3A_1062 = tpu.vector_load %arg10[%get3A_1061] {strides = array<i32>} : memref<1280xf32, #tpu.memory_space<vmem>>, vector<16xf32>,
    %add3A_1063 = arith.addf %get3A_1060, %get3A_1062 : vector<16xf32>
    %swap3A_1064 = arith.constant 0 : i32
    %swap3A_1065 = arith.index_cast %swap3A_1064 : i32 to index
    %swap3A_1066 = arith.constant 624 : index
    %swap3A_1067 = tpu.vector_load %arg11[%swap3A_1065, %swap3A_1066] {strides = array<i32>} : memref<1x1280xf32, #tpu.memory_space<vmem>>, vector<16xf32>,
    tpu.vector_store %arg11[%swap3A_1065, %swap3A_1066], %add3A_1063 {strides = array<i32>} : memref<1x1280xf32, #tpu.memory_space<vmem>>, vector<16xf32>,
    %get3A_1068 = arith.constant 0 : i32
    %get3A_1069 = arith.index_cast %get3A_1068 : i32 to index
    %get3A_1070 = arith.constant 640 : index
    %get3A_1071 = tpu.vector_load %arg11[%get3A_1069, %get3A_1070] {strides = array<i32>} : memref<1x1280xf32, #tpu.memory_space<vmem>>, vector<16xf32>,
    %get3A_1072 = arith.constant 640 : index
    %get3A_1073 = tpu.vector_load %arg10[%get3A_1072] {strides = array<i32>} : memref<1280xf32, #tpu.memory_space<vmem>>, vector<16xf32>,
    %add3A_1074 = arith.addf %get3A_1071, %get3A_1073 : vector<16xf32>
    %swap3A_1075 = arith.constant 0 : i32
    %swap3A_1076 = arith.index_cast %swap3A_1075 : i32 to index
    %swap3A_1077 = arith.constant 640 : index
    %swap3A_1078 = tpu.vector_load %arg11[%swap3A_1076, %swap3A_1077] {strides = array<i32>} : memref<1x1280xf32, #tpu.memory_space<vmem>>, vector<16xf32>,
    tpu.vector_store %arg11[%swap3A_1076, %swap3A_1077], %add3A_1074 {strides = array<i32>} : memref<1x1280xf32, #tpu.memory_space<vmem>>, vector<16xf32>,
    %get3A_1079 = arith.constant 0 : i32
    %get3A_1080 = arith.index_cast %get3A_1079 : i32 to index
    %get3A_1081 = arith.constant 656 : index
    %get3A_1082 = tpu.vector_load %arg11[%get3A_1080, %get3A_1081] {strides = array<i32>} : memref<1x1280xf32, #tpu.memory_space<vmem>>, vector<16xf32>,
    %get3A_1083 = arith.constant 656 : index
    %get3A_1084 = tpu.vector_load %arg10[%get3A_1083] {strides = array<i32>} : memref<1280xf32, #tpu.memory_space<vmem>>, vector<16xf32>,
    %add3A_1085 = arith.addf %get3A_1082, %get3A_1084 : vector<16xf32>
    %swap3A_1086 = arith.constant 0 : i32
    %swap3A_1087 = arith.index_cast %swap3A_1086 : i32 to index
    %swap3A_1088 = arith.constant 656 : index
    %swap3A_1089 = tpu.vector_load %arg11[%swap3A_1087, %swap3A_1088] {strides = array<i32>} : memref<1x1280xf32, #tpu.memory_space<vmem>>, vector<16xf32>,
    tpu.vector_store %arg11[%swap3A_1087, %swap3A_1088], %add3A_1085 {strides = array<i32>} : memref<1x1280xf32, #tpu.memory_space<vmem>>, vector<16xf32>,
    %get3A_1090 = arith.constant 0 : i32
    %get3A_1091 = arith.index_cast %get3A_1090 : i32 to index
    %get3A_1092 = arith.constant 672 : index
    %get3A_1093 = tpu.vector_load %arg11[%get3A_1091, %get3A_1092] {strides = array<i32>} : memref<1x1280xf32, #tpu.memory_space<vmem>>, vector<16xf32>,
    %get3A_1094 = arith.constant 672 : index
    %get3A_1095 = tpu.vector_load %arg10[%get3A_1094] {strides = array<i32>} : memref<1280xf32, #tpu.memory_space<vmem>>, vector<16xf32>,
    %add3A_1096 = arith.addf %get3A_1093, %get3A_1095 : vector<16xf32>
    %swap3A_1097 = arith.constant 0 : i32
    %swap3A_1098 = arith.index_cast %swap3A_1097 : i32 to index
    %swap3A_1099 = arith.constant 672 : index
    %swap3A_1100 = tpu.vector_load %arg11[%swap3A_1098, %swap3A_1099] {strides = array<i32>} : memref<1x1280xf32, #tpu.memory_space<vmem>>, vector<16xf32>,
    tpu.vector_store %arg11[%swap3A_1098, %swap3A_1099], %add3A_1096 {strides = array<i32>} : memref<1x1280xf32, #tpu.memory_space<vmem>>, vector<16xf32>,
    %get3A_1101 = arith.constant 0 : i32
    %get3A_1102 = arith.index_cast %get3A_1101 : i32 to index
    %get3A_1103 = arith.constant 688 : index
    %get3A_1104 = tpu.vector_load %arg11[%get3A_1102, %get3A_1103] {strides = array<i32>} : memref<1x1280xf32, #tpu.memory_space<vmem>>, vector<16xf32>,
    %get3A_1105 = arith.constant 688 : index
    %get3A_1106 = tpu.vector_load %arg10[%get3A_1105] {strides = array<i32>} : memref<1280xf32, #tpu.memory_space<vmem>>, vector<16xf32>,
    %add3A_1107 = arith.addf %get3A_1104, %get3A_1106 : vector<16xf32>
    %swap3A_1108 = arith.constant 0 : i32
    %swap3A_1109 = arith.index_cast %swap3A_1108 : i32 to index
    %swap3A_1110 = arith.constant 688 : index
    %swap3A_1111 = tpu.vector_load %arg11[%swap3A_1109, %swap3A_1110] {strides = array<i32>} : memref<1x1280xf32, #tpu.memory_space<vmem>>, vector<16xf32>,
    tpu.vector_store %arg11[%swap3A_1109, %swap3A_1110], %add3A_1107 {strides = array<i32>} : memref<1x1280xf32, #tpu.memory_space<vmem>>, vector<16xf32>,
    %get3A_1112 = arith.constant 0 : i32
    %get3A_1113 = arith.index_cast %get3A_1112 : i32 to index
    %get3A_1114 = arith.constant 704 : index
    %get3A_1115 = tpu.vector_load %arg11[%get3A_1113, %get3A_1114] {strides = array<i32>} : memref<1x1280xf32, #tpu.memory_space<vmem>>, vector<16xf32>,
    %get3A_1116 = arith.constant 704 : index
    %get3A_1117 = tpu.vector_load %arg10[%get3A_1116] {strides = array<i32>} : memref<1280xf32, #tpu.memory_space<vmem>>, vector<16xf32>,
    %add3A_1118 = arith.addf %get3A_1115, %get3A_1117 : vector<16xf32>
    %swap3A_1119 = arith.constant 0 : i32
    %swap3A_1120 = arith.index_cast %swap3A_1119 : i32 to index
    %swap3A_1121 = arith.constant 704 : index
    %swap3A_1122 = tpu.vector_load %arg11[%swap3A_1120, %swap3A_1121] {strides = array<i32>} : memref<1x1280xf32, #tpu.memory_space<vmem>>, vector<16xf32>,
    tpu.vector_store %arg11[%swap3A_1120, %swap3A_1121], %add3A_1118 {strides = array<i32>} : memref<1x1280xf32, #tpu.memory_space<vmem>>, vector<16xf32>,
    %get3A_1123 = arith.constant 0 : i32
    %get3A_1124 = arith.index_cast %get3A_1123 : i32 to index
    %get3A_1125 = arith.constant 720 : index
    %get3A_1126 = tpu.vector_load %arg11[%get3A_1124, %get3A_1125] {strides = array<i32>} : memref<1x1280xf32, #tpu.memory_space<vmem>>, vector<16xf32>,
    %get3A_1127 = arith.constant 720 : index
    %get3A_1128 = tpu.vector_load %arg10[%get3A_1127] {strides = array<i32>} : memref<1280xf32, #tpu.memory_space<vmem>>, vector<16xf32>,
    %add3A_1129 = arith.addf %get3A_1126, %get3A_1128 : vector<16xf32>
    %swap3A_1130 = arith.constant 0 : i32
    %swap3A_1131 = arith.index_cast %swap3A_1130 : i32 to index
    %swap3A_1132 = arith.constant 720 : index
    %swap3A_1133 = tpu.vector_load %arg11[%swap3A_1131, %swap3A_1132] {strides = array<i32>} : memref<1x1280xf32, #tpu.memory_space<vmem>>, vector<16xf32>,
    tpu.vector_store %arg11[%swap3A_1131, %swap3A_1132], %add3A_1129 {strides = array<i32>} : memref<1x1280xf32, #tpu.memory_space<vmem>>, vector<16xf32>,
    %get3A_1134 = arith.constant 0 : i32
    %get3A_1135 = arith.index_cast %get3A_1134 : i32 to index
    %get3A_1136 = arith.constant 736 : index
    %get3A_1137 = tpu.vector_load %arg11[%get3A_1135, %get3A_1136] {strides = array<i32>} : memref<1x1280xf32, #tpu.memory_space<vmem>>, vector<16xf32>,
    %get3A_1138 = arith.constant 736 : index
    %get3A_1139 = tpu.vector_load %arg10[%get3A_1138] {strides = array<i32>} : memref<1280xf32, #tpu.memory_space<vmem>>, vector<16xf32>,
    %add3A_1140 = arith.addf %get3A_1137, %get3A_1139 : vector<16xf32>
    %swap3A_1141 = arith.constant 0 : i32
    %swap3A_1142 = arith.index_cast %swap3A_1141 : i32 to index
    %swap3A_1143 = arith.constant 736 : index
    %swap3A_1144 = tpu.vector_load %arg11[%swap3A_1142, %swap3A_1143] {strides = array<i32>} : memref<1x1280xf32, #tpu.memory_space<vmem>>, vector<16xf32>,
    tpu.vector_store %arg11[%swap3A_1142, %swap3A_1143], %add3A_1140 {strides = array<i32>} : memref<1x1280xf32, #tpu.memory_space<vmem>>, vector<16xf32>,
    %get3A_1145 = arith.constant 0 : i32
    %get3A_1146 = arith.index_cast %get3A_1145 : i32 to index
    %get3A_1147 = arith.constant 752 : index
    %get3A_1148 = tpu.vector_load %arg11[%get3A_1146, %get3A_1147] {strides = array<i32>} : memref<1x1280xf32, #tpu.memory_space<vmem>>, vector<16xf32>,
    %get3A_1149 = arith.constant 752 : index
    %get3A_1150 = tpu.vector_load %arg10[%get3A_1149] {strides = array<i32>} : memref<1280xf32, #tpu.memory_space<vmem>>, vector<16xf32>,
    %add3A_1151 = arith.addf %get3A_1148, %get3A_1150 : vector<16xf32>
    %swap3A_1152 = arith.constant 0 : i32
    %swap3A_1153 = arith.index_cast %swap3A_1152 : i32 to index
    %swap3A_1154 = arith.constant 752 : index
    %swap3A_1155 = tpu.vector_load %arg11[%swap3A_1153, %swap3A_1154] {strides = array<i32>} : memref<1x1280xf32, #tpu.memory_space<vmem>>, vector<16xf32>,
    tpu.vector_store %arg11[%swap3A_1153, %swap3A_1154], %add3A_1151 {strides = array<i32>} : memref<1x1280xf32, #tpu.memory_space<vmem>>, vector<16xf32>,
    %get3A_1156 = arith.constant 0 : i32
    %get3A_1157 = arith.index_cast %get3A_1156 : i32 to index
    %get3A_1158 = arith.constant 768 : index
    %get3A_1159 = tpu.vector_load %arg11[%get3A_1157, %get3A_1158] {strides = array<i32>} : memref<1x1280xf32, #tpu.memory_space<vmem>>, vector<16xf32>,
    %get3A_1160 = arith.constant 768 : index
    %get3A_1161 = tpu.vector_load %arg10[%get3A_1160] {strides = array<i32>} : memref<1280xf32, #tpu.memory_space<vmem>>, vector<16xf32>,
    %add3A_1162 = arith.addf %get3A_1159, %get3A_1161 : vector<16xf32>
    %swap3A_1163 = arith.constant 0 : i32
    %swap3A_1164 = arith.index_cast %swap3A_1163 : i32 to index
    %swap3A_1165 = arith.constant 768 : index
    %swap3A_1166 = tpu.vector_load %arg11[%swap3A_1164, %swap3A_1165] {strides = array<i32>} : memref<1x1280xf32, #tpu.memory_space<vmem>>, vector<16xf32>,
    tpu.vector_store %arg11[%swap3A_1164, %swap3A_1165], %add3A_1162 {strides = array<i32>} : memref<1x1280xf32, #tpu.memory_space<vmem>>, vector<16xf32>,
    %get3A_1167 = arith.constant 0 : i32
    %get3A_1168 = arith.index_cast %get3A_1167 : i32 to index
    %get3A_1169 = arith.constant 784 : index
    %get3A_1170 = tpu.vector_load %arg11[%get3A_1168, %get3A_1169] {strides = array<i32>} : memref<1x1280xf32, #tpu.memory_space<vmem>>, vector<16xf32>,
    %get3A_1171 = arith.constant 784 : index
    %get3A_1172 = tpu.vector_load %arg10[%get3A_1171] {strides = array<i32>} : memref<1280xf32, #tpu.memory_space<vmem>>, vector<16xf32>,
    %add3A_1173 = arith.addf %get3A_1170, %get3A_1172 : vector<16xf32>
    %swap3A_1174 = arith.constant 0 : i32
    %swap3A_1175 = arith.index_cast %swap3A_1174 : i32 to index
    %swap3A_1176 = arith.constant 784 : index
    %swap3A_1177 = tpu.vector_load %arg11[%swap3A_1175, %swap3A_1176] {strides = array<i32>} : memref<1x1280xf32, #tpu.memory_space<vmem>>, vector<16xf32>,
    tpu.vector_store %arg11[%swap3A_1175, %swap3A_1176], %add3A_1173 {strides = array<i32>} : memref<1x1280xf32, #tpu.memory_space<vmem>>, vector<16xf32>,
    %get3A_1178 = arith.constant 0 : i32
    %get3A_1179 = arith.index_cast %get3A_1178 : i32 to index
    %get3A_1180 = arith.constant 800 : index
    %get3A_1181 = tpu.vector_load %arg11[%get3A_1179, %get3A_1180] {strides = array<i32>} : memref<1x1280xf32, #tpu.memory_space<vmem>>, vector<16xf32>,
    %get3A_1182 = arith.constant 800 : index
    %get3A_1183 = tpu.vector_load %arg10[%get3A_1182] {strides = array<i32>} : memref<1280xf32, #tpu.memory_space<vmem>>, vector<16xf32>,
    %add3A_1184 = arith.addf %get3A_1181, %get3A_1183 : vector<16xf32>
    %swap3A_1185 = arith.constant 0 : i32
    %swap3A_1186 = arith.index_cast %swap3A_1185 : i32 to index
    %swap3A_1187 = arith.constant 800 : index
    %swap3A_1188 = tpu.vector_load %arg11[%swap3A_1186, %swap3A_1187] {strides = array<i32>} : memref<1x1280xf32, #tpu.memory_space<vmem>>, vector<16xf32>,
    tpu.vector_store %arg11[%swap3A_1186, %swap3A_1187], %add3A_1184 {strides = array<i32>} : memref<1x1280xf32, #tpu.memory_space<vmem>>, vector<16xf32>,
    %get3A_1189 = arith.constant 0 : i32
    %get3A_1190 = arith.index_cast %get3A_1189 : i32 to index
    %get3A_1191 = arith.constant 816 : index
    %get3A_1192 = tpu.vector_load %arg11[%get3A_1190, %get3A_1191] {strides = array<i32>} : memref<1x1280xf32, #tpu.memory_space<vmem>>, vector<16xf32>,
    %get3A_1193 = arith.constant 816 : index
    %get3A_1194 = tpu.vector_load %arg10[%get3A_1193] {strides = array<i32>} : memref<1280xf32, #tpu.memory_space<vmem>>, vector<16xf32>,
    %add3A_1195 = arith.addf %get3A_1192, %get3A_1194 : vector<16xf32>
    %swap3A_1196 = arith.constant 0 : i32
    %swap3A_1197 = arith.index_cast %swap3A_1196 : i32 to index
    %swap3A_1198 = arith.constant 816 : index
    %swap3A_1199 = tpu.vector_load %arg11[%swap3A_1197, %swap3A_1198] {strides = array<i32>} : memref<1x1280xf32, #tpu.memory_space<vmem>>, vector<16xf32>,
    tpu.vector_store %arg11[%swap3A_1197, %swap3A_1198], %add3A_1195 {strides = array<i32>} : memref<1x1280xf32, #tpu.memory_space<vmem>>, vector<16xf32>,
    %get3A_1200 = arith.constant 0 : i32
    %get3A_1201 = arith.index_cast %get3A_1200 : i32 to index
    %get3A_1202 = arith.constant 832 : index
    %get3A_1203 = tpu.vector_load %arg11[%get3A_1201, %get3A_1202] {strides = array<i32>} : memref<1x1280xf32, #tpu.memory_space<vmem>>, vector<16xf32>,
    %get3A_1204 = arith.constant 832 : index
    %get3A_1205 = tpu.vector_load %arg10[%get3A_1204] {strides = array<i32>} : memref<1280xf32, #tpu.memory_space<vmem>>, vector<16xf32>,
    %add3A_1206 = arith.addf %get3A_1203, %get3A_1205 : vector<16xf32>
    %swap3A_1207 = arith.constant 0 : i32
    %swap3A_1208 = arith.index_cast %swap3A_1207 : i32 to index
    %swap3A_1209 = arith.constant 832 : index
    %swap3A_1210 = tpu.vector_load %arg11[%swap3A_1208, %swap3A_1209] {strides = array<i32>} : memref<1x1280xf32, #tpu.memory_space<vmem>>, vector<16xf32>,
    tpu.vector_store %arg11[%swap3A_1208, %swap3A_1209], %add3A_1206 {strides = array<i32>} : memref<1x1280xf32, #tpu.memory_space<vmem>>, vector<16xf32>,
    %get3A_1211 = arith.constant 0 : i32
    %get3A_1212 = arith.index_cast %get3A_1211 : i32 to index
    %get3A_1213 = arith.constant 848 : index
    %get3A_1214 = tpu.vector_load %arg11[%get3A_1212, %get3A_1213] {strides = array<i32>} : memref<1x1280xf32, #tpu.memory_space<vmem>>, vector<16xf32>,
    %get3A_1215 = arith.constant 848 : index
    %get3A_1216 = tpu.vector_load %arg10[%get3A_1215] {strides = array<i32>} : memref<1280xf32, #tpu.memory_space<vmem>>, vector<16xf32>,
    %add3A_1217 = arith.addf %get3A_1214, %get3A_1216 : vector<16xf32>
    %swap3A_1218 = arith.constant 0 : i32
    %swap3A_1219 = arith.index_cast %swap3A_1218 : i32 to index
    %swap3A_1220 = arith.constant 848 : index
    %swap3A_1221 = tpu.vector_load %arg11[%swap3A_1219, %swap3A_1220] {strides = array<i32>} : memref<1x1280xf32, #tpu.memory_space<vmem>>, vector<16xf32>,
    tpu.vector_store %arg11[%swap3A_1219, %swap3A_1220], %add3A_1217 {strides = array<i32>} : memref<1x1280xf32, #tpu.memory_space<vmem>>, vector<16xf32>,
    %get3A_1222 = arith.constant 0 : i32
    %get3A_1223 = arith.index_cast %get3A_1222 : i32 to index
    %get3A_1224 = arith.constant 864 : index
    %get3A_1225 = tpu.vector_load %arg11[%get3A_1223, %get3A_1224] {strides = array<i32>} : memref<1x1280xf32, #tpu.memory_space<vmem>>, vector<16xf32>,
    %get3A_1226 = arith.constant 864 : index
    %get3A_1227 = tpu.vector_load %arg10[%get3A_1226] {strides = array<i32>} : memref<1280xf32, #tpu.memory_space<vmem>>, vector<16xf32>,
    %add3A_1228 = arith.addf %get3A_1225, %get3A_1227 : vector<16xf32>
    %swap3A_1229 = arith.constant 0 : i32
    %swap3A_1230 = arith.index_cast %swap3A_1229 : i32 to index
    %swap3A_1231 = arith.constant 864 : index
    %swap3A_1232 = tpu.vector_load %arg11[%swap3A_1230, %swap3A_1231] {strides = array<i32>} : memref<1x1280xf32, #tpu.memory_space<vmem>>, vector<16xf32>,
    tpu.vector_store %arg11[%swap3A_1230, %swap3A_1231], %add3A_1228 {strides = array<i32>} : memref<1x1280xf32, #tpu.memory_space<vmem>>, vector<16xf32>,
    %get3A_1233 = arith.constant 0 : i32
    %get3A_1234 = arith.index_cast %get3A_1233 : i32 to index
    %get3A_1235 = arith.constant 880 : index
    %get3A_1236 = tpu.vector_load %arg11[%get3A_1234, %get3A_1235] {strides = array<i32>} : memref<1x1280xf32, #tpu.memory_space<vmem>>, vector<16xf32>,
    %get3A_1237 = arith.constant 880 : index
    %get3A_1238 = tpu.vector_load %arg10[%get3A_1237] {strides = array<i32>} : memref<1280xf32, #tpu.memory_space<vmem>>, vector<16xf32>,
    %add3A_1239 = arith.addf %get3A_1236, %get3A_1238 : vector<16xf32>
    %swap3A_1240 = arith.constant 0 : i32
    %swap3A_1241 = arith.index_cast %swap3A_1240 : i32 to index
    %swap3A_1242 = arith.constant 880 : index
    %swap3A_1243 = tpu.vector_load %arg11[%swap3A_1241, %swap3A_1242] {strides = array<i32>} : memref<1x1280xf32, #tpu.memory_space<vmem>>, vector<16xf32>,
    tpu.vector_store %arg11[%swap3A_1241, %swap3A_1242], %add3A_1239 {strides = array<i32>} : memref<1x1280xf32, #tpu.memory_space<vmem>>, vector<16xf32>,
    %get3A_1244 = arith.constant 0 : i32
    %get3A_1245 = arith.index_cast %get3A_1244 : i32 to index
    %get3A_1246 = arith.constant 896 : index
    %get3A_1247 = tpu.vector_load %arg11[%get3A_1245, %get3A_1246] {strides = array<i32>} : memref<1x1280xf32, #tpu.memory_space<vmem>>, vector<16xf32>,
    %get3A_1248 = arith.constant 896 : index
    %get3A_1249 = tpu.vector_load %arg10[%get3A_1248] {strides = array<i32>} : memref<1280xf32, #tpu.memory_space<vmem>>, vector<16xf32>,
    %add3A_1250 = arith.addf %get3A_1247, %get3A_1249 : vector<16xf32>
    %swap3A_1251 = arith.constant 0 : i32
    %swap3A_1252 = arith.index_cast %swap3A_1251 : i32 to index
    %swap3A_1253 = arith.constant 896 : index
    %swap3A_1254 = tpu.vector_load %arg11[%swap3A_1252, %swap3A_1253] {strides = array<i32>} : memref<1x1280xf32, #tpu.memory_space<vmem>>, vector<16xf32>,
    tpu.vector_store %arg11[%swap3A_1252, %swap3A_1253], %add3A_1250 {strides = array<i32>} : memref<1x1280xf32, #tpu.memory_space<vmem>>, vector<16xf32>,
    %get3A_1255 = arith.constant 0 : i32
    %get3A_1256 = arith.index_cast %get3A_1255 : i32 to index
    %get3A_1257 = arith.constant 912 : index
    %get3A_1258 = tpu.vector_load %arg11[%get3A_1256, %get3A_1257] {strides = array<i32>} : memref<1x1280xf32, #tpu.memory_space<vmem>>, vector<16xf32>,
    %get3A_1259 = arith.constant 912 : index
    %get3A_1260 = tpu.vector_load %arg10[%get3A_1259] {strides = array<i32>} : memref<1280xf32, #tpu.memory_space<vmem>>, vector<16xf32>,
    %add3A_1261 = arith.addf %get3A_1258, %get3A_1260 : vector<16xf32>
    %swap3A_1262 = arith.constant 0 : i32
    %swap3A_1263 = arith.index_cast %swap3A_1262 : i32 to index
    %swap3A_1264 = arith.constant 912 : index
    %swap3A_1265 = tpu.vector_load %arg11[%swap3A_1263, %swap3A_1264] {strides = array<i32>} : memref<1x1280xf32, #tpu.memory_space<vmem>>, vector<16xf32>,
    tpu.vector_store %arg11[%swap3A_1263, %swap3A_1264], %add3A_1261 {strides = array<i32>} : memref<1x1280xf32, #tpu.memory_space<vmem>>, vector<16xf32>,
    %get3A_1266 = arith.constant 0 : i32
    %get3A_1267 = arith.index_cast %get3A_1266 : i32 to index
    %get3A_1268 = arith.constant 928 : index
    %get3A_1269 = tpu.vector_load %arg11[%get3A_1267, %get3A_1268] {strides = array<i32>} : memref<1x1280xf32, #tpu.memory_space<vmem>>, vector<16xf32>,
    %get3A_1270 = arith.constant 928 : index
    %get3A_1271 = tpu.vector_load %arg10[%get3A_1270] {strides = array<i32>} : memref<1280xf32, #tpu.memory_space<vmem>>, vector<16xf32>,
    %add3A_1272 = arith.addf %get3A_1269, %get3A_1271 : vector<16xf32>
    %swap3A_1273 = arith.constant 0 : i32
    %swap3A_1274 = arith.index_cast %swap3A_1273 : i32 to index
    %swap3A_1275 = arith.constant 928 : index
    %swap3A_1276 = tpu.vector_load %arg11[%swap3A_1274, %swap3A_1275] {strides = array<i32>} : memref<1x1280xf32, #tpu.memory_space<vmem>>, vector<16xf32>,
    tpu.vector_store %arg11[%swap3A_1274, %swap3A_1275], %add3A_1272 {strides = array<i32>} : memref<1x1280xf32, #tpu.memory_space<vmem>>, vector<16xf32>,
    %get3A_1277 = arith.constant 0 : i32
    %get3A_1278 = arith.index_cast %get3A_1277 : i32 to index
    %get3A_1279 = arith.constant 944 : index
    %get3A_1280 = tpu.vector_load %arg11[%get3A_1278, %get3A_1279] {strides = array<i32>} : memref<1x1280xf32, #tpu.memory_space<vmem>>, vector<16xf32>,
    %get3A_1281 = arith.constant 944 : index
    %get3A_1282 = tpu.vector_load %arg10[%get3A_1281] {strides = array<i32>} : memref<1280xf32, #tpu.memory_space<vmem>>, vector<16xf32>,
    %add3A_1283 = arith.addf %get3A_1280, %get3A_1282 : vector<16xf32>
    %swap3A_1284 = arith.constant 0 : i32
    %swap3A_1285 = arith.index_cast %swap3A_1284 : i32 to index
    %swap3A_1286 = arith.constant 944 : index
    %swap3A_1287 = tpu.vector_load %arg11[%swap3A_1285, %swap3A_1286] {strides = array<i32>} : memref<1x1280xf32, #tpu.memory_space<vmem>>, vector<16xf32>,
    tpu.vector_store %arg11[%swap3A_1285, %swap3A_1286], %add3A_1283 {strides = array<i32>} : memref<1x1280xf32, #tpu.memory_space<vmem>>, vector<16xf32>,
    %get3A_1288 = arith.constant 0 : i32
    %get3A_1289 = arith.index_cast %get3A_1288 : i32 to index
    %get3A_1290 = arith.constant 960 : index
    %get3A_1291 = tpu.vector_load %arg11[%get3A_1289, %get3A_1290] {strides = array<i32>} : memref<1x1280xf32, #tpu.memory_space<vmem>>, vector<16xf32>,
    %get3A_1292 = arith.constant 960 : index
    %get3A_1293 = tpu.vector_load %arg10[%get3A_1292] {strides = array<i32>} : memref<1280xf32, #tpu.memory_space<vmem>>, vector<16xf32>,
    %add3A_1294 = arith.addf %get3A_1291, %get3A_1293 : vector<16xf32>
    %swap3A_1295 = arith.constant 0 : i32
    %swap3A_1296 = arith.index_cast %swap3A_1295 : i32 to index
    %swap3A_1297 = arith.constant 960 : index
    %swap3A_1298 = tpu.vector_load %arg11[%swap3A_1296, %swap3A_1297] {strides = array<i32>} : memref<1x1280xf32, #tpu.memory_space<vmem>>, vector<16xf32>,
    tpu.vector_store %arg11[%swap3A_1296, %swap3A_1297], %add3A_1294 {strides = array<i32>} : memref<1x1280xf32, #tpu.memory_space<vmem>>, vector<16xf32>,
    %get3A_1299 = arith.constant 0 : i32
    %get3A_1300 = arith.index_cast %get3A_1299 : i32 to index
    %get3A_1301 = arith.constant 976 : index
    %get3A_1302 = tpu.vector_load %arg11[%get3A_1300, %get3A_1301] {strides = array<i32>} : memref<1x1280xf32, #tpu.memory_space<vmem>>, vector<16xf32>,
    %get3A_1303 = arith.constant 976 : index
    %get3A_1304 = tpu.vector_load %arg10[%get3A_1303] {strides = array<i32>} : memref<1280xf32, #tpu.memory_space<vmem>>, vector<16xf32>,
    %add3A_1305 = arith.addf %get3A_1302, %get3A_1304 : vector<16xf32>
    %swap3A_1306 = arith.constant 0 : i32
    %swap3A_1307 = arith.index_cast %swap3A_1306 : i32 to index
    %swap3A_1308 = arith.constant 976 : index
    %swap3A_1309 = tpu.vector_load %arg11[%swap3A_1307, %swap3A_1308] {strides = array<i32>} : memref<1x1280xf32, #tpu.memory_space<vmem>>, vector<16xf32>,
    tpu.vector_store %arg11[%swap3A_1307, %swap3A_1308], %add3A_1305 {strides = array<i32>} : memref<1x1280xf32, #tpu.memory_space<vmem>>, vector<16xf32>,
    %get3A_1310 = arith.constant 0 : i32
    %get3A_1311 = arith.index_cast %get3A_1310 : i32 to index
    %get3A_1312 = arith.constant 992 : index
    %get3A_1313 = tpu.vector_load %arg11[%get3A_1311, %get3A_1312] {strides = array<i32>} : memref<1x1280xf32, #tpu.memory_space<vmem>>, vector<16xf32>,
    %get3A_1314 = arith.constant 992 : index
    %get3A_1315 = tpu.vector_load %arg10[%get3A_1314] {strides = array<i32>} : memref<1280xf32, #tpu.memory_space<vmem>>, vector<16xf32>,
    %add3A_1316 = arith.addf %get3A_1313, %get3A_1315 : vector<16xf32>
    %swap3A_1317 = arith.constant 0 : i32
    %swap3A_1318 = arith.index_cast %swap3A_1317 : i32 to index
    %swap3A_1319 = arith.constant 992 : index
    %swap3A_1320 = tpu.vector_load %arg11[%swap3A_1318, %swap3A_1319] {strides = array<i32>} : memref<1x1280xf32, #tpu.memory_space<vmem>>, vector<16xf32>,
    tpu.vector_store %arg11[%swap3A_1318, %swap3A_1319], %add3A_1316 {strides = array<i32>} : memref<1x1280xf32, #tpu.memory_space<vmem>>, vector<16xf32>,
    %get3A_1321 = arith.constant 0 : i32
    %get3A_1322 = arith.index_cast %get3A_1321 : i32 to index
    %get3A_1323 = arith.constant 1008 : index
    %get3A_1324 = tpu.vector_load %arg11[%get3A_1322, %get3A_1323] {strides = array<i32>} : memref<1x1280xf32, #tpu.memory_space<vmem>>, vector<16xf32>,
    %get3A_1325 = arith.constant 1008 : index
    %get3A_1326 = tpu.vector_load %arg10[%get3A_1325] {strides = array<i32>} : memref<1280xf32, #tpu.memory_space<vmem>>, vector<16xf32>,
    %add3A_1327 = arith.addf %get3A_1324, %get3A_1326 : vector<16xf32>
    %swap3A_1328 = arith.constant 0 : i32
    %swap3A_1329 = arith.index_cast %swap3A_1328 : i32 to index
    %swap3A_1330 = arith.constant 1008 : index
    %swap3A_1331 = tpu.vector_load %arg11[%swap3A_1329, %swap3A_1330] {strides = array<i32>} : memref<1x1280xf32, #tpu.memory_space<vmem>>, vector<16xf32>,
    tpu.vector_store %arg11[%swap3A_1329, %swap3A_1330], %add3A_1327 {strides = array<i32>} : memref<1x1280xf32, #tpu.memory_space<vmem>>, vector<16xf32>,
    %get3A_1332 = arith.constant 0 : i32
    %get3A_1333 = arith.index_cast %get3A_1332 : i32 to index
    %get3A_1334 = arith.constant 1024 : index
    %get3A_1335 = tpu.vector_load %arg11[%get3A_1333, %get3A_1334] {strides = array<i32>} : memref<1x1280xf32, #tpu.memory_space<vmem>>, vector<16xf32>,
    %get3A_1336 = arith.constant 1024 : index
    %get3A_1337 = tpu.vector_load %arg10[%get3A_1336] {strides = array<i32>} : memref<1280xf32, #tpu.memory_space<vmem>>, vector<16xf32>,
    %add3A_1338 = arith.addf %get3A_1335, %get3A_1337 : vector<16xf32>
    %swap3A_1339 = arith.constant 0 : i32
    %swap3A_1340 = arith.index_cast %swap3A_1339 : i32 to index
    %swap3A_1341 = arith.constant 1024 : index
    %swap3A_1342 = tpu.vector_load %arg11[%swap3A_1340, %swap3A_1341] {strides = array<i32>} : memref<1x1280xf32, #tpu.memory_space<vmem>>, vector<16xf32>,
    tpu.vector_store %arg11[%swap3A_1340, %swap3A_1341], %add3A_1338 {strides = array<i32>} : memref<1x1280xf32, #tpu.memory_space<vmem>>, vector<16xf32>,
    %get3A_1343 = arith.constant 0 : i32
    %get3A_1344 = arith.index_cast %get3A_1343 : i32 to index
    %get3A_1345 = arith.constant 1040 : index
    %get3A_1346 = tpu.vector_load %arg11[%get3A_1344, %get3A_1345] {strides = array<i32>} : memref<1x1280xf32, #tpu.memory_space<vmem>>, vector<16xf32>,
    %get3A_1347 = arith.constant 1040 : index
    %get3A_1348 = tpu.vector_load %arg10[%get3A_1347] {strides = array<i32>} : memref<1280xf32, #tpu.memory_space<vmem>>, vector<16xf32>,
    %add3A_1349 = arith.addf %get3A_1346, %get3A_1348 : vector<16xf32>
    %swap3A_1350 = arith.constant 0 : i32
    %swap3A_1351 = arith.index_cast %swap3A_1350 : i32 to index
    %swap3A_1352 = arith.constant 1040 : index
    %swap3A_1353 = tpu.vector_load %arg11[%swap3A_1351, %swap3A_1352] {strides = array<i32>} : memref<1x1280xf32, #tpu.memory_space<vmem>>, vector<16xf32>,
    tpu.vector_store %arg11[%swap3A_1351, %swap3A_1352], %add3A_1349 {strides = array<i32>} : memref<1x1280xf32, #tpu.memory_space<vmem>>, vector<16xf32>,
    %get3A_1354 = arith.constant 0 : i32
    %get3A_1355 = arith.index_cast %get3A_1354 : i32 to index
    %get3A_1356 = arith.constant 1056 : index
    %get3A_1357 = tpu.vector_load %arg11[%get3A_1355, %get3A_1356] {strides = array<i32>} : memref<1x1280xf32, #tpu.memory_space<vmem>>, vector<16xf32>,
    %get3A_1358 = arith.constant 1056 : index
    %get3A_1359 = tpu.vector_load %arg10[%get3A_1358] {strides = array<i32>} : memref<1280xf32, #tpu.memory_space<vmem>>, vector<16xf32>,
    %add3A_1360 = arith.addf %get3A_1357, %get3A_1359 : vector<16xf32>
    %swap3A_1361 = arith.constant 0 : i32
    %swap3A_1362 = arith.index_cast %swap3A_1361 : i32 to index
    %swap3A_1363 = arith.constant 1056 : index
    %swap3A_1364 = tpu.vector_load %arg11[%swap3A_1362, %swap3A_1363] {strides = array<i32>} : memref<1x1280xf32, #tpu.memory_space<vmem>>, vector<16xf32>,
    tpu.vector_store %arg11[%swap3A_1362, %swap3A_1363], %add3A_1360 {strides = array<i32>} : memref<1x1280xf32, #tpu.memory_space<vmem>>, vector<16xf32>,
    %get3A_1365 = arith.constant 0 : i32
    %get3A_1366 = arith.index_cast %get3A_1365 : i32 to index
    %get3A_1367 = arith.constant 1072 : index
    %get3A_1368 = tpu.vector_load %arg11[%get3A_1366, %get3A_1367] {strides = array<i32>} : memref<1x1280xf32, #tpu.memory_space<vmem>>, vector<16xf32>,
    %get3A_1369 = arith.constant 1072 : index
    %get3A_1370 = tpu.vector_load %arg10[%get3A_1369] {strides = array<i32>} : memref<1280xf32, #tpu.memory_space<vmem>>, vector<16xf32>,
    %add3A_1371 = arith.addf %get3A_1368, %get3A_1370 : vector<16xf32>
    %swap3A_1372 = arith.constant 0 : i32
    %swap3A_1373 = arith.index_cast %swap3A_1372 : i32 to index
    %swap3A_1374 = arith.constant 1072 : index
    %swap3A_1375 = tpu.vector_load %arg11[%swap3A_1373, %swap3A_1374] {strides = array<i32>} : memref<1x1280xf32, #tpu.memory_space<vmem>>, vector<16xf32>,
    tpu.vector_store %arg11[%swap3A_1373, %swap3A_1374], %add3A_1371 {strides = array<i32>} : memref<1x1280xf32, #tpu.memory_space<vmem>>, vector<16xf32>,
    %get3A_1376 = arith.constant 0 : i32
    %get3A_1377 = arith.index_cast %get3A_1376 : i32 to index
    %get3A_1378 = arith.constant 1088 : index
    %get3A_1379 = tpu.vector_load %arg11[%get3A_1377, %get3A_1378] {strides = array<i32>} : memref<1x1280xf32, #tpu.memory_space<vmem>>, vector<16xf32>,
    %get3A_1380 = arith.constant 1088 : index
    %get3A_1381 = tpu.vector_load %arg10[%get3A_1380] {strides = array<i32>} : memref<1280xf32, #tpu.memory_space<vmem>>, vector<16xf32>,
    %add3A_1382 = arith.addf %get3A_1379, %get3A_1381 : vector<16xf32>
    %swap3A_1383 = arith.constant 0 : i32
    %swap3A_1384 = arith.index_cast %swap3A_1383 : i32 to index
    %swap3A_1385 = arith.constant 1088 : index
    %swap3A_1386 = tpu.vector_load %arg11[%swap3A_1384, %swap3A_1385] {strides = array<i32>} : memref<1x1280xf32, #tpu.memory_space<vmem>>, vector<16xf32>,
    tpu.vector_store %arg11[%swap3A_1384, %swap3A_1385], %add3A_1382 {strides = array<i32>} : memref<1x1280xf32, #tpu.memory_space<vmem>>, vector<16xf32>,
    %get3A_1387 = arith.constant 0 : i32
    %get3A_1388 = arith.index_cast %get3A_1387 : i32 to index
    %get3A_1389 = arith.constant 1104 : index
    %get3A_1390 = tpu.vector_load %arg11[%get3A_1388, %get3A_1389] {strides = array<i32>} : memref<1x1280xf32, #tpu.memory_space<vmem>>, vector<16xf32>,
    %get3A_1391 = arith.constant 1104 : index
    %get3A_1392 = tpu.vector_load %arg10[%get3A_1391] {strides = array<i32>} : memref<1280xf32, #tpu.memory_space<vmem>>, vector<16xf32>,
    %add3A_1393 = arith.addf %get3A_1390, %get3A_1392 : vector<16xf32>
    %swap3A_1394 = arith.constant 0 : i32
    %swap3A_1395 = arith.index_cast %swap3A_1394 : i32 to index
    %swap3A_1396 = arith.constant 1104 : index
    %swap3A_1397 = tpu.vector_load %arg11[%swap3A_1395, %swap3A_1396] {strides = array<i32>} : memref<1x1280xf32, #tpu.memory_space<vmem>>, vector<16xf32>,
    tpu.vector_store %arg11[%swap3A_1395, %swap3A_1396], %add3A_1393 {strides = array<i32>} : memref<1x1280xf32, #tpu.memory_space<vmem>>, vector<16xf32>,
    %get3A_1398 = arith.constant 0 : i32
    %get3A_1399 = arith.index_cast %get3A_1398 : i32 to index
    %get3A_1400 = arith.constant 1120 : index
    %get3A_1401 = tpu.vector_load %arg11[%get3A_1399, %get3A_1400] {strides = array<i32>} : memref<1x1280xf32, #tpu.memory_space<vmem>>, vector<16xf32>,
    %get3A_1402 = arith.constant 1120 : index
    %get3A_1403 = tpu.vector_load %arg10[%get3A_1402] {strides = array<i32>} : memref<1280xf32, #tpu.memory_space<vmem>>, vector<16xf32>,
    %add3A_1404 = arith.addf %get3A_1401, %get3A_1403 : vector<16xf32>
    %swap3A_1405 = arith.constant 0 : i32
    %swap3A_1406 = arith.index_cast %swap3A_1405 : i32 to index
    %swap3A_1407 = arith.constant 1120 : index
    %swap3A_1408 = tpu.vector_load %arg11[%swap3A_1406, %swap3A_1407] {strides = array<i32>} : memref<1x1280xf32, #tpu.memory_space<vmem>>, vector<16xf32>,
    tpu.vector_store %arg11[%swap3A_1406, %swap3A_1407], %add3A_1404 {strides = array<i32>} : memref<1x1280xf32, #tpu.memory_space<vmem>>, vector<16xf32>,
    %get3A_1409 = arith.constant 0 : i32
    %get3A_1410 = arith.index_cast %get3A_1409 : i32 to index
    %get3A_1411 = arith.constant 1136 : index
    %get3A_1412 = tpu.vector_load %arg11[%get3A_1410, %get3A_1411] {strides = array<i32>} : memref<1x1280xf32, #tpu.memory_space<vmem>>, vector<16xf32>,
    %get3A_1413 = arith.constant 1136 : index
    %get3A_1414 = tpu.vector_load %arg10[%get3A_1413] {strides = array<i32>} : memref<1280xf32, #tpu.memory_space<vmem>>, vector<16xf32>,
    %add3A_1415 = arith.addf %get3A_1412, %get3A_1414 : vector<16xf32>
    %swap3A_1416 = arith.constant 0 : i32
    %swap3A_1417 = arith.index_cast %swap3A_1416 : i32 to index
    %swap3A_1418 = arith.constant 1136 : index
    %swap3A_1419 = tpu.vector_load %arg11[%swap3A_1417, %swap3A_1418] {strides = array<i32>} : memref<1x1280xf32, #tpu.memory_space<vmem>>, vector<16xf32>,
    tpu.vector_store %arg11[%swap3A_1417, %swap3A_1418], %add3A_1415 {strides = array<i32>} : memref<1x1280xf32, #tpu.memory_space<vmem>>, vector<16xf32>,
    %get3A_1420 = arith.constant 0 : i32
    %get3A_1421 = arith.index_cast %get3A_1420 : i32 to index
    %get3A_1422 = arith.constant 1152 : index
    %get3A_1423 = tpu.vector_load %arg11[%get3A_1421, %get3A_1422] {strides = array<i32>} : memref<1x1280xf32, #tpu.memory_space<vmem>>, vector<16xf32>,
    %get3A_1424 = arith.constant 1152 : index
    %get3A_1425 = tpu.vector_load %arg10[%get3A_1424] {strides = array<i32>} : memref<1280xf32, #tpu.memory_space<vmem>>, vector<16xf32>,
    %add3A_1426 = arith.addf %get3A_1423, %get3A_1425 : vector<16xf32>
    %swap3A_1427 = arith.constant 0 : i32
    %swap3A_1428 = arith.index_cast %swap3A_1427 : i32 to index
    %swap3A_1429 = arith.constant 1152 : index
    %swap3A_1430 = tpu.vector_load %arg11[%swap3A_1428, %swap3A_1429] {strides = array<i32>} : memref<1x1280xf32, #tpu.memory_space<vmem>>, vector<16xf32>,
    tpu.vector_store %arg11[%swap3A_1428, %swap3A_1429], %add3A_1426 {strides = array<i32>} : memref<1x1280xf32, #tpu.memory_space<vmem>>, vector<16xf32>,
    %get3A_1431 = arith.constant 0 : i32
    %get3A_1432 = arith.index_cast %get3A_1431 : i32 to index
    %get3A_1433 = arith.constant 1168 : index
    %get3A_1434 = tpu.vector_load %arg11[%get3A_1432, %get3A_1433] {strides = array<i32>} : memref<1x1280xf32, #tpu.memory_space<vmem>>, vector<16xf32>,
    %get3A_1435 = arith.constant 1168 : index
    %get3A_1436 = tpu.vector_load %arg10[%get3A_1435] {strides = array<i32>} : memref<1280xf32, #tpu.memory_space<vmem>>, vector<16xf32>,
    %add3A_1437 = arith.addf %get3A_1434, %get3A_1436 : vector<16xf32>
    %swap3A_1438 = arith.constant 0 : i32
    %swap3A_1439 = arith.index_cast %swap3A_1438 : i32 to index
    %swap3A_1440 = arith.constant 1168 : index
    %swap3A_1441 = tpu.vector_load %arg11[%swap3A_1439, %swap3A_1440] {strides = array<i32>} : memref<1x1280xf32, #tpu.memory_space<vmem>>, vector<16xf32>,
    tpu.vector_store %arg11[%swap3A_1439, %swap3A_1440], %add3A_1437 {strides = array<i32>} : memref<1x1280xf32, #tpu.memory_space<vmem>>, vector<16xf32>,
    %get3A_1442 = arith.constant 0 : i32
    %get3A_1443 = arith.index_cast %get3A_1442 : i32 to index
    %get3A_1444 = arith.constant 1184 : index
    %get3A_1445 = tpu.vector_load %arg11[%get3A_1443, %get3A_1444] {strides = array<i32>} : memref<1x1280xf32, #tpu.memory_space<vmem>>, vector<16xf32>,
    %get3A_1446 = arith.constant 1184 : index
    %get3A_1447 = tpu.vector_load %arg10[%get3A_1446] {strides = array<i32>} : memref<1280xf32, #tpu.memory_space<vmem>>, vector<16xf32>,
    %add3A_1448 = arith.addf %get3A_1445, %get3A_1447 : vector<16xf32>
    %swap3A_1449 = arith.constant 0 : i32
    %swap3A_1450 = arith.index_cast %swap3A_1449 : i32 to index
    %swap3A_1451 = arith.constant 1184 : index
    %swap3A_1452 = tpu.vector_load %arg11[%swap3A_1450, %swap3A_1451] {strides = array<i32>} : memref<1x1280xf32, #tpu.memory_space<vmem>>, vector<16xf32>,
    tpu.vector_store %arg11[%swap3A_1450, %swap3A_1451], %add3A_1448 {strides = array<i32>} : memref<1x1280xf32, #tpu.memory_space<vmem>>, vector<16xf32>,
    %get3A_1453 = arith.constant 0 : i32
    %get3A_1454 = arith.index_cast %get3A_1453 : i32 to index
    %get3A_1455 = arith.constant 1200 : index
    %get3A_1456 = tpu.vector_load %arg11[%get3A_1454, %get3A_1455] {strides = array<i32>} : memref<1x1280xf32, #tpu.memory_space<vmem>>, vector<16xf32>,
    %get3A_1457 = arith.constant 1200 : index
    %get3A_1458 = tpu.vector_load %arg10[%get3A_1457] {strides = array<i32>} : memref<1280xf32, #tpu.memory_space<vmem>>, vector<16xf32>,
    %add3A_1459 = arith.addf %get3A_1456, %get3A_1458 : vector<16xf32>
    %swap3A_1460 = arith.constant 0 : i32
    %swap3A_1461 = arith.index_cast %swap3A_1460 : i32 to index
    %swap3A_1462 = arith.constant 1200 : index
    %swap3A_1463 = tpu.vector_load %arg11[%swap3A_1461, %swap3A_1462] {strides = array<i32>} : memref<1x1280xf32, #tpu.memory_space<vmem>>, vector<16xf32>,
    tpu.vector_store %arg11[%swap3A_1461, %swap3A_1462], %add3A_1459 {strides = array<i32>} : memref<1x1280xf32, #tpu.memory_space<vmem>>, vector<16xf32>,
    %get3A_1464 = arith.constant 0 : i32
    %get3A_1465 = arith.index_cast %get3A_1464 : i32 to index
    %get3A_1466 = arith.constant 1216 : index
    %get3A_1467 = tpu.vector_load %arg11[%get3A_1465, %get3A_1466] {strides = array<i32>} : memref<1x1280xf32, #tpu.memory_space<vmem>>, vector<16xf32>,
    %get3A_1468 = arith.constant 1216 : index
    %get3A_1469 = tpu.vector_load %arg10[%get3A_1468] {strides = array<i32>} : memref<1280xf32, #tpu.memory_space<vmem>>, vector<16xf32>,
    %add3A_1470 = arith.addf %get3A_1467, %get3A_1469 : vector<16xf32>
    %swap3A_1471 = arith.constant 0 : i32
    %swap3A_1472 = arith.index_cast %swap3A_1471 : i32 to index
    %swap3A_1473 = arith.constant 1216 : index
    %swap3A_1474 = tpu.vector_load %arg11[%swap3A_1472, %swap3A_1473] {strides = array<i32>} : memref<1x1280xf32, #tpu.memory_space<vmem>>, vector<16xf32>,
    tpu.vector_store %arg11[%swap3A_1472, %swap3A_1473], %add3A_1470 {strides = array<i32>} : memref<1x1280xf32, #tpu.memory_space<vmem>>, vector<16xf32>,
    %get3A_1475 = arith.constant 0 : i32
    %get3A_1476 = arith.index_cast %get3A_1475 : i32 to index
    %get3A_1477 = arith.constant 1232 : index
    %get3A_1478 = tpu.vector_load %arg11[%get3A_1476, %get3A_1477] {strides = array<i32>} : memref<1x1280xf32, #tpu.memory_space<vmem>>, vector<16xf32>,
    %get3A_1479 = arith.constant 1232 : index
    %get3A_1480 = tpu.vector_load %arg10[%get3A_1479] {strides = array<i32>} : memref<1280xf32, #tpu.memory_space<vmem>>, vector<16xf32>,
    %add3A_1481 = arith.addf %get3A_1478, %get3A_1480 : vector<16xf32>
    %swap3A_1482 = arith.constant 0 : i32
    %swap3A_1483 = arith.index_cast %swap3A_1482 : i32 to index
    %swap3A_1484 = arith.constant 1232 : index
    %swap3A_1485 = tpu.vector_load %arg11[%swap3A_1483, %swap3A_1484] {strides = array<i32>} : memref<1x1280xf32, #tpu.memory_space<vmem>>, vector<16xf32>,
    tpu.vector_store %arg11[%swap3A_1483, %swap3A_1484], %add3A_1481 {strides = array<i32>} : memref<1x1280xf32, #tpu.memory_space<vmem>>, vector<16xf32>,
    %get3A_1486 = arith.constant 0 : i32
    %get3A_1487 = arith.index_cast %get3A_1486 : i32 to index
    %get3A_1488 = arith.constant 1248 : index
    %get3A_1489 = tpu.vector_load %arg11[%get3A_1487, %get3A_1488] {strides = array<i32>} : memref<1x1280xf32, #tpu.memory_space<vmem>>, vector<16xf32>,
    %get3A_1490 = arith.constant 1248 : index
    %get3A_1491 = tpu.vector_load %arg10[%get3A_1490] {strides = array<i32>} : memref<1280xf32, #tpu.memory_space<vmem>>, vector<16xf32>,
    %add3A_1492 = arith.addf %get3A_1489, %get3A_1491 : vector<16xf32>
    %swap3A_1493 = arith.constant 0 : i32
    %swap3A_1494 = arith.index_cast %swap3A_1493 : i32 to index
    %swap3A_1495 = arith.constant 1248 : index
    %swap3A_1496 = tpu.vector_load %arg11[%swap3A_1494, %swap3A_1495] {strides = array<i32>} : memref<1x1280xf32, #tpu.memory_space<vmem>>, vector<16xf32>,
    tpu.vector_store %arg11[%swap3A_1494, %swap3A_1495], %add3A_1492 {strides = array<i32>} : memref<1x1280xf32, #tpu.memory_space<vmem>>, vector<16xf32>,
    %get3A_1497 = arith.constant 0 : i32
    %get3A_1498 = arith.index_cast %get3A_1497 : i32 to index
    %get3A_1499 = arith.constant 1264 : index
    %get3A_1500 = tpu.vector_load %arg11[%get3A_1498, %get3A_1499] {strides = array<i32>} : memref<1x1280xf32, #tpu.memory_space<vmem>>, vector<16xf32>,
    %get3A_1501 = arith.constant 1264 : index
    %get3A_1502 = tpu.vector_load %arg10[%get3A_1501] {strides = array<i32>} : memref<1280xf32, #tpu.memory_space<vmem>>, vector<16xf32>,
    %add3A_1503 = arith.addf %get3A_1500, %get3A_1502 : vector<16xf32>
    %swap3A_1504 = arith.constant 0 : i32
    %swap3A_1505 = arith.index_cast %swap3A_1504 : i32 to index
    %swap3A_1506 = arith.constant 1264 : index
    %swap3A_1507 = tpu.vector_load %arg11[%swap3A_1505, %swap3A_1506] {strides = array<i32>} : memref<1x1280xf32, #tpu.memory_space<vmem>>, vector<16xf32>,
    tpu.vector_store %arg11[%swap3A_1505, %swap3A_1506], %add3A_1503 {strides = array<i32>} : memref<1x1280xf32, #tpu.memory_space<vmem>>, vector<16xf32>,
    %dma_start3A_1508 = arith.constant 1024 : i32
    %dma_start3A_1509 = arith.constant 0 : i32
    %dma_start3A_1510 = tpu.memref_slice %arg6[%select_n3A, %select_n3A_30, %dma_start3A_1508, %dma_start3A_1509] : memref<8x4x1025x1280xf32, #tpu.memory_space<hbm>> -> memref<1x1x1x1280xf32, #tpu.memory_space<hbm>>
    %dma_start3A_1511 = tpu.memref_squeeze %dma_start3A_1510 : memref<1x1x1x1280xf32, #tpu.memory_space<hbm>> -> memref<1x1280xf32, #tpu.memory_space<hbm>>
    %dma_start3A_1512 = arith.constant 1024 : i32
    %dma_start3A_1513 = arith.constant 0 : i32
    %dma_start3A_1514 = tpu.memref_slice %arg6[%select_n3A, %select_n3A_30, %dma_start3A_1512, %dma_start3A_1513] : memref<8x4x1025x1280xf32, #tpu.memory_space<hbm>> -> memref<1x1x1x1280xf32, #tpu.memory_space<hbm>>
    %dma_start3A_1515 = tpu.memref_squeeze %dma_start3A_1514 : memref<1x1x1x1280xf32, #tpu.memory_space<hbm>> -> memref<1x1280xf32, #tpu.memory_space<hbm>>
    tpu.enqueue_dma source(%arg11 : memref<1x1280xf32, #tpu.memory_space<vmem>>) target(%dma_start3A_1515 : memref<1x1280xf32, #tpu.memory_space<hbm>>) target_semaphore(%arg15 : memref<!tpu.dma_semaphore, #tpu.memory_space<semaphore_mem>>)
    %dma_wait3A_1516 = arith.constant 1024 : i32
    %dma_wait3A_1517 = arith.constant 0 : i32
    %dma_wait3A_1518 = tpu.memref_slice %arg6[%select_n3A, %select_n3A_30, %dma_wait3A_1516, %dma_wait3A_1517] : memref<8x4x1025x1280xf32, #tpu.memory_space<hbm>> -> memref<1x1x1x1280xf32, #tpu.memory_space<hbm>>
    %dma_wait3A_1519 = tpu.memref_squeeze %dma_wait3A_1518 : memref<1x1x1x1280xf32, #tpu.memory_space<hbm>> -> memref<1x1280xf32, #tpu.memory_space<hbm>>
    %dma_wait3A_1520 = arith.constant 1024 : i32
    %dma_wait3A_1521 = arith.constant 0 : i32
    %dma_wait3A_1522 = tpu.memref_slice %arg6[%select_n3A, %select_n3A_30, %dma_wait3A_1520, %dma_wait3A_1521] : memref<8x4x1025x1280xf32, #tpu.memory_space<hbm>> -> memref<1x1x1x1280xf32, #tpu.memory_space<hbm>>
    %dma_wait3A_1523 = tpu.memref_squeeze %dma_wait3A_1522 : memref<1x1x1x1280xf32, #tpu.memory_space<hbm>> -> memref<1x1280xf32, #tpu.memory_space<hbm>>
    tpu.wait_dma2 semaphore(%arg15 : memref<!tpu.dma_semaphore, #tpu.memory_space<semaphore_mem>>) src(%arg11 : memref<1x1280xf32, #tpu.memory_space<vmem>>) dst(%dma_wait3A_1523 : memref<1x1280xf32, #tpu.memory_space<hbm>>)
    %dma_start3A_1524 = arith.constant 0 : i32
    %dma_start3A_1525 = arith.constant 0 : i32
    %dma_start3A_1526 = arith.constant 0 : i32
    %dma_start3A_1527 = arith.constant 0 : i32
    %dma_start3A_1528 = tpu.memref_slice %arg12[%dma_start3A_1524, %dma_start3A_1526, %dma_start3A_1527] : memref<2x16x1280xf32, #tpu.memory_space<vmem>> -> memref<1x16x1280xf32, #tpu.memory_space<vmem>>
    %dma_start3A_1529 = tpu.memref_squeeze %dma_start3A_1528 : memref<1x16x1280xf32, #tpu.memory_space<vmem>> -> memref<16x1280xf32, #tpu.memory_space<vmem>>
    %dma_start3A_1530 = arith.constant 0 : i32
    %dma_start3A_1531 = arith.constant 0 : i32
    %dma_start3A_1532 = tpu.memref_slice %arg2[%select_n3A, %select_n3A_30, %dma_start3A_1530, %dma_start3A_1531] : memref<8x4x1025x1280xf32, #tpu.memory_space<hbm>> -> memref<1x1x16x1280xf32, #tpu.memory_space<hbm>>
    %dma_start3A_1533 = tpu.memref_squeeze %dma_start3A_1532 : memref<1x1x16x1280xf32, #tpu.memory_space<hbm>> -> memref<16x1280xf32, #tpu.memory_space<hbm>>
    %dma_start3A_1534 = tpu.memref_slice %arg16[%dma_start3A_1525] : memref<2x!tpu.dma_semaphore, #tpu.memory_space<semaphore_mem>> -> memref<1x!tpu.dma_semaphore, #tpu.memory_space<semaphore_mem>>
    %dma_start3A_1535 = tpu.memref_squeeze %dma_start3A_1534 : memref<1x!tpu.dma_semaphore, #tpu.memory_space<semaphore_mem>> -> memref<!tpu.dma_semaphore, #tpu.memory_space<semaphore_mem>>
    %dma_start3A_1536 = arith.constant 0 : i32
    %dma_start3A_1537 = arith.constant 0 : i32
    %dma_start3A_1538 = tpu.memref_slice %arg12[%dma_start3A_1524, %dma_start3A_1536, %dma_start3A_1537] : memref<2x16x1280xf32, #tpu.memory_space<vmem>> -> memref<1x16x1280xf32, #tpu.memory_space<vmem>>
    %dma_start3A_1539 = tpu.memref_squeeze %dma_start3A_1538 : memref<1x16x1280xf32, #tpu.memory_space<vmem>> -> memref<16x1280xf32, #tpu.memory_space<vmem>>
    %dma_start3A_1540 = arith.constant 0 : i32
    %dma_start3A_1541 = arith.constant 0 : i32
    %dma_start3A_1542 = tpu.memref_slice %arg2[%select_n3A, %select_n3A_30, %dma_start3A_1540, %dma_start3A_1541] : memref<8x4x1025x1280xf32, #tpu.memory_space<hbm>> -> memref<1x1x16x1280xf32, #tpu.memory_space<hbm>>
    %dma_start3A_1543 = tpu.memref_squeeze %dma_start3A_1542 : memref<1x1x16x1280xf32, #tpu.memory_space<hbm>> -> memref<16x1280xf32, #tpu.memory_space<hbm>>
    tpu.enqueue_dma source(%dma_start3A_1543 : memref<16x1280xf32, #tpu.memory_space<hbm>>) target(%dma_start3A_1539 : memref<16x1280xf32, #tpu.memory_space<vmem>>) target_semaphore(%dma_start3A_1535 : memref<!tpu.dma_semaphore, #tpu.memory_space<semaphore_mem>>)
    %dma_start3A_1544 = arith.constant 1 : i32
    %dma_start3A_1545 = arith.constant 1 : i32
    %dma_start3A_1546 = arith.constant 0 : i32
    %dma_start3A_1547 = arith.constant 0 : i32
    %dma_start3A_1548 = tpu.memref_slice %arg12[%dma_start3A_1544, %dma_start3A_1546, %dma_start3A_1547] : memref<2x16x1280xf32, #tpu.memory_space<vmem>> -> memref<1x16x1280xf32, #tpu.memory_space<vmem>>
    %dma_start3A_1549 = tpu.memref_squeeze %dma_start3A_1548 : memref<1x16x1280xf32, #tpu.memory_space<vmem>> -> memref<16x1280xf32, #tpu.memory_space<vmem>>
    %dma_start3A_1550 = arith.constant 16 : i32
    %dma_start3A_1551 = arith.constant 0 : i32
    %dma_start3A_1552 = tpu.memref_slice %arg2[%select_n3A, %select_n3A_30, %dma_start3A_1550, %dma_start3A_1551] : memref<8x4x1025x1280xf32, #tpu.memory_space<hbm>> -> memref<1x1x16x1280xf32, #tpu.memory_space<hbm>>
    %dma_start3A_1553 = tpu.memref_squeeze %dma_start3A_1552 : memref<1x1x16x1280xf32, #tpu.memory_space<hbm>> -> memref<16x1280xf32, #tpu.memory_space<hbm>>
    %dma_start3A_1554 = tpu.memref_slice %arg16[%dma_start3A_1545] : memref<2x!tpu.dma_semaphore, #tpu.memory_space<semaphore_mem>> -> memref<1x!tpu.dma_semaphore, #tpu.memory_space<semaphore_mem>>
    %dma_start3A_1555 = tpu.memref_squeeze %dma_start3A_1554 : memref<1x!tpu.dma_semaphore, #tpu.memory_space<semaphore_mem>> -> memref<!tpu.dma_semaphore, #tpu.memory_space<semaphore_mem>>
    %dma_start3A_1556 = arith.constant 0 : i32
    %dma_start3A_1557 = arith.constant 0 : i32
    %dma_start3A_1558 = tpu.memref_slice %arg12[%dma_start3A_1544, %dma_start3A_1556, %dma_start3A_1557] : memref<2x16x1280xf32, #tpu.memory_space<vmem>> -> memref<1x16x1280xf32, #tpu.memory_space<vmem>>
    %dma_start3A_1559 = tpu.memref_squeeze %dma_start3A_1558 : memref<1x16x1280xf32, #tpu.memory_space<vmem>> -> memref<16x1280xf32, #tpu.memory_space<vmem>>
    %dma_start3A_1560 = arith.constant 16 : i32
    %dma_start3A_1561 = arith.constant 0 : i32
    %dma_start3A_1562 = tpu.memref_slice %arg2[%select_n3A, %select_n3A_30, %dma_start3A_1560, %dma_start3A_1561] : memref<8x4x1025x1280xf32, #tpu.memory_space<hbm>> -> memref<1x1x16x1280xf32, #tpu.memory_space<hbm>>
    %dma_start3A_1563 = tpu.memref_squeeze %dma_start3A_1562 : memref<1x1x16x1280xf32, #tpu.memory_space<hbm>> -> memref<16x1280xf32, #tpu.memory_space<hbm>>
    tpu.enqueue_dma source(%dma_start3A_1563 : memref<16x1280xf32, #tpu.memory_space<hbm>>) target(%dma_start3A_1559 : memref<16x1280xf32, #tpu.memory_space<vmem>>) target_semaphore(%dma_start3A_1555 : memref<!tpu.dma_semaphore, #tpu.memory_space<semaphore_mem>>)
    %scan3A = arith.constant 0 : i32
    %scan3A_1564 = arith.constant 0 : i32
    %scan3A_1565 = arith.constant 64 : i32
    %scan3A_1566 = arith.addi %scan3A_1564, %scan3A_1565 : i32
    %scan3A_1567 = arith.constant 1 : i32
    %scan3A_1568 = scf.for %scan3A_1610 = %scan3A_1564 to %scan3A_1566 step %scan3A_1567 iter_args(%scan3A_1611 = %scan3A) -> (i32)  : i32 {
      %rem3A_1612 = arith.constant 2 : i32
      %rem3A_1613 = arith.remsi %scan3A_1610, %rem3A_1612 : i32
      %ge3A = arith.constant 2 : i32
      %ge3A_1614 = arith.cmpi sge, %scan3A_1610, %ge3A : i32
      %convert_element_type3A = arith.extui %ge3A_1614 : i1 to i32
      %cond3A = arith.constant 0 : i32
      %cond3A_1615 = arith.cmpi ne, %convert_element_type3A, %cond3A : i32
      scf.if %cond3A_1615 {
        %sub3A_1855 = arith.constant 2 : i32
        %sub3A_1856 = arith.subi %scan3A_1610, %sub3A_1855 : i32
        %mul3A_1857 = arith.constant 16 : i32
        %mul3A_1858 = arith.muli %sub3A_1856, %mul3A_1857 : i32
        %dma_wait3A_1859 = arith.constant 0 : i32
        %dma_wait3A_1860 = arith.constant 0 : i32
        %dma_wait3A_1861 = tpu.memref_slice %arg13[%rem3A_1613, %dma_wait3A_1859, %dma_wait3A_1860] : memref<2x16x1280xf32, #tpu.memory_space<vmem>> -> memref<1x16x1280xf32, #tpu.memory_space<vmem>>
        %dma_wait3A_1862 = tpu.memref_squeeze %dma_wait3A_1861 : memref<1x16x1280xf32, #tpu.memory_space<vmem>> -> memref<16x1280xf32, #tpu.memory_space<vmem>>
        %dma_wait3A_1863 = arith.constant 0 : i32
        %dma_wait3A_1864 = tpu.memref_slice %arg6[%select_n3A, %select_n3A_30, %mul3A_1858, %dma_wait3A_1863] : memref<8x4x1025x1280xf32, #tpu.memory_space<hbm>> -> memref<1x1x16x1280xf32, #tpu.memory_space<hbm>>
        %dma_wait3A_1865 = tpu.memref_squeeze %dma_wait3A_1864 : memref<1x1x16x1280xf32, #tpu.memory_space<hbm>> -> memref<16x1280xf32, #tpu.memory_space<hbm>>
        %dma_wait3A_1866 = tpu.memref_slice %arg17[%rem3A_1613] : memref<2x!tpu.dma_semaphore, #tpu.memory_space<semaphore_mem>> -> memref<1x!tpu.dma_semaphore, #tpu.memory_space<semaphore_mem>>
        %dma_wait3A_1867 = tpu.memref_squeeze %dma_wait3A_1866 : memref<1x!tpu.dma_semaphore, #tpu.memory_space<semaphore_mem>> -> memref<!tpu.dma_semaphore, #tpu.memory_space<semaphore_mem>>
        %dma_wait3A_1868 = arith.constant 0 : i32
        %dma_wait3A_1869 = tpu.memref_slice %arg6[%select_n3A, %select_n3A_30, %mul3A_1858, %dma_wait3A_1868] : memref<8x4x1025x1280xf32, #tpu.memory_space<hbm>> -> memref<1x1x16x1280xf32, #tpu.memory_space<hbm>>
        %dma_wait3A_1870 = tpu.memref_squeeze %dma_wait3A_1869 : memref<1x1x16x1280xf32, #tpu.memory_space<hbm>> -> memref<16x1280xf32, #tpu.memory_space<hbm>>
        %dma_wait3A_1871 = arith.constant 0 : i32
        %dma_wait3A_1872 = arith.constant 0 : i32
        %dma_wait3A_1873 = tpu.memref_slice %arg13[%rem3A_1613, %dma_wait3A_1871, %dma_wait3A_1872] : memref<2x16x1280xf32, #tpu.memory_space<vmem>> -> memref<1x16x1280xf32, #tpu.memory_space<vmem>>
        %dma_wait3A_1874 = tpu.memref_squeeze %dma_wait3A_1873 : memref<1x16x1280xf32, #tpu.memory_space<vmem>> -> memref<16x1280xf32, #tpu.memory_space<vmem>>
        tpu.wait_dma2 semaphore(%dma_wait3A_1867 : memref<!tpu.dma_semaphore, #tpu.memory_space<semaphore_mem>>) src(%dma_wait3A_1874 : memref<16x1280xf32, #tpu.memory_space<vmem>>) dst(%dma_wait3A_1870 : memref<16x1280xf32, #tpu.memory_space<hbm>>)
      } else {
      }
      %mul3A_1616 = arith.constant 16 : i32
      %mul3A_1617 = arith.muli %scan3A_1610, %mul3A_1616 : i32
      %dma_wait3A_1618 = arith.constant 0 : i32
      %dma_wait3A_1619 = arith.constant 0 : i32
      %dma_wait3A_1620 = tpu.memref_slice %arg12[%rem3A_1613, %dma_wait3A_1618, %dma_wait3A_1619] : memref<2x16x1280xf32, #tpu.memory_space<vmem>> -> memref<1x16x1280xf32, #tpu.memory_space<vmem>>
      %dma_wait3A_1621 = tpu.memref_squeeze %dma_wait3A_1620 : memref<1x16x1280xf32, #tpu.memory_space<vmem>> -> memref<16x1280xf32, #tpu.memory_space<vmem>>
      %dma_wait3A_1622 = arith.constant 0 : i32
      %dma_wait3A_1623 = tpu.memref_slice %arg2[%select_n3A, %select_n3A_30, %mul3A_1617, %dma_wait3A_1622] : memref<8x4x1025x1280xf32, #tpu.memory_space<hbm>> -> memref<1x1x16x1280xf32, #tpu.memory_space<hbm>>
      %dma_wait3A_1624 = tpu.memref_squeeze %dma_wait3A_1623 : memref<1x1x16x1280xf32, #tpu.memory_space<hbm>> -> memref<16x1280xf32, #tpu.memory_space<hbm>>
      %dma_wait3A_1625 = tpu.memref_slice %arg16[%rem3A_1613] : memref<2x!tpu.dma_semaphore, #tpu.memory_space<semaphore_mem>> -> memref<1x!tpu.dma_semaphore, #tpu.memory_space<semaphore_mem>>
      %dma_wait3A_1626 = tpu.memref_squeeze %dma_wait3A_1625 : memref<1x!tpu.dma_semaphore, #tpu.memory_space<semaphore_mem>> -> memref<!tpu.dma_semaphore, #tpu.memory_space<semaphore_mem>>
      %dma_wait3A_1627 = arith.constant 0 : i32
      %dma_wait3A_1628 = arith.constant 0 : i32
      %dma_wait3A_1629 = tpu.memref_slice %arg12[%rem3A_1613, %dma_wait3A_1627, %dma_wait3A_1628] : memref<2x16x1280xf32, #tpu.memory_space<vmem>> -> memref<1x16x1280xf32, #tpu.memory_space<vmem>>
      %dma_wait3A_1630 = tpu.memref_squeeze %dma_wait3A_1629 : memref<1x16x1280xf32, #tpu.memory_space<vmem>> -> memref<16x1280xf32, #tpu.memory_space<vmem>>
      %dma_wait3A_1631 = arith.constant 0 : i32
      %dma_wait3A_1632 = tpu.memref_slice %arg2[%select_n3A, %select_n3A_30, %mul3A_1617, %dma_wait3A_1631] : memref<8x4x1025x1280xf32, #tpu.memory_space<hbm>> -> memref<1x1x16x1280xf32, #tpu.memory_space<hbm>>
      %dma_wait3A_1633 = tpu.memref_squeeze %dma_wait3A_1632 : memref<1x1x16x1280xf32, #tpu.memory_space<hbm>> -> memref<16x1280xf32, #tpu.memory_space<hbm>>
      tpu.wait_dma2 semaphore(%dma_wait3A_1626 : memref<!tpu.dma_semaphore, #tpu.memory_space<semaphore_mem>>) src(%dma_wait3A_1633 : memref<16x1280xf32, #tpu.memory_space<hbm>>) dst(%dma_wait3A_1630 : memref<16x1280xf32, #tpu.memory_space<vmem>>)
      %get3A_1634 = arith.constant 0 : index
      %get3A_1635 = tpu.vector_load %arg10[%get3A_1634] {strides = array<i32>} : memref<1280xf32, #tpu.memory_space<vmem>>, vector<16xf32>,
      %get3A_1636 = arith.constant 16 : index
      %get3A_1637 = tpu.vector_load %arg10[%get3A_1636] {strides = array<i32>} : memref<1280xf32, #tpu.memory_space<vmem>>, vector<16xf32>,
      %get3A_1638 = arith.constant 32 : index
      %get3A_1639 = tpu.vector_load %arg10[%get3A_1638] {strides = array<i32>} : memref<1280xf32, #tpu.memory_space<vmem>>, vector<16xf32>,
      %get3A_1640 = arith.constant 48 : index
      %get3A_1641 = tpu.vector_load %arg10[%get3A_1640] {strides = array<i32>} : memref<1280xf32, #tpu.memory_space<vmem>>, vector<16xf32>,
      %get3A_1642 = arith.constant 64 : index
      %get3A_1643 = tpu.vector_load %arg10[%get3A_1642] {strides = array<i32>} : memref<1280xf32, #tpu.memory_space<vmem>>, vector<16xf32>,
      %get3A_1644 = arith.constant 80 : index
      %get3A_1645 = tpu.vector_load %arg10[%get3A_1644] {strides = array<i32>} : memref<1280xf32, #tpu.memory_space<vmem>>, vector<16xf32>,
      %get3A_1646 = arith.constant 96 : index
      %get3A_1647 = tpu.vector_load %arg10[%get3A_1646] {strides = array<i32>} : memref<1280xf32, #tpu.memory_space<vmem>>, vector<16xf32>,
      %get3A_1648 = arith.constant 112 : index
      %get3A_1649 = tpu.vector_load %arg10[%get3A_1648] {strides = array<i32>} : memref<1280xf32, #tpu.memory_space<vmem>>, vector<16xf32>,
      %get3A_1650 = arith.constant 128 : index
      %get3A_1651 = tpu.vector_load %arg10[%get3A_1650] {strides = array<i32>} : memref<1280xf32, #tpu.memory_space<vmem>>, vector<16xf32>,
      %get3A_1652 = arith.constant 144 : index
      %get3A_1653 = tpu.vector_load %arg10[%get3A_1652] {strides = array<i32>} : memref<1280xf32, #tpu.memory_space<vmem>>, vector<16xf32>,
      %get3A_1654 = arith.constant 160 : index
      %get3A_1655 = tpu.vector_load %arg10[%get3A_1654] {strides = array<i32>} : memref<1280xf32, #tpu.memory_space<vmem>>, vector<16xf32>,
      %get3A_1656 = arith.constant 176 : index
      %get3A_1657 = tpu.vector_load %arg10[%get3A_1656] {strides = array<i32>} : memref<1280xf32, #tpu.memory_space<vmem>>, vector<16xf32>,
      %get3A_1658 = arith.constant 192 : index
      %get3A_1659 = tpu.vector_load %arg10[%get3A_1658] {strides = array<i32>} : memref<1280xf32, #tpu.memory_space<vmem>>, vector<16xf32>,
      %get3A_1660 = arith.constant 208 : index
      %get3A_1661 = tpu.vector_load %arg10[%get3A_1660] {strides = array<i32>} : memref<1280xf32, #tpu.memory_space<vmem>>, vector<16xf32>,
      %get3A_1662 = arith.constant 224 : index
      %get3A_1663 = tpu.vector_load %arg10[%get3A_1662] {strides = array<i32>} : memref<1280xf32, #tpu.memory_space<vmem>>, vector<16xf32>,
      %get3A_1664 = arith.constant 240 : index
      %get3A_1665 = tpu.vector_load %arg10[%get3A_1664] {strides = array<i32>} : memref<1280xf32, #tpu.memory_space<vmem>>, vector<16xf32>,
      %scan3A_1666 = arith.constant 0 : i32
      %scan3A_1667 = arith.constant 0 : i32
      %scan3A_1668 = arith.constant 16 : i32
      %scan3A_1669 = arith.addi %scan3A_1667, %scan3A_1668 : i32
      %scan3A_1670 = arith.constant 1 : i32
      %scan3A_1671 = scf.for %scan3A_1855 = %scan3A_1667 to %scan3A_1669 step %scan3A_1670 iter_args(%scan3A_1856 = %scan3A_1666) -> (i32)  : i32 {
        %get3A_1857 = arith.index_cast %rem3A_1613 : i32 to index
        %get3A_1858 = arith.index_cast %scan3A_1855 : i32 to index
        %get3A_1859 = arith.constant 0 : index
        %get3A_1860 = tpu.vector_load %arg12[%get3A_1857, %get3A_1858, %get3A_1859] {strides = array<i32>} : memref<2x16x1280xf32, #tpu.memory_space<vmem>>, vector<16xf32>,
        %add3A_1861 = arith.addf %get3A_1860, %get3A_1635 : vector<16xf32>
        %swap3A_1862 = arith.index_cast %rem3A_1613 : i32 to index
        %swap3A_1863 = arith.index_cast %scan3A_1855 : i32 to index
        %swap3A_1864 = arith.constant 0 : index
        %swap3A_1865 = tpu.vector_load %arg13[%swap3A_1862, %swap3A_1863, %swap3A_1864] {strides = array<i32>} : memref<2x16x1280xf32, #tpu.memory_space<vmem>>, vector<16xf32>,
        tpu.vector_store %arg13[%swap3A_1862, %swap3A_1863, %swap3A_1864], %add3A_1861 {strides = array<i32>} : memref<2x16x1280xf32, #tpu.memory_space<vmem>>, vector<16xf32>,
        %get3A_1866 = arith.index_cast %rem3A_1613 : i32 to index
        %get3A_1867 = arith.index_cast %scan3A_1855 : i32 to index
        %get3A_1868 = arith.constant 16 : index
        %get3A_1869 = tpu.vector_load %arg12[%get3A_1866, %get3A_1867, %get3A_1868] {strides = array<i32>} : memref<2x16x1280xf32, #tpu.memory_space<vmem>>, vector<16xf32>,
        %add3A_1870 = arith.addf %get3A_1869, %get3A_1637 : vector<16xf32>
        %swap3A_1871 = arith.index_cast %rem3A_1613 : i32 to index
        %swap3A_1872 = arith.index_cast %scan3A_1855 : i32 to index
        %swap3A_1873 = arith.constant 16 : index
        %swap3A_1874 = tpu.vector_load %arg13[%swap3A_1871, %swap3A_1872, %swap3A_1873] {strides = array<i32>} : memref<2x16x1280xf32, #tpu.memory_space<vmem>>, vector<16xf32>,
        tpu.vector_store %arg13[%swap3A_1871, %swap3A_1872, %swap3A_1873], %add3A_1870 {strides = array<i32>} : memref<2x16x1280xf32, #tpu.memory_space<vmem>>, vector<16xf32>,
        %get3A_1875 = arith.index_cast %rem3A_1613 : i32 to index
        %get3A_1876 = arith.index_cast %scan3A_1855 : i32 to index
        %get3A_1877 = arith.constant 32 : index
        %get3A_1878 = tpu.vector_load %arg12[%get3A_1875, %get3A_1876, %get3A_1877] {strides = array<i32>} : memref<2x16x1280xf32, #tpu.memory_space<vmem>>, vector<16xf32>,
        %add3A_1879 = arith.addf %get3A_1878, %get3A_1639 : vector<16xf32>
        %swap3A_1880 = arith.index_cast %rem3A_1613 : i32 to index
        %swap3A_1881 = arith.index_cast %scan3A_1855 : i32 to index
        %swap3A_1882 = arith.constant 32 : index
        %swap3A_1883 = tpu.vector_load %arg13[%swap3A_1880, %swap3A_1881, %swap3A_1882] {strides = array<i32>} : memref<2x16x1280xf32, #tpu.memory_space<vmem>>, vector<16xf32>,
        tpu.vector_store %arg13[%swap3A_1880, %swap3A_1881, %swap3A_1882], %add3A_1879 {strides = array<i32>} : memref<2x16x1280xf32, #tpu.memory_space<vmem>>, vector<16xf32>,
        %get3A_1884 = arith.index_cast %rem3A_1613 : i32 to index
        %get3A_1885 = arith.index_cast %scan3A_1855 : i32 to index
        %get3A_1886 = arith.constant 48 : index
        %get3A_1887 = tpu.vector_load %arg12[%get3A_1884, %get3A_1885, %get3A_1886] {strides = array<i32>} : memref<2x16x1280xf32, #tpu.memory_space<vmem>>, vector<16xf32>,
        %add3A_1888 = arith.addf %get3A_1887, %get3A_1641 : vector<16xf32>
        %swap3A_1889 = arith.index_cast %rem3A_1613 : i32 to index
        %swap3A_1890 = arith.index_cast %scan3A_1855 : i32 to index
        %swap3A_1891 = arith.constant 48 : index
        %swap3A_1892 = tpu.vector_load %arg13[%swap3A_1889, %swap3A_1890, %swap3A_1891] {strides = array<i32>} : memref<2x16x1280xf32, #tpu.memory_space<vmem>>, vector<16xf32>,
        tpu.vector_store %arg13[%swap3A_1889, %swap3A_1890, %swap3A_1891], %add3A_1888 {strides = array<i32>} : memref<2x16x1280xf32, #tpu.memory_space<vmem>>, vector<16xf32>,
        %get3A_1893 = arith.index_cast %rem3A_1613 : i32 to index
        %get3A_1894 = arith.index_cast %scan3A_1855 : i32 to index
        %get3A_1895 = arith.constant 64 : index
        %get3A_1896 = tpu.vector_load %arg12[%get3A_1893, %get3A_1894, %get3A_1895] {strides = array<i32>} : memref<2x16x1280xf32, #tpu.memory_space<vmem>>, vector<16xf32>,
        %add3A_1897 = arith.addf %get3A_1896, %get3A_1643 : vector<16xf32>
        %swap3A_1898 = arith.index_cast %rem3A_1613 : i32 to index
        %swap3A_1899 = arith.index_cast %scan3A_1855 : i32 to index
        %swap3A_1900 = arith.constant 64 : index
        %swap3A_1901 = tpu.vector_load %arg13[%swap3A_1898, %swap3A_1899, %swap3A_1900] {strides = array<i32>} : memref<2x16x1280xf32, #tpu.memory_space<vmem>>, vector<16xf32>,
        tpu.vector_store %arg13[%swap3A_1898, %swap3A_1899, %swap3A_1900], %add3A_1897 {strides = array<i32>} : memref<2x16x1280xf32, #tpu.memory_space<vmem>>, vector<16xf32>,
        %get3A_1902 = arith.index_cast %rem3A_1613 : i32 to index
        %get3A_1903 = arith.index_cast %scan3A_1855 : i32 to index
        %get3A_1904 = arith.constant 80 : index
        %get3A_1905 = tpu.vector_load %arg12[%get3A_1902, %get3A_1903, %get3A_1904] {strides = array<i32>} : memref<2x16x1280xf32, #tpu.memory_space<vmem>>, vector<16xf32>,
        %add3A_1906 = arith.addf %get3A_1905, %get3A_1645 : vector<16xf32>
        %swap3A_1907 = arith.index_cast %rem3A_1613 : i32 to index
        %swap3A_1908 = arith.index_cast %scan3A_1855 : i32 to index
        %swap3A_1909 = arith.constant 80 : index
        %swap3A_1910 = tpu.vector_load %arg13[%swap3A_1907, %swap3A_1908, %swap3A_1909] {strides = array<i32>} : memref<2x16x1280xf32, #tpu.memory_space<vmem>>, vector<16xf32>,
        tpu.vector_store %arg13[%swap3A_1907, %swap3A_1908, %swap3A_1909], %add3A_1906 {strides = array<i32>} : memref<2x16x1280xf32, #tpu.memory_space<vmem>>, vector<16xf32>,
        %get3A_1911 = arith.index_cast %rem3A_1613 : i32 to index
        %get3A_1912 = arith.index_cast %scan3A_1855 : i32 to index
        %get3A_1913 = arith.constant 96 : index
        %get3A_1914 = tpu.vector_load %arg12[%get3A_1911, %get3A_1912, %get3A_1913] {strides = array<i32>} : memref<2x16x1280xf32, #tpu.memory_space<vmem>>, vector<16xf32>,
        %add3A_1915 = arith.addf %get3A_1914, %get3A_1647 : vector<16xf32>
        %swap3A_1916 = arith.index_cast %rem3A_1613 : i32 to index
        %swap3A_1917 = arith.index_cast %scan3A_1855 : i32 to index
        %swap3A_1918 = arith.constant 96 : index
        %swap3A_1919 = tpu.vector_load %arg13[%swap3A_1916, %swap3A_1917, %swap3A_1918] {strides = array<i32>} : memref<2x16x1280xf32, #tpu.memory_space<vmem>>, vector<16xf32>,
        tpu.vector_store %arg13[%swap3A_1916, %swap3A_1917, %swap3A_1918], %add3A_1915 {strides = array<i32>} : memref<2x16x1280xf32, #tpu.memory_space<vmem>>, vector<16xf32>,
        %get3A_1920 = arith.index_cast %rem3A_1613 : i32 to index
        %get3A_1921 = arith.index_cast %scan3A_1855 : i32 to index
        %get3A_1922 = arith.constant 112 : index
        %get3A_1923 = tpu.vector_load %arg12[%get3A_1920, %get3A_1921, %get3A_1922] {strides = array<i32>} : memref<2x16x1280xf32, #tpu.memory_space<vmem>>, vector<16xf32>,
        %add3A_1924 = arith.addf %get3A_1923, %get3A_1649 : vector<16xf32>
        %swap3A_1925 = arith.index_cast %rem3A_1613 : i32 to index
        %swap3A_1926 = arith.index_cast %scan3A_1855 : i32 to index
        %swap3A_1927 = arith.constant 112 : index
        %swap3A_1928 = tpu.vector_load %arg13[%swap3A_1925, %swap3A_1926, %swap3A_1927] {strides = array<i32>} : memref<2x16x1280xf32, #tpu.memory_space<vmem>>, vector<16xf32>,
        tpu.vector_store %arg13[%swap3A_1925, %swap3A_1926, %swap3A_1927], %add3A_1924 {strides = array<i32>} : memref<2x16x1280xf32, #tpu.memory_space<vmem>>, vector<16xf32>,
        %get3A_1929 = arith.index_cast %rem3A_1613 : i32 to index
        %get3A_1930 = arith.index_cast %scan3A_1855 : i32 to index
        %get3A_1931 = arith.constant 128 : index
        %get3A_1932 = tpu.vector_load %arg12[%get3A_1929, %get3A_1930, %get3A_1931] {strides = array<i32>} : memref<2x16x1280xf32, #tpu.memory_space<vmem>>, vector<16xf32>,
        %add3A_1933 = arith.addf %get3A_1932, %get3A_1651 : vector<16xf32>
        %swap3A_1934 = arith.index_cast %rem3A_1613 : i32 to index
        %swap3A_1935 = arith.index_cast %scan3A_1855 : i32 to index
        %swap3A_1936 = arith.constant 128 : index
        %swap3A_1937 = tpu.vector_load %arg13[%swap3A_1934, %swap3A_1935, %swap3A_1936] {strides = array<i32>} : memref<2x16x1280xf32, #tpu.memory_space<vmem>>, vector<16xf32>,
        tpu.vector_store %arg13[%swap3A_1934, %swap3A_1935, %swap3A_1936], %add3A_1933 {strides = array<i32>} : memref<2x16x1280xf32, #tpu.memory_space<vmem>>, vector<16xf32>,
        %get3A_1938 = arith.index_cast %rem3A_1613 : i32 to index
        %get3A_1939 = arith.index_cast %scan3A_1855 : i32 to index
        %get3A_1940 = arith.constant 144 : index
        %get3A_1941 = tpu.vector_load %arg12[%get3A_1938, %get3A_1939, %get3A_1940] {strides = array<i32>} : memref<2x16x1280xf32, #tpu.memory_space<vmem>>, vector<16xf32>,
        %add3A_1942 = arith.addf %get3A_1941, %get3A_1653 : vector<16xf32>
        %swap3A_1943 = arith.index_cast %rem3A_1613 : i32 to index
        %swap3A_1944 = arith.index_cast %scan3A_1855 : i32 to index
        %swap3A_1945 = arith.constant 144 : index
        %swap3A_1946 = tpu.vector_load %arg13[%swap3A_1943, %swap3A_1944, %swap3A_1945] {strides = array<i32>} : memref<2x16x1280xf32, #tpu.memory_space<vmem>>, vector<16xf32>,
        tpu.vector_store %arg13[%swap3A_1943, %swap3A_1944, %swap3A_1945], %add3A_1942 {strides = array<i32>} : memref<2x16x1280xf32, #tpu.memory_space<vmem>>, vector<16xf32>,
        %get3A_1947 = arith.index_cast %rem3A_1613 : i32 to index
        %get3A_1948 = arith.index_cast %scan3A_1855 : i32 to index
        %get3A_1949 = arith.constant 160 : index
        %get3A_1950 = tpu.vector_load %arg12[%get3A_1947, %get3A_1948, %get3A_1949] {strides = array<i32>} : memref<2x16x1280xf32, #tpu.memory_space<vmem>>, vector<16xf32>,
        %add3A_1951 = arith.addf %get3A_1950, %get3A_1655 : vector<16xf32>
        %swap3A_1952 = arith.index_cast %rem3A_1613 : i32 to index
        %swap3A_1953 = arith.index_cast %scan3A_1855 : i32 to index
        %swap3A_1954 = arith.constant 160 : index
        %swap3A_1955 = tpu.vector_load %arg13[%swap3A_1952, %swap3A_1953, %swap3A_1954] {strides = array<i32>} : memref<2x16x1280xf32, #tpu.memory_space<vmem>>, vector<16xf32>,
        tpu.vector_store %arg13[%swap3A_1952, %swap3A_1953, %swap3A_1954], %add3A_1951 {strides = array<i32>} : memref<2x16x1280xf32, #tpu.memory_space<vmem>>, vector<16xf32>,
        %get3A_1956 = arith.index_cast %rem3A_1613 : i32 to index
        %get3A_1957 = arith.index_cast %scan3A_1855 : i32 to index
        %get3A_1958 = arith.constant 176 : index
        %get3A_1959 = tpu.vector_load %arg12[%get3A_1956, %get3A_1957, %get3A_1958] {strides = array<i32>} : memref<2x16x1280xf32, #tpu.memory_space<vmem>>, vector<16xf32>,
        %add3A_1960 = arith.addf %get3A_1959, %get3A_1657 : vector<16xf32>
        %swap3A_1961 = arith.index_cast %rem3A_1613 : i32 to index
        %swap3A_1962 = arith.index_cast %scan3A_1855 : i32 to index
        %swap3A_1963 = arith.constant 176 : index
        %swap3A_1964 = tpu.vector_load %arg13[%swap3A_1961, %swap3A_1962, %swap3A_1963] {strides = array<i32>} : memref<2x16x1280xf32, #tpu.memory_space<vmem>>, vector<16xf32>,
        tpu.vector_store %arg13[%swap3A_1961, %swap3A_1962, %swap3A_1963], %add3A_1960 {strides = array<i32>} : memref<2x16x1280xf32, #tpu.memory_space<vmem>>, vector<16xf32>,
        %get3A_1965 = arith.index_cast %rem3A_1613 : i32 to index
        %get3A_1966 = arith.index_cast %scan3A_1855 : i32 to index
        %get3A_1967 = arith.constant 192 : index
        %get3A_1968 = tpu.vector_load %arg12[%get3A_1965, %get3A_1966, %get3A_1967] {strides = array<i32>} : memref<2x16x1280xf32, #tpu.memory_space<vmem>>, vector<16xf32>,
        %add3A_1969 = arith.addf %get3A_1968, %get3A_1659 : vector<16xf32>
        %swap3A_1970 = arith.index_cast %rem3A_1613 : i32 to index
        %swap3A_1971 = arith.index_cast %scan3A_1855 : i32 to index
        %swap3A_1972 = arith.constant 192 : index
        %swap3A_1973 = tpu.vector_load %arg13[%swap3A_1970, %swap3A_1971, %swap3A_1972] {strides = array<i32>} : memref<2x16x1280xf32, #tpu.memory_space<vmem>>, vector<16xf32>,
        tpu.vector_store %arg13[%swap3A_1970, %swap3A_1971, %swap3A_1972], %add3A_1969 {strides = array<i32>} : memref<2x16x1280xf32, #tpu.memory_space<vmem>>, vector<16xf32>,
        %get3A_1974 = arith.index_cast %rem3A_1613 : i32 to index
        %get3A_1975 = arith.index_cast %scan3A_1855 : i32 to index
        %get3A_1976 = arith.constant 208 : index
        %get3A_1977 = tpu.vector_load %arg12[%get3A_1974, %get3A_1975, %get3A_1976] {strides = array<i32>} : memref<2x16x1280xf32, #tpu.memory_space<vmem>>, vector<16xf32>,
        %add3A_1978 = arith.addf %get3A_1977, %get3A_1661 : vector<16xf32>
        %swap3A_1979 = arith.index_cast %rem3A_1613 : i32 to index
        %swap3A_1980 = arith.index_cast %scan3A_1855 : i32 to index
        %swap3A_1981 = arith.constant 208 : index
        %swap3A_1982 = tpu.vector_load %arg13[%swap3A_1979, %swap3A_1980, %swap3A_1981] {strides = array<i32>} : memref<2x16x1280xf32, #tpu.memory_space<vmem>>, vector<16xf32>,
        tpu.vector_store %arg13[%swap3A_1979, %swap3A_1980, %swap3A_1981], %add3A_1978 {strides = array<i32>} : memref<2x16x1280xf32, #tpu.memory_space<vmem>>, vector<16xf32>,
        %get3A_1983 = arith.index_cast %rem3A_1613 : i32 to index
        %get3A_1984 = arith.index_cast %scan3A_1855 : i32 to index
        %get3A_1985 = arith.constant 224 : index
        %get3A_1986 = tpu.vector_load %arg12[%get3A_1983, %get3A_1984, %get3A_1985] {strides = array<i32>} : memref<2x16x1280xf32, #tpu.memory_space<vmem>>, vector<16xf32>,
        %add3A_1987 = arith.addf %get3A_1986, %get3A_1663 : vector<16xf32>
        %swap3A_1988 = arith.index_cast %rem3A_1613 : i32 to index
        %swap3A_1989 = arith.index_cast %scan3A_1855 : i32 to index
        %swap3A_1990 = arith.constant 224 : index
        %swap3A_1991 = tpu.vector_load %arg13[%swap3A_1988, %swap3A_1989, %swap3A_1990] {strides = array<i32>} : memref<2x16x1280xf32, #tpu.memory_space<vmem>>, vector<16xf32>,
        tpu.vector_store %arg13[%swap3A_1988, %swap3A_1989, %swap3A_1990], %add3A_1987 {strides = array<i32>} : memref<2x16x1280xf32, #tpu.memory_space<vmem>>, vector<16xf32>,
        %get3A_1992 = arith.index_cast %rem3A_1613 : i32 to index
        %get3A_1993 = arith.index_cast %scan3A_1855 : i32 to index
        %get3A_1994 = arith.constant 240 : index
        %get3A_1995 = tpu.vector_load %arg12[%get3A_1992, %get3A_1993, %get3A_1994] {strides = array<i32>} : memref<2x16x1280xf32, #tpu.memory_space<vmem>>, vector<16xf32>,
        %add3A_1996 = arith.addf %get3A_1995, %get3A_1665 : vector<16xf32>
        %swap3A_1997 = arith.index_cast %rem3A_1613 : i32 to index
        %swap3A_1998 = arith.index_cast %scan3A_1855 : i32 to index
        %swap3A_1999 = arith.constant 240 : index
        %swap3A_2000 = tpu.vector_load %arg13[%swap3A_1997, %swap3A_1998, %swap3A_1999] {strides = array<i32>} : memref<2x16x1280xf32, #tpu.memory_space<vmem>>, vector<16xf32>,
        tpu.vector_store %arg13[%swap3A_1997, %swap3A_1998, %swap3A_1999], %add3A_1996 {strides = array<i32>} : memref<2x16x1280xf32, #tpu.memory_space<vmem>>, vector<16xf32>,
        %scan3A_2001 = arith.constant 0 : i32
        scf.yield %scan3A_2001 : i32
      }
      %scan3A_1672 = arith.constant 16 : i32
      %get3A_1673 = arith.constant 256 : index
      %get3A_1674 = tpu.vector_load %arg10[%get3A_1673] {strides = array<i32>} : memref<1280xf32, #tpu.memory_space<vmem>>, vector<16xf32>,
      %get3A_1675 = arith.constant 272 : index
      %get3A_1676 = tpu.vector_load %arg10[%get3A_1675] {strides = array<i32>} : memref<1280xf32, #tpu.memory_space<vmem>>, vector<16xf32>,
      %get3A_1677 = arith.constant 288 : index
      %get3A_1678 = tpu.vector_load %arg10[%get3A_1677] {strides = array<i32>} : memref<1280xf32, #tpu.memory_space<vmem>>, vector<16xf32>,
      %get3A_1679 = arith.constant 304 : index
      %get3A_1680 = tpu.vector_load %arg10[%get3A_1679] {strides = array<i32>} : memref<1280xf32, #tpu.memory_space<vmem>>, vector<16xf32>,
      %get3A_1681 = arith.constant 320 : index
      %get3A_1682 = tpu.vector_load %arg10[%get3A_1681] {strides = array<i32>} : memref<1280xf32, #tpu.memory_space<vmem>>, vector<16xf32>,
      %get3A_1683 = arith.constant 336 : index
      %get3A_1684 = tpu.vector_load %arg10[%get3A_1683] {strides = array<i32>} : memref<1280xf32, #tpu.memory_space<vmem>>, vector<16xf32>,
      %get3A_1685 = arith.constant 352 : index
      %get3A_1686 = tpu.vector_load %arg10[%get3A_1685] {strides = array<i32>} : memref<1280xf32, #tpu.memory_space<vmem>>, vector<16xf32>,
      %get3A_1687 = arith.constant 368 : index
      %get3A_1688 = tpu.vector_load %arg10[%get3A_1687] {strides = array<i32>} : memref<1280xf32, #tpu.memory_space<vmem>>, vector<16xf32>,
      %get3A_1689 = arith.constant 384 : index
      %get3A_1690 = tpu.vector_load %arg10[%get3A_1689] {strides = array<i32>} : memref<1280xf32, #tpu.memory_space<vmem>>, vector<16xf32>,
      %get3A_1691 = arith.constant 400 : index
      %get3A_1692 = tpu.vector_load %arg10[%get3A_1691] {strides = array<i32>} : memref<1280xf32, #tpu.memory_space<vmem>>, vector<16xf32>,
      %get3A_1693 = arith.constant 416 : index
      %get3A_1694 = tpu.vector_load %arg10[%get3A_1693] {strides = array<i32>} : memref<1280xf32, #tpu.memory_space<vmem>>, vector<16xf32>,
      %get3A_1695 = arith.constant 432 : index
      %get3A_1696 = tpu.vector_load %arg10[%get3A_1695] {strides = array<i32>} : memref<1280xf32, #tpu.memory_space<vmem>>, vector<16xf32>,
      %get3A_1697 = arith.constant 448 : index
      %get3A_1698 = tpu.vector_load %arg10[%get3A_1697] {strides = array<i32>} : memref<1280xf32, #tpu.memory_space<vmem>>, vector<16xf32>,
      %get3A_1699 = arith.constant 464 : index
      %get3A_1700 = tpu.vector_load %arg10[%get3A_1699] {strides = array<i32>} : memref<1280xf32, #tpu.memory_space<vmem>>, vector<16xf32>,
      %get3A_1701 = arith.constant 480 : index
      %get3A_1702 = tpu.vector_load %arg10[%get3A_1701] {strides = array<i32>} : memref<1280xf32, #tpu.memory_space<vmem>>, vector<16xf32>,
      %get3A_1703 = arith.constant 496 : index
      %get3A_1704 = tpu.vector_load %arg10[%get3A_1703] {strides = array<i32>} : memref<1280xf32, #tpu.memory_space<vmem>>, vector<16xf32>,
      %scan3A_1705 = arith.constant 0 : i32
      %scan3A_1706 = arith.constant 0 : i32
      %scan3A_1707 = arith.constant 16 : i32
      %scan3A_1708 = arith.addi %scan3A_1706, %scan3A_1707 : i32
      %scan3A_1709 = arith.constant 1 : i32
      %scan3A_1710 = scf.for %scan3A_1855 = %scan3A_1706 to %scan3A_1708 step %scan3A_1709 iter_args(%scan3A_1856 = %scan3A_1705) -> (i32)  : i32 {
        %get3A_1857 = arith.index_cast %rem3A_1613 : i32 to index
        %get3A_1858 = arith.index_cast %scan3A_1855 : i32 to index
        %get3A_1859 = arith.constant 256 : index
        %get3A_1860 = tpu.vector_load %arg12[%get3A_1857, %get3A_1858, %get3A_1859] {strides = array<i32>} : memref<2x16x1280xf32, #tpu.memory_space<vmem>>, vector<16xf32>,
        %add3A_1861 = arith.addf %get3A_1860, %get3A_1674 : vector<16xf32>
        %swap3A_1862 = arith.index_cast %rem3A_1613 : i32 to index
        %swap3A_1863 = arith.index_cast %scan3A_1855 : i32 to index
        %swap3A_1864 = arith.constant 256 : index
        %swap3A_1865 = tpu.vector_load %arg13[%swap3A_1862, %swap3A_1863, %swap3A_1864] {strides = array<i32>} : memref<2x16x1280xf32, #tpu.memory_space<vmem>>, vector<16xf32>,
        tpu.vector_store %arg13[%swap3A_1862, %swap3A_1863, %swap3A_1864], %add3A_1861 {strides = array<i32>} : memref<2x16x1280xf32, #tpu.memory_space<vmem>>, vector<16xf32>,
        %get3A_1866 = arith.index_cast %rem3A_1613 : i32 to index
        %get3A_1867 = arith.index_cast %scan3A_1855 : i32 to index
        %get3A_1868 = arith.constant 272 : index
        %get3A_1869 = tpu.vector_load %arg12[%get3A_1866, %get3A_1867, %get3A_1868] {strides = array<i32>} : memref<2x16x1280xf32, #tpu.memory_space<vmem>>, vector<16xf32>,
        %add3A_1870 = arith.addf %get3A_1869, %get3A_1676 : vector<16xf32>
        %swap3A_1871 = arith.index_cast %rem3A_1613 : i32 to index
        %swap3A_1872 = arith.index_cast %scan3A_1855 : i32 to index
        %swap3A_1873 = arith.constant 272 : index
        %swap3A_1874 = tpu.vector_load %arg13[%swap3A_1871, %swap3A_1872, %swap3A_1873] {strides = array<i32>} : memref<2x16x1280xf32, #tpu.memory_space<vmem>>, vector<16xf32>,
        tpu.vector_store %arg13[%swap3A_1871, %swap3A_1872, %swap3A_1873], %add3A_1870 {strides = array<i32>} : memref<2x16x1280xf32, #tpu.memory_space<vmem>>, vector<16xf32>,
        %get3A_1875 = arith.index_cast %rem3A_1613 : i32 to index
        %get3A_1876 = arith.index_cast %scan3A_1855 : i32 to index
        %get3A_1877 = arith.constant 288 : index
        %get3A_1878 = tpu.vector_load %arg12[%get3A_1875, %get3A_1876, %get3A_1877] {strides = array<i32>} : memref<2x16x1280xf32, #tpu.memory_space<vmem>>, vector<16xf32>,
        %add3A_1879 = arith.addf %get3A_1878, %get3A_1678 : vector<16xf32>
        %swap3A_1880 = arith.index_cast %rem3A_1613 : i32 to index
        %swap3A_1881 = arith.index_cast %scan3A_1855 : i32 to index
        %swap3A_1882 = arith.constant 288 : index
        %swap3A_1883 = tpu.vector_load %arg13[%swap3A_1880, %swap3A_1881, %swap3A_1882] {strides = array<i32>} : memref<2x16x1280xf32, #tpu.memory_space<vmem>>, vector<16xf32>,
        tpu.vector_store %arg13[%swap3A_1880, %swap3A_1881, %swap3A_1882], %add3A_1879 {strides = array<i32>} : memref<2x16x1280xf32, #tpu.memory_space<vmem>>, vector<16xf32>,
        %get3A_1884 = arith.index_cast %rem3A_1613 : i32 to index
        %get3A_1885 = arith.index_cast %scan3A_1855 : i32 to index
        %get3A_1886 = arith.constant 304 : index
        %get3A_1887 = tpu.vector_load %arg12[%get3A_1884, %get3A_1885, %get3A_1886] {strides = array<i32>} : memref<2x16x1280xf32, #tpu.memory_space<vmem>>, vector<16xf32>,
        %add3A_1888 = arith.addf %get3A_1887, %get3A_1680 : vector<16xf32>
        %swap3A_1889 = arith.index_cast %rem3A_1613 : i32 to index
        %swap3A_1890 = arith.index_cast %scan3A_1855 : i32 to index
        %swap3A_1891 = arith.constant 304 : index
        %swap3A_1892 = tpu.vector_load %arg13[%swap3A_1889, %swap3A_1890, %swap3A_1891] {strides = array<i32>} : memref<2x16x1280xf32, #tpu.memory_space<vmem>>, vector<16xf32>,
        tpu.vector_store %arg13[%swap3A_1889, %swap3A_1890, %swap3A_1891], %add3A_1888 {strides = array<i32>} : memref<2x16x1280xf32, #tpu.memory_space<vmem>>, vector<16xf32>,
        %get3A_1893 = arith.index_cast %rem3A_1613 : i32 to index
        %get3A_1894 = arith.index_cast %scan3A_1855 : i32 to index
        %get3A_1895 = arith.constant 320 : index
        %get3A_1896 = tpu.vector_load %arg12[%get3A_1893, %get3A_1894, %get3A_1895] {strides = array<i32>} : memref<2x16x1280xf32, #tpu.memory_space<vmem>>, vector<16xf32>,
        %add3A_1897 = arith.addf %get3A_1896, %get3A_1682 : vector<16xf32>
        %swap3A_1898 = arith.index_cast %rem3A_1613 : i32 to index
        %swap3A_1899 = arith.index_cast %scan3A_1855 : i32 to index
        %swap3A_1900 = arith.constant 320 : index
        %swap3A_1901 = tpu.vector_load %arg13[%swap3A_1898, %swap3A_1899, %swap3A_1900] {strides = array<i32>} : memref<2x16x1280xf32, #tpu.memory_space<vmem>>, vector<16xf32>,
        tpu.vector_store %arg13[%swap3A_1898, %swap3A_1899, %swap3A_1900], %add3A_1897 {strides = array<i32>} : memref<2x16x1280xf32, #tpu.memory_space<vmem>>, vector<16xf32>,
        %get3A_1902 = arith.index_cast %rem3A_1613 : i32 to index
        %get3A_1903 = arith.index_cast %scan3A_1855 : i32 to index
        %get3A_1904 = arith.constant 336 : index
        %get3A_1905 = tpu.vector_load %arg12[%get3A_1902, %get3A_1903, %get3A_1904] {strides = array<i32>} : memref<2x16x1280xf32, #tpu.memory_space<vmem>>, vector<16xf32>,
        %add3A_1906 = arith.addf %get3A_1905, %get3A_1684 : vector<16xf32>
        %swap3A_1907 = arith.index_cast %rem3A_1613 : i32 to index
        %swap3A_1908 = arith.index_cast %scan3A_1855 : i32 to index
        %swap3A_1909 = arith.constant 336 : index
        %swap3A_1910 = tpu.vector_load %arg13[%swap3A_1907, %swap3A_1908, %swap3A_1909] {strides = array<i32>} : memref<2x16x1280xf32, #tpu.memory_space<vmem>>, vector<16xf32>,
        tpu.vector_store %arg13[%swap3A_1907, %swap3A_1908, %swap3A_1909], %add3A_1906 {strides = array<i32>} : memref<2x16x1280xf32, #tpu.memory_space<vmem>>, vector<16xf32>,
        %get3A_1911 = arith.index_cast %rem3A_1613 : i32 to index
        %get3A_1912 = arith.index_cast %scan3A_1855 : i32 to index
        %get3A_1913 = arith.constant 352 : index
        %get3A_1914 = tpu.vector_load %arg12[%get3A_1911, %get3A_1912, %get3A_1913] {strides = array<i32>} : memref<2x16x1280xf32, #tpu.memory_space<vmem>>, vector<16xf32>,
        %add3A_1915 = arith.addf %get3A_1914, %get3A_1686 : vector<16xf32>
        %swap3A_1916 = arith.index_cast %rem3A_1613 : i32 to index
        %swap3A_1917 = arith.index_cast %scan3A_1855 : i32 to index
        %swap3A_1918 = arith.constant 352 : index
        %swap3A_1919 = tpu.vector_load %arg13[%swap3A_1916, %swap3A_1917, %swap3A_1918] {strides = array<i32>} : memref<2x16x1280xf32, #tpu.memory_space<vmem>>, vector<16xf32>,
        tpu.vector_store %arg13[%swap3A_1916, %swap3A_1917, %swap3A_1918], %add3A_1915 {strides = array<i32>} : memref<2x16x1280xf32, #tpu.memory_space<vmem>>, vector<16xf32>,
        %get3A_1920 = arith.index_cast %rem3A_1613 : i32 to index
        %get3A_1921 = arith.index_cast %scan3A_1855 : i32 to index
        %get3A_1922 = arith.constant 368 : index
        %get3A_1923 = tpu.vector_load %arg12[%get3A_1920, %get3A_1921, %get3A_1922] {strides = array<i32>} : memref<2x16x1280xf32, #tpu.memory_space<vmem>>, vector<16xf32>,
        %add3A_1924 = arith.addf %get3A_1923, %get3A_1688 : vector<16xf32>
        %swap3A_1925 = arith.index_cast %rem3A_1613 : i32 to index
        %swap3A_1926 = arith.index_cast %scan3A_1855 : i32 to index
        %swap3A_1927 = arith.constant 368 : index
        %swap3A_1928 = tpu.vector_load %arg13[%swap3A_1925, %swap3A_1926, %swap3A_1927] {strides = array<i32>} : memref<2x16x1280xf32, #tpu.memory_space<vmem>>, vector<16xf32>,
        tpu.vector_store %arg13[%swap3A_1925, %swap3A_1926, %swap3A_1927], %add3A_1924 {strides = array<i32>} : memref<2x16x1280xf32, #tpu.memory_space<vmem>>, vector<16xf32>,
        %get3A_1929 = arith.index_cast %rem3A_1613 : i32 to index
        %get3A_1930 = arith.index_cast %scan3A_1855 : i32 to index
        %get3A_1931 = arith.constant 384 : index
        %get3A_1932 = tpu.vector_load %arg12[%get3A_1929, %get3A_1930, %get3A_1931] {strides = array<i32>} : memref<2x16x1280xf32, #tpu.memory_space<vmem>>, vector<16xf32>,
        %add3A_1933 = arith.addf %get3A_1932, %get3A_1690 : vector<16xf32>
        %swap3A_1934 = arith.index_cast %rem3A_1613 : i32 to index
        %swap3A_1935 = arith.index_cast %scan3A_1855 : i32 to index
        %swap3A_1936 = arith.constant 384 : index
        %swap3A_1937 = tpu.vector_load %arg13[%swap3A_1934, %swap3A_1935, %swap3A_1936] {strides = array<i32>} : memref<2x16x1280xf32, #tpu.memory_space<vmem>>, vector<16xf32>,
        tpu.vector_store %arg13[%swap3A_1934, %swap3A_1935, %swap3A_1936], %add3A_1933 {strides = array<i32>} : memref<2x16x1280xf32, #tpu.memory_space<vmem>>, vector<16xf32>,
        %get3A_1938 = arith.index_cast %rem3A_1613 : i32 to index
        %get3A_1939 = arith.index_cast %scan3A_1855 : i32 to index
        %get3A_1940 = arith.constant 400 : index
        %get3A_1941 = tpu.vector_load %arg12[%get3A_1938, %get3A_1939, %get3A_1940] {strides = array<i32>} : memref<2x16x1280xf32, #tpu.memory_space<vmem>>, vector<16xf32>,
        %add3A_1942 = arith.addf %get3A_1941, %get3A_1692 : vector<16xf32>
        %swap3A_1943 = arith.index_cast %rem3A_1613 : i32 to index
        %swap3A_1944 = arith.index_cast %scan3A_1855 : i32 to index
        %swap3A_1945 = arith.constant 400 : index
        %swap3A_1946 = tpu.vector_load %arg13[%swap3A_1943, %swap3A_1944, %swap3A_1945] {strides = array<i32>} : memref<2x16x1280xf32, #tpu.memory_space<vmem>>, vector<16xf32>,
        tpu.vector_store %arg13[%swap3A_1943, %swap3A_1944, %swap3A_1945], %add3A_1942 {strides = array<i32>} : memref<2x16x1280xf32, #tpu.memory_space<vmem>>, vector<16xf32>,
        %get3A_1947 = arith.index_cast %rem3A_1613 : i32 to index
        %get3A_1948 = arith.index_cast %scan3A_1855 : i32 to index
        %get3A_1949 = arith.constant 416 : index
        %get3A_1950 = tpu.vector_load %arg12[%get3A_1947, %get3A_1948, %get3A_1949] {strides = array<i32>} : memref<2x16x1280xf32, #tpu.memory_space<vmem>>, vector<16xf32>,
        %add3A_1951 = arith.addf %get3A_1950, %get3A_1694 : vector<16xf32>
        %swap3A_1952 = arith.index_cast %rem3A_1613 : i32 to index
        %swap3A_1953 = arith.index_cast %scan3A_1855 : i32 to index
        %swap3A_1954 = arith.constant 416 : index
        %swap3A_1955 = tpu.vector_load %arg13[%swap3A_1952, %swap3A_1953, %swap3A_1954] {strides = array<i32>} : memref<2x16x1280xf32, #tpu.memory_space<vmem>>, vector<16xf32>,
        tpu.vector_store %arg13[%swap3A_1952, %swap3A_1953, %swap3A_1954], %add3A_1951 {strides = array<i32>} : memref<2x16x1280xf32, #tpu.memory_space<vmem>>, vector<16xf32>,
        %get3A_1956 = arith.index_cast %rem3A_1613 : i32 to index
        %get3A_1957 = arith.index_cast %scan3A_1855 : i32 to index
        %get3A_1958 = arith.constant 432 : index
        %get3A_1959 = tpu.vector_load %arg12[%get3A_1956, %get3A_1957, %get3A_1958] {strides = array<i32>} : memref<2x16x1280xf32, #tpu.memory_space<vmem>>, vector<16xf32>,
        %add3A_1960 = arith.addf %get3A_1959, %get3A_1696 : vector<16xf32>
        %swap3A_1961 = arith.index_cast %rem3A_1613 : i32 to index
        %swap3A_1962 = arith.index_cast %scan3A_1855 : i32 to index
        %swap3A_1963 = arith.constant 432 : index
        %swap3A_1964 = tpu.vector_load %arg13[%swap3A_1961, %swap3A_1962, %swap3A_1963] {strides = array<i32>} : memref<2x16x1280xf32, #tpu.memory_space<vmem>>, vector<16xf32>,
        tpu.vector_store %arg13[%swap3A_1961, %swap3A_1962, %swap3A_1963], %add3A_1960 {strides = array<i32>} : memref<2x16x1280xf32, #tpu.memory_space<vmem>>, vector<16xf32>,
        %get3A_1965 = arith.index_cast %rem3A_1613 : i32 to index
        %get3A_1966 = arith.index_cast %scan3A_1855 : i32 to index
        %get3A_1967 = arith.constant 448 : index
        %get3A_1968 = tpu.vector_load %arg12[%get3A_1965, %get3A_1966, %get3A_1967] {strides = array<i32>} : memref<2x16x1280xf32, #tpu.memory_space<vmem>>, vector<16xf32>,
        %add3A_1969 = arith.addf %get3A_1968, %get3A_1698 : vector<16xf32>
        %swap3A_1970 = arith.index_cast %rem3A_1613 : i32 to index
        %swap3A_1971 = arith.index_cast %scan3A_1855 : i32 to index
        %swap3A_1972 = arith.constant 448 : index
        %swap3A_1973 = tpu.vector_load %arg13[%swap3A_1970, %swap3A_1971, %swap3A_1972] {strides = array<i32>} : memref<2x16x1280xf32, #tpu.memory_space<vmem>>, vector<16xf32>,
        tpu.vector_store %arg13[%swap3A_1970, %swap3A_1971, %swap3A_1972], %add3A_1969 {strides = array<i32>} : memref<2x16x1280xf32, #tpu.memory_space<vmem>>, vector<16xf32>,
        %get3A_1974 = arith.index_cast %rem3A_1613 : i32 to index
        %get3A_1975 = arith.index_cast %scan3A_1855 : i32 to index
        %get3A_1976 = arith.constant 464 : index
        %get3A_1977 = tpu.vector_load %arg12[%get3A_1974, %get3A_1975, %get3A_1976] {strides = array<i32>} : memref<2x16x1280xf32, #tpu.memory_space<vmem>>, vector<16xf32>,
        %add3A_1978 = arith.addf %get3A_1977, %get3A_1700 : vector<16xf32>
        %swap3A_1979 = arith.index_cast %rem3A_1613 : i32 to index
        %swap3A_1980 = arith.index_cast %scan3A_1855 : i32 to index
        %swap3A_1981 = arith.constant 464 : index
        %swap3A_1982 = tpu.vector_load %arg13[%swap3A_1979, %swap3A_1980, %swap3A_1981] {strides = array<i32>} : memref<2x16x1280xf32, #tpu.memory_space<vmem>>, vector<16xf32>,
        tpu.vector_store %arg13[%swap3A_1979, %swap3A_1980, %swap3A_1981], %add3A_1978 {strides = array<i32>} : memref<2x16x1280xf32, #tpu.memory_space<vmem>>, vector<16xf32>,
        %get3A_1983 = arith.index_cast %rem3A_1613 : i32 to index
        %get3A_1984 = arith.index_cast %scan3A_1855 : i32 to index
        %get3A_1985 = arith.constant 480 : index
        %get3A_1986 = tpu.vector_load %arg12[%get3A_1983, %get3A_1984, %get3A_1985] {strides = array<i32>} : memref<2x16x1280xf32, #tpu.memory_space<vmem>>, vector<16xf32>,
        %add3A_1987 = arith.addf %get3A_1986, %get3A_1702 : vector<16xf32>
        %swap3A_1988 = arith.index_cast %rem3A_1613 : i32 to index
        %swap3A_1989 = arith.index_cast %scan3A_1855 : i32 to index
        %swap3A_1990 = arith.constant 480 : index
        %swap3A_1991 = tpu.vector_load %arg13[%swap3A_1988, %swap3A_1989, %swap3A_1990] {strides = array<i32>} : memref<2x16x1280xf32, #tpu.memory_space<vmem>>, vector<16xf32>,
        tpu.vector_store %arg13[%swap3A_1988, %swap3A_1989, %swap3A_1990], %add3A_1987 {strides = array<i32>} : memref<2x16x1280xf32, #tpu.memory_space<vmem>>, vector<16xf32>,
        %get3A_1992 = arith.index_cast %rem3A_1613 : i32 to index
        %get3A_1993 = arith.index_cast %scan3A_1855 : i32 to index
        %get3A_1994 = arith.constant 496 : index
        %get3A_1995 = tpu.vector_load %arg12[%get3A_1992, %get3A_1993, %get3A_1994] {strides = array<i32>} : memref<2x16x1280xf32, #tpu.memory_space<vmem>>, vector<16xf32>,
        %add3A_1996 = arith.addf %get3A_1995, %get3A_1704 : vector<16xf32>
        %swap3A_1997 = arith.index_cast %rem3A_1613 : i32 to index
        %swap3A_1998 = arith.index_cast %scan3A_1855 : i32 to index
        %swap3A_1999 = arith.constant 496 : index
        %swap3A_2000 = tpu.vector_load %arg13[%swap3A_1997, %swap3A_1998, %swap3A_1999] {strides = array<i32>} : memref<2x16x1280xf32, #tpu.memory_space<vmem>>, vector<16xf32>,
        tpu.vector_store %arg13[%swap3A_1997, %swap3A_1998, %swap3A_1999], %add3A_1996 {strides = array<i32>} : memref<2x16x1280xf32, #tpu.memory_space<vmem>>, vector<16xf32>,
        %scan3A_2001 = arith.constant 0 : i32
        scf.yield %scan3A_2001 : i32
      }
      %scan3A_1711 = arith.constant 16 : i32
      %get3A_1712 = arith.constant 512 : index
      %get3A_1713 = tpu.vector_load %arg10[%get3A_1712] {strides = array<i32>} : memref<1280xf32, #tpu.memory_space<vmem>>, vector<16xf32>,
      %get3A_1714 = arith.constant 528 : index
      %get3A_1715 = tpu.vector_load %arg10[%get3A_1714] {strides = array<i32>} : memref<1280xf32, #tpu.memory_space<vmem>>, vector<16xf32>,
      %get3A_1716 = arith.constant 544 : index
      %get3A_1717 = tpu.vector_load %arg10[%get3A_1716] {strides = array<i32>} : memref<1280xf32, #tpu.memory_space<vmem>>, vector<16xf32>,
      %get3A_1718 = arith.constant 560 : index
      %get3A_1719 = tpu.vector_load %arg10[%get3A_1718] {strides = array<i32>} : memref<1280xf32, #tpu.memory_space<vmem>>, vector<16xf32>,
      %get3A_1720 = arith.constant 576 : index
      %get3A_1721 = tpu.vector_load %arg10[%get3A_1720] {strides = array<i32>} : memref<1280xf32, #tpu.memory_space<vmem>>, vector<16xf32>,
      %get3A_1722 = arith.constant 592 : index
      %get3A_1723 = tpu.vector_load %arg10[%get3A_1722] {strides = array<i32>} : memref<1280xf32, #tpu.memory_space<vmem>>, vector<16xf32>,
      %get3A_1724 = arith.constant 608 : index
      %get3A_1725 = tpu.vector_load %arg10[%get3A_1724] {strides = array<i32>} : memref<1280xf32, #tpu.memory_space<vmem>>, vector<16xf32>,
      %get3A_1726 = arith.constant 624 : index
      %get3A_1727 = tpu.vector_load %arg10[%get3A_1726] {strides = array<i32>} : memref<1280xf32, #tpu.memory_space<vmem>>, vector<16xf32>,
      %get3A_1728 = arith.constant 640 : index
      %get3A_1729 = tpu.vector_load %arg10[%get3A_1728] {strides = array<i32>} : memref<1280xf32, #tpu.memory_space<vmem>>, vector<16xf32>,
      %get3A_1730 = arith.constant 656 : index
      %get3A_1731 = tpu.vector_load %arg10[%get3A_1730] {strides = array<i32>} : memref<1280xf32, #tpu.memory_space<vmem>>, vector<16xf32>,
      %get3A_1732 = arith.constant 672 : index
      %get3A_1733 = tpu.vector_load %arg10[%get3A_1732] {strides = array<i32>} : memref<1280xf32, #tpu.memory_space<vmem>>, vector<16xf32>,
      %get3A_1734 = arith.constant 688 : index
      %get3A_1735 = tpu.vector_load %arg10[%get3A_1734] {strides = array<i32>} : memref<1280xf32, #tpu.memory_space<vmem>>, vector<16xf32>,
      %get3A_1736 = arith.constant 704 : index
      %get3A_1737 = tpu.vector_load %arg10[%get3A_1736] {strides = array<i32>} : memref<1280xf32, #tpu.memory_space<vmem>>, vector<16xf32>,
      %get3A_1738 = arith.constant 720 : index
      %get3A_1739 = tpu.vector_load %arg10[%get3A_1738] {strides = array<i32>} : memref<1280xf32, #tpu.memory_space<vmem>>, vector<16xf32>,
      %get3A_1740 = arith.constant 736 : index
      %get3A_1741 = tpu.vector_load %arg10[%get3A_1740] {strides = array<i32>} : memref<1280xf32, #tpu.memory_space<vmem>>, vector<16xf32>,
      %get3A_1742 = arith.constant 752 : index
      %get3A_1743 = tpu.vector_load %arg10[%get3A_1742] {strides = array<i32>} : memref<1280xf32, #tpu.memory_space<vmem>>, vector<16xf32>,
      %scan3A_1744 = arith.constant 0 : i32
      %scan3A_1745 = arith.constant 0 : i32
      %scan3A_1746 = arith.constant 16 : i32
      %scan3A_1747 = arith.addi %scan3A_1745, %scan3A_1746 : i32
      %scan3A_1748 = arith.constant 1 : i32
      %scan3A_1749 = scf.for %scan3A_1855 = %scan3A_1745 to %scan3A_1747 step %scan3A_1748 iter_args(%scan3A_1856 = %scan3A_1744) -> (i32)  : i32 {
        %get3A_1857 = arith.index_cast %rem3A_1613 : i32 to index
        %get3A_1858 = arith.index_cast %scan3A_1855 : i32 to index
        %get3A_1859 = arith.constant 512 : index
        %get3A_1860 = tpu.vector_load %arg12[%get3A_1857, %get3A_1858, %get3A_1859] {strides = array<i32>} : memref<2x16x1280xf32, #tpu.memory_space<vmem>>, vector<16xf32>,
        %add3A_1861 = arith.addf %get3A_1860, %get3A_1713 : vector<16xf32>
        %swap3A_1862 = arith.index_cast %rem3A_1613 : i32 to index
        %swap3A_1863 = arith.index_cast %scan3A_1855 : i32 to index
        %swap3A_1864 = arith.constant 512 : index
        %swap3A_1865 = tpu.vector_load %arg13[%swap3A_1862, %swap3A_1863, %swap3A_1864] {strides = array<i32>} : memref<2x16x1280xf32, #tpu.memory_space<vmem>>, vector<16xf32>,
        tpu.vector_store %arg13[%swap3A_1862, %swap3A_1863, %swap3A_1864], %add3A_1861 {strides = array<i32>} : memref<2x16x1280xf32, #tpu.memory_space<vmem>>, vector<16xf32>,
        %get3A_1866 = arith.index_cast %rem3A_1613 : i32 to index
        %get3A_1867 = arith.index_cast %scan3A_1855 : i32 to index
        %get3A_1868 = arith.constant 528 : index
        %get3A_1869 = tpu.vector_load %arg12[%get3A_1866, %get3A_1867, %get3A_1868] {strides = array<i32>} : memref<2x16x1280xf32, #tpu.memory_space<vmem>>, vector<16xf32>,
        %add3A_1870 = arith.addf %get3A_1869, %get3A_1715 : vector<16xf32>
        %swap3A_1871 = arith.index_cast %rem3A_1613 : i32 to index
        %swap3A_1872 = arith.index_cast %scan3A_1855 : i32 to index
        %swap3A_1873 = arith.constant 528 : index
        %swap3A_1874 = tpu.vector_load %arg13[%swap3A_1871, %swap3A_1872, %swap3A_1873] {strides = array<i32>} : memref<2x16x1280xf32, #tpu.memory_space<vmem>>, vector<16xf32>,
        tpu.vector_store %arg13[%swap3A_1871, %swap3A_1872, %swap3A_1873], %add3A_1870 {strides = array<i32>} : memref<2x16x1280xf32, #tpu.memory_space<vmem>>, vector<16xf32>,
        %get3A_1875 = arith.index_cast %rem3A_1613 : i32 to index
        %get3A_1876 = arith.index_cast %scan3A_1855 : i32 to index
        %get3A_1877 = arith.constant 544 : index
        %get3A_1878 = tpu.vector_load %arg12[%get3A_1875, %get3A_1876, %get3A_1877] {strides = array<i32>} : memref<2x16x1280xf32, #tpu.memory_space<vmem>>, vector<16xf32>,
        %add3A_1879 = arith.addf %get3A_1878, %get3A_1717 : vector<16xf32>
        %swap3A_1880 = arith.index_cast %rem3A_1613 : i32 to index
        %swap3A_1881 = arith.index_cast %scan3A_1855 : i32 to index
        %swap3A_1882 = arith.constant 544 : index
        %swap3A_1883 = tpu.vector_load %arg13[%swap3A_1880, %swap3A_1881, %swap3A_1882] {strides = array<i32>} : memref<2x16x1280xf32, #tpu.memory_space<vmem>>, vector<16xf32>,
        tpu.vector_store %arg13[%swap3A_1880, %swap3A_1881, %swap3A_1882], %add3A_1879 {strides = array<i32>} : memref<2x16x1280xf32, #tpu.memory_space<vmem>>, vector<16xf32>,
        %get3A_1884 = arith.index_cast %rem3A_1613 : i32 to index
        %get3A_1885 = arith.index_cast %scan3A_1855 : i32 to index
        %get3A_1886 = arith.constant 560 : index
        %get3A_1887 = tpu.vector_load %arg12[%get3A_1884, %get3A_1885, %get3A_1886] {strides = array<i32>} : memref<2x16x1280xf32, #tpu.memory_space<vmem>>, vector<16xf32>,
        %add3A_1888 = arith.addf %get3A_1887, %get3A_1719 : vector<16xf32>
        %swap3A_1889 = arith.index_cast %rem3A_1613 : i32 to index
        %swap3A_1890 = arith.index_cast %scan3A_1855 : i32 to index
        %swap3A_1891 = arith.constant 560 : index
        %swap3A_1892 = tpu.vector_load %arg13[%swap3A_1889, %swap3A_1890, %swap3A_1891] {strides = array<i32>} : memref<2x16x1280xf32, #tpu.memory_space<vmem>>, vector<16xf32>,
        tpu.vector_store %arg13[%swap3A_1889, %swap3A_1890, %swap3A_1891], %add3A_1888 {strides = array<i32>} : memref<2x16x1280xf32, #tpu.memory_space<vmem>>, vector<16xf32>,
        %get3A_1893 = arith.index_cast %rem3A_1613 : i32 to index
        %get3A_1894 = arith.index_cast %scan3A_1855 : i32 to index
        %get3A_1895 = arith.constant 576 : index
        %get3A_1896 = tpu.vector_load %arg12[%get3A_1893, %get3A_1894, %get3A_1895] {strides = array<i32>} : memref<2x16x1280xf32, #tpu.memory_space<vmem>>, vector<16xf32>,
        %add3A_1897 = arith.addf %get3A_1896, %get3A_1721 : vector<16xf32>
        %swap3A_1898 = arith.index_cast %rem3A_1613 : i32 to index
        %swap3A_1899 = arith.index_cast %scan3A_1855 : i32 to index
        %swap3A_1900 = arith.constant 576 : index
        %swap3A_1901 = tpu.vector_load %arg13[%swap3A_1898, %swap3A_1899, %swap3A_1900] {strides = array<i32>} : memref<2x16x1280xf32, #tpu.memory_space<vmem>>, vector<16xf32>,
        tpu.vector_store %arg13[%swap3A_1898, %swap3A_1899, %swap3A_1900], %add3A_1897 {strides = array<i32>} : memref<2x16x1280xf32, #tpu.memory_space<vmem>>, vector<16xf32>,
        %get3A_1902 = arith.index_cast %rem3A_1613 : i32 to index
        %get3A_1903 = arith.index_cast %scan3A_1855 : i32 to index
        %get3A_1904 = arith.constant 592 : index
        %get3A_1905 = tpu.vector_load %arg12[%get3A_1902, %get3A_1903, %get3A_1904] {strides = array<i32>} : memref<2x16x1280xf32, #tpu.memory_space<vmem>>, vector<16xf32>,
        %add3A_1906 = arith.addf %get3A_1905, %get3A_1723 : vector<16xf32>
        %swap3A_1907 = arith.index_cast %rem3A_1613 : i32 to index
        %swap3A_1908 = arith.index_cast %scan3A_1855 : i32 to index
        %swap3A_1909 = arith.constant 592 : index
        %swap3A_1910 = tpu.vector_load %arg13[%swap3A_1907, %swap3A_1908, %swap3A_1909] {strides = array<i32>} : memref<2x16x1280xf32, #tpu.memory_space<vmem>>, vector<16xf32>,
        tpu.vector_store %arg13[%swap3A_1907, %swap3A_1908, %swap3A_1909], %add3A_1906 {strides = array<i32>} : memref<2x16x1280xf32, #tpu.memory_space<vmem>>, vector<16xf32>,
        %get3A_1911 = arith.index_cast %rem3A_1613 : i32 to index
        %get3A_1912 = arith.index_cast %scan3A_1855 : i32 to index
        %get3A_1913 = arith.constant 608 : index
        %get3A_1914 = tpu.vector_load %arg12[%get3A_1911, %get3A_1912, %get3A_1913] {strides = array<i32>} : memref<2x16x1280xf32, #tpu.memory_space<vmem>>, vector<16xf32>,
        %add3A_1915 = arith.addf %get3A_1914, %get3A_1725 : vector<16xf32>
        %swap3A_1916 = arith.index_cast %rem3A_1613 : i32 to index
        %swap3A_1917 = arith.index_cast %scan3A_1855 : i32 to index
        %swap3A_1918 = arith.constant 608 : index
        %swap3A_1919 = tpu.vector_load %arg13[%swap3A_1916, %swap3A_1917, %swap3A_1918] {strides = array<i32>} : memref<2x16x1280xf32, #tpu.memory_space<vmem>>, vector<16xf32>,
        tpu.vector_store %arg13[%swap3A_1916, %swap3A_1917, %swap3A_1918], %add3A_1915 {strides = array<i32>} : memref<2x16x1280xf32, #tpu.memory_space<vmem>>, vector<16xf32>,
        %get3A_1920 = arith.index_cast %rem3A_1613 : i32 to index
        %get3A_1921 = arith.index_cast %scan3A_1855 : i32 to index
        %get3A_1922 = arith.constant 624 : index
        %get3A_1923 = tpu.vector_load %arg12[%get3A_1920, %get3A_1921, %get3A_1922] {strides = array<i32>} : memref<2x16x1280xf32, #tpu.memory_space<vmem>>, vector<16xf32>,
        %add3A_1924 = arith.addf %get3A_1923, %get3A_1727 : vector<16xf32>
        %swap3A_1925 = arith.index_cast %rem3A_1613 : i32 to index
        %swap3A_1926 = arith.index_cast %scan3A_1855 : i32 to index
        %swap3A_1927 = arith.constant 624 : index
        %swap3A_1928 = tpu.vector_load %arg13[%swap3A_1925, %swap3A_1926, %swap3A_1927] {strides = array<i32>} : memref<2x16x1280xf32, #tpu.memory_space<vmem>>, vector<16xf32>,
        tpu.vector_store %arg13[%swap3A_1925, %swap3A_1926, %swap3A_1927], %add3A_1924 {strides = array<i32>} : memref<2x16x1280xf32, #tpu.memory_space<vmem>>, vector<16xf32>,
        %get3A_1929 = arith.index_cast %rem3A_1613 : i32 to index
        %get3A_1930 = arith.index_cast %scan3A_1855 : i32 to index
        %get3A_1931 = arith.constant 640 : index
        %get3A_1932 = tpu.vector_load %arg12[%get3A_1929, %get3A_1930, %get3A_1931] {strides = array<i32>} : memref<2x16x1280xf32, #tpu.memory_space<vmem>>, vector<16xf32>,
        %add3A_1933 = arith.addf %get3A_1932, %get3A_1729 : vector<16xf32>
        %swap3A_1934 = arith.index_cast %rem3A_1613 : i32 to index
        %swap3A_1935 = arith.index_cast %scan3A_1855 : i32 to index
        %swap3A_1936 = arith.constant 640 : index
        %swap3A_1937 = tpu.vector_load %arg13[%swap3A_1934, %swap3A_1935, %swap3A_1936] {strides = array<i32>} : memref<2x16x1280xf32, #tpu.memory_space<vmem>>, vector<16xf32>,
        tpu.vector_store %arg13[%swap3A_1934, %swap3A_1935, %swap3A_1936], %add3A_1933 {strides = array<i32>} : memref<2x16x1280xf32, #tpu.memory_space<vmem>>, vector<16xf32>,
        %get3A_1938 = arith.index_cast %rem3A_1613 : i32 to index
        %get3A_1939 = arith.index_cast %scan3A_1855 : i32 to index
        %get3A_1940 = arith.constant 656 : index
        %get3A_1941 = tpu.vector_load %arg12[%get3A_1938, %get3A_1939, %get3A_1940] {strides = array<i32>} : memref<2x16x1280xf32, #tpu.memory_space<vmem>>, vector<16xf32>,
        %add3A_1942 = arith.addf %get3A_1941, %get3A_1731 : vector<16xf32>
        %swap3A_1943 = arith.index_cast %rem3A_1613 : i32 to index
        %swap3A_1944 = arith.index_cast %scan3A_1855 : i32 to index
        %swap3A_1945 = arith.constant 656 : index
        %swap3A_1946 = tpu.vector_load %arg13[%swap3A_1943, %swap3A_1944, %swap3A_1945] {strides = array<i32>} : memref<2x16x1280xf32, #tpu.memory_space<vmem>>, vector<16xf32>,
        tpu.vector_store %arg13[%swap3A_1943, %swap3A_1944, %swap3A_1945], %add3A_1942 {strides = array<i32>} : memref<2x16x1280xf32, #tpu.memory_space<vmem>>, vector<16xf32>,
        %get3A_1947 = arith.index_cast %rem3A_1613 : i32 to index
        %get3A_1948 = arith.index_cast %scan3A_1855 : i32 to index
        %get3A_1949 = arith.constant 672 : index
        %get3A_1950 = tpu.vector_load %arg12[%get3A_1947, %get3A_1948, %get3A_1949] {strides = array<i32>} : memref<2x16x1280xf32, #tpu.memory_space<vmem>>, vector<16xf32>,
        %add3A_1951 = arith.addf %get3A_1950, %get3A_1733 : vector<16xf32>
        %swap3A_1952 = arith.index_cast %rem3A_1613 : i32 to index
        %swap3A_1953 = arith.index_cast %scan3A_1855 : i32 to index
        %swap3A_1954 = arith.constant 672 : index
        %swap3A_1955 = tpu.vector_load %arg13[%swap3A_1952, %swap3A_1953, %swap3A_1954] {strides = array<i32>} : memref<2x16x1280xf32, #tpu.memory_space<vmem>>, vector<16xf32>,
        tpu.vector_store %arg13[%swap3A_1952, %swap3A_1953, %swap3A_1954], %add3A_1951 {strides = array<i32>} : memref<2x16x1280xf32, #tpu.memory_space<vmem>>, vector<16xf32>,
        %get3A_1956 = arith.index_cast %rem3A_1613 : i32 to index
        %get3A_1957 = arith.index_cast %scan3A_1855 : i32 to index
        %get3A_1958 = arith.constant 688 : index
        %get3A_1959 = tpu.vector_load %arg12[%get3A_1956, %get3A_1957, %get3A_1958] {strides = array<i32>} : memref<2x16x1280xf32, #tpu.memory_space<vmem>>, vector<16xf32>,
        %add3A_1960 = arith.addf %get3A_1959, %get3A_1735 : vector<16xf32>
        %swap3A_1961 = arith.index_cast %rem3A_1613 : i32 to index
        %swap3A_1962 = arith.index_cast %scan3A_1855 : i32 to index
        %swap3A_1963 = arith.constant 688 : index
        %swap3A_1964 = tpu.vector_load %arg13[%swap3A_1961, %swap3A_1962, %swap3A_1963] {strides = array<i32>} : memref<2x16x1280xf32, #tpu.memory_space<vmem>>, vector<16xf32>,
        tpu.vector_store %arg13[%swap3A_1961, %swap3A_1962, %swap3A_1963], %add3A_1960 {strides = array<i32>} : memref<2x16x1280xf32, #tpu.memory_space<vmem>>, vector<16xf32>,
        %get3A_1965 = arith.index_cast %rem3A_1613 : i32 to index
        %get3A_1966 = arith.index_cast %scan3A_1855 : i32 to index
        %get3A_1967 = arith.constant 704 : index
        %get3A_1968 = tpu.vector_load %arg12[%get3A_1965, %get3A_1966, %get3A_1967] {strides = array<i32>} : memref<2x16x1280xf32, #tpu.memory_space<vmem>>, vector<16xf32>,
        %add3A_1969 = arith.addf %get3A_1968, %get3A_1737 : vector<16xf32>
        %swap3A_1970 = arith.index_cast %rem3A_1613 : i32 to index
        %swap3A_1971 = arith.index_cast %scan3A_1855 : i32 to index
        %swap3A_1972 = arith.constant 704 : index
        %swap3A_1973 = tpu.vector_load %arg13[%swap3A_1970, %swap3A_1971, %swap3A_1972] {strides = array<i32>} : memref<2x16x1280xf32, #tpu.memory_space<vmem>>, vector<16xf32>,
        tpu.vector_store %arg13[%swap3A_1970, %swap3A_1971, %swap3A_1972], %add3A_1969 {strides = array<i32>} : memref<2x16x1280xf32, #tpu.memory_space<vmem>>, vector<16xf32>,
        %get3A_1974 = arith.index_cast %rem3A_1613 : i32 to index
        %get3A_1975 = arith.index_cast %scan3A_1855 : i32 to index
        %get3A_1976 = arith.constant 720 : index
        %get3A_1977 = tpu.vector_load %arg12[%get3A_1974, %get3A_1975, %get3A_1976] {strides = array<i32>} : memref<2x16x1280xf32, #tpu.memory_space<vmem>>, vector<16xf32>,
        %add3A_1978 = arith.addf %get3A_1977, %get3A_1739 : vector<16xf32>
        %swap3A_1979 = arith.index_cast %rem3A_1613 : i32 to index
        %swap3A_1980 = arith.index_cast %scan3A_1855 : i32 to index
        %swap3A_1981 = arith.constant 720 : index
        %swap3A_1982 = tpu.vector_load %arg13[%swap3A_1979, %swap3A_1980, %swap3A_1981] {strides = array<i32>} : memref<2x16x1280xf32, #tpu.memory_space<vmem>>, vector<16xf32>,
        tpu.vector_store %arg13[%swap3A_1979, %swap3A_1980, %swap3A_1981], %add3A_1978 {strides = array<i32>} : memref<2x16x1280xf32, #tpu.memory_space<vmem>>, vector<16xf32>,
        %get3A_1983 = arith.index_cast %rem3A_1613 : i32 to index
        %get3A_1984 = arith.index_cast %scan3A_1855 : i32 to index
        %get3A_1985 = arith.constant 736 : index
        %get3A_1986 = tpu.vector_load %arg12[%get3A_1983, %get3A_1984, %get3A_1985] {strides = array<i32>} : memref<2x16x1280xf32, #tpu.memory_space<vmem>>, vector<16xf32>,
        %add3A_1987 = arith.addf %get3A_1986, %get3A_1741 : vector<16xf32>
        %swap3A_1988 = arith.index_cast %rem3A_1613 : i32 to index
        %swap3A_1989 = arith.index_cast %scan3A_1855 : i32 to index
        %swap3A_1990 = arith.constant 736 : index
        %swap3A_1991 = tpu.vector_load %arg13[%swap3A_1988, %swap3A_1989, %swap3A_1990] {strides = array<i32>} : memref<2x16x1280xf32, #tpu.memory_space<vmem>>, vector<16xf32>,
        tpu.vector_store %arg13[%swap3A_1988, %swap3A_1989, %swap3A_1990], %add3A_1987 {strides = array<i32>} : memref<2x16x1280xf32, #tpu.memory_space<vmem>>, vector<16xf32>,
        %get3A_1992 = arith.index_cast %rem3A_1613 : i32 to index
        %get3A_1993 = arith.index_cast %scan3A_1855 : i32 to index
        %get3A_1994 = arith.constant 752 : index
        %get3A_1995 = tpu.vector_load %arg12[%get3A_1992, %get3A_1993, %get3A_1994] {strides = array<i32>} : memref<2x16x1280xf32, #tpu.memory_space<vmem>>, vector<16xf32>,
        %add3A_1996 = arith.addf %get3A_1995, %get3A_1743 : vector<16xf32>
        %swap3A_1997 = arith.index_cast %rem3A_1613 : i32 to index
        %swap3A_1998 = arith.index_cast %scan3A_1855 : i32 to index
        %swap3A_1999 = arith.constant 752 : index
        %swap3A_2000 = tpu.vector_load %arg13[%swap3A_1997, %swap3A_1998, %swap3A_1999] {strides = array<i32>} : memref<2x16x1280xf32, #tpu.memory_space<vmem>>, vector<16xf32>,
        tpu.vector_store %arg13[%swap3A_1997, %swap3A_1998, %swap3A_1999], %add3A_1996 {strides = array<i32>} : memref<2x16x1280xf32, #tpu.memory_space<vmem>>, vector<16xf32>,
        %scan3A_2001 = arith.constant 0 : i32
        scf.yield %scan3A_2001 : i32
      }
      %scan3A_1750 = arith.constant 16 : i32
      %get3A_1751 = arith.constant 768 : index
      %get3A_1752 = tpu.vector_load %arg10[%get3A_1751] {strides = array<i32>} : memref<1280xf32, #tpu.memory_space<vmem>>, vector<16xf32>,
      %get3A_1753 = arith.constant 784 : index
      %get3A_1754 = tpu.vector_load %arg10[%get3A_1753] {strides = array<i32>} : memref<1280xf32, #tpu.memory_space<vmem>>, vector<16xf32>,
      %get3A_1755 = arith.constant 800 : index
      %get3A_1756 = tpu.vector_load %arg10[%get3A_1755] {strides = array<i32>} : memref<1280xf32, #tpu.memory_space<vmem>>, vector<16xf32>,
      %get3A_1757 = arith.constant 816 : index
      %get3A_1758 = tpu.vector_load %arg10[%get3A_1757] {strides = array<i32>} : memref<1280xf32, #tpu.memory_space<vmem>>, vector<16xf32>,
      %get3A_1759 = arith.constant 832 : index
      %get3A_1760 = tpu.vector_load %arg10[%get3A_1759] {strides = array<i32>} : memref<1280xf32, #tpu.memory_space<vmem>>, vector<16xf32>,
      %get3A_1761 = arith.constant 848 : index
      %get3A_1762 = tpu.vector_load %arg10[%get3A_1761] {strides = array<i32>} : memref<1280xf32, #tpu.memory_space<vmem>>, vector<16xf32>,
      %get3A_1763 = arith.constant 864 : index
      %get3A_1764 = tpu.vector_load %arg10[%get3A_1763] {strides = array<i32>} : memref<1280xf32, #tpu.memory_space<vmem>>, vector<16xf32>,
      %get3A_1765 = arith.constant 880 : index
      %get3A_1766 = tpu.vector_load %arg10[%get3A_1765] {strides = array<i32>} : memref<1280xf32, #tpu.memory_space<vmem>>, vector<16xf32>,
      %get3A_1767 = arith.constant 896 : index
      %get3A_1768 = tpu.vector_load %arg10[%get3A_1767] {strides = array<i32>} : memref<1280xf32, #tpu.memory_space<vmem>>, vector<16xf32>,
      %get3A_1769 = arith.constant 912 : index
      %get3A_1770 = tpu.vector_load %arg10[%get3A_1769] {strides = array<i32>} : memref<1280xf32, #tpu.memory_space<vmem>>, vector<16xf32>,
      %get3A_1771 = arith.constant 928 : index
      %get3A_1772 = tpu.vector_load %arg10[%get3A_1771] {strides = array<i32>} : memref<1280xf32, #tpu.memory_space<vmem>>, vector<16xf32>,
      %get3A_1773 = arith.constant 944 : index
      %get3A_1774 = tpu.vector_load %arg10[%get3A_1773] {strides = array<i32>} : memref<1280xf32, #tpu.memory_space<vmem>>, vector<16xf32>,
      %get3A_1775 = arith.constant 960 : index
      %get3A_1776 = tpu.vector_load %arg10[%get3A_1775] {strides = array<i32>} : memref<1280xf32, #tpu.memory_space<vmem>>, vector<16xf32>,
      %get3A_1777 = arith.constant 976 : index
      %get3A_1778 = tpu.vector_load %arg10[%get3A_1777] {strides = array<i32>} : memref<1280xf32, #tpu.memory_space<vmem>>, vector<16xf32>,
      %get3A_1779 = arith.constant 992 : index
      %get3A_1780 = tpu.vector_load %arg10[%get3A_1779] {strides = array<i32>} : memref<1280xf32, #tpu.memory_space<vmem>>, vector<16xf32>,
      %get3A_1781 = arith.constant 1008 : index
      %get3A_1782 = tpu.vector_load %arg10[%get3A_1781] {strides = array<i32>} : memref<1280xf32, #tpu.memory_space<vmem>>, vector<16xf32>,
      %scan3A_1783 = arith.constant 0 : i32
      %scan3A_1784 = arith.constant 0 : i32
      %scan3A_1785 = arith.constant 16 : i32
      %scan3A_1786 = arith.addi %scan3A_1784, %scan3A_1785 : i32
      %scan3A_1787 = arith.constant 1 : i32
      %scan3A_1788 = scf.for %scan3A_1855 = %scan3A_1784 to %scan3A_1786 step %scan3A_1787 iter_args(%scan3A_1856 = %scan3A_1783) -> (i32)  : i32 {
        %get3A_1857 = arith.index_cast %rem3A_1613 : i32 to index
        %get3A_1858 = arith.index_cast %scan3A_1855 : i32 to index
        %get3A_1859 = arith.constant 768 : index
        %get3A_1860 = tpu.vector_load %arg12[%get3A_1857, %get3A_1858, %get3A_1859] {strides = array<i32>} : memref<2x16x1280xf32, #tpu.memory_space<vmem>>, vector<16xf32>,
        %add3A_1861 = arith.addf %get3A_1860, %get3A_1752 : vector<16xf32>
        %swap3A_1862 = arith.index_cast %rem3A_1613 : i32 to index
        %swap3A_1863 = arith.index_cast %scan3A_1855 : i32 to index
        %swap3A_1864 = arith.constant 768 : index
        %swap3A_1865 = tpu.vector_load %arg13[%swap3A_1862, %swap3A_1863, %swap3A_1864] {strides = array<i32>} : memref<2x16x1280xf32, #tpu.memory_space<vmem>>, vector<16xf32>,
        tpu.vector_store %arg13[%swap3A_1862, %swap3A_1863, %swap3A_1864], %add3A_1861 {strides = array<i32>} : memref<2x16x1280xf32, #tpu.memory_space<vmem>>, vector<16xf32>,
        %get3A_1866 = arith.index_cast %rem3A_1613 : i32 to index
        %get3A_1867 = arith.index_cast %scan3A_1855 : i32 to index
        %get3A_1868 = arith.constant 784 : index
        %get3A_1869 = tpu.vector_load %arg12[%get3A_1866, %get3A_1867, %get3A_1868] {strides = array<i32>} : memref<2x16x1280xf32, #tpu.memory_space<vmem>>, vector<16xf32>,
        %add3A_1870 = arith.addf %get3A_1869, %get3A_1754 : vector<16xf32>
        %swap3A_1871 = arith.index_cast %rem3A_1613 : i32 to index
        %swap3A_1872 = arith.index_cast %scan3A_1855 : i32 to index
        %swap3A_1873 = arith.constant 784 : index
        %swap3A_1874 = tpu.vector_load %arg13[%swap3A_1871, %swap3A_1872, %swap3A_1873] {strides = array<i32>} : memref<2x16x1280xf32, #tpu.memory_space<vmem>>, vector<16xf32>,
        tpu.vector_store %arg13[%swap3A_1871, %swap3A_1872, %swap3A_1873], %add3A_1870 {strides = array<i32>} : memref<2x16x1280xf32, #tpu.memory_space<vmem>>, vector<16xf32>,
        %get3A_1875 = arith.index_cast %rem3A_1613 : i32 to index
        %get3A_1876 = arith.index_cast %scan3A_1855 : i32 to index
        %get3A_1877 = arith.constant 800 : index
        %get3A_1878 = tpu.vector_load %arg12[%get3A_1875, %get3A_1876, %get3A_1877] {strides = array<i32>} : memref<2x16x1280xf32, #tpu.memory_space<vmem>>, vector<16xf32>,
        %add3A_1879 = arith.addf %get3A_1878, %get3A_1756 : vector<16xf32>
        %swap3A_1880 = arith.index_cast %rem3A_1613 : i32 to index
        %swap3A_1881 = arith.index_cast %scan3A_1855 : i32 to index
        %swap3A_1882 = arith.constant 800 : index
        %swap3A_1883 = tpu.vector_load %arg13[%swap3A_1880, %swap3A_1881, %swap3A_1882] {strides = array<i32>} : memref<2x16x1280xf32, #tpu.memory_space<vmem>>, vector<16xf32>,
        tpu.vector_store %arg13[%swap3A_1880, %swap3A_1881, %swap3A_1882], %add3A_1879 {strides = array<i32>} : memref<2x16x1280xf32, #tpu.memory_space<vmem>>, vector<16xf32>,
        %get3A_1884 = arith.index_cast %rem3A_1613 : i32 to index
        %get3A_1885 = arith.index_cast %scan3A_1855 : i32 to index
        %get3A_1886 = arith.constant 816 : index
        %get3A_1887 = tpu.vector_load %arg12[%get3A_1884, %get3A_1885, %get3A_1886] {strides = array<i32>} : memref<2x16x1280xf32, #tpu.memory_space<vmem>>, vector<16xf32>,
        %add3A_1888 = arith.addf %get3A_1887, %get3A_1758 : vector<16xf32>
        %swap3A_1889 = arith.index_cast %rem3A_1613 : i32 to index
        %swap3A_1890 = arith.index_cast %scan3A_1855 : i32 to index
        %swap3A_1891 = arith.constant 816 : index
        %swap3A_1892 = tpu.vector_load %arg13[%swap3A_1889, %swap3A_1890, %swap3A_1891] {strides = array<i32>} : memref<2x16x1280xf32, #tpu.memory_space<vmem>>, vector<16xf32>,
        tpu.vector_store %arg13[%swap3A_1889, %swap3A_1890, %swap3A_1891], %add3A_1888 {strides = array<i32>} : memref<2x16x1280xf32, #tpu.memory_space<vmem>>, vector<16xf32>,
        %get3A_1893 = arith.index_cast %rem3A_1613 : i32 to index
        %get3A_1894 = arith.index_cast %scan3A_1855 : i32 to index
        %get3A_1895 = arith.constant 832 : index
        %get3A_1896 = tpu.vector_load %arg12[%get3A_1893, %get3A_1894, %get3A_1895] {strides = array<i32>} : memref<2x16x1280xf32, #tpu.memory_space<vmem>>, vector<16xf32>,
        %add3A_1897 = arith.addf %get3A_1896, %get3A_1760 : vector<16xf32>
        %swap3A_1898 = arith.index_cast %rem3A_1613 : i32 to index
        %swap3A_1899 = arith.index_cast %scan3A_1855 : i32 to index
        %swap3A_1900 = arith.constant 832 : index
        %swap3A_1901 = tpu.vector_load %arg13[%swap3A_1898, %swap3A_1899, %swap3A_1900] {strides = array<i32>} : memref<2x16x1280xf32, #tpu.memory_space<vmem>>, vector<16xf32>,
        tpu.vector_store %arg13[%swap3A_1898, %swap3A_1899, %swap3A_1900], %add3A_1897 {strides = array<i32>} : memref<2x16x1280xf32, #tpu.memory_space<vmem>>, vector<16xf32>,
        %get3A_1902 = arith.index_cast %rem3A_1613 : i32 to index
        %get3A_1903 = arith.index_cast %scan3A_1855 : i32 to index
        %get3A_1904 = arith.constant 848 : index
        %get3A_1905 = tpu.vector_load %arg12[%get3A_1902, %get3A_1903, %get3A_1904] {strides = array<i32>} : memref<2x16x1280xf32, #tpu.memory_space<vmem>>, vector<16xf32>,
        %add3A_1906 = arith.addf %get3A_1905, %get3A_1762 : vector<16xf32>
        %swap3A_1907 = arith.index_cast %rem3A_1613 : i32 to index
        %swap3A_1908 = arith.index_cast %scan3A_1855 : i32 to index
        %swap3A_1909 = arith.constant 848 : index
        %swap3A_1910 = tpu.vector_load %arg13[%swap3A_1907, %swap3A_1908, %swap3A_1909] {strides = array<i32>} : memref<2x16x1280xf32, #tpu.memory_space<vmem>>, vector<16xf32>,
        tpu.vector_store %arg13[%swap3A_1907, %swap3A_1908, %swap3A_1909], %add3A_1906 {strides = array<i32>} : memref<2x16x1280xf32, #tpu.memory_space<vmem>>, vector<16xf32>,
        %get3A_1911 = arith.index_cast %rem3A_1613 : i32 to index
        %get3A_1912 = arith.index_cast %scan3A_1855 : i32 to index
        %get3A_1913 = arith.constant 864 : index
        %get3A_1914 = tpu.vector_load %arg12[%get3A_1911, %get3A_1912, %get3A_1913] {strides = array<i32>} : memref<2x16x1280xf32, #tpu.memory_space<vmem>>, vector<16xf32>,
        %add3A_1915 = arith.addf %get3A_1914, %get3A_1764 : vector<16xf32>
        %swap3A_1916 = arith.index_cast %rem3A_1613 : i32 to index
        %swap3A_1917 = arith.index_cast %scan3A_1855 : i32 to index
        %swap3A_1918 = arith.constant 864 : index
        %swap3A_1919 = tpu.vector_load %arg13[%swap3A_1916, %swap3A_1917, %swap3A_1918] {strides = array<i32>} : memref<2x16x1280xf32, #tpu.memory_space<vmem>>, vector<16xf32>,
        tpu.vector_store %arg13[%swap3A_1916, %swap3A_1917, %swap3A_1918], %add3A_1915 {strides = array<i32>} : memref<2x16x1280xf32, #tpu.memory_space<vmem>>, vector<16xf32>,
        %get3A_1920 = arith.index_cast %rem3A_1613 : i32 to index
        %get3A_1921 = arith.index_cast %scan3A_1855 : i32 to index
        %get3A_1922 = arith.constant 880 : index
        %get3A_1923 = tpu.vector_load %arg12[%get3A_1920, %get3A_1921, %get3A_1922] {strides = array<i32>} : memref<2x16x1280xf32, #tpu.memory_space<vmem>>, vector<16xf32>,
        %add3A_1924 = arith.addf %get3A_1923, %get3A_1766 : vector<16xf32>
        %swap3A_1925 = arith.index_cast %rem3A_1613 : i32 to index
        %swap3A_1926 = arith.index_cast %scan3A_1855 : i32 to index
        %swap3A_1927 = arith.constant 880 : index
        %swap3A_1928 = tpu.vector_load %arg13[%swap3A_1925, %swap3A_1926, %swap3A_1927] {strides = array<i32>} : memref<2x16x1280xf32, #tpu.memory_space<vmem>>, vector<16xf32>,
        tpu.vector_store %arg13[%swap3A_1925, %swap3A_1926, %swap3A_1927], %add3A_1924 {strides = array<i32>} : memref<2x16x1280xf32, #tpu.memory_space<vmem>>, vector<16xf32>,
        %get3A_1929 = arith.index_cast %rem3A_1613 : i32 to index
        %get3A_1930 = arith.index_cast %scan3A_1855 : i32 to index
        %get3A_1931 = arith.constant 896 : index
        %get3A_1932 = tpu.vector_load %arg12[%get3A_1929, %get3A_1930, %get3A_1931] {strides = array<i32>} : memref<2x16x1280xf32, #tpu.memory_space<vmem>>, vector<16xf32>,
        %add3A_1933 = arith.addf %get3A_1932, %get3A_1768 : vector<16xf32>
        %swap3A_1934 = arith.index_cast %rem3A_1613 : i32 to index
        %swap3A_1935 = arith.index_cast %scan3A_1855 : i32 to index
        %swap3A_1936 = arith.constant 896 : index
        %swap3A_1937 = tpu.vector_load %arg13[%swap3A_1934, %swap3A_1935, %swap3A_1936] {strides = array<i32>} : memref<2x16x1280xf32, #tpu.memory_space<vmem>>, vector<16xf32>,
        tpu.vector_store %arg13[%swap3A_1934, %swap3A_1935, %swap3A_1936], %add3A_1933 {strides = array<i32>} : memref<2x16x1280xf32, #tpu.memory_space<vmem>>, vector<16xf32>,
        %get3A_1938 = arith.index_cast %rem3A_1613 : i32 to index
        %get3A_1939 = arith.index_cast %scan3A_1855 : i32 to index
        %get3A_1940 = arith.constant 912 : index
        %get3A_1941 = tpu.vector_load %arg12[%get3A_1938, %get3A_1939, %get3A_1940] {strides = array<i32>} : memref<2x16x1280xf32, #tpu.memory_space<vmem>>, vector<16xf32>,
        %add3A_1942 = arith.addf %get3A_1941, %get3A_1770 : vector<16xf32>
        %swap3A_1943 = arith.index_cast %rem3A_1613 : i32 to index
        %swap3A_1944 = arith.index_cast %scan3A_1855 : i32 to index
        %swap3A_1945 = arith.constant 912 : index
        %swap3A_1946 = tpu.vector_load %arg13[%swap3A_1943, %swap3A_1944, %swap3A_1945] {strides = array<i32>} : memref<2x16x1280xf32, #tpu.memory_space<vmem>>, vector<16xf32>,
        tpu.vector_store %arg13[%swap3A_1943, %swap3A_1944, %swap3A_1945], %add3A_1942 {strides = array<i32>} : memref<2x16x1280xf32, #tpu.memory_space<vmem>>, vector<16xf32>,
        %get3A_1947 = arith.index_cast %rem3A_1613 : i32 to index
        %get3A_1948 = arith.index_cast %scan3A_1855 : i32 to index
        %get3A_1949 = arith.constant 928 : index
        %get3A_1950 = tpu.vector_load %arg12[%get3A_1947, %get3A_1948, %get3A_1949] {strides = array<i32>} : memref<2x16x1280xf32, #tpu.memory_space<vmem>>, vector<16xf32>,
        %add3A_1951 = arith.addf %get3A_1950, %get3A_1772 : vector<16xf32>
        %swap3A_1952 = arith.index_cast %rem3A_1613 : i32 to index
        %swap3A_1953 = arith.index_cast %scan3A_1855 : i32 to index
        %swap3A_1954 = arith.constant 928 : index
        %swap3A_1955 = tpu.vector_load %arg13[%swap3A_1952, %swap3A_1953, %swap3A_1954] {strides = array<i32>} : memref<2x16x1280xf32, #tpu.memory_space<vmem>>, vector<16xf32>,
        tpu.vector_store %arg13[%swap3A_1952, %swap3A_1953, %swap3A_1954], %add3A_1951 {strides = array<i32>} : memref<2x16x1280xf32, #tpu.memory_space<vmem>>, vector<16xf32>,
        %get3A_1956 = arith.index_cast %rem3A_1613 : i32 to index
        %get3A_1957 = arith.index_cast %scan3A_1855 : i32 to index
        %get3A_1958 = arith.constant 944 : index
        %get3A_1959 = tpu.vector_load %arg12[%get3A_1956, %get3A_1957, %get3A_1958] {strides = array<i32>} : memref<2x16x1280xf32, #tpu.memory_space<vmem>>, vector<16xf32>,
        %add3A_1960 = arith.addf %get3A_1959, %get3A_1774 : vector<16xf32>
        %swap3A_1961 = arith.index_cast %rem3A_1613 : i32 to index
        %swap3A_1962 = arith.index_cast %scan3A_1855 : i32 to index
        %swap3A_1963 = arith.constant 944 : index
        %swap3A_1964 = tpu.vector_load %arg13[%swap3A_1961, %swap3A_1962, %swap3A_1963] {strides = array<i32>} : memref<2x16x1280xf32, #tpu.memory_space<vmem>>, vector<16xf32>,
        tpu.vector_store %arg13[%swap3A_1961, %swap3A_1962, %swap3A_1963], %add3A_1960 {strides = array<i32>} : memref<2x16x1280xf32, #tpu.memory_space<vmem>>, vector<16xf32>,
        %get3A_1965 = arith.index_cast %rem3A_1613 : i32 to index
        %get3A_1966 = arith.index_cast %scan3A_1855 : i32 to index
        %get3A_1967 = arith.constant 960 : index
        %get3A_1968 = tpu.vector_load %arg12[%get3A_1965, %get3A_1966, %get3A_1967] {strides = array<i32>} : memref<2x16x1280xf32, #tpu.memory_space<vmem>>, vector<16xf32>,
        %add3A_1969 = arith.addf %get3A_1968, %get3A_1776 : vector<16xf32>
        %swap3A_1970 = arith.index_cast %rem3A_1613 : i32 to index
        %swap3A_1971 = arith.index_cast %scan3A_1855 : i32 to index
        %swap3A_1972 = arith.constant 960 : index
        %swap3A_1973 = tpu.vector_load %arg13[%swap3A_1970, %swap3A_1971, %swap3A_1972] {strides = array<i32>} : memref<2x16x1280xf32, #tpu.memory_space<vmem>>, vector<16xf32>,
        tpu.vector_store %arg13[%swap3A_1970, %swap3A_1971, %swap3A_1972], %add3A_1969 {strides = array<i32>} : memref<2x16x1280xf32, #tpu.memory_space<vmem>>, vector<16xf32>,
        %get3A_1974 = arith.index_cast %rem3A_1613 : i32 to index
        %get3A_1975 = arith.index_cast %scan3A_1855 : i32 to index
        %get3A_1976 = arith.constant 976 : index
        %get3A_1977 = tpu.vector_load %arg12[%get3A_1974, %get3A_1975, %get3A_1976] {strides = array<i32>} : memref<2x16x1280xf32, #tpu.memory_space<vmem>>, vector<16xf32>,
        %add3A_1978 = arith.addf %get3A_1977, %get3A_1778 : vector<16xf32>
        %swap3A_1979 = arith.index_cast %rem3A_1613 : i32 to index
        %swap3A_1980 = arith.index_cast %scan3A_1855 : i32 to index
        %swap3A_1981 = arith.constant 976 : index
        %swap3A_1982 = tpu.vector_load %arg13[%swap3A_1979, %swap3A_1980, %swap3A_1981] {strides = array<i32>} : memref<2x16x1280xf32, #tpu.memory_space<vmem>>, vector<16xf32>,
        tpu.vector_store %arg13[%swap3A_1979, %swap3A_1980, %swap3A_1981], %add3A_1978 {strides = array<i32>} : memref<2x16x1280xf32, #tpu.memory_space<vmem>>, vector<16xf32>,
        %get3A_1983 = arith.index_cast %rem3A_1613 : i32 to index
        %get3A_1984 = arith.index_cast %scan3A_1855 : i32 to index
        %get3A_1985 = arith.constant 992 : index
        %get3A_1986 = tpu.vector_load %arg12[%get3A_1983, %get3A_1984, %get3A_1985] {strides = array<i32>} : memref<2x16x1280xf32, #tpu.memory_space<vmem>>, vector<16xf32>,
        %add3A_1987 = arith.addf %get3A_1986, %get3A_1780 : vector<16xf32>
        %swap3A_1988 = arith.index_cast %rem3A_1613 : i32 to index
        %swap3A_1989 = arith.index_cast %scan3A_1855 : i32 to index
        %swap3A_1990 = arith.constant 992 : index
        %swap3A_1991 = tpu.vector_load %arg13[%swap3A_1988, %swap3A_1989, %swap3A_1990] {strides = array<i32>} : memref<2x16x1280xf32, #tpu.memory_space<vmem>>, vector<16xf32>,
        tpu.vector_store %arg13[%swap3A_1988, %swap3A_1989, %swap3A_1990], %add3A_1987 {strides = array<i32>} : memref<2x16x1280xf32, #tpu.memory_space<vmem>>, vector<16xf32>,
        %get3A_1992 = arith.index_cast %rem3A_1613 : i32 to index
        %get3A_1993 = arith.index_cast %scan3A_1855 : i32 to index
        %get3A_1994 = arith.constant 1008 : index
        %get3A_1995 = tpu.vector_load %arg12[%get3A_1992, %get3A_1993, %get3A_1994] {strides = array<i32>} : memref<2x16x1280xf32, #tpu.memory_space<vmem>>, vector<16xf32>,
        %add3A_1996 = arith.addf %get3A_1995, %get3A_1782 : vector<16xf32>
        %swap3A_1997 = arith.index_cast %rem3A_1613 : i32 to index
        %swap3A_1998 = arith.index_cast %scan3A_1855 : i32 to index
        %swap3A_1999 = arith.constant 1008 : index
        %swap3A_2000 = tpu.vector_load %arg13[%swap3A_1997, %swap3A_1998, %swap3A_1999] {strides = array<i32>} : memref<2x16x1280xf32, #tpu.memory_space<vmem>>, vector<16xf32>,
        tpu.vector_store %arg13[%swap3A_1997, %swap3A_1998, %swap3A_1999], %add3A_1996 {strides = array<i32>} : memref<2x16x1280xf32, #tpu.memory_space<vmem>>, vector<16xf32>,
        %scan3A_2001 = arith.constant 0 : i32
        scf.yield %scan3A_2001 : i32
      }
      %scan3A_1789 = arith.constant 16 : i32
      %get3A_1790 = arith.constant 1024 : index
      %get3A_1791 = tpu.vector_load %arg10[%get3A_1790] {strides = array<i32>} : memref<1280xf32, #tpu.memory_space<vmem>>, vector<16xf32>,
      %get3A_1792 = arith.constant 1040 : index
      %get3A_1793 = tpu.vector_load %arg10[%get3A_1792] {strides = array<i32>} : memref<1280xf32, #tpu.memory_space<vmem>>, vector<16xf32>,
      %get3A_1794 = arith.constant 1056 : index
      %get3A_1795 = tpu.vector_load %arg10[%get3A_1794] {strides = array<i32>} : memref<1280xf32, #tpu.memory_space<vmem>>, vector<16xf32>,
      %get3A_1796 = arith.constant 1072 : index
      %get3A_1797 = tpu.vector_load %arg10[%get3A_1796] {strides = array<i32>} : memref<1280xf32, #tpu.memory_space<vmem>>, vector<16xf32>,
      %get3A_1798 = arith.constant 1088 : index
      %get3A_1799 = tpu.vector_load %arg10[%get3A_1798] {strides = array<i32>} : memref<1280xf32, #tpu.memory_space<vmem>>, vector<16xf32>,
      %get3A_1800 = arith.constant 1104 : index
      %get3A_1801 = tpu.vector_load %arg10[%get3A_1800] {strides = array<i32>} : memref<1280xf32, #tpu.memory_space<vmem>>, vector<16xf32>,
      %get3A_1802 = arith.constant 1120 : index
      %get3A_1803 = tpu.vector_load %arg10[%get3A_1802] {strides = array<i32>} : memref<1280xf32, #tpu.memory_space<vmem>>, vector<16xf32>,
      %get3A_1804 = arith.constant 1136 : index
      %get3A_1805 = tpu.vector_load %arg10[%get3A_1804] {strides = array<i32>} : memref<1280xf32, #tpu.memory_space<vmem>>, vector<16xf32>,
      %get3A_1806 = arith.constant 1152 : index
      %get3A_1807 = tpu.vector_load %arg10[%get3A_1806] {strides = array<i32>} : memref<1280xf32, #tpu.memory_space<vmem>>, vector<16xf32>,
      %get3A_1808 = arith.constant 1168 : index
      %get3A_1809 = tpu.vector_load %arg10[%get3A_1808] {strides = array<i32>} : memref<1280xf32, #tpu.memory_space<vmem>>, vector<16xf32>,
      %get3A_1810 = arith.constant 1184 : index
      %get3A_1811 = tpu.vector_load %arg10[%get3A_1810] {strides = array<i32>} : memref<1280xf32, #tpu.memory_space<vmem>>, vector<16xf32>,
      %get3A_1812 = arith.constant 1200 : index
      %get3A_1813 = tpu.vector_load %arg10[%get3A_1812] {strides = array<i32>} : memref<1280xf32, #tpu.memory_space<vmem>>, vector<16xf32>,
      %get3A_1814 = arith.constant 1216 : index
      %get3A_1815 = tpu.vector_load %arg10[%get3A_1814] {strides = array<i32>} : memref<1280xf32, #tpu.memory_space<vmem>>, vector<16xf32>,
      %get3A_1816 = arith.constant 1232 : index
      %get3A_1817 = tpu.vector_load %arg10[%get3A_1816] {strides = array<i32>} : memref<1280xf32, #tpu.memory_space<vmem>>, vector<16xf32>,
      %get3A_1818 = arith.constant 1248 : index
      %get3A_1819 = tpu.vector_load %arg10[%get3A_1818] {strides = array<i32>} : memref<1280xf32, #tpu.memory_space<vmem>>, vector<16xf32>,
      %get3A_1820 = arith.constant 1264 : index
      %get3A_1821 = tpu.vector_load %arg10[%get3A_1820] {strides = array<i32>} : memref<1280xf32, #tpu.memory_space<vmem>>, vector<16xf32>,
      %scan3A_1822 = arith.constant 0 : i32
      %scan3A_1823 = arith.constant 0 : i32
      %scan3A_1824 = arith.constant 16 : i32
      %scan3A_1825 = arith.addi %scan3A_1823, %scan3A_1824 : i32
      %scan3A_1826 = arith.constant 1 : i32
      %scan3A_1827 = scf.for %scan3A_1855 = %scan3A_1823 to %scan3A_1825 step %scan3A_1826 iter_args(%scan3A_1856 = %scan3A_1822) -> (i32)  : i32 {
        %get3A_1857 = arith.index_cast %rem3A_1613 : i32 to index
        %get3A_1858 = arith.index_cast %scan3A_1855 : i32 to index
        %get3A_1859 = arith.constant 1024 : index
        %get3A_1860 = tpu.vector_load %arg12[%get3A_1857, %get3A_1858, %get3A_1859] {strides = array<i32>} : memref<2x16x1280xf32, #tpu.memory_space<vmem>>, vector<16xf32>,
        %add3A_1861 = arith.addf %get3A_1860, %get3A_1791 : vector<16xf32>
        %swap3A_1862 = arith.index_cast %rem3A_1613 : i32 to index
        %swap3A_1863 = arith.index_cast %scan3A_1855 : i32 to index
        %swap3A_1864 = arith.constant 1024 : index
        %swap3A_1865 = tpu.vector_load %arg13[%swap3A_1862, %swap3A_1863, %swap3A_1864] {strides = array<i32>} : memref<2x16x1280xf32, #tpu.memory_space<vmem>>, vector<16xf32>,
        tpu.vector_store %arg13[%swap3A_1862, %swap3A_1863, %swap3A_1864], %add3A_1861 {strides = array<i32>} : memref<2x16x1280xf32, #tpu.memory_space<vmem>>, vector<16xf32>,
        %get3A_1866 = arith.index_cast %rem3A_1613 : i32 to index
        %get3A_1867 = arith.index_cast %scan3A_1855 : i32 to index
        %get3A_1868 = arith.constant 1040 : index
        %get3A_1869 = tpu.vector_load %arg12[%get3A_1866, %get3A_1867, %get3A_1868] {strides = array<i32>} : memref<2x16x1280xf32, #tpu.memory_space<vmem>>, vector<16xf32>,
        %add3A_1870 = arith.addf %get3A_1869, %get3A_1793 : vector<16xf32>
        %swap3A_1871 = arith.index_cast %rem3A_1613 : i32 to index
        %swap3A_1872 = arith.index_cast %scan3A_1855 : i32 to index
        %swap3A_1873 = arith.constant 1040 : index
        %swap3A_1874 = tpu.vector_load %arg13[%swap3A_1871, %swap3A_1872, %swap3A_1873] {strides = array<i32>} : memref<2x16x1280xf32, #tpu.memory_space<vmem>>, vector<16xf32>,
        tpu.vector_store %arg13[%swap3A_1871, %swap3A_1872, %swap3A_1873], %add3A_1870 {strides = array<i32>} : memref<2x16x1280xf32, #tpu.memory_space<vmem>>, vector<16xf32>,
        %get3A_1875 = arith.index_cast %rem3A_1613 : i32 to index
        %get3A_1876 = arith.index_cast %scan3A_1855 : i32 to index
        %get3A_1877 = arith.constant 1056 : index
        %get3A_1878 = tpu.vector_load %arg12[%get3A_1875, %get3A_1876, %get3A_1877] {strides = array<i32>} : memref<2x16x1280xf32, #tpu.memory_space<vmem>>, vector<16xf32>,
        %add3A_1879 = arith.addf %get3A_1878, %get3A_1795 : vector<16xf32>
        %swap3A_1880 = arith.index_cast %rem3A_1613 : i32 to index
        %swap3A_1881 = arith.index_cast %scan3A_1855 : i32 to index
        %swap3A_1882 = arith.constant 1056 : index
        %swap3A_1883 = tpu.vector_load %arg13[%swap3A_1880, %swap3A_1881, %swap3A_1882] {strides = array<i32>} : memref<2x16x1280xf32, #tpu.memory_space<vmem>>, vector<16xf32>,
        tpu.vector_store %arg13[%swap3A_1880, %swap3A_1881, %swap3A_1882], %add3A_1879 {strides = array<i32>} : memref<2x16x1280xf32, #tpu.memory_space<vmem>>, vector<16xf32>,
        %get3A_1884 = arith.index_cast %rem3A_1613 : i32 to index
        %get3A_1885 = arith.index_cast %scan3A_1855 : i32 to index
        %get3A_1886 = arith.constant 1072 : index
        %get3A_1887 = tpu.vector_load %arg12[%get3A_1884, %get3A_1885, %get3A_1886] {strides = array<i32>} : memref<2x16x1280xf32, #tpu.memory_space<vmem>>, vector<16xf32>,
        %add3A_1888 = arith.addf %get3A_1887, %get3A_1797 : vector<16xf32>
        %swap3A_1889 = arith.index_cast %rem3A_1613 : i32 to index
        %swap3A_1890 = arith.index_cast %scan3A_1855 : i32 to index
        %swap3A_1891 = arith.constant 1072 : index
        %swap3A_1892 = tpu.vector_load %arg13[%swap3A_1889, %swap3A_1890, %swap3A_1891] {strides = array<i32>} : memref<2x16x1280xf32, #tpu.memory_space<vmem>>, vector<16xf32>,
        tpu.vector_store %arg13[%swap3A_1889, %swap3A_1890, %swap3A_1891], %add3A_1888 {strides = array<i32>} : memref<2x16x1280xf32, #tpu.memory_space<vmem>>, vector<16xf32>,
        %get3A_1893 = arith.index_cast %rem3A_1613 : i32 to index
        %get3A_1894 = arith.index_cast %scan3A_1855 : i32 to index
        %get3A_1895 = arith.constant 1088 : index
        %get3A_1896 = tpu.vector_load %arg12[%get3A_1893, %get3A_1894, %get3A_1895] {strides = array<i32>} : memref<2x16x1280xf32, #tpu.memory_space<vmem>>, vector<16xf32>,
        %add3A_1897 = arith.addf %get3A_1896, %get3A_1799 : vector<16xf32>
        %swap3A_1898 = arith.index_cast %rem3A_1613 : i32 to index
        %swap3A_1899 = arith.index_cast %scan3A_1855 : i32 to index
        %swap3A_1900 = arith.constant 1088 : index
        %swap3A_1901 = tpu.vector_load %arg13[%swap3A_1898, %swap3A_1899, %swap3A_1900] {strides = array<i32>} : memref<2x16x1280xf32, #tpu.memory_space<vmem>>, vector<16xf32>,
        tpu.vector_store %arg13[%swap3A_1898, %swap3A_1899, %swap3A_1900], %add3A_1897 {strides = array<i32>} : memref<2x16x1280xf32, #tpu.memory_space<vmem>>, vector<16xf32>,
        %get3A_1902 = arith.index_cast %rem3A_1613 : i32 to index
        %get3A_1903 = arith.index_cast %scan3A_1855 : i32 to index
        %get3A_1904 = arith.constant 1104 : index
        %get3A_1905 = tpu.vector_load %arg12[%get3A_1902, %get3A_1903, %get3A_1904] {strides = array<i32>} : memref<2x16x1280xf32, #tpu.memory_space<vmem>>, vector<16xf32>,
        %add3A_1906 = arith.addf %get3A_1905, %get3A_1801 : vector<16xf32>
        %swap3A_1907 = arith.index_cast %rem3A_1613 : i32 to index
        %swap3A_1908 = arith.index_cast %scan3A_1855 : i32 to index
        %swap3A_1909 = arith.constant 1104 : index
        %swap3A_1910 = tpu.vector_load %arg13[%swap3A_1907, %swap3A_1908, %swap3A_1909] {strides = array<i32>} : memref<2x16x1280xf32, #tpu.memory_space<vmem>>, vector<16xf32>,
        tpu.vector_store %arg13[%swap3A_1907, %swap3A_1908, %swap3A_1909], %add3A_1906 {strides = array<i32>} : memref<2x16x1280xf32, #tpu.memory_space<vmem>>, vector<16xf32>,
        %get3A_1911 = arith.index_cast %rem3A_1613 : i32 to index
        %get3A_1912 = arith.index_cast %scan3A_1855 : i32 to index
        %get3A_1913 = arith.constant 1120 : index
        %get3A_1914 = tpu.vector_load %arg12[%get3A_1911, %get3A_1912, %get3A_1913] {strides = array<i32>} : memref<2x16x1280xf32, #tpu.memory_space<vmem>>, vector<16xf32>,
        %add3A_1915 = arith.addf %get3A_1914, %get3A_1803 : vector<16xf32>
        %swap3A_1916 = arith.index_cast %rem3A_1613 : i32 to index
        %swap3A_1917 = arith.index_cast %scan3A_1855 : i32 to index
        %swap3A_1918 = arith.constant 1120 : index
        %swap3A_1919 = tpu.vector_load %arg13[%swap3A_1916, %swap3A_1917, %swap3A_1918] {strides = array<i32>} : memref<2x16x1280xf32, #tpu.memory_space<vmem>>, vector<16xf32>,
        tpu.vector_store %arg13[%swap3A_1916, %swap3A_1917, %swap3A_1918], %add3A_1915 {strides = array<i32>} : memref<2x16x1280xf32, #tpu.memory_space<vmem>>, vector<16xf32>,
        %get3A_1920 = arith.index_cast %rem3A_1613 : i32 to index
        %get3A_1921 = arith.index_cast %scan3A_1855 : i32 to index
        %get3A_1922 = arith.constant 1136 : index
        %get3A_1923 = tpu.vector_load %arg12[%get3A_1920, %get3A_1921, %get3A_1922] {strides = array<i32>} : memref<2x16x1280xf32, #tpu.memory_space<vmem>>, vector<16xf32>,
        %add3A_1924 = arith.addf %get3A_1923, %get3A_1805 : vector<16xf32>
        %swap3A_1925 = arith.index_cast %rem3A_1613 : i32 to index
        %swap3A_1926 = arith.index_cast %scan3A_1855 : i32 to index
        %swap3A_1927 = arith.constant 1136 : index
        %swap3A_1928 = tpu.vector_load %arg13[%swap3A_1925, %swap3A_1926, %swap3A_1927] {strides = array<i32>} : memref<2x16x1280xf32, #tpu.memory_space<vmem>>, vector<16xf32>,
        tpu.vector_store %arg13[%swap3A_1925, %swap3A_1926, %swap3A_1927], %add3A_1924 {strides = array<i32>} : memref<2x16x1280xf32, #tpu.memory_space<vmem>>, vector<16xf32>,
        %get3A_1929 = arith.index_cast %rem3A_1613 : i32 to index
        %get3A_1930 = arith.index_cast %scan3A_1855 : i32 to index
        %get3A_1931 = arith.constant 1152 : index
        %get3A_1932 = tpu.vector_load %arg12[%get3A_1929, %get3A_1930, %get3A_1931] {strides = array<i32>} : memref<2x16x1280xf32, #tpu.memory_space<vmem>>, vector<16xf32>,
        %add3A_1933 = arith.addf %get3A_1932, %get3A_1807 : vector<16xf32>
        %swap3A_1934 = arith.index_cast %rem3A_1613 : i32 to index
        %swap3A_1935 = arith.index_cast %scan3A_1855 : i32 to index
        %swap3A_1936 = arith.constant 1152 : index
        %swap3A_1937 = tpu.vector_load %arg13[%swap3A_1934, %swap3A_1935, %swap3A_1936] {strides = array<i32>} : memref<2x16x1280xf32, #tpu.memory_space<vmem>>, vector<16xf32>,
        tpu.vector_store %arg13[%swap3A_1934, %swap3A_1935, %swap3A_1936], %add3A_1933 {strides = array<i32>} : memref<2x16x1280xf32, #tpu.memory_space<vmem>>, vector<16xf32>,
        %get3A_1938 = arith.index_cast %rem3A_1613 : i32 to index
        %get3A_1939 = arith.index_cast %scan3A_1855 : i32 to index
        %get3A_1940 = arith.constant 1168 : index
        %get3A_1941 = tpu.vector_load %arg12[%get3A_1938, %get3A_1939, %get3A_1940] {strides = array<i32>} : memref<2x16x1280xf32, #tpu.memory_space<vmem>>, vector<16xf32>,
        %add3A_1942 = arith.addf %get3A_1941, %get3A_1809 : vector<16xf32>
        %swap3A_1943 = arith.index_cast %rem3A_1613 : i32 to index
        %swap3A_1944 = arith.index_cast %scan3A_1855 : i32 to index
        %swap3A_1945 = arith.constant 1168 : index
        %swap3A_1946 = tpu.vector_load %arg13[%swap3A_1943, %swap3A_1944, %swap3A_1945] {strides = array<i32>} : memref<2x16x1280xf32, #tpu.memory_space<vmem>>, vector<16xf32>,
        tpu.vector_store %arg13[%swap3A_1943, %swap3A_1944, %swap3A_1945], %add3A_1942 {strides = array<i32>} : memref<2x16x1280xf32, #tpu.memory_space<vmem>>, vector<16xf32>,
        %get3A_1947 = arith.index_cast %rem3A_1613 : i32 to index
        %get3A_1948 = arith.index_cast %scan3A_1855 : i32 to index
        %get3A_1949 = arith.constant 1184 : index
        %get3A_1950 = tpu.vector_load %arg12[%get3A_1947, %get3A_1948, %get3A_1949] {strides = array<i32>} : memref<2x16x1280xf32, #tpu.memory_space<vmem>>, vector<16xf32>,
        %add3A_1951 = arith.addf %get3A_1950, %get3A_1811 : vector<16xf32>
        %swap3A_1952 = arith.index_cast %rem3A_1613 : i32 to index
        %swap3A_1953 = arith.index_cast %scan3A_1855 : i32 to index
        %swap3A_1954 = arith.constant 1184 : index
        %swap3A_1955 = tpu.vector_load %arg13[%swap3A_1952, %swap3A_1953, %swap3A_1954] {strides = array<i32>} : memref<2x16x1280xf32, #tpu.memory_space<vmem>>, vector<16xf32>,
        tpu.vector_store %arg13[%swap3A_1952, %swap3A_1953, %swap3A_1954], %add3A_1951 {strides = array<i32>} : memref<2x16x1280xf32, #tpu.memory_space<vmem>>, vector<16xf32>,
        %get3A_1956 = arith.index_cast %rem3A_1613 : i32 to index
        %get3A_1957 = arith.index_cast %scan3A_1855 : i32 to index
        %get3A_1958 = arith.constant 1200 : index
        %get3A_1959 = tpu.vector_load %arg12[%get3A_1956, %get3A_1957, %get3A_1958] {strides = array<i32>} : memref<2x16x1280xf32, #tpu.memory_space<vmem>>, vector<16xf32>,
        %add3A_1960 = arith.addf %get3A_1959, %get3A_1813 : vector<16xf32>
        %swap3A_1961 = arith.index_cast %rem3A_1613 : i32 to index
        %swap3A_1962 = arith.index_cast %scan3A_1855 : i32 to index
        %swap3A_1963 = arith.constant 1200 : index
        %swap3A_1964 = tpu.vector_load %arg13[%swap3A_1961, %swap3A_1962, %swap3A_1963] {strides = array<i32>} : memref<2x16x1280xf32, #tpu.memory_space<vmem>>, vector<16xf32>,
        tpu.vector_store %arg13[%swap3A_1961, %swap3A_1962, %swap3A_1963], %add3A_1960 {strides = array<i32>} : memref<2x16x1280xf32, #tpu.memory_space<vmem>>, vector<16xf32>,
        %get3A_1965 = arith.index_cast %rem3A_1613 : i32 to index
        %get3A_1966 = arith.index_cast %scan3A_1855 : i32 to index
        %get3A_1967 = arith.constant 1216 : index
        %get3A_1968 = tpu.vector_load %arg12[%get3A_1965, %get3A_1966, %get3A_1967] {strides = array<i32>} : memref<2x16x1280xf32, #tpu.memory_space<vmem>>, vector<16xf32>,
        %add3A_1969 = arith.addf %get3A_1968, %get3A_1815 : vector<16xf32>
        %swap3A_1970 = arith.index_cast %rem3A_1613 : i32 to index
        %swap3A_1971 = arith.index_cast %scan3A_1855 : i32 to index
        %swap3A_1972 = arith.constant 1216 : index
        %swap3A_1973 = tpu.vector_load %arg13[%swap3A_1970, %swap3A_1971, %swap3A_1972] {strides = array<i32>} : memref<2x16x1280xf32, #tpu.memory_space<vmem>>, vector<16xf32>,
        tpu.vector_store %arg13[%swap3A_1970, %swap3A_1971, %swap3A_1972], %add3A_1969 {strides = array<i32>} : memref<2x16x1280xf32, #tpu.memory_space<vmem>>, vector<16xf32>,
        %get3A_1974 = arith.index_cast %rem3A_1613 : i32 to index
        %get3A_1975 = arith.index_cast %scan3A_1855 : i32 to index
        %get3A_1976 = arith.constant 1232 : index
        %get3A_1977 = tpu.vector_load %arg12[%get3A_1974, %get3A_1975, %get3A_1976] {strides = array<i32>} : memref<2x16x1280xf32, #tpu.memory_space<vmem>>, vector<16xf32>,
        %add3A_1978 = arith.addf %get3A_1977, %get3A_1817 : vector<16xf32>
        %swap3A_1979 = arith.index_cast %rem3A_1613 : i32 to index
        %swap3A_1980 = arith.index_cast %scan3A_1855 : i32 to index
        %swap3A_1981 = arith.constant 1232 : index
        %swap3A_1982 = tpu.vector_load %arg13[%swap3A_1979, %swap3A_1980, %swap3A_1981] {strides = array<i32>} : memref<2x16x1280xf32, #tpu.memory_space<vmem>>, vector<16xf32>,
        tpu.vector_store %arg13[%swap3A_1979, %swap3A_1980, %swap3A_1981], %add3A_1978 {strides = array<i32>} : memref<2x16x1280xf32, #tpu.memory_space<vmem>>, vector<16xf32>,
        %get3A_1983 = arith.index_cast %rem3A_1613 : i32 to index
        %get3A_1984 = arith.index_cast %scan3A_1855 : i32 to index
        %get3A_1985 = arith.constant 1248 : index
        %get3A_1986 = tpu.vector_load %arg12[%get3A_1983, %get3A_1984, %get3A_1985] {strides = array<i32>} : memref<2x16x1280xf32, #tpu.memory_space<vmem>>, vector<16xf32>,
        %add3A_1987 = arith.addf %get3A_1986, %get3A_1819 : vector<16xf32>
        %swap3A_1988 = arith.index_cast %rem3A_1613 : i32 to index
        %swap3A_1989 = arith.index_cast %scan3A_1855 : i32 to index
        %swap3A_1990 = arith.constant 1248 : index
        %swap3A_1991 = tpu.vector_load %arg13[%swap3A_1988, %swap3A_1989, %swap3A_1990] {strides = array<i32>} : memref<2x16x1280xf32, #tpu.memory_space<vmem>>, vector<16xf32>,
        tpu.vector_store %arg13[%swap3A_1988, %swap3A_1989, %swap3A_1990], %add3A_1987 {strides = array<i32>} : memref<2x16x1280xf32, #tpu.memory_space<vmem>>, vector<16xf32>,
        %get3A_1992 = arith.index_cast %rem3A_1613 : i32 to index
        %get3A_1993 = arith.index_cast %scan3A_1855 : i32 to index
        %get3A_1994 = arith.constant 1264 : index
        %get3A_1995 = tpu.vector_load %arg12[%get3A_1992, %get3A_1993, %get3A_1994] {strides = array<i32>} : memref<2x16x1280xf32, #tpu.memory_space<vmem>>, vector<16xf32>,
        %add3A_1996 = arith.addf %get3A_1995, %get3A_1821 : vector<16xf32>
        %swap3A_1997 = arith.index_cast %rem3A_1613 : i32 to index
        %swap3A_1998 = arith.index_cast %scan3A_1855 : i32 to index
        %swap3A_1999 = arith.constant 1264 : index
        %swap3A_2000 = tpu.vector_load %arg13[%swap3A_1997, %swap3A_1998, %swap3A_1999] {strides = array<i32>} : memref<2x16x1280xf32, #tpu.memory_space<vmem>>, vector<16xf32>,
        tpu.vector_store %arg13[%swap3A_1997, %swap3A_1998, %swap3A_1999], %add3A_1996 {strides = array<i32>} : memref<2x16x1280xf32, #tpu.memory_space<vmem>>, vector<16xf32>,
        %scan3A_2001 = arith.constant 0 : i32
        scf.yield %scan3A_2001 : i32
      }
      %scan3A_1828 = arith.constant 16 : i32
      %mul3A_1829 = arith.constant 16 : i32
      %mul3A_1830 = arith.muli %scan3A_1610, %mul3A_1829 : i32
      %dma_start3A_1831 = arith.constant 0 : i32
      %dma_start3A_1832 = arith.constant 0 : i32
      %dma_start3A_1833 = tpu.memref_slice %arg13[%rem3A_1613, %dma_start3A_1831, %dma_start3A_1832] : memref<2x16x1280xf32, #tpu.memory_space<vmem>> -> memref<1x16x1280xf32, #tpu.memory_space<vmem>>
      %dma_start3A_1834 = tpu.memref_squeeze %dma_start3A_1833 : memref<1x16x1280xf32, #tpu.memory_space<vmem>> -> memref<16x1280xf32, #tpu.memory_space<vmem>>
      %dma_start3A_1835 = arith.constant 0 : i32
      %dma_start3A_1836 = tpu.memref_slice %arg6[%select_n3A, %select_n3A_30, %mul3A_1830, %dma_start3A_1835] : memref<8x4x1025x1280xf32, #tpu.memory_space<hbm>> -> memref<1x1x16x1280xf32, #tpu.memory_space<hbm>>
      %dma_start3A_1837 = tpu.memref_squeeze %dma_start3A_1836 : memref<1x1x16x1280xf32, #tpu.memory_space<hbm>> -> memref<16x1280xf32, #tpu.memory_space<hbm>>
      %dma_start3A_1838 = tpu.memref_slice %arg17[%rem3A_1613] : memref<2x!tpu.dma_semaphore, #tpu.memory_space<semaphore_mem>> -> memref<1x!tpu.dma_semaphore, #tpu.memory_space<semaphore_mem>>
      %dma_start3A_1839 = tpu.memref_squeeze %dma_start3A_1838 : memref<1x!tpu.dma_semaphore, #tpu.memory_space<semaphore_mem>> -> memref<!tpu.dma_semaphore, #tpu.memory_space<semaphore_mem>>
      %dma_start3A_1840 = arith.constant 0 : i32
      %dma_start3A_1841 = tpu.memref_slice %arg6[%select_n3A, %select_n3A_30, %mul3A_1830, %dma_start3A_1840] : memref<8x4x1025x1280xf32, #tpu.memory_space<hbm>> -> memref<1x1x16x1280xf32, #tpu.memory_space<hbm>>
      %dma_start3A_1842 = tpu.memref_squeeze %dma_start3A_1841 : memref<1x1x16x1280xf32, #tpu.memory_space<hbm>> -> memref<16x1280xf32, #tpu.memory_space<hbm>>
      %dma_start3A_1843 = arith.constant 0 : i32
      %dma_start3A_1844 = arith.constant 0 : i32
      %dma_start3A_1845 = tpu.memref_slice %arg13[%rem3A_1613, %dma_start3A_1843, %dma_start3A_1844] : memref<2x16x1280xf32, #tpu.memory_space<vmem>> -> memref<1x16x1280xf32, #tpu.memory_space<vmem>>
      %dma_start3A_1846 = tpu.memref_squeeze %dma_start3A_1845 : memref<1x16x1280xf32, #tpu.memory_space<vmem>> -> memref<16x1280xf32, #tpu.memory_space<vmem>>
      tpu.enqueue_dma source(%dma_start3A_1846 : memref<16x1280xf32, #tpu.memory_space<vmem>>) target(%dma_start3A_1842 : memref<16x1280xf32, #tpu.memory_space<hbm>>) target_semaphore(%dma_start3A_1839 : memref<!tpu.dma_semaphore, #tpu.memory_space<semaphore_mem>>)
      %add3A_1847 = arith.constant 2 : i32
      %add3A_1848 = arith.addi %scan3A_1610, %add3A_1847 : i32
      %lt3A_1849 = arith.constant 64 : i32
      %lt3A_1850 = arith.cmpi slt, %add3A_1848, %lt3A_1849 : i32
      %convert_element_type3A_1851 = arith.extui %lt3A_1850 : i1 to i32
      %cond3A_1852 = arith.constant 0 : i32
      %cond3A_1853 = arith.cmpi ne, %convert_element_type3A_1851, %cond3A_1852 : i32
      scf.if %cond3A_1853 {
        %add3A_1855 = arith.constant 2 : i32
        %add3A_1856 = arith.addi %scan3A_1610, %add3A_1855 : i32
        %mul3A_1857 = arith.constant 16 : i32
        %mul3A_1858 = arith.muli %add3A_1856, %mul3A_1857 : i32
        %dma_start3A_1859 = arith.constant 0 : i32
        %dma_start3A_1860 = arith.constant 0 : i32
        %dma_start3A_1861 = tpu.memref_slice %arg12[%rem3A_1613, %dma_start3A_1859, %dma_start3A_1860] : memref<2x16x1280xf32, #tpu.memory_space<vmem>> -> memref<1x16x1280xf32, #tpu.memory_space<vmem>>
        %dma_start3A_1862 = tpu.memref_squeeze %dma_start3A_1861 : memref<1x16x1280xf32, #tpu.memory_space<vmem>> -> memref<16x1280xf32, #tpu.memory_space<vmem>>
        %dma_start3A_1863 = arith.constant 0 : i32
        %dma_start3A_1864 = tpu.memref_slice %arg2[%select_n3A, %select_n3A_30, %mul3A_1858, %dma_start3A_1863] : memref<8x4x1025x1280xf32, #tpu.memory_space<hbm>> -> memref<1x1x16x1280xf32, #tpu.memory_space<hbm>>
        %dma_start3A_1865 = tpu.memref_squeeze %dma_start3A_1864 : memref<1x1x16x1280xf32, #tpu.memory_space<hbm>> -> memref<16x1280xf32, #tpu.memory_space<hbm>>
        %dma_start3A_1866 = tpu.memref_slice %arg16[%rem3A_1613] : memref<2x!tpu.dma_semaphore, #tpu.memory_space<semaphore_mem>> -> memref<1x!tpu.dma_semaphore, #tpu.memory_space<semaphore_mem>>
        %dma_start3A_1867 = tpu.memref_squeeze %dma_start3A_1866 : memref<1x!tpu.dma_semaphore, #tpu.memory_space<semaphore_mem>> -> memref<!tpu.dma_semaphore, #tpu.memory_space<semaphore_mem>>
        %dma_start3A_1868 = arith.constant 0 : i32
        %dma_start3A_1869 = arith.constant 0 : i32
        %dma_start3A_1870 = tpu.memref_slice %arg12[%rem3A_1613, %dma_start3A_1868, %dma_start3A_1869] : memref<2x16x1280xf32, #tpu.memory_space<vmem>> -> memref<1x16x1280xf32, #tpu.memory_space<vmem>>
        %dma_start3A_1871 = tpu.memref_squeeze %dma_start3A_1870 : memref<1x16x1280xf32, #tpu.memory_space<vmem>> -> memref<16x1280xf32, #tpu.memory_space<vmem>>
        %dma_start3A_1872 = arith.constant 0 : i32
        %dma_start3A_1873 = tpu.memref_slice %arg2[%select_n3A, %select_n3A_30, %mul3A_1858, %dma_start3A_1872] : memref<8x4x1025x1280xf32, #tpu.memory_space<hbm>> -> memref<1x1x16x1280xf32, #tpu.memory_space<hbm>>
        %dma_start3A_1874 = tpu.memref_squeeze %dma_start3A_1873 : memref<1x1x16x1280xf32, #tpu.memory_space<hbm>> -> memref<16x1280xf32, #tpu.memory_space<hbm>>
        tpu.enqueue_dma source(%dma_start3A_1874 : memref<16x1280xf32, #tpu.memory_space<hbm>>) target(%dma_start3A_1871 : memref<16x1280xf32, #tpu.memory_space<vmem>>) target_semaphore(%dma_start3A_1867 : memref<!tpu.dma_semaphore, #tpu.memory_space<semaphore_mem>>)
      } else {
      }
      %scan3A_1854 = arith.constant 0 : i32
      scf.yield %scan3A_1854 : i32
    }
    %scan3A_1569 = arith.constant 64 : i32
    %dma_wait3A_1570 = arith.constant 0 : i32
    %dma_wait3A_1571 = arith.constant 0 : i32
    %dma_wait3A_1572 = arith.constant 0 : i32
    %dma_wait3A_1573 = arith.constant 0 : i32
    %dma_wait3A_1574 = tpu.memref_slice %arg13[%dma_wait3A_1570, %dma_wait3A_1572, %dma_wait3A_1573] : memref<2x16x1280xf32, #tpu.memory_space<vmem>> -> memref<1x16x1280xf32, #tpu.memory_space<vmem>>
    %dma_wait3A_1575 = tpu.memref_squeeze %dma_wait3A_1574 : memref<1x16x1280xf32, #tpu.memory_space<vmem>> -> memref<16x1280xf32, #tpu.memory_space<vmem>>
    %dma_wait3A_1576 = arith.constant 992 : i32
    %dma_wait3A_1577 = arith.constant 0 : i32
    %dma_wait3A_1578 = tpu.memref_slice %arg6[%select_n3A, %select_n3A_30, %dma_wait3A_1576, %dma_wait3A_1577] : memref<8x4x1025x1280xf32, #tpu.memory_space<hbm>> -> memref<1x1x16x1280xf32, #tpu.memory_space<hbm>>
    %dma_wait3A_1579 = tpu.memref_squeeze %dma_wait3A_1578 : memref<1x1x16x1280xf32, #tpu.memory_space<hbm>> -> memref<16x1280xf32, #tpu.memory_space<hbm>>
    %dma_wait3A_1580 = tpu.memref_slice %arg17[%dma_wait3A_1571] : memref<2x!tpu.dma_semaphore, #tpu.memory_space<semaphore_mem>> -> memref<1x!tpu.dma_semaphore, #tpu.memory_space<semaphore_mem>>
    %dma_wait3A_1581 = tpu.memref_squeeze %dma_wait3A_1580 : memref<1x!tpu.dma_semaphore, #tpu.memory_space<semaphore_mem>> -> memref<!tpu.dma_semaphore, #tpu.memory_space<semaphore_mem>>
    %dma_wait3A_1582 = arith.constant 992 : i32
    %dma_wait3A_1583 = arith.constant 0 : i32
    %dma_wait3A_1584 = tpu.memref_slice %arg6[%select_n3A, %select_n3A_30, %dma_wait3A_1582, %dma_wait3A_1583] : memref<8x4x1025x1280xf32, #tpu.memory_space<hbm>> -> memref<1x1x16x1280xf32, #tpu.memory_space<hbm>>
    %dma_wait3A_1585 = tpu.memref_squeeze %dma_wait3A_1584 : memref<1x1x16x1280xf32, #tpu.memory_space<hbm>> -> memref<16x1280xf32, #tpu.memory_space<hbm>>
    %dma_wait3A_1586 = arith.constant 0 : i32
    %dma_wait3A_1587 = arith.constant 0 : i32
    %dma_wait3A_1588 = tpu.memref_slice %arg13[%dma_wait3A_1570, %dma_wait3A_1586, %dma_wait3A_1587] : memref<2x16x1280xf32, #tpu.memory_space<vmem>> -> memref<1x16x1280xf32, #tpu.memory_space<vmem>>
    %dma_wait3A_1589 = tpu.memref_squeeze %dma_wait3A_1588 : memref<1x16x1280xf32, #tpu.memory_space<vmem>> -> memref<16x1280xf32, #tpu.memory_space<vmem>>
    tpu.wait_dma2 semaphore(%dma_wait3A_1581 : memref<!tpu.dma_semaphore, #tpu.memory_space<semaphore_mem>>) src(%dma_wait3A_1589 : memref<16x1280xf32, #tpu.memory_space<vmem>>) dst(%dma_wait3A_1585 : memref<16x1280xf32, #tpu.memory_space<hbm>>)
    %dma_wait3A_1590 = arith.constant 1 : i32
    %dma_wait3A_1591 = arith.constant 1 : i32
    %dma_wait3A_1592 = arith.constant 0 : i32
    %dma_wait3A_1593 = arith.constant 0 : i32
    %dma_wait3A_1594 = tpu.memref_slice %arg13[%dma_wait3A_1590, %dma_wait3A_1592, %dma_wait3A_1593] : memref<2x16x1280xf32, #tpu.memory_space<vmem>> -> memref<1x16x1280xf32, #tpu.memory_space<vmem>>
    %dma_wait3A_1595 = tpu.memref_squeeze %dma_wait3A_1594 : memref<1x16x1280xf32, #tpu.memory_space<vmem>> -> memref<16x1280xf32, #tpu.memory_space<vmem>>
    %dma_wait3A_1596 = arith.constant 1008 : i32
    %dma_wait3A_1597 = arith.constant 0 : i32
    %dma_wait3A_1598 = tpu.memref_slice %arg6[%select_n3A, %select_n3A_30, %dma_wait3A_1596, %dma_wait3A_1597] : memref<8x4x1025x1280xf32, #tpu.memory_space<hbm>> -> memref<1x1x16x1280xf32, #tpu.memory_space<hbm>>
    %dma_wait3A_1599 = tpu.memref_squeeze %dma_wait3A_1598 : memref<1x1x16x1280xf32, #tpu.memory_space<hbm>> -> memref<16x1280xf32, #tpu.memory_space<hbm>>
    %dma_wait3A_1600 = tpu.memref_slice %arg17[%dma_wait3A_1591] : memref<2x!tpu.dma_semaphore, #tpu.memory_space<semaphore_mem>> -> memref<1x!tpu.dma_semaphore, #tpu.memory_space<semaphore_mem>>
    %dma_wait3A_1601 = tpu.memref_squeeze %dma_wait3A_1600 : memref<1x!tpu.dma_semaphore, #tpu.memory_space<semaphore_mem>> -> memref<!tpu.dma_semaphore, #tpu.memory_space<semaphore_mem>>
    %dma_wait3A_1602 = arith.constant 1008 : i32
    %dma_wait3A_1603 = arith.constant 0 : i32
    %dma_wait3A_1604 = tpu.memref_slice %arg6[%select_n3A, %select_n3A_30, %dma_wait3A_1602, %dma_wait3A_1603] : memref<8x4x1025x1280xf32, #tpu.memory_space<hbm>> -> memref<1x1x16x1280xf32, #tpu.memory_space<hbm>>
    %dma_wait3A_1605 = tpu.memref_squeeze %dma_wait3A_1604 : memref<1x1x16x1280xf32, #tpu.memory_space<hbm>> -> memref<16x1280xf32, #tpu.memory_space<hbm>>
    %dma_wait3A_1606 = arith.constant 0 : i32
    %dma_wait3A_1607 = arith.constant 0 : i32
    %dma_wait3A_1608 = tpu.memref_slice %arg13[%dma_wait3A_1590, %dma_wait3A_1606, %dma_wait3A_1607] : memref<2x16x1280xf32, #tpu.memory_space<vmem>> -> memref<1x16x1280xf32, #tpu.memory_space<vmem>>
    %dma_wait3A_1609 = tpu.memref_squeeze %dma_wait3A_1608 : memref<1x16x1280xf32, #tpu.memory_space<vmem>> -> memref<16x1280xf32, #tpu.memory_space<vmem>>
    tpu.wait_dma2 semaphore(%dma_wait3A_1601 : memref<!tpu.dma_semaphore, #tpu.memory_space<semaphore_mem>>) src(%dma_wait3A_1609 : memref<16x1280xf32, #tpu.memory_space<vmem>>) dst(%dma_wait3A_1605 : memref<16x1280xf32, #tpu.memory_space<hbm>>)
    return
  }
}

</mosaic_0001>

<sc_bundles>
// kernel: _sc_call.3.cloned.1.call-start
scs
__scs_entry_jumppad:
0x0: {  	(pc) =	sbr.rel $0x88, $3  }
0x1: {  	(tag) =	ssettag $0x0;
	lr =	simm.s32 $0x1  }
0x2: {  	[smem:$0x3F9D] =	sst lr;
	_ =	strace $0xD0000000  }
0x3: {  	_ = 	snop  }
0x4: {  	_ = 	snop  }
0x5: {  	_ = 	snop  }
0x6: {  	_ = 	snop  }
0x7: {  	_ = 	snop  }
__scs_overlays_trampoline_lowered:
0x8: {  	[smem:$0x3FAC] =	sst s0  }
0x9: {  	[smem:$0x3FAD] =	sst s1  }
0xa: {  	[smem:$0x3FAE] =	sst s2  }
0xb: {  	[smem:$0x3FAF] =	sst s3  }
0xc: {  	[smem:$0x3FB0] =	sst s4  }
0xd: {  	[smem:$0x3FB1] =	sst s5  }
0xe: {  	[smem:$0x3FB2] =	sst s6  }
0xf: {  	[smem:$0x3FB3] =	sst s7  }
0x10: {  	[smem:$0x3FB4] =	sst s8  }
0x11: {  	[smem:$0x3FB5] =	sst s9;
	s0 =	simm.s32 @!p0 $0x0  }
0x12: {  	s1 =	sld [smem:$0x3F9B];
	s0 =	simm.s32 @p0 $0x1  }
0x13: {  	[smem:$0x3FB6] =	sst s0;
	s0 =	simm.s32 @!p1 $0x0  }
0x14: {  	s2 =	sld [smem:$0x3F9A];
	s0 =	simm.s32 @p1 $0x1  }
0x15: {  	[smem:$0x3FB7] =	sst s0;
	s0 =	simm.s32 @!p2 $0x0  }
0x16: {  	s3 =	sld [smem:$0x3FDB];
	s0 =	simm.s32 @p2 $0x1  }
0x17: {  	s4 =	simm.s32 $0x1BF5;
	[smem:$0x3FB9] =	sst s0  }
0x18: {  	s0 =	sld [smem:$0x3F9C];
	_ =	swait.ge [sflag:s4], $0x0  }
0x19: {  	s7 =	sld [smem:$0x3F9D]  }
0x1a: {  	s8 =	sadd.s32 $0xFFFFE003, lr  }
0x1b: {  	s9 =	sadd.s32 $0xFFFFFEF7, lr;
	s5 =	simm.s32 $0xFFFFFFFF;
	p2 =	slt.u32 s8, $0xFFFFF086  }
0x1c: {  	p1 =	slt.u32 s9, $0xF7A;
	s5 =	simm.s32 @!p2 $0x0  }
0x1d: {  	s5 =	simm.s32 @p1 $0x1;
	p0 =	seq.s32 s7, s2  }
0x1e: {  	s7 =	smul.u32 @!p0 $0xF7A, s2;
	p2 =	seq.s32 @!p0 s5, $0x0  }
0x1f: {  	s9 =	smul.u32 $0xF7A, s1;
	s8 =	simm.s32 @!p0 $0x1BF5;
	p2 =	por !p2, p0  }
0x20: {  	[sflag:s8] =	ssyncset.s32 @!p0 $0xFFFFF086;
	s6 =	sadd.s32 @!p0 s3, s7;
	s7 =	simm.s32 @!p0 $0x108  }
0x21: {  	s3 =	sadd.s32 s3, s9;
	s6 =	sadd.s32 @!p0 $0x88, s6;
	s7 =	simm.s32 @p2 $0x1082  }
0x22: {  	[simem:s7], [sflag:s8] =	dma.local @!p0 [hbm:s6], $0xF7A  }
0x23: {  	s9 =	sor.u32 $0xD0000000, s2;
	s6 =	simm.s32 $0x108;
	_ =	swait.ge @!p0 [sflag:s8], $0x0  }
0x24: {  	s3 =	sadd.s32 $0x88, s3;
	s6 =	simm.s32 @!p1 $0x1082;
	[sflag:s4] =	ssyncset.s32 $0xFFFFF086  }
0x25: {  	[simem:s6], [sflag:s4] =	dma.local [hbm:s3], $0xF7A  }
0x26: {  	[smem:$0x3F9D] =	sst s1;
	(tag) =	ssettag s2;
	_ =	strace s9  }
0x27: {  	s1 =	sld [smem:$0x3FAD]  }
0x28: {  	s2 =	sld [smem:$0x3FAE]  }
0x29: {  	s4 =	sld [smem:$0x3FB0]  }
0x2a: {  	p0 =	seq.s32 s5, $0x0;
	s5 =	sld [smem:$0x3FB1]  }
0x2b: {  	s6 =	sld [smem:$0x3FB2]  }
0x2c: {  	s7 =	sld [smem:$0x3FB3]  }
0x2d: {  	s3 =	simm.s32 $0x108;
	s8 =	sld [smem:$0x3FB4]  }
0x2e: {  	s3 =	simm.s32 @!p0 $0x1082;
	s9 =	sld [smem:$0x3FB5]  }
0x2f: {  	lr =	sadd.s32 s0, s3;
	s0 =	sld [smem:$0x3FAC]  }
0x30: {  	s3 =	sld [smem:$0x3FAF]  }
0x31: {  	[smem:$0x3FB8] =	sst s10  }
0x32: {  	s10 =	sld [smem:$0x3FB6];
	_ =	sdelay $0x3  }
0x33: {  	p0 =	seq.s32 s10, $0x1;
	s10 =	sld [smem:$0x3FB8];
	_ =	sdelay $0x3  }
0x34: {  	[smem:$0x3FB8] =	sst s10  }
0x35: {  	s10 =	sld [smem:$0x3FB7];
	_ =	sdelay $0x3  }
0x36: {  	p1 =	seq.s32 s10, $0x1;
	s10 =	sld [smem:$0x3FB8];
	_ =	sdelay $0x3  }
0x37: {  	[smem:$0x3FB8] =	sst s10  }
0x38: {  	s10 =	sld [smem:$0x3FB9]  }
0x39: {  	_ = 	snop;
	(pc) =	sbr.ind lr, $3  }
0x3a: {  	_ = 	snop  }
0x3b: {  	_ = 	snop  }
0x3c: {  	p2 =	seq.s32 s10, $0x1;
	s10 =	sld [smem:$0x3FB8]  }
0x3d: {  	_ =	shalt  }
0x3e: {  	_ =	shalt  }
0x3f: {  	_ =	shalt  }
0x40: {  	_ =	shalt  }
0x41: {  	_ =	shalt  }
0x42: {  	_ =	shalt  }
0x43: {  	_ =	shalt  }
0x44: {  	_ =	shalt  }
0x45: {  	_ =	shalt  }
0x46: {  	_ =	shalt  }
0x47: {  	_ =	shalt  }
0x48: {  	_ =	shalt  }
0x49: {  	_ =	shalt  }
0x4a: {  	_ =	shalt  }
0x4b: {  	_ =	shalt  }
0x4c: {  	_ =	shalt  }
0x4d: {  	_ =	shalt  }
0x4e: {  	_ =	shalt  }
0x4f: {  	_ =	shalt  }
0x50: {  	_ =	shalt  }
0x51: {  	_ =	shalt  }
0x52: {  	_ =	shalt  }
0x53: {  	_ =	shalt  }
0x54: {  	_ =	shalt  }
0x55: {  	_ =	shalt  }
0x56: {  	_ =	shalt  }
0x57: {  	_ =	shalt  }
0x58: {  	_ =	shalt  }
0x59: {  	_ =	shalt  }
0x5a: {  	_ =	shalt  }
0x5b: {  	_ =	shalt  }
0x5c: {  	_ =	shalt  }
0x5d: {  	_ =	shalt  }
0x5e: {  	_ =	shalt  }
0x5f: {  	_ =	shalt  }
0x60: {  	_ =	shalt  }
0x61: {  	_ =	shalt  }
0x62: {  	_ =	shalt  }
0x63: {  	_ =	shalt  }
0x64: {  	_ =	shalt  }
0x65: {  	_ =	shalt  }
0x66: {  	_ =	shalt  }
0x67: {  	_ =	shalt  }
0x68: {  	_ =	shalt  }
0x69: {  	_ =	shalt  }
0x6a: {  	_ =	shalt  }
0x6b: {  	_ =	shalt  }
0x6c: {  	_ =	shalt  }
0x6d: {  	_ =	shalt  }
0x6e: {  	_ =	shalt  }
0x6f: {  	_ =	shalt  }
0x70: {  	_ =	shalt  }
0x71: {  	_ =	shalt  }
0x72: {  	_ =	shalt  }
0x73: {  	_ =	shalt  }
0x74: {  	_ =	shalt  }
0x75: {  	_ =	shalt  }
0x76: {  	_ =	shalt  }
0x77: {  	_ =	shalt  }
0x78: {  	_ =	shalt  }
0x79: {  	_ =	shalt  }
0x7a: {  	_ =	shalt  }
0x7b: {  	_ =	shalt  }
0x7c: {  	_ =	shalt  }
0x7d: {  	_ =	shalt  }
0x7e: {  	_ =	shalt  }
0x7f: {  	_ =	shalt  }
0x80: {  	_ =	shalt  }
0x81: {  	_ =	shalt  }
0x82: {  	_ =	shalt  }
0x83: {  	_ =	shalt  }
0x84: {  	_ =	shalt  }
0x85: {  	_ =	shalt  }
0x86: {  	_ =	shalt  }
0x87: {  	_ =	shalt  }
.Lfunc_end0:
.L_simem_size_0:
called_computation_lowered:
.L_overlay_start_0:
0x88: {  	s2 =	sld [smem:$0x3FD9]  }
0x89: {  	s3 =	sld [smem:$0x3FFE];
	_ =	sdelay $0x1  }
0x8a: {  	s1 =	srdreg.scid  }
0x8b: {  	s0 =	sand.u32 $0x1, s1  }
0x8c: {  	s17 =	sshll.u32 s0, $0xA;
	s2 =	sadd.s32 s3, s2  }
0x8d: {  	s2 =	sadd.s32 s2, s17  }
0x8e: {  	[smem:$0x3FC4] =	sst s2  }
0x8f: {  	_ = 	snop  }
0x90: {  	s2 =	sld [smem:$0x3FC8]  }
0x91: {  	s18 =	sld [smem:$0x3FC7]  }
0x92: {  	s4 =	sld [smem:$0x3FC6];
	(tm) =	ssettm $0x1  }
0x93: {  	s5 =	sld [smem:$0x3FFB];
	_ =	sdelay $0x3  }
0x94: {  	_ =	strace s5  }
0x95: {  	s5 =	sld [smem:$0x3FFC];
	_ =	sdelay $0x3  }
0x96: {  	_ =	strace s5  }
0x97: {  	s5 =	sld [smem:$0x3FFD];
	_ =	sdelay $0x3  }
0x98: {  	_ =	strace s5  }
0x99: {  	_ =	strace $0x8FFFFFFF  }
0x9a: {  	s19 =	sld [smem:$0x3FDB];
	_ =	sdelay $0x1  }
0x9b: {  	s6 =	simm.s32 $_scs_section_size  }
0x9c: {  	s7 =	simm.s32 $_size__tile_overlayer_lowered;
	s8 =	simm.s32 $_tile_overlayer_lowered  }
0x9d: {  	s22 =	simm.s32 $0x1BFF;
	s21 =	sshll.u32 s8, $0x1;
	s5 =	sadd.s32 s6, s19  }
0x9e: {  	s9 =	simm.s32 $0x0;
	s20 =	sshll.u32 s7, $0x1;
	s7 =	sadd.s32 s21, s5  }
0x9f: {  	[timem:s9], [sflag:s22] =	dma.local [hbm:s7], s20  }
0xa0: {  	_ =	swait.ge [sflag:s22], s20  }
0xa1: {  	s6 =	ssub.s32 $0x0, s20;
	[sflag:s22] =	ssyncset.done $0x0  }
0xa2: {  	[sflag:s22] =	ssyncadd.s32 s6;
	_ =	sdelay $0x1  }
0xa3: {  	s23 =	simm.s32 $0x1B8B  }
0xa4: {  	_ =	swait.ge [sflag:s23], $0x1  }
0xa5: {  	[sflag:s23] =	ssyncset.done $0x0  }
0xa6: {  	s25 =	simm.s32 $0x1B8E;
	s24 =	sld [smem:$0x3FFE];
	[sflag:s23] =	ssyncadd.s32 $0xFFFFFFFF  }
0xa7: {  	s26 =	simm.s32 $execute0_lowered;
	[smem:$0x3FD2] =	sst s25  }
0xa8: {  	s7 =	sshll.u32 s26, $0x1;
	_ =	strace $0x80000046;
	[dreg:$0x1] =	wrdreg $0xFFFFFFFF  }
0xa9: {  	s28 =	simm.s32 $_size_execute0_lowered;
	s5 =	sadd.s32 s5, s7;
	[dreg:$0x0] =	wrdreg $0x0  }
0xaa: {  	s7 =	sshll.u32 s28, $0x1;
	[dreg:$0x2] =	wrdreg s5  }
0xab: {  	[dreg:$0x3] =	wrdreg s7  }
0xac: {  	[dreg:$0x4] =	wrdreg $0xC0  }
0xad: {  	_ =	task [dreg:s9], $0x5FFFF  }
0xae: {  	[dreg:$0x1] =	wrdreg $0xFFFFFFFF  }
0xaf: {  	[dreg:$0x0] =	wrdreg $0x60  }
0xb0: {  	[dreg:$0x2] =	wrdreg s24  }
0xb1: {  	[dreg:$0x3] =	wrdreg s2  }
0xb2: {  	[dreg:$0x4] =	wrdreg s18  }
0xb3: {  	[dreg:$0x5] =	wrdreg s4  }
0xb4: {  	[dreg:$0x6] =	wrdreg $0x9  }
0xb5: {  	_ =	task.clear_ibuf [dreg:s9], $0x7FFFF;
	_ =	strace $0x90000046  }
0xb6: {  	s29 =	simm.s32 $0x9;
	_ =	strace $0x80000048  }
0xb7: {  	_ =	swait.ge [sflag:s29], $0x1  }
0xb8: {  	[sflag:s29] =	ssyncadd.s32 $0xFFFFFFFF  }
0xb9: {  	_ =	strace $0x90000048  }
0xba: {  	_ =	sfence  }
0xbb: {  	s30 =	sld [smem:$0x0];
	_ =	sdelay $0x2  }
0xbc: {  	s31 =	sshll.u32 s1, $0xD;
	s1 =	sshrl.u32 s1, $0x2  }
0xbd: {  	s3 =	sand.u32 $0x4000, s31;
	s1 =	sadd.s32 s1, s30  }
0xbe: {  	s0 =	sor.u32 s3, s0;
	s1 =	sshll.u32 s1, $0x11  }
0xbf: {  	s0 =	sor.u32 s1, s0  }
0xc0: {  	s0 =	sadd.s32 $0x8F2B, s0  }
0xc1: {  	[sflag:s0] =	ssyncadd.remote.s32 $0x1  }
0xc2: {  	_ =	sfence.sel $0xFFFF  }
0xc3: {  	[dreg:$0x0] =	wrdreg $0xFFFFFFFF;
	(pc) =	sbr.abs _section_cstart, $3  }
0xc4: {  	[dreg:$0x1] =	wrdreg $0xFFFFFFFF  }
0xc5: {  	_ =	task.clear_ibuf [dreg:s9], $0x2FFFF;
	_ =	strace $0x9FFFFFFF  }
0xc6: {  	(tm) =	ssettm $0x7FFFFFFF  }
0xc7: {  	_ =	shalt  }
tec
execute0_lowered:
.L_overlay_start_1:
0x0: {  	(tag) =	ssettag $0x1  }
0x1: {  	s0 =	rddreg [dreg:$0x0]  }
0x2: {  	s3 =	stileid.u32;
	s1 =	srdreg.scid  }
0x3: {  	s5 =	simm.s32 $0x0;
	s19 =	simm.s32 $0x7;
	s20 =	simm.s32 $0x80  }
0x4: {  	s23 =	simm.s32 $0x2;
	s26 =	simm.s32 $0x5;
	s28 =	simm.s32 $0x6  }
0x5: {  	s2 =	sshll.u32 s3, $0x1;
	s4 =	sshrl.u32 s3, $0x1;
	s3 =	rddreg [dreg:$0x2]  }
0x6: {  	s29 =	simm.s32 $0x0;
	s1 =	sand.u32 $0x1, s1;
	[smem:$0x7FF] =	sst s5  }
0x7: {  	s8 =	sadd.s32 $0x50A400, s0;
	s2 =	sand.u32 $0x2, s2;
	s6 =	smul.u32 $0x50A000, s4  }
0x8: {  	v62 =	vlaneseq.u32;
	_ =	strace $0x80000047;
	s10 =	sadd.s32 $0x100, s3;
	s2 =	sor.u32 s1, s2  }
0x9: {  	v2 =	vand.u32 $0x7, v62;
	s11 =	sadd.s32 $0x200, s3;
	s1 =	ssub.s32 $0x2, s1;
	s7 =	smul.u32 $0x142800, s2  }
0xa: {  	s12 =	sadd.s32 $0x300, s3;
	s13 =	sadd.s32 $0x400, s3;
	v0 =	vmov s4;
	[tilespmem:$0x1FFD0] =	vst v2;
	s9 =	sshrl.u32 s1, $0x1  }
0xb: {  	v63 =	vshrl.u32 v62, $0x3;
	s4 =	simm.s32 $0x1;
	[tilespmem:$0x1FFB0] =	vst v0;
	v1 =	vmov s2;
	s31 =	ssub.s32 s1, s9;
	s6 =	sadd.s32 s6, s7  }
0xc: {  	v0 =	vor.u32 $0x8, v62;
	[tilespmem:$0x1FFC0] =	vst v1;
	v1 =	vmul.u32 $0x8, v63;
	s7 =	sadd.s32 $0x400, s0;
	s18 =	smax.u32 s31, $0x1;
	s15 =	sshrl.u32 s6, $0x3  }
0xd: {  	[tilespmem:$0x1FFF0] =	vst v0;
	s17 =	sadd.s32 $0xA000, s6;
	s14 =	sadd.s32 $0x28000, s15;
	s15 =	sadd.s32 s7, s15  }
0xe: {  	vm0 =	vmmov $0xffff;
	[tilespmem:$0x1FFE0] =	vst v1;
	s9 =	sadd.s32 s7, s14;
	s14 =	sadd.s32 s8, s14;
	s16 =	sadd.s32 $0xA00, s15  }
.LBB2_1:
0xf: {  	s0 =	rddreg [dreg:$0x1]  }
0x10: {  	[tilespmem:s5], [sflag:$0x7] =	stream.linear.gather [hbm4b:s0+s5], $0x8, $0x38;
	[tilespmem:$0x19B00] =	vst v63  }
0x11: {  	_ =	swait.ge [sflag:s19], $0x8  }
0x12: {  	[sflag:s19] =	ssyncset.done $0x0  }
0x13: {  	[sflag:s19] =	ssyncadd.s32 $0xFFFFFFF8  }
0x14: {  	s25 =	rddreg [dreg:$0x3]  }
0x15: {  	[tilespmem:s20], [sflag:$0x7] =	stream.linear.gather [hbm4b:s25+s5], $0x80, $0x38;
	[tilespmem:$0x19B00] =	vst v63  }
0x16: {  	_ =	swait.ge [sflag:s19], $0x80  }
0x17: {  	[sflag:s19] =	ssyncset.done $0x0  }
0x18: {  	s1 =	simm.s32 $0x5600;
	s0 =	simm.s32 $0x400;
	[sflag:s19] =	ssyncadd.s32 $0xFFFFFF80  }
0x19: {  	[tilespmem:s1], [sflag:$0x2] =	stream.strided.gather [hbm4b:s9+s20], $0x500, s0, s20, $0x38;
	[tilespmem:$0x19B00] =	vst v63  }
0x1a: {  	_ =	swait.ge [sflag:s23], $0x500  }
0x1b: {  	v0 =	vld [tilespmem:$0x1FFB0];
	_ =	sdelay $0x5  }
0x1c: {  	[sflag:s23] =	ssyncset.done $0x0  }
0x1d: {  	[sflag:s23] =	ssyncadd.s32 $0xFFFFFB00  }
0x1e: {  	v0 =	vld.idx.msk [tilespmem:v0+s5+$0x0], $0xffff;
	_ =	sdelay $0x1  }
0x1f: {  	v3 =	vld [tilespmem:$0x1FFC0]  }
0x20: {  	v48 =	vld [tilespmem:$0x1FFD0]  }
0x21: {  	v1 =	vld [tilespmem:$0x80]  }
0x22: {  	v2 =	vshll.u32 v0, $0x2;
	v0 =	vshrl.u32 v0, $0x1  }
0x23: {  	v49 =	vld [tilespmem:$0x1FFE0];
	v2 =	vand.u32 $0x4, v2;
	v0 =	vmul.u32 $0x50, v0  }
0x24: {  	v2 =	vor.u32 v2, v3  }
0x25: {  	v0 =	vor.u32 v2, v0  }
0x26: {  	v1 =	vadd.f32 v1, v1;
	v2 =	vperm.xlane v0, v48;
	_ =	sdelay $0x1  }
0x27: {  	v1 =	vmul.f32 $1.442695020e+00, v1;
	v2 =	vadd.s32 v49, v2;
	_ =	sdelay $0x1  }
0x28: {  	(erf) = vpow2.f32 v1  }
0x29: {  	v50 =	vld [tilespmem:$0x1FFF0]  }
0x2a: {  	s2 =	simm.s32 $0x100  }
0x2b: {  	[tilespmem:s2], [sflag:$0x1] =	stream.indirect_vreg.gather [hbm4b:s3+s5], $0x80, v2, vm0, $0xb8;
	[tilespmem:$0x19B00] =	vst v63  }
0x2c: {  	s31 =	simm.s32 $0x900  }
0x2d: {  	[tilespmem:s31], [sflag:$0x1] =	stream.indirect_vreg.gather [hbm4b:s10+s5], $0x80, v2, vm0, $0xb8;
	[tilespmem:$0x19B00] =	vst v63  }
0x2e: {  	s21 =	simm.s32 $0x1100;
	v0 =	vperm.xlane v0, v50  }
0x2f: {  	[tilespmem:s21], [sflag:$0x1] =	stream.indirect_vreg.gather [hbm4b:s11+s5], $0x80, v2, vm0, $0xb8;
	[tilespmem:$0x19B00] =	vst v63  }
0x30: {  	s22 =	simm.s32 $0x1900;
	v0 =	vadd.s32 v49, v0  }
0x31: {  	v51 =	vpop (erf);
	[tilespmem:s22], [sflag:$0x1] =	stream.indirect_vreg.gather [hbm4b:s12+s5], $0x80, v2, vm0, $0xb8;
	[tilespmem:$0x19B00] =	vst v63  }
0x32: {  	s24 =	simm.s32 $0x2100;
	v1 =	vadd.f32 $1.000000000e+00, v51  }
0x33: {  	[tilespmem:s24], [sflag:$0x1] =	stream.indirect_vreg.gather [hbm4b:s13+s5], $0x80, v2, vm0, $0xb8;
	[tilespmem:$0x19B00] =	vst v63  }
0x34: {  	s25 =	simm.s32 $0x2900;
	(erf) = vrcp.f32 v1  }
0x35: {  	[tilespmem:s25], [sflag:$0x1] =	stream.indirect_vreg.gather [hbm4b:s3+s5], $0x80, v0, vm0, $0xb8;
	[tilespmem:$0x19B00] =	vst v63  }
0x36: {  	s31 =	simm.s32 $0x3100  }
0x37: {  	[tilespmem:s31], [sflag:$0x1] =	stream.indirect_vreg.gather [hbm4b:s10+s5], $0x80, v0, vm0, $0xb8;
	[tilespmem:$0x19B00] =	vst v63  }
0x38: {  	s21 =	simm.s32 $0x3900  }
0x39: {  	[tilespmem:s21], [sflag:$0x1] =	stream.indirect_vreg.gather [hbm4b:s11+s5], $0x80, v0, vm0, $0xb8;
	[tilespmem:$0x19B00] =	vst v63  }
0x3a: {  	s22 =	simm.s32 $0x4100  }
0x3b: {  	[tilespmem:s22], [sflag:$0x1] =	stream.indirect_vreg.gather [hbm4b:s12+s5], $0x80, v0, vm0, $0xb8;
	[tilespmem:$0x19B00] =	vst v63  }
0x3c: {  	s24 =	simm.s32 $0x4900  }
0x3d: {  	v6 =	vpop (erf);
	[tilespmem:s24], [sflag:$0x1] =	stream.indirect_vreg.gather [hbm4b:s13+s5], $0x80, v0, vm0, $0xb8;
	[tilespmem:$0x19B00] =	vst v63  }
0x3e: {  	_ =	swait.ge [sflag:s4], $0x5000  }
0x3f: {  	[sflag:s4] =	ssyncset.done $0x0  }
0x40: {  	[sflag:s4] =	ssyncadd.s32 $0xFFFFB000  }
0x41: {  	v52 =	vld [tilespmem:$0x100]  }
0x42: {  	v31 =	vld [tilespmem:$0x110]  }
0x43: {  	v34 =	vld [tilespmem:$0x120]  }
0x44: {  	v35 =	vld [tilespmem:$0x130]  }
0x45: {  	v37 =	vld [tilespmem:$0x140]  }
0x46: {  	v38 =	vld [tilespmem:$0x150]  }
0x47: {  	v41 =	vld [tilespmem:$0x160]  }
0x48: {  	v42 =	vld [tilespmem:$0x170]  }
0x49: {  	v44 =	vld [tilespmem:$0x500]  }
0x4a: {  	v45 =	vld [tilespmem:$0x510]  }
0x4b: {  	v48 =	vld [tilespmem:$0x520]  }
0x4c: {  	v49 =	vld [tilespmem:$0x530]  }
0x4d: {  	v51 =	vld [tilespmem:$0x540]  }
0x4e: {  	v55 =	vld [tilespmem:$0x550]  }
0x4f: {  	v0 =	vld [tilespmem:$0x560];
	[tilespmem:$0x1FD30] =	vst v52  }
0x50: {  	v1 =	vld [tilespmem:$0x570]  }
0x51: {  	v2 =	vld [tilespmem:$0x900]  }
0x52: {  	v3 =	vld [tilespmem:$0x910]  }
0x53: {  	v4 =	vld [tilespmem:$0x920]  }
0x54: {  	v5 =	vld [tilespmem:$0x930]  }
0x55: {  	v7 =	vld [tilespmem:$0x940]  }
0x56: {  	v8 =	vld [tilespmem:$0x950]  }
0x57: {  	v9 =	vld [tilespmem:$0x960]  }
0x58: {  	v10 =	vld [tilespmem:$0x970]  }
0x59: {  	v30 =	vld [tilespmem:$0xD00]  }
0x5a: {  	v28 =	vld [tilespmem:$0xD10]  }
0x5b: {  	v52 =	vld [tilespmem:$0xD20]  }
0x5c: {  	v27 =	vld [tilespmem:$0xD30]  }
0x5d: {  	v56 =	vld [tilespmem:$0xD40]  }
0x5e: {  	v58 =	vld [tilespmem:$0xD50]  }
0x5f: {  	v59 =	vld [tilespmem:$0xD60]  }
0x60: {  	v62 =	vld [tilespmem:$0xD70]  }
0x61: {  	v63 =	vld [tilespmem:$0x1100]  }
0x62: {  	v53 =	vld [tilespmem:$0x1D70]  }
0x63: {  	v24 =	vld [tilespmem:$0x1110]  }
0x64: {  	v25 =	vld [tilespmem:$0x1120]  }
0x65: {  	v21 =	vld [tilespmem:$0x1130]  }
0x66: {  	v20 =	vld [tilespmem:$0x1140]  }
0x67: {  	[tilespmem:$0x1FC30] =	vst v53;
	v53 =	vld [tilespmem:$0x2100]  }
0x68: {  	v17 =	vld [tilespmem:$0x1150]  }
0x69: {  	v18 =	vld [tilespmem:$0x1160]  }
0x6a: {  	v14 =	vld [tilespmem:$0x1170]  }
0x6b: {  	v15 =	vld [tilespmem:$0x1500]  }
0x6c: {  	[tilespmem:$0x1FC40] =	vst v53;
	v53 =	vld [tilespmem:$0x2110]  }
0x6d: {  	v11 =	vld [tilespmem:$0x1510]  }
0x6e: {  	v12 =	vld [tilespmem:$0x1520]  }
0x6f: {  	v13 =	vld [tilespmem:$0x1530]  }
0x70: {  	v16 =	vld [tilespmem:$0x1540]  }
0x71: {  	[tilespmem:$0x1FC50] =	vst v53;
	v53 =	vld [tilespmem:$0x2120]  }
0x72: {  	v19 =	vld [tilespmem:$0x1550]  }
0x73: {  	v22 =	vld [tilespmem:$0x1560]  }
0x74: {  	v23 =	vld [tilespmem:$0x1570]  }
0x75: {  	v26 =	vld [tilespmem:$0x1900]  }
0x76: {  	[tilespmem:$0x1FC60] =	vst v53;
	v53 =	vld [tilespmem:$0x2130]  }
0x77: {  	v29 =	vld [tilespmem:$0x1910]  }
0x78: {  	v6 =	vadd.f32 v6, v6;
	v32 =	vld [tilespmem:$0x1920]  }
0x79: {  	v33 =	vld [tilespmem:$0x1930]  }
0x7a: {  	v6 =	vsub.f32 $1.000000000e+00, v6;
	v36 =	vld [tilespmem:$0x1940]  }
0x7b: {  	[tilespmem:$0x1FC70] =	vst v53;
	v53 =	vld [tilespmem:$0x2140]  }
0x7c: {  	v31 =	vmul.f32 v31, v6;
	v39 =	vld [tilespmem:$0x1950]  }
0x7d: {  	v41 =	vmul.f32 v41, v6;
	v40 =	vld [tilespmem:$0x1960]  }
0x7e: {  	v43 =	vld [tilespmem:$0x1970];
	[tilespmem:$0x5110] =	vst v31  }
0x7f: {  	v0 =	vmul.f32 v0, v6;
	v46 =	vld [tilespmem:$0x1D00];
	[tilespmem:$0x5160] =	vst v41  }
0x80: {  	v31 =	vmul.f32 v34, v6;
	[tilespmem:$0x1FC80] =	vst v53;
	v53 =	vld [tilespmem:$0x2150]  }
0x81: {  	v47 =	vld [tilespmem:$0x1D10];
	v41 =	vmul.f32 v44, v6;
	[tilespmem:$0x51E0] =	vst v0  }
0x82: {  	v44 =	vmul.f32 v45, v6;
	v45 =	vld [tilespmem:$0x5160];
	[tilespmem:$0x5120] =	vst v31  }
0x83: {  	v50 =	vld [tilespmem:$0x1D20];
	[tilespmem:$0x5180] =	vst v41  }
0x84: {  	v61 =	vld [tilespmem:$0x1D30];
	v31 =	vmul.f32 v35, v6;
	[tilespmem:$0x5190] =	vst v44  }
0x85: {  	[tilespmem:$0x1FC90] =	vst v53;
	v53 =	vld [tilespmem:$0x2160]  }
0x86: {  	v60 =	vld [tilespmem:$0x1D40];
	[tilespmem:$0x5130] =	vst v31;
	v34 =	vmul.f32 v4, v6  }
0x87: {  	v57 =	vld [tilespmem:$0x1D50];
	v35 =	vmul.f32 v5, v6;
	[tilespmem:$0x1FE10] =	vst v45  }
0x88: {  	v44 =	vld [tilespmem:$0x5680];
	[tilespmem:$0x5220] =	vst v34  }
0x89: {  	v54 =	vld [tilespmem:$0x1D60];
	v52 =	vmul.f32 v52, v6;
	[tilespmem:$0x5230] =	vst v35  }
0x8a: {  	v46 =	vmul.f32 v46, v6;
	[tilespmem:$0x1FCA0] =	vst v53;
	v53 =	vld [tilespmem:$0x2170]  }
0x8b: {  	v4 =	vld [tilespmem:$0x56B0];
	[tilespmem:$0x52A0] =	vst v52  }
0x8c: {  	v31 =	vmul.f32 v37, v6;
	v37 =	vld [tilespmem:$0x5130];
	v45 =	vmul.f32 v55, v6;
	[tilespmem:$0x5480] =	vst v46  }
0x8d: {  	v55 =	vld [tilespmem:$0x56A0];
	[tilespmem:$0x1FE40] =	vst v44  }
0x8e: {  	v34 =	vmul.f32 v59, v6;
	v35 =	vld [tilespmem:$0x5710];
	v59 =	vmul.f32 v18, v6;
	[tilespmem:$0x51D0] =	vst v45  }
0x8f: {  	v18 =	vmul.f32 v12, v6;
	v12 =	vmul.f32 v60, v6;
	[tilespmem:$0x1FCB0] =	vst v53;
	v53 =	vld [tilespmem:$0x2500]  }
0x90: {  	v60 =	vld [tilespmem:$0x5800];
	[tilespmem:$0x52E0] =	vst v34  }
0x91: {  	v46 =	vld [tilespmem:$0x5830];
	v45 =	vmul.f32 v30, v6;
	[tilespmem:$0x54C0] =	vst v12  }
0x92: {  	v52 =	vld [tilespmem:$0x5230];
	[tilespmem:$0x1FDB0] =	vst v37  }
0x93: {  	v30 =	vmul.f32 v58, v6;
	v12 =	vld [tilespmem:$0x1FD30];
	[tilespmem:$0x5280] =	vst v45  }
0x94: {  	v34 =	vmul.f32 v39, v6;
	[tilespmem:$0x1FCC0] =	vst v53;
	v53 =	vld [tilespmem:$0x2510]  }
0x95: {  	v44 =	vld [tilespmem:$0x51D0];
	[tilespmem:$0x52D0] =	vst v30  }
0x96: {  	v37 =	vld [tilespmem:$0x5640];
	[tilespmem:$0x5450] =	vst v34  }
0x97: {  	v45 =	vld [tilespmem:$0x5220];
	[tilespmem:$0x1FE80] =	vst v55  }
0x98: {  	v34 =	vld [tilespmem:$0x52E0];
	[tilespmem:$0x1FF00] =	vst v35  }
0x99: {  	v30 =	vmul.f32 v29, v6;
	[tilespmem:$0x1FCD0] =	vst v53;
	v53 =	vld [tilespmem:$0x2520]  }
0x9a: {  	v55 =	vmul.f32 v27, v6;
	v35 =	vmul.f32 v40, v6;
	v40 =	vld [tilespmem:$0x5840];
	[tilespmem:$0x1FF50] =	vst v52  }
0x9b: {  	v27 =	vmul.f32 v56, v6;
	v56 =	vmul.f32 v17, v6;
	v52 =	vld [tilespmem:$0x57A0];
	[tilespmem:$0x5410] =	vst v30  }
0x9c: {  	v30 =	vld [tilespmem:$0x5870];
	[tilespmem:$0x52B0] =	vst v55  }
0x9d: {  	v55 =	vld [tilespmem:$0x5740];
	[tilespmem:$0x5350] =	vst v56  }
0x9e: {  	[tilespmem:$0x1FCE0] =	vst v53;
	v53 =	vld [tilespmem:$0x2530]  }
0x9f: {  	v56 =	vld [tilespmem:$0x5790];
	[tilespmem:$0x5460] =	vst v35  }
0xa0: {  	v35 =	vld [tilespmem:$0x57F0];
	[tilespmem:$0x1FE90] =	vst v44  }
0xa1: {  	[tilespmem:$0x1FDC0] =	vst v37;
	v37 =	vmul.f32 v42, v6;
	v42 =	vld [tilespmem:$0x5660]  }
0xa2: {  	v17 =	vmul.f32 v11, v6;
	[tilespmem:$0x1FF30] =	vst v45;
	v45 =	vld [tilespmem:$0x57C0]  }
0xa3: {  	v44 =	vmul.f32 v24, v6;
	[tilespmem:$0x1FCF0] =	vst v53;
	v53 =	vld [tilespmem:$0x2540]  }
0xa4: {  	[tilespmem:$0x5390] =	vst v17;
	v17 =	vld [tilespmem:$0x1FC50]  }
0xa5: {  	v1 =	vmul.f32 v1, v6;
	[tilespmem:$0x5310] =	vst v44;
	v44 =	vld [tilespmem:$0x52B0]  }
0xa6: {  	[tilespmem:$0x5170] =	vst v37;
	v37 =	vld [tilespmem:$0x5670]  }
0xa7: {  	[tilespmem:$0x51F0] =	vst v1;
	v41 =	vld [tilespmem:$0x5170]  }
0xa8: {  	[tilespmem:$0x1FD00] =	vst v53;
	v53 =	vld [tilespmem:$0x2550]  }
0xa9: {  	[tilespmem:$0x1FF60] =	vst v55;
	v55 =	vld [tilespmem:$0x5280]  }
0xaa: {  	[tilespmem:$0x1FE00] =	vst v42;
	v42 =	vmul.f32 v51, v6;
	v51 =	vld [tilespmem:$0x5190]  }
0xab: {  	[tilespmem:$0x53A0] =	vst v18;
	v18 =	vld [tilespmem:$0x1FC60]  }
0xac: {  	[tilespmem:$0x1FE20] =	vst v37;
	v37 =	vmul.f32 v7, v6;
	v7 =	vld [tilespmem:$0x56C0]  }
0xad: {  	[tilespmem:$0x1FD10] =	vst v53;
	v53 =	vld [tilespmem:$0x2560]  }
0xae: {  	[tilespmem:$0x51C0] =	vst v42;
	v42 =	vmul.f32 v10, v6;
	v10 =	vld [tilespmem:$0x51F0]  }
0xaf: {  	[tilespmem:$0x1FE30] =	vst v41;
	v41 =	vmul.f32 v9, v6;
	v9 =	vld [tilespmem:$0x56D0]  }
0xb0: {  	[tilespmem:$0x5270] =	vst v42;
	v42 =	vld [tilespmem:$0x5720]  }
0xb1: {  	[tilespmem:$0x5240] =	vst v37;
	v37 =	vmul.f32 v62, v6;
	v62 =	vld [tilespmem:$0x5750]  }
0xb2: {  	[tilespmem:$0x1FD20] =	vst v53;
	v53 =	vld [tilespmem:$0x2570]  }
0xb3: {  	[tilespmem:$0x1FE70] =	vst v51;
	v51 =	vld [tilespmem:$0x51E0]  }
0xb4: {  	[tilespmem:$0x5260] =	vst v41;
	v41 =	vmul.f32 v63, v6;
	v58 =	vld [tilespmem:$0x5240]  }
0xb5: {  	v63 =	vmul.f32 v14, v6;
	v14 =	vmul.f32 v15, v6;
	v15 =	vld [tilespmem:$0x5760]  }
0xb6: {  	[tilespmem:$0x5360] =	vst v59;
	v59 =	vld [tilespmem:$0x5270]  }
0xb7: {  	[tilespmem:$0x1FD40] =	vst v53;
	v53 =	vld [tilespmem:$0x5600]  }
0xb8: {  	[tilespmem:$0x52C0] =	vst v27;
	v24 =	vmul.f32 v19, v6;
	v19 =	vld [tilespmem:$0x1FC70]  }
0xb9: {  	[tilespmem:$0x52F0] =	vst v37;
	v37 =	vld [tilespmem:$0x52D0]  }
0xba: {  	[tilespmem:$0x5370] =	vst v63;
	v63 =	vld [tilespmem:$0x5260]  }
0xbb: {  	[tilespmem:$0x5300] =	vst v41;
	v41 =	vld [tilespmem:$0x52C0]  }
0xbc: {  	[tilespmem:$0x1FD50] =	vst v53;
	v53 =	vld [tilespmem:$0x5610]  }
0xbd: {  	v11 =	vmul.f32 v61, v6;
	v61 =	vld [tilespmem:$0x52F0]  }
0xbe: {  	[tilespmem:$0x5380] =	vst v14;
	v14 =	vmul.f32 v54, v6;
	v54 =	vld [tilespmem:$0x5810]  }
0xbf: {  	v29 =	vld [tilespmem:$0x5370];
	[tilespmem:$0x1FF20] =	vst v42  }
0xc0: {  	[tilespmem:$0x1FF80] =	vst v62;
	v62 =	vld [tilespmem:$0x5770]  }
0xc1: {  	[tilespmem:$0x1FD60] =	vst v53;
	v53 =	vld [tilespmem:$0x5110]  }
0xc2: {  	v42 =	vld [tilespmem:$0x57D0];
	[tilespmem:$0x1FEB0] =	vst v51  }
0xc3: {  	v51 =	vmul.f32 v21, v6;
	[tilespmem:$0x1FFA0] =	vst v15;
	v15 =	vld [tilespmem:$0x1FC30]  }
0xc4: {  	[tilespmem:$0x1FF70] =	vst v58;
	v58 =	vld [tilespmem:$0x5780]  }
0xc5: {  	v43 =	vmul.f32 v43, v6;
	v21 =	vmul.f32 v16, v6;
	v16 =	vld [tilespmem:$0x1FC40];
	[tilespmem:$0x5330] =	vst v51  }
0xc6: {  	[tilespmem:$0x1FD70] =	vst v53;
	v53 =	vld [tilespmem:$0x5620]  }
0xc7: {  	[tilespmem:$0x5470] =	vst v43;
	v43 =	vld [tilespmem:$0x5330]  }
0xc8: {  	[tilespmem:$0x5140] =	vst v31;
	v62 =	vadd.f32 v59, v62;
	v59 =	vld [tilespmem:$0x5960];
	v1 =	vmul.f32 v15, v6  }
0xc9: {  	[tilespmem:$0x53C0] =	vst v21;
	v21 =	vld [tilespmem:$0x1FC90]  }
0xca: {  	v58 =	vadd.f32 v55, v58;
	v55 =	vld [tilespmem:$0x5460];
	[tilespmem:$0x54F0] =	vst v1;
	v1 =	vmul.f32 v17, v6  }
0xcb: {  	[tilespmem:$0x1FD80] =	vst v53;
	v53 =	vld [tilespmem:$0x5120]  }
0xcc: {  	v27 =	vmul.f32 v23, v6;
	[tilespmem:$0x5510] =	vst v1;
	v1 =	vmul.f32 v19, v6;
	v23 =	vld [tilespmem:$0x1FCB0]  }
0xcd: {  	[tilespmem:$0x5780] =	vst v58;
	v58 =	vadd.f32 v41, v45;
	v41 =	vld [tilespmem:$0x5480]  }
0xce: {  	[tilespmem:$0x5530] =	vst v1;
	v1 =	vmul.f32 v21, v6;
	v21 =	vld [tilespmem:$0x1FDB0]  }
0xcf: {  	[tilespmem:$0x53D0] =	vst v24;
	v24 =	vld [tilespmem:$0x1FCC0]  }
0xd0: {  	[tilespmem:$0x1FD90] =	vst v53;
	v53 =	vld [tilespmem:$0x5630]  }
0xd1: {  	[tilespmem:$0x5550] =	vst v1;
	v1 =	vmul.f32 v23, v6;
	v23 =	vld [tilespmem:$0x58B0]  }
0xd2: {  	[tilespmem:$0x53F0] =	vst v27;
	v27 =	vld [tilespmem:$0x1FCF0]  }
0xd3: {  	[tilespmem:$0x54B0] =	vst v11;
	v11 =	vld [tilespmem:$0x1FD20]  }
0xd4: {  	[tilespmem:$0x54E0] =	vst v14;
	v14 =	vld [tilespmem:$0x1FD50]  }
0xd5: {  	[tilespmem:$0x1FDA0] =	vst v53;
	v53 =	vmul.f32 v38, v6;
	v38 =	vld [tilespmem:$0x5140]  }
0xd6: {  	v15 =	vld [tilespmem:$0x1FD60]  }
0xd7: {  	[tilespmem:$0x5150] =	vst v53;
	v53 =	vld [tilespmem:$0x5650]  }
0xd8: {  	v0 =	vmul.f32 v16, v6;
	v16 =	vld [tilespmem:$0x1FD70]  }
0xd9: {  	v17 =	vld [tilespmem:$0x1FD80]  }
0xda: {  	[tilespmem:$0x1FDD0] =	vst v38;
	v38 =	vld [tilespmem:$0x5150]  }
0xdb: {  	[tilespmem:$0x5500] =	vst v0;
	v0 =	vmul.f32 v18, v6;
	v18 =	vld [tilespmem:$0x1FD90]  }
0xdc: {  	v19 =	vld [tilespmem:$0x1FDA0];
	[tilespmem:$0x1FDE0] =	vst v53;
	v53 =	vmul.f32 v48, v6  }
0xdd: {  	v48 =	vld [tilespmem:$0x5180]  }
0xde: {  	[tilespmem:$0x51A0] =	vst v53;
	v53 =	vmul.f32 v2, v6;
	v2 =	vld [tilespmem:$0x1FF70]  }
0xdf: {  	[tilespmem:$0x1FDF0] =	vst v38;
	v38 =	vmul.f32 v49, v6;
	v49 =	vld [tilespmem:$0x5690]  }
0xe0: {  	v31 =	vmul.f32 v3, v6;
	v3 =	vld [tilespmem:$0x51A0]  }
0xe1: {  	[tilespmem:$0x5200] =	vst v53;
	v53 =	vld [tilespmem:$0x56F0]  }
0xe2: {  	[tilespmem:$0x51B0] =	vst v38;
	v38 =	vmul.f32 v8, v6;
	v8 =	vld [tilespmem:$0x51C0]  }
0xe3: {  	[tilespmem:$0x1FE50] =	vst v48;
	v48 =	vld [tilespmem:$0x56E0]  }
0xe4: {  	[tilespmem:$0x5210] =	vst v31;
	v31 =	vld [tilespmem:$0x5200]  }
0xe5: {  	[tilespmem:$0x1FED0] =	vst v10;
	v5 =	vld [tilespmem:$0x51B0]  }
0xe6: {  	[tilespmem:$0x5250] =	vst v38;
	v38 =	vld [tilespmem:$0x5210]  }
0xe7: {  	[tilespmem:$0x1FE60] =	vst v49;
	v49 =	vmul.f32 v28, v6;
	v28 =	vld [tilespmem:$0x5700]  }
0xe8: {  	v10 =	vld [tilespmem:$0x5250];
	[tilespmem:$0x1FEC0] =	vst v53;
	v53 =	vmul.f32 v20, v6  }
0xe9: {  	v20 =	vmul.f32 v13, v6;
	v13 =	vmul.f32 v57, v6;
	v57 =	vld [tilespmem:$0x5300];
	[tilespmem:$0x1FEA0] =	vst v48  }
0xea: {  	[tilespmem:$0x5290] =	vst v49;
	v48 =	vmul.f32 v25, v6;
	v49 =	vld [tilespmem:$0x5730]  }
0xeb: {  	[tilespmem:$0x1FEF0] =	vst v31;
	v25 =	vmul.f32 v22, v6;
	v31 =	vmul.f32 v32, v6;
	v22 =	vld [tilespmem:$0x1FCA0]  }
0xec: {  	v32 =	vmul.f32 v33, v6;
	v33 =	vmul.f32 v36, v6;
	v36 =	vld [tilespmem:$0x5850]  }
0xed: {  	v51 =	vld [tilespmem:$0x5290]  }
0xee: {  	[tilespmem:$0x53B0] =	vst v20;
	v20 =	vld [tilespmem:$0x1FC80]  }
0xef: {  	[tilespmem:$0x54D0] =	vst v13;
	v13 =	vld [tilespmem:$0x1FD40]  }
0xf0: {  	v4 =	vadd.f32 v5, v4;
	v5 =	vadd.f32 v8, v7;
	v7 =	vld [tilespmem:$0x1FEA0]  }
0xf1: {  	[tilespmem:$0x5340] =	vst v53;
	v8 =	vld [tilespmem:$0x1FEB0]  }
0xf2: {  	[tilespmem:$0x5320] =	vst v48;
	v48 =	vld [tilespmem:$0x57B0]  }
0xf3: {  	[tilespmem:$0x1FF10] =	vst v38;
	v38 =	vld [tilespmem:$0x57E0]  }
0xf4: {  	v39 =	vld [tilespmem:$0x5340]  }
0xf5: {  	[tilespmem:$0x5440] =	vst v33;
	v33 =	vld [tilespmem:$0x5350]  }
0xf6: {  	[tilespmem:$0x5430] =	vst v32;
	v32 =	vld [tilespmem:$0x5860]  }
0xf7: {  	v53 =	vmul.f32 v47, v6;
	[tilespmem:$0x53E0] =	vst v25;
	v25 =	vld [tilespmem:$0x1FCD0]  }
0xf8: {  	[tilespmem:$0x5420] =	vst v31;
	v31 =	vld [tilespmem:$0x5360]  }
0xf9: {  	[tilespmem:$0x5490] =	vst v53;
	v53 =	vld [tilespmem:$0x5310]  }
0xfa: {  	[tilespmem:$0x1FF90] =	vst v10;
	v10 =	vmul.f32 v50, v6;
	v50 =	vld [tilespmem:$0x5820]  }
0xfb: {  	v47 =	vld [tilespmem:$0x5320]  }
0xfc: {  	[tilespmem:$0x1FEE0] =	vst v28;
	v28 =	vmul.f32 v26, v6;
	v26 =	vld [tilespmem:$0x1FCE0]  }
0xfd: {  	[tilespmem:$0x56B0] =	vst v4;
	v4 =	vld [tilespmem:$0x1FED0]  }
0xfe: {  	[tilespmem:$0x56C0] =	vst v5;
	v5 =	vld [tilespmem:$0x1FEE0]  }
0xff: {  	v45 =	vadd.f32 v57, v60;
	v57 =	vadd.f32 v29, v30;
	v29 =	vld [tilespmem:$0x59E0]  }
0x100: {  	[tilespmem:$0x1FF40] =	vst v49;
	v49 =	vld [tilespmem:$0x52A0]  }
0x101: {  	[tilespmem:$0x5400] =	vst v28;
	v28 =	vld [tilespmem:$0x1FD00]  }
0x102: {  	[tilespmem:$0x54A0] =	vst v10;
	v10 =	vld [tilespmem:$0x1FD10]  }
0x103: {  	[tilespmem:$0x5520] =	vst v0;
	v0 =	vmul.f32 v20, v6;
	v20 =	vld [tilespmem:$0x53B0]  }
0x104: {  	[tilespmem:$0x5770] =	vst v62;
	v62 =	vadd.f32 v51, v56;
	v51 =	vld [tilespmem:$0x5970]  }
0x105: {  	[tilespmem:$0x5800] =	vst v45;
	v45 =	vld [tilespmem:$0x54B0]  }
0x106: {  	[tilespmem:$0x5870] =	vst v57;
	v57 =	vld [tilespmem:$0x5A60]  }
0x107: {  	[tilespmem:$0x5570] =	vst v1;
	v1 =	vmul.f32 v25, v6;
	v25 =	vld [tilespmem:$0x5390]  }
0x108: {  	v56 =	vadd.f32 v44, v48;
	v44 =	vld [tilespmem:$0x5980]  }
0x109: {  	v38 =	vadd.f32 v34, v38;
	v34 =	vld [tilespmem:$0x5490]  }
0x10a: {  	[tilespmem:$0x5540] =	vst v0;
	v0 =	vmul.f32 v22, v6;
	v22 =	vld [tilespmem:$0x53A0]  }
0x10b: {  	[tilespmem:$0x5790] =	vst v62;
	v62 =	vadd.f32 v37, v42;
	v37 =	vld [tilespmem:$0x5990]  }
0x10c: {  	v42 =	vadd.f32 v61, v35;
	v35 =	vld [tilespmem:$0x59A0]  }
0x10d: {  	v48 =	vadd.f32 v53, v54;
	v53 =	vadd.f32 v39, v40;
	v39 =	vld [tilespmem:$0x54C0]  }
0x10e: {  	v54 =	vadd.f32 v33, v36;
	v33 =	vld [tilespmem:$0x59D0]  }
0x10f: {  	v50 =	vadd.f32 v47, v50;
	v47 =	vld [tilespmem:$0x5A40]  }
0x110: {  	[tilespmem:$0x5590] =	vst v1;
	v1 =	vmul.f32 v27, v6;
	v27 =	vld [tilespmem:$0x5380]  }
0x111: {  	[tilespmem:$0x57E0] =	vst v38;
	v38 =	vld [tilespmem:$0x54A0]  }
0x112: {  	[tilespmem:$0x57B0] =	vst v56;
	v56 =	vadd.f32 v31, v32;
	v31 =	vld [tilespmem:$0x54D0]  }
0x113: {  	[tilespmem:$0x5560] =	vst v0;
	v0 =	vmul.f32 v24, v6;
	v24 =	vld [tilespmem:$0x58A0]  }
0x114: {  	v52 =	vadd.f32 v49, v52;
	v49 =	vld [tilespmem:$0x5470]  }
0x115: {  	[tilespmem:$0x57F0] =	vst v42;
	v42 =	vld [tilespmem:$0x59B0]  }
0x116: {  	[tilespmem:$0x5820] =	vst v50;
	v50 =	vld [tilespmem:$0x5540]  }
0x117: {  	[tilespmem:$0x5840] =	vst v53;
	v53 =	vld [tilespmem:$0x5A50]  }
0x118: {  	[tilespmem:$0x5850] =	vst v54;
	v54 =	vadd.f32 v55, v59;
	v55 =	vld [tilespmem:$0x5550]  }
0x119: {  	[tilespmem:$0x55B0] =	vst v1;
	v1 =	vmul.f32 v10, v6;
	v10 =	vld [tilespmem:$0x1FDD0]  }
0x11a: {  	[tilespmem:$0x57D0] =	vst v62;
	v62 =	vadd.f32 v20, v23;
	v20 =	vld [tilespmem:$0x5A00]  }
0x11b: {  	v59 =	vld [tilespmem:$0x5560]  }
0x11c: {  	[tilespmem:$0x5580] =	vst v0;
	v0 =	vmul.f32 v26, v6;
	v26 =	vld [tilespmem:$0x5890]  }
0x11d: {  	[tilespmem:$0x57A0] =	vst v52;
	v52 =	vadd.f32 v43, v46;
	v43 =	vld [tilespmem:$0x59C0]  }
0x11e: {  	[tilespmem:$0x55D0] =	vst v1;
	v1 =	vmul.f32 v12, v6;
	v12 =	vld [tilespmem:$0x1FDF0]  }
0x11f: {  	[tilespmem:$0x55A0] =	vst v0;
	v0 =	vmul.f32 v28, v6;
	v28 =	vld [tilespmem:$0x5880]  }
0x120: {  	[tilespmem:$0x5100] =	vst v1;
	v1 =	vadd.f32 v14, v1;
	v14 =	vld [tilespmem:$0x1FE10]  }
0x121: {  	v61 =	vadd.f32 v22, v24;
	v22 =	vld [tilespmem:$0x54F0]  }
0x122: {  	[tilespmem:$0x58B0] =	vst v62;
	v62 =	vadd.f32 v38, v35;
	v38 =	vld [tilespmem:$0x55A0]  }
0x123: {  	[tilespmem:$0x55C0] =	vst v0;
	v0 =	vmul.f32 v11, v6;
	v11 =	vld [tilespmem:$0x1FDE0]  }
0x124: {  	[tilespmem:$0x5600] =	vst v1;
	v1 =	vadd.f32 v18, v17;
	v18 =	vld [tilespmem:$0x53C0]  }
0x125: {  	v17 =	vld [tilespmem:$0x1FE30]  }
0x126: {  	[tilespmem:$0x5860] =	vst v56;
	v56 =	vadd.f32 v49, v51;
	v60 =	vadd.f32 v25, v26;
	v25 =	vld [tilespmem:$0x59F0]  }
0x127: {  	[tilespmem:$0x58A0] =	vst v61;
	v61 =	vld [tilespmem:$0x5A70]  }
0x128: {  	[tilespmem:$0x5970] =	vst v56;
	v56 =	vld [tilespmem:$0x5AF0]  }
0x129: {  	[tilespmem:$0x55E0] =	vst v0;
	v0 =	vmul.f32 v13, v6;
	v6 =	vld [tilespmem:$0x1FDC0]  }
0x12a: {  	v13 =	vld [tilespmem:$0x1FE00]  }
0x12b: {  	[tilespmem:$0x57C0] =	vst v58;
	v58 =	vadd.f32 v27, v28;
	v27 =	vld [tilespmem:$0x54E0]  }
0x12c: {  	[tilespmem:$0x5890] =	vst v60;
	v60 =	vadd.f32 v34, v37;
	v34 =	vld [tilespmem:$0x5590]  }
0x12d: {  	[tilespmem:$0x55F0] =	vst v0;
	v0 =	vadd.f32 v16, v15;
	v16 =	vld [tilespmem:$0x53D0]  }
0x12e: {  	v15 =	vld [tilespmem:$0x1FE20]  }
0x12f: {  	[tilespmem:$0x5610] =	vst v0;
	v0 =	vadd.f32 v21, v19;
	v21 =	vld [tilespmem:$0x58C0]  }
0x130: {  	v19 =	vld [tilespmem:$0x58D0]  }
0x131: {  	[tilespmem:$0x5620] =	vst v1;
	v1 =	vadd.f32 v10, v6;
	v6 =	vld [tilespmem:$0x1FE40]  }
0x132: {  	v10 =	vld [tilespmem:$0x1FE50]  }
0x133: {  	[tilespmem:$0x5630] =	vst v0;
	v0 =	vadd.f32 v12, v11;
	v11 =	vld [tilespmem:$0x1FE60]  }
0x134: {  	v12 =	vld [tilespmem:$0x1FE70]  }
0x135: {  	[tilespmem:$0x5640] =	vst v1;
	v1 =	vadd.f32 v14, v13;
	v14 =	vld [tilespmem:$0x53E0]  }
0x136: {  	v13 =	vld [tilespmem:$0x1FE80]  }
0x137: {  	[tilespmem:$0x5650] =	vst v0;
	v0 =	vadd.f32 v17, v15;
	v17 =	vld [tilespmem:$0x58E0]  }
0x138: {  	v15 =	vld [tilespmem:$0x58F0]  }
0x139: {  	v24 =	vadd.f32 v18, v21;
	v18 =	vld [tilespmem:$0x5500]  }
0x13a: {  	[tilespmem:$0x5810] =	vst v48;
	v26 =	vadd.f32 v16, v19;
	v16 =	vld [tilespmem:$0x5A10]  }
0x13b: {  	[tilespmem:$0x5660] =	vst v1;
	v1 =	vadd.f32 v10, v6;
	v10 =	vld [tilespmem:$0x5400]  }
0x13c: {  	[tilespmem:$0x5960] =	vst v54;
	v6 =	vld [tilespmem:$0x1FE90]  }
0x13d: {  	[tilespmem:$0x5670] =	vst v0;
	v0 =	vadd.f32 v12, v11;
	v12 =	vld [tilespmem:$0x53F0]  }
0x13e: {  	[tilespmem:$0x5830] =	vst v52;
	v11 =	vld [tilespmem:$0x5910]  }
0x13f: {  	[tilespmem:$0x58D0] =	vst v26;
	v26 =	vld [tilespmem:$0x5A80]  }
0x140: {  	[tilespmem:$0x58C0] =	vst v24;
	v24 =	vadd.f32 v45, v42;
	v42 =	vld [tilespmem:$0x55B0]  }
0x141: {  	[tilespmem:$0x5680] =	vst v1;
	v1 =	vadd.f32 v3, v13;
	v13 =	vld [tilespmem:$0x5900]  }
0x142: {  	v31 =	vadd.f32 v31, v33;
	[tilespmem:$0x5690] =	vst v0;
	v0 =	vadd.f32 v6, v9;
	v9 =	vld [tilespmem:$0x1FEC0]  }
0x143: {  	[tilespmem:$0x59A0] =	vst v62;
	v3 =	vld [tilespmem:$0x1FF90]  }
0x144: {  	[tilespmem:$0x59D0] =	vst v31;
	v49 =	vadd.f32 v59, v57;
	v28 =	vadd.f32 v14, v17;
	v14 =	vld [tilespmem:$0x5510]  }
0x145: {  	[tilespmem:$0x56A0] =	vst v1;
	v1 =	vadd.f32 v8, v7;
	v7 =	vld [tilespmem:$0x1FF00]  }
0x146: {  	[tilespmem:$0x5A60] =	vst v49;
	v6 =	vld [tilespmem:$0x1FEF0]  }
0x147: {  	[tilespmem:$0x56D0] =	vst v0;
	v0 =	vadd.f32 v4, v9;
	v4 =	vld [tilespmem:$0x1FF10]  }
0x148: {  	[tilespmem:$0x5880] =	vst v58;
	v58 =	vadd.f32 v41, v44;
	v8 =	vld [tilespmem:$0x5410]  }
0x149: {  	[tilespmem:$0x5990] =	vst v60;
	v30 =	vadd.f32 v12, v15;
	v12 =	vld [tilespmem:$0x5A20]  }
0x14a: {  	[tilespmem:$0x5980] =	vst v58;
	v32 =	vadd.f32 v10, v13;
	v10 =	vld [tilespmem:$0x5520]  }
0x14b: {  	[tilespmem:$0x56E0] =	vst v1;
	v1 =	vadd.f32 v6, v5;
	v5 =	vld [tilespmem:$0x1FF20]  }
0x14c: {  	v35 =	vadd.f32 v22, v25;
	[tilespmem:$0x56F0] =	vst v0;
	v0 =	vadd.f32 v4, v7;
	v4 =	vld [tilespmem:$0x1FF30]  }
0x14d: {  	v33 =	vadd.f32 v27, v29;
	[tilespmem:$0x58F0] =	vst v30;
	v30 =	vld [tilespmem:$0x5580]  }
0x14e: {  	[tilespmem:$0x59F0] =	vst v35;
	v36 =	vadd.f32 v8, v11;
	v8 =	vld [tilespmem:$0x5A30]  }
0x14f: {  	[tilespmem:$0x59E0] =	vst v33;
	v9 =	vld [tilespmem:$0x5920]  }
0x150: {  	v6 =	vld [tilespmem:$0x5420];
	[tilespmem:$0x5700] =	vst v1  }
0x151: {  	[tilespmem:$0x5710] =	vst v0;
	v0 =	vld [tilespmem:$0x1FF40];
	v1 =	vadd.f32 v4, v5  }
0x152: {  	[tilespmem:$0x59B0] =	vst v24;
	v5 =	vld [tilespmem:$0x1FF50]  }
0x153: {  	[tilespmem:$0x5720] =	vst v1;
	v1 =	vld [tilespmem:$0x1FF60]  }
0x154: {  	v45 =	vadd.f32 v50, v47;
	[tilespmem:$0x5900] =	vst v32;
	v32 =	vld [tilespmem:$0x5A90]  }
0x155: {  	v47 =	vadd.f32 v55, v53;
	[tilespmem:$0x5910] =	vst v36;
	v36 =	vld [tilespmem:$0x5AA0]  }
0x156: {  	[tilespmem:$0x5A40] =	vst v45;
	v7 =	vld [tilespmem:$0x5930];
	v40 =	vadd.f32 v6, v9  }
0x157: {  	[tilespmem:$0x5A50] =	vst v47;
	v6 =	vld [tilespmem:$0x5530];
	v0 =	vadd.f32 v5, v0  }
0x158: {  	[tilespmem:$0x5920] =	vst v40;
	v40 =	vld [tilespmem:$0x5AB0];
	v1 =	vadd.f32 v2, v1  }
0x159: {  	[tilespmem:$0x5730] =	vst v0;
	v0 =	vld [tilespmem:$0x1FF80]  }
0x15a: {  	v37 =	vadd.f32 v18, v20;
	[tilespmem:$0x5740] =	vst v1;
	v1 =	vld [tilespmem:$0x1FFA0]  }
0x15b: {  	[tilespmem:$0x58E0] =	vst v28;
	v28 =	vadd.f32 v39, v43;
	v4 =	vld [tilespmem:$0x5430]  }
0x15c: {  	[tilespmem:$0x5A00] =	vst v37;
	v39 =	vadd.f32 v14, v16;
	v5 =	vld [tilespmem:$0x5940]  }
0x15d: {  	[tilespmem:$0x59C0] =	vst v28;
	v41 =	vadd.f32 v10, v12;
	v2 =	vld [tilespmem:$0x5440]  }
0x15e: {  	[tilespmem:$0x5A10] =	vst v39;
	v53 =	vadd.f32 v30, v26;
	v0 =	vadd.f32 v3, v0;
	v3 =	vld [tilespmem:$0x5950]  }
0x15f: {  	[tilespmem:$0x5A20] =	vst v41;
	v55 =	vadd.f32 v34, v32;
	v1 =	vadd.f32 v63, v1;
	v63 =	vld [tilespmem:$0x5450]  }
0x160: {  	v54 =	vld [tilespmem:$0x55E0];
	[tilespmem:$0x5A80] =	vst v53;
	v46 =	vadd.f32 v4, v7  }
0x161: {  	v44 =	vld [tilespmem:$0x5AC0];
	v57 =	vadd.f32 v38, v36;
	[tilespmem:$0x5A90] =	vst v55  }
0x162: {  	v43 =	vadd.f32 v6, v8;
	[tilespmem:$0x5930] =	vst v46;
	v46 =	vld [tilespmem:$0x55C0]  }
0x163: {  	v50 =	vld [tilespmem:$0x55D0];
	[tilespmem:$0x5AA0] =	vst v57;
	v48 =	vadd.f32 v2, v5  }
0x164: {  	[tilespmem:$0x5A30] =	vst v43;
	v59 =	vadd.f32 v42, v40;
	v52 =	vadd.f32 v63, v3;
	v63 =	vld [tilespmem:$0x5570]  }
0x165: {  	[tilespmem:$0x5940] =	vst v48;
	v48 =	vld [tilespmem:$0x5AD0]  }
0x166: {  	v58 =	vld [tilespmem:$0x55F0];
	[tilespmem:$0x5AB0] =	vst v59  }
0x167: {  	v60 =	vadd.f32 v46, v44;
	[tilespmem:$0x5950] =	vst v52;
	v52 =	vld [tilespmem:$0x5AE0]  }
0x168: {  	[tilespmem:$0x5750] =	vst v0  }
0x169: {  	[tilespmem:$0x5AC0] =	vst v60;
	v51 =	vadd.f32 v63, v61  }
0x16a: {  	[tilespmem:$0x5760] =	vst v1;
	v61 =	vadd.f32 v50, v48  }
0x16b: {  	v63 =	vadd.f32 v58, v56;
	[tilespmem:$0x5A70] =	vst v51  }
0x16c: {  	v62 =	vadd.f32 v54, v52;
	[tilespmem:$0x5AD0] =	vst v61  }
0x16d: {  	[tilespmem:$0x5AF0] =	vst v63  }
0x16e: {  	[tilespmem:$0x5AE0] =	vst v62  }
0x16f: {  	[hbm4b:s14+s20] =	stream.strided.scatter [tilespmem:s1], [sflag:$0x2], $0x500, s0, s20, $0x38;
	[tilespmem:$0x19B00] =	vst v63  }
0x170: {  	_ =	swait.ge [sflag:s23], $0x500  }
0x171: {  	[sflag:s23] =	ssyncset.done $0x0  }
0x172: {  	s25 =	simm.s32 $0x5B00;
	[sflag:s23] =	ssyncadd.s32 $0xFFFFFB00  }
0x173: {  	[tilespmem:s25], [sflag:$0x3] =	stream.linear.gather [hbm4b:s15+s5], $0x5000, $0x38;
	[tilespmem:$0x19B00] =	vst v63  }
0x174: {  	s30 =	simm.s32 $0x0;
	s31 =	simm.s32 $0xAB00  }
0x175: {  	[tilespmem:s31], [sflag:$0x4] =	stream.linear.gather [hbm4b:s16+s5], $0x5000, $0x38;
	[tilespmem:$0x19B00] =	vst v63  }
.LBB2_2:
0x176: {  	s2 =	sand.u32 $0x1, s30;
	p0 =	slt.u32 s30, $0x2  }
0x177: {  	s0 =	sadd.s32 @!p0 $0x5, s2  }
0x178: {  	_ =	swait.ge @!p0 [sflag:s0], $0x5000  }
0x179: {  	[sflag:s0] =	ssyncset.done @!p0 $0x0  }
0x17a: {  	s31 =	sadd.s32 $0x3, s2;
	[sflag:s0] =	ssyncadd.s32 @!p0 $0xFFFFB000  }
0x17b: {  	_ =	swait.ge [sflag:s31], $0x5000  }
0x17c: {  	[sflag:s31] =	ssyncset.done $0x0  }
0x17d: {  	[sflag:s31] =	ssyncadd.s32 $0xFFFFB000  }
0x17e: {  	v14 =	vld [tilespmem:$0x5100]  }
0x17f: {  	v13 =	vld [tilespmem:$0x5110]  }
0x180: {  	v12 =	vld [tilespmem:$0x5120]  }
0x181: {  	v11 =	vld [tilespmem:$0x5130]  }
0x182: {  	v10 =	vld [tilespmem:$0x5140]  }
0x183: {  	v9 =	vld [tilespmem:$0x5150]  }
0x184: {  	v8 =	vld [tilespmem:$0x5160]  }
0x185: {  	v7 =	vld [tilespmem:$0x5170]  }
0x186: {  	v6 =	vld [tilespmem:$0x5180]  }
0x187: {  	s1 =	simm.s32 $0x0;
	v5 =	vld [tilespmem:$0x5190]  }
0x188: {  	s1 =	smul.u32 $0x2800, s1;
	v0 =	vld [tilespmem:$0x51A0]  }
0x189: {  	s0 =	smul.u32 $0x5000, s2;
	v1 =	vld [tilespmem:$0x51B0]  }
0x18a: {  	s21 =	simm.s32 $0x0;
	v2 =	vld [tilespmem:$0x51C0]  }
0x18b: {  	s22 =	sand.u32 $0x380, s21;
	s1 =	sadd.s32 s0, s1;
	v3 =	vld [tilespmem:$0x51D0]  }
0x18c: {  	s1 =	sor.u32 s22, s1;
	v15 =	vld [tilespmem:$0x51F0]  }
0x18d: {  	v16 =	vld [tilespmem:s1+$0x5F70]  }
0x18e: {  	v17 =	vld [tilespmem:s1+$0x5B00]  }
0x18f: {  	v18 =	vld [tilespmem:s1+$0x5B10]  }
0x190: {  	v21 =	vld [tilespmem:s1+$0x5B20]  }
0x191: {  	v22 =	vld [tilespmem:s1+$0x5B30]  }
0x192: {  	v4 =	vld [tilespmem:$0x51E0]  }
0x193: {  	v23 =	vld [tilespmem:s1+$0x5B40];
	v16 =	vadd.f32 v16, v15  }
0x194: {  	v24 =	vld [tilespmem:s1+$0x5B50];
	v17 =	vadd.f32 v17, v14  }
0x195: {  	v19 =	vld [tilespmem:s1+$0x5B60];
	[tilespmem:s1+$0xFF70] =	vst v16;
	v16 =	vadd.f32 v18, v13  }
0x196: {  	v20 =	vld [tilespmem:s1+$0x5B70];
	[tilespmem:s1+$0xFB00] =	vst v17;
	v18 =	vadd.f32 v21, v12;
	v21 =	vadd.f32 v22, v11  }
0x197: {  	v17 =	vld [tilespmem:s1+$0x5F00];
	[tilespmem:s1+$0xFB10] =	vst v16  }
0x198: {  	v16 =	vld [tilespmem:s1+$0x5F10];
	[tilespmem:s1+$0xFB30] =	vst v21;
	v21 =	vadd.f32 v23, v10  }
0x199: {  	s24 =	simm.s32 $0x0;
	s22 =	simm.s32 $0x2;
	v22 =	vadd.f32 v24, v9;
	[tilespmem:s1+$0xFB20] =	vst v18;
	v18 =	vld [tilespmem:s1+$0x5F20]  }
.LBB2_3:
0x19a: {  	p0 =	sne.s32 s22, $0xF;
	s24 =	smul.u32 $0x2800, s24;
	[tilespmem:s1+$0xFB40] =	vst v21;
	v19 =	vadd.f32 v19, v8;
	v21 =	vld [tilespmem:s1+$0x5F30]  }
0x19b: {  	s21 =	sadd.s32 $0x80, s21;
	[tilespmem:s1+$0xFB50] =	vst v22;
	v20 =	vadd.f32 v20, v7;
	v22 =	vld [tilespmem:s1+$0x5F40]  }
0x19c: {  	s25 =	sand.u32 $0x380, s21;
	s24 =	sadd.s32 s0, s24;
	[tilespmem:s1+$0xFB60] =	vst v19;
	v17 =	vadd.f32 v17, v6;
	v19 =	vld [tilespmem:s1+$0x5F50]  }
0x19d: {  	s24 =	sor.u32 s25, s24;
	[tilespmem:s1+$0xFB70] =	vst v20;
	v16 =	vadd.f32 v16, v5;
	v20 =	vld [tilespmem:s1+$0x5F60]  }
0x19e: {  	v23 =	vld [tilespmem:s24+$0x5F70];
	[tilespmem:s1+$0xFF00] =	vst v17;
	v17 =	vadd.f32 v18, v0  }
0x19f: {  	v18 =	vld [tilespmem:s24+$0x5B00];
	[tilespmem:s1+$0xFF10] =	vst v16;
	v16 =	vadd.f32 v21, v1  }
0x1a0: {  	v21 =	vld [tilespmem:s24+$0x5B10];
	[tilespmem:s1+$0xFF20] =	vst v17;
	v17 =	vadd.f32 v22, v2  }
0x1a1: {  	v22 =	vld [tilespmem:s24+$0x5B20];
	[tilespmem:s1+$0xFF30] =	vst v16;
	v16 =	vadd.f32 v19, v3  }
0x1a2: {  	v24 =	vld [tilespmem:s24+$0x5B30];
	[tilespmem:s1+$0xFF40] =	vst v17;
	v17 =	vadd.f32 v20, v4  }
0x1a3: {  	v25 =	vld [tilespmem:s24+$0x5B40];
	v20 =	vadd.f32 v23, v15;
	[tilespmem:s1+$0xFF50] =	vst v16  }
0x1a4: {  	v16 =	vadd.f32 v18, v14;
	v18 =	vld [tilespmem:s24+$0x5B50];
	[tilespmem:s1+$0xFF60] =	vst v17;
	s1 =	smov.u32 s24  }
.Ltmp0:
0x1a5: {  	v17 =	vadd.f32 v21, v13;
	v19 =	vld [tilespmem:s1+$0x5B60];
	[tilespmem:s1+$0xFF70] =	vst v20;
	(pc) =	sbr.rel @p0 .LBB2_3-.Ltmp0, $4  }
0x1a6: {  	[tilespmem:s1+$0xFB00] =	vst v16;
	v16 =	vadd.f32 v22, v12;
	v20 =	vld [tilespmem:s1+$0x5B70]  }
0x1a7: {  	[tilespmem:s1+$0xFB10] =	vst v17;
	v22 =	vadd.f32 v24, v11;
	v17 =	vld [tilespmem:s1+$0x5F00]  }
0x1a8: {  	[tilespmem:s1+$0xFB20] =	vst v16;
	v21 =	vadd.f32 v25, v10;
	v16 =	vld [tilespmem:s1+$0x5F10]  }
0x1a9: {  	s24 =	sshrl.u32 s22, $0x3;
	s22 =	sadd.s32 $0x1, s22;
	[tilespmem:s1+$0xFB30] =	vst v22;
	v22 =	vadd.f32 v18, v9;
	v18 =	vld [tilespmem:s1+$0x5F20]  }
0x1aa: {  	[tilespmem:s1+$0xFB40] =	vst v21;
	v21 =	vld [tilespmem:s1+$0x5F30];
	v19 =	vadd.f32 v19, v8;
	s22 =	smul.u32 $0x2800, s24  }
0x1ab: {  	s21 =	sadd.s32 $0x80, s21;
	[tilespmem:s1+$0xFB50] =	vst v22;
	v22 =	vld [tilespmem:s1+$0x5F40];
	v20 =	vadd.f32 v20, v7  }
0x1ac: {  	s21 =	sand.u32 $0x380, s21;
	[tilespmem:s1+$0xFB60] =	vst v19;
	v19 =	vld [tilespmem:s1+$0x5F50];
	s22 =	sadd.s32 s0, s22;
	v17 =	vadd.f32 v17, v6  }
0x1ad: {  	[tilespmem:s1+$0xFB70] =	vst v20;
	s21 =	sor.u32 s21, s22;
	v20 =	vld [tilespmem:s1+$0x5F60];
	v16 =	vadd.f32 v16, v5  }
0x1ae: {  	v23 =	vld [tilespmem:s21+$0x5F70];
	[tilespmem:s1+$0xFF00] =	vst v17;
	v18 =	vadd.f32 v18, v0  }
0x1af: {  	v17 =	vld [tilespmem:s21+$0x5B00];
	[tilespmem:s1+$0xFF10] =	vst v16;
	v21 =	vadd.f32 v21, v1  }
0x1b0: {  	v16 =	vld [tilespmem:s21+$0x5B10];
	[tilespmem:s1+$0xFF20] =	vst v18;
	v22 =	vadd.f32 v22, v2  }
0x1b1: {  	v18 =	vld [tilespmem:s21+$0x5B20];
	[tilespmem:s1+$0xFF30] =	vst v21;
	v19 =	vadd.f32 v19, v3  }
0x1b2: {  	v21 =	vld [tilespmem:s21+$0x5B30];
	[tilespmem:s1+$0xFF40] =	vst v22;
	v20 =	vadd.f32 v20, v4  }
0x1b3: {  	v22 =	vld [tilespmem:s21+$0x5B40];
	[tilespmem:s1+$0xFF50] =	vst v19;
	v15 =	vadd.f32 v23, v15  }
0x1b4: {  	v19 =	vld [tilespmem:s21+$0x5B50];
	v14 =	vadd.f32 v17, v14;
	[tilespmem:s1+$0xFF60] =	vst v20  }
0x1b5: {  	v13 =	vadd.f32 v16, v13;
	v16 =	vld [tilespmem:s21+$0x5B60];
	[tilespmem:s21+$0xFF70] =	vst v15  }
0x1b6: {  	[tilespmem:s21+$0xFB00] =	vst v14;
	v12 =	vadd.f32 v18, v12;
	v14 =	vld [tilespmem:s21+$0x5B70]  }
0x1b7: {  	[tilespmem:s21+$0xFB10] =	vst v13;
	v11 =	vadd.f32 v21, v11;
	v13 =	vld [tilespmem:s21+$0x5F00]  }
0x1b8: {  	[tilespmem:s21+$0xFB20] =	vst v12;
	v10 =	vadd.f32 v22, v10;
	v12 =	vld [tilespmem:s21+$0x5F10]  }
0x1b9: {  	[tilespmem:s21+$0xFB30] =	vst v11;
	v9 =	vadd.f32 v19, v9;
	v11 =	vld [tilespmem:s21+$0x5F20]  }
0x1ba: {  	[tilespmem:s21+$0xFB40] =	vst v10;
	v8 =	vadd.f32 v16, v8;
	v10 =	vld [tilespmem:s21+$0x5F30]  }
0x1bb: {  	[tilespmem:s21+$0xFB50] =	vst v9;
	v7 =	vadd.f32 v14, v7;
	v9 =	vld [tilespmem:s21+$0x5F40]  }
0x1bc: {  	[tilespmem:s21+$0xFB60] =	vst v8;
	v6 =	vadd.f32 v13, v6;
	v8 =	vld [tilespmem:s21+$0x5F50]  }
0x1bd: {  	[tilespmem:s21+$0xFB70] =	vst v7;
	v5 =	vadd.f32 v12, v5;
	v7 =	vld [tilespmem:s21+$0x5F60]  }
0x1be: {  	[tilespmem:s21+$0xFF00] =	vst v6;
	v0 =	vadd.f32 v11, v0  }
0x1bf: {  	[tilespmem:s21+$0xFF10] =	vst v5;
	v1 =	vadd.f32 v10, v1  }
0x1c0: {  	[tilespmem:s21+$0xFF20] =	vst v0;
	v0 =	vadd.f32 v9, v2  }
0x1c1: {  	[tilespmem:s21+$0xFF30] =	vst v1;
	v1 =	vadd.f32 v8, v3  }
0x1c2: {  	[tilespmem:s21+$0xFF40] =	vst v0;
	v0 =	vadd.f32 v7, v4  }
0x1c3: {  	[tilespmem:s21+$0xFF50] =	vst v1  }
0x1c4: {  	[tilespmem:s21+$0xFF60] =	vst v0  }
0x1c5: {  	v20 =	vld [tilespmem:$0x5200]  }
0x1c6: {  	v19 =	vld [tilespmem:$0x5210]  }
0x1c7: {  	v18 =	vld [tilespmem:$0x5220]  }
0x1c8: {  	v17 =	vld [tilespmem:$0x5230]  }
0x1c9: {  	s21 =	simm.s32 $0x0;
	v16 =	vld [tilespmem:$0x5240]  }
0x1ca: {  	v15 =	vld [tilespmem:$0x5250];
	s1 =	smul.u32 $0x2800, s21  }
0x1cb: {  	s22 =	simm.s32 $0x0;
	v14 =	vld [tilespmem:$0x5260]  }
0x1cc: {  	v13 =	vld [tilespmem:$0x5270];
	s21 =	sand.u32 $0x380, s22;
	s1 =	sadd.s32 s0, s1  }
0x1cd: {  	v12 =	vld [tilespmem:$0x5280];
	s1 =	sadd.s32 s21, s1  }
0x1ce: {  	v0 =	vld [tilespmem:s1+$0x6300]  }
0x1cf: {  	v10 =	vld [tilespmem:$0x5290]  }
0x1d0: {  	v11 =	vld [tilespmem:$0x52A0]  }
0x1d1: {  	v9 =	vld [tilespmem:$0x52B0]  }
0x1d2: {  	v8 =	vld [tilespmem:$0x52C0]  }
0x1d3: {  	v7 =	vld [tilespmem:$0x52D0];
	v0 =	vadd.f32 v0, v20  }
0x1d4: {  	v6 =	vld [tilespmem:$0x52E0];
	s21 =	sadd.s32 $0x800, s1  }
0x1d5: {  	v5 =	vld [tilespmem:$0x52F0];
	[tilespmem:s21+$0xFB00] =	vst v0  }
0x1d6: {  	v0 =	vld [tilespmem:s1+$0x6310];
	_ =	sdelay $0x4  }
0x1d7: {  	v0 =	vadd.f32 v0, v19;
	_ =	sdelay $0x1  }
0x1d8: {  	[tilespmem:s21+$0xFB10] =	vst v0  }
0x1d9: {  	v0 =	vld [tilespmem:s1+$0x6320];
	_ =	sdelay $0x4  }
0x1da: {  	v0 =	vadd.f32 v0, v18;
	_ =	sdelay $0x1  }
0x1db: {  	[tilespmem:s21+$0xFB20] =	vst v0  }
0x1dc: {  	v0 =	vld [tilespmem:s1+$0x6330];
	_ =	sdelay $0x4  }
0x1dd: {  	v0 =	vadd.f32 v0, v17;
	_ =	sdelay $0x1  }
0x1de: {  	[tilespmem:s21+$0xFB30] =	vst v0  }
0x1df: {  	v0 =	vld [tilespmem:s1+$0x6340];
	_ =	sdelay $0x4  }
0x1e0: {  	v0 =	vadd.f32 v0, v16;
	_ =	sdelay $0x1  }
0x1e1: {  	[tilespmem:s21+$0xFB40] =	vst v0  }
0x1e2: {  	v0 =	vld [tilespmem:s1+$0x6350];
	_ =	sdelay $0x4  }
0x1e3: {  	v0 =	vadd.f32 v0, v15;
	_ =	sdelay $0x1  }
0x1e4: {  	[tilespmem:s21+$0xFB50] =	vst v0  }
0x1e5: {  	v0 =	vld [tilespmem:s1+$0x6360];
	_ =	sdelay $0x4  }
0x1e6: {  	v0 =	vadd.f32 v0, v14;
	_ =	sdelay $0x1  }
0x1e7: {  	[tilespmem:s21+$0xFB60] =	vst v0  }
0x1e8: {  	v0 =	vld [tilespmem:s1+$0x6370];
	_ =	sdelay $0x4  }
0x1e9: {  	v0 =	vadd.f32 v0, v13;
	_ =	sdelay $0x1  }
0x1ea: {  	[tilespmem:s21+$0xFB70] =	vst v0  }
0x1eb: {  	v0 =	vld [tilespmem:s1+$0x6700];
	_ =	sdelay $0x4  }
0x1ec: {  	v0 =	vadd.f32 v0, v12  }
0x1ed: {  	s22 =	sadd.s32 $0xC00, s1  }
0x1ee: {  	[tilespmem:s22+$0xFB00] =	vst v0  }
0x1ef: {  	v0 =	vld [tilespmem:s1+$0x6710];
	_ =	sdelay $0x4  }
0x1f0: {  	v0 =	vadd.f32 v0, v10;
	_ =	sdelay $0x1  }
0x1f1: {  	[tilespmem:s22+$0xFB10] =	vst v0  }
0x1f2: {  	v0 =	vld [tilespmem:s1+$0x6720];
	_ =	sdelay $0x4  }
0x1f3: {  	v0 =	vadd.f32 v0, v11;
	_ =	sdelay $0x1  }
0x1f4: {  	[tilespmem:s22+$0xFB20] =	vst v0  }
0x1f5: {  	v0 =	vld [tilespmem:s1+$0x6730];
	_ =	sdelay $0x4  }
0x1f6: {  	v0 =	vadd.f32 v0, v9;
	_ =	sdelay $0x1  }
0x1f7: {  	[tilespmem:s22+$0xFB30] =	vst v0  }
0x1f8: {  	v0 =	vld [tilespmem:s1+$0x6740];
	_ =	sdelay $0x4  }
0x1f9: {  	v0 =	vadd.f32 v0, v8;
	_ =	sdelay $0x1  }
0x1fa: {  	[tilespmem:s22+$0xFB40] =	vst v0  }
0x1fb: {  	v0 =	vld [tilespmem:s1+$0x6750];
	_ =	sdelay $0x4  }
0x1fc: {  	v0 =	vadd.f32 v0, v7;
	_ =	sdelay $0x1  }
0x1fd: {  	[tilespmem:s22+$0xFB50] =	vst v0  }
0x1fe: {  	v0 =	vld [tilespmem:s1+$0x6760];
	_ =	sdelay $0x4  }
0x1ff: {  	v0 =	vadd.f32 v0, v6;
	_ =	sdelay $0x1  }
0x200: {  	[tilespmem:s22+$0xFB60] =	vst v0  }
0x201: {  	v0 =	vld [tilespmem:s1+$0x6770];
	_ =	sdelay $0x1  }
0x202: {  	s24 =	simm.s32 $0x0  }
0x203: {  	s25 =	smul.u32 $0x2800, s24  }
0x204: {  	s1 =	simm.s32 $0x80  }
0x205: {  	s24 =	simm.s32 $0x2;
	s21 =	sadd.s32 s0, s25;
	s25 =	sand.u32 $0x380, s1;
	v0 =	vadd.f32 v0, v5  }
.LBB2_5:
0x206: {  	p0 =	sne.s32 s24, $0xF  }
0x207: {  	s21 =	sadd.s32 s25, s21;
	[tilespmem:s22+$0xFB70] =	vst v0;
	s25 =	smov.u32 s24;
	s24 =	sadd.s32 $0x1, s24  }
0x208: {  	v0 =	vld [tilespmem:s21+$0x6300];
	_ =	sdelay $0x4  }
0x209: {  	v0 =	vadd.f32 v0, v20  }
0x20a: {  	s22 =	sadd.s32 $0x800, s21  }
0x20b: {  	[tilespmem:s22+$0xFB00] =	vst v0  }
0x20c: {  	v0 =	vld [tilespmem:s21+$0x6310];
	_ =	sdelay $0x4  }
0x20d: {  	v0 =	vadd.f32 v0, v19;
	_ =	sdelay $0x1  }
0x20e: {  	[tilespmem:s22+$0xFB10] =	vst v0  }
0x20f: {  	v0 =	vld [tilespmem:s21+$0x6320];
	_ =	sdelay $0x4  }
0x210: {  	v0 =	vadd.f32 v0, v18;
	_ =	sdelay $0x1  }
0x211: {  	[tilespmem:s22+$0xFB20] =	vst v0  }
0x212: {  	v0 =	vld [tilespmem:s21+$0x6330];
	_ =	sdelay $0x4  }
0x213: {  	v0 =	vadd.f32 v0, v17;
	_ =	sdelay $0x1  }
0x214: {  	[tilespmem:s22+$0xFB30] =	vst v0  }
0x215: {  	v0 =	vld [tilespmem:s21+$0x6340];
	_ =	sdelay $0x4  }
0x216: {  	v0 =	vadd.f32 v0, v16;
	_ =	sdelay $0x1  }
0x217: {  	[tilespmem:s22+$0xFB40] =	vst v0  }
0x218: {  	v0 =	vld [tilespmem:s21+$0x6350];
	_ =	sdelay $0x4  }
0x219: {  	v0 =	vadd.f32 v0, v15;
	_ =	sdelay $0x1  }
0x21a: {  	[tilespmem:s22+$0xFB50] =	vst v0  }
0x21b: {  	v0 =	vld [tilespmem:s21+$0x6360];
	_ =	sdelay $0x4  }
0x21c: {  	v0 =	vadd.f32 v0, v14;
	_ =	sdelay $0x1  }
0x21d: {  	[tilespmem:s22+$0xFB60] =	vst v0  }
0x21e: {  	v0 =	vld [tilespmem:s21+$0x6370];
	_ =	sdelay $0x4  }
0x21f: {  	v0 =	vadd.f32 v0, v13;
	_ =	sdelay $0x1  }
0x220: {  	[tilespmem:s22+$0xFB70] =	vst v0  }
0x221: {  	v0 =	vld [tilespmem:s21+$0x6700];
	_ =	sdelay $0x4  }
0x222: {  	v0 =	vadd.f32 v0, v12  }
0x223: {  	s22 =	sadd.s32 $0xC00, s21  }
0x224: {  	[tilespmem:s22+$0xFB00] =	vst v0  }
0x225: {  	v0 =	vld [tilespmem:s21+$0x6710];
	_ =	sdelay $0x4  }
0x226: {  	v0 =	vadd.f32 v0, v10;
	_ =	sdelay $0x1  }
0x227: {  	[tilespmem:s22+$0xFB10] =	vst v0  }
0x228: {  	v0 =	vld [tilespmem:s21+$0x6720];
	_ =	sdelay $0x4  }
0x229: {  	v0 =	vadd.f32 v0, v11;
	_ =	sdelay $0x1  }
0x22a: {  	[tilespmem:s22+$0xFB20] =	vst v0  }
0x22b: {  	v0 =	vld [tilespmem:s21+$0x6730];
	_ =	sdelay $0x4  }
0x22c: {  	v0 =	vadd.f32 v0, v9;
	_ =	sdelay $0x1  }
0x22d: {  	[tilespmem:s22+$0xFB30] =	vst v0  }
0x22e: {  	v0 =	vld [tilespmem:s21+$0x6740];
	_ =	sdelay $0x4  }
0x22f: {  	v0 =	vadd.f32 v0, v8;
	_ =	sdelay $0x1  }
0x230: {  	[tilespmem:s22+$0xFB40] =	vst v0  }
0x231: {  	v0 =	vld [tilespmem:s21+$0x6750];
	_ =	sdelay $0x4  }
0x232: {  	v0 =	vadd.f32 v0, v7;
	_ =	sdelay $0x1  }
0x233: {  	[tilespmem:s22+$0xFB50] =	vst v0  }
0x234: {  	v0 =	vld [tilespmem:s21+$0x6760];
	_ =	sdelay $0x4  }
0x235: {  	v0 =	vadd.f32 v0, v6;
	_ =	sdelay $0x1  }
0x236: {  	[tilespmem:s22+$0xFB60] =	vst v0  }
0x237: {  	v0 =	vld [tilespmem:s21+$0x6770];
	_ =	sdelay $0x1  }
.Ltmp1:
0x238: {  	(pc) =	sbr.rel @p0 .LBB2_5-.Ltmp1, $4  }
0x239: {  	s21 =	sshrl.u32 s25, $0x3  }
0x23a: {  	s21 =	smul.u32 $0x2800, s21  }
0x23b: {  	s1 =	sadd.s32 $0x80, s1;
	v0 =	vadd.f32 v0, v5  }
0x23c: {  	s25 =	sand.u32 $0x380, s1;
	s21 =	sadd.s32 s0, s21  }
0x23d: {  	s1 =	sadd.s32 s25, s21;
	[tilespmem:s22+$0xFB70] =	vst v0  }
0x23e: {  	v0 =	vld [tilespmem:s1+$0x6300];
	_ =	sdelay $0x4  }
0x23f: {  	v0 =	vadd.f32 v0, v20  }
0x240: {  	s21 =	sadd.s32 $0x800, s1  }
0x241: {  	[tilespmem:s21+$0xFB00] =	vst v0  }
0x242: {  	v0 =	vld [tilespmem:s1+$0x6310];
	_ =	sdelay $0x4  }
0x243: {  	v0 =	vadd.f32 v0, v19;
	_ =	sdelay $0x1  }
0x244: {  	[tilespmem:s21+$0xFB10] =	vst v0  }
0x245: {  	v0 =	vld [tilespmem:s1+$0x6320];
	_ =	sdelay $0x4  }
0x246: {  	v0 =	vadd.f32 v0, v18;
	_ =	sdelay $0x1  }
0x247: {  	[tilespmem:s21+$0xFB20] =	vst v0  }
0x248: {  	v0 =	vld [tilespmem:s1+$0x6330];
	_ =	sdelay $0x4  }
0x249: {  	v0 =	vadd.f32 v0, v17;
	_ =	sdelay $0x1  }
0x24a: {  	[tilespmem:s21+$0xFB30] =	vst v0  }
0x24b: {  	v0 =	vld [tilespmem:s1+$0x6340];
	_ =	sdelay $0x4  }
0x24c: {  	v0 =	vadd.f32 v0, v16;
	_ =	sdelay $0x1  }
0x24d: {  	[tilespmem:s21+$0xFB40] =	vst v0  }
0x24e: {  	v0 =	vld [tilespmem:s1+$0x6350];
	_ =	sdelay $0x4  }
0x24f: {  	v0 =	vadd.f32 v0, v15;
	_ =	sdelay $0x1  }
0x250: {  	[tilespmem:s21+$0xFB50] =	vst v0  }
0x251: {  	v0 =	vld [tilespmem:s1+$0x6360];
	_ =	sdelay $0x4  }
0x252: {  	v0 =	vadd.f32 v0, v14;
	_ =	sdelay $0x1  }
0x253: {  	[tilespmem:s21+$0xFB60] =	vst v0  }
0x254: {  	v0 =	vld [tilespmem:s1+$0x6370];
	_ =	sdelay $0x4  }
0x255: {  	v0 =	vadd.f32 v0, v13;
	_ =	sdelay $0x1  }
0x256: {  	[tilespmem:s21+$0xFB70] =	vst v0  }
0x257: {  	v0 =	vld [tilespmem:s1+$0x6700];
	_ =	sdelay $0x4  }
0x258: {  	v0 =	vadd.f32 v0, v12  }
0x259: {  	s25 =	sadd.s32 $0xC00, s1  }
0x25a: {  	[tilespmem:s25+$0xFB00] =	vst v0  }
0x25b: {  	v0 =	vld [tilespmem:s1+$0x6710];
	_ =	sdelay $0x4  }
0x25c: {  	v0 =	vadd.f32 v0, v10;
	_ =	sdelay $0x1  }
0x25d: {  	[tilespmem:s25+$0xFB10] =	vst v0  }
0x25e: {  	v0 =	vld [tilespmem:s1+$0x6720];
	_ =	sdelay $0x4  }
0x25f: {  	v0 =	vadd.f32 v0, v11;
	_ =	sdelay $0x1  }
0x260: {  	[tilespmem:s25+$0xFB20] =	vst v0  }
0x261: {  	v0 =	vld [tilespmem:s1+$0x6730];
	_ =	sdelay $0x4  }
0x262: {  	v0 =	vadd.f32 v0, v9;
	_ =	sdelay $0x1  }
0x263: {  	[tilespmem:s25+$0xFB30] =	vst v0  }
0x264: {  	v0 =	vld [tilespmem:s1+$0x6740];
	_ =	sdelay $0x4  }
0x265: {  	v0 =	vadd.f32 v0, v8;
	_ =	sdelay $0x1  }
0x266: {  	[tilespmem:s25+$0xFB40] =	vst v0  }
0x267: {  	v0 =	vld [tilespmem:s1+$0x6750];
	_ =	sdelay $0x4  }
0x268: {  	v0 =	vadd.f32 v0, v7;
	_ =	sdelay $0x1  }
0x269: {  	[tilespmem:s25+$0xFB50] =	vst v0  }
0x26a: {  	v0 =	vld [tilespmem:s1+$0x6760];
	_ =	sdelay $0x4  }
0x26b: {  	v0 =	vadd.f32 v0, v6;
	_ =	sdelay $0x1  }
0x26c: {  	[tilespmem:s25+$0xFB60] =	vst v0  }
0x26d: {  	v0 =	vld [tilespmem:s1+$0x6770];
	_ =	sdelay $0x4  }
0x26e: {  	v0 =	vadd.f32 v0, v5;
	_ =	sdelay $0x1  }
0x26f: {  	[tilespmem:s25+$0xFB70] =	vst v0  }
0x270: {  	v20 =	vld [tilespmem:$0x5300]  }
0x271: {  	v19 =	vld [tilespmem:$0x5310]  }
0x272: {  	v18 =	vld [tilespmem:$0x5320]  }
0x273: {  	v17 =	vld [tilespmem:$0x5330]  }
0x274: {  	s21 =	simm.s32 $0x0;
	v16 =	vld [tilespmem:$0x5340]  }
0x275: {  	s1 =	smul.u32 $0x2800, s21;
	v15 =	vld [tilespmem:$0x5350]  }
0x276: {  	s22 =	simm.s32 $0x0;
	v14 =	vld [tilespmem:$0x5360]  }
0x277: {  	s21 =	sand.u32 $0x380, s22;
	s1 =	sadd.s32 s0, s1;
	v13 =	vld [tilespmem:$0x5370]  }
0x278: {  	s1 =	sadd.s32 s21, s1;
	v12 =	vld [tilespmem:$0x5380]  }
0x279: {  	v0 =	vld [tilespmem:s1+$0x6B00]  }
0x27a: {  	v10 =	vld [tilespmem:$0x5390]  }
0x27b: {  	v11 =	vld [tilespmem:$0x53A0]  }
0x27c: {  	v9 =	vld [tilespmem:$0x53B0]  }
0x27d: {  	v8 =	vld [tilespmem:$0x53C0]  }
0x27e: {  	v7 =	vld [tilespmem:$0x53D0];
	v0 =	vadd.f32 v0, v20  }
0x27f: {  	s21 =	sadd.s32 $0x1000, s1;
	v6 =	vld [tilespmem:$0x53E0]  }
0x280: {  	v5 =	vld [tilespmem:$0x53F0];
	[tilespmem:s21+$0xFB00] =	vst v0  }
0x281: {  	v0 =	vld [tilespmem:s1+$0x6B10];
	_ =	sdelay $0x4  }
0x282: {  	v0 =	vadd.f32 v0, v19;
	_ =	sdelay $0x1  }
0x283: {  	[tilespmem:s21+$0xFB10] =	vst v0  }
0x284: {  	v0 =	vld [tilespmem:s1+$0x6B20];
	_ =	sdelay $0x4  }
0x285: {  	v0 =	vadd.f32 v0, v18;
	_ =	sdelay $0x1  }
0x286: {  	[tilespmem:s21+$0xFB20] =	vst v0  }
0x287: {  	v0 =	vld [tilespmem:s1+$0x6B30];
	_ =	sdelay $0x4  }
0x288: {  	v0 =	vadd.f32 v0, v17;
	_ =	sdelay $0x1  }
0x289: {  	[tilespmem:s21+$0xFB30] =	vst v0  }
0x28a: {  	v0 =	vld [tilespmem:s1+$0x6B40];
	_ =	sdelay $0x4  }
0x28b: {  	v0 =	vadd.f32 v0, v16;
	_ =	sdelay $0x1  }
0x28c: {  	[tilespmem:s21+$0xFB40] =	vst v0  }
0x28d: {  	v0 =	vld [tilespmem:s1+$0x6B50];
	_ =	sdelay $0x4  }
0x28e: {  	v0 =	vadd.f32 v0, v15;
	_ =	sdelay $0x1  }
0x28f: {  	[tilespmem:s21+$0xFB50] =	vst v0  }
0x290: {  	v0 =	vld [tilespmem:s1+$0x6B60];
	_ =	sdelay $0x4  }
0x291: {  	v0 =	vadd.f32 v0, v14;
	_ =	sdelay $0x1  }
0x292: {  	[tilespmem:s21+$0xFB60] =	vst v0  }
0x293: {  	v0 =	vld [tilespmem:s1+$0x6B70];
	_ =	sdelay $0x4  }
0x294: {  	v0 =	vadd.f32 v0, v13;
	_ =	sdelay $0x1  }
0x295: {  	[tilespmem:s21+$0xFB70] =	vst v0  }
0x296: {  	v0 =	vld [tilespmem:s1+$0x6F00];
	_ =	sdelay $0x4  }
0x297: {  	v0 =	vadd.f32 v0, v12  }
0x298: {  	s22 =	sadd.s32 $0x1400, s1  }
0x299: {  	[tilespmem:s22+$0xFB00] =	vst v0  }
0x29a: {  	v0 =	vld [tilespmem:s1+$0x6F10];
	_ =	sdelay $0x4  }
0x29b: {  	v0 =	vadd.f32 v0, v10;
	_ =	sdelay $0x1  }
0x29c: {  	[tilespmem:s22+$0xFB10] =	vst v0  }
0x29d: {  	v0 =	vld [tilespmem:s1+$0x6F20];
	_ =	sdelay $0x4  }
0x29e: {  	v0 =	vadd.f32 v0, v11;
	_ =	sdelay $0x1  }
0x29f: {  	[tilespmem:s22+$0xFB20] =	vst v0  }
0x2a0: {  	v0 =	vld [tilespmem:s1+$0x6F30];
	_ =	sdelay $0x4  }
0x2a1: {  	v0 =	vadd.f32 v0, v9;
	_ =	sdelay $0x1  }
0x2a2: {  	[tilespmem:s22+$0xFB30] =	vst v0  }
0x2a3: {  	v0 =	vld [tilespmem:s1+$0x6F40];
	_ =	sdelay $0x4  }
0x2a4: {  	v0 =	vadd.f32 v0, v8;
	_ =	sdelay $0x1  }
0x2a5: {  	[tilespmem:s22+$0xFB40] =	vst v0  }
0x2a6: {  	v0 =	vld [tilespmem:s1+$0x6F50];
	_ =	sdelay $0x4  }
0x2a7: {  	v0 =	vadd.f32 v0, v7;
	_ =	sdelay $0x1  }
0x2a8: {  	[tilespmem:s22+$0xFB50] =	vst v0  }
0x2a9: {  	v0 =	vld [tilespmem:s1+$0x6F60];
	_ =	sdelay $0x4  }
0x2aa: {  	v0 =	vadd.f32 v0, v6;
	_ =	sdelay $0x1  }
0x2ab: {  	[tilespmem:s22+$0xFB60] =	vst v0  }
0x2ac: {  	v0 =	vld [tilespmem:s1+$0x6F70];
	_ =	sdelay $0x1  }
0x2ad: {  	s24 =	simm.s32 $0x0  }
0x2ae: {  	s25 =	smul.u32 $0x2800, s24  }
0x2af: {  	s1 =	simm.s32 $0x80  }
0x2b0: {  	s24 =	simm.s32 $0x2;
	s21 =	sadd.s32 s0, s25;
	s25 =	sand.u32 $0x380, s1;
	v0 =	vadd.f32 v0, v5  }
.LBB2_7:
0x2b1: {  	p0 =	sne.s32 s24, $0xF  }
0x2b2: {  	s21 =	sadd.s32 s25, s21;
	[tilespmem:s22+$0xFB70] =	vst v0;
	s25 =	smov.u32 s24;
	s24 =	sadd.s32 $0x1, s24  }
0x2b3: {  	v0 =	vld [tilespmem:s21+$0x6B00];
	_ =	sdelay $0x4  }
0x2b4: {  	v0 =	vadd.f32 v0, v20  }
0x2b5: {  	s22 =	sadd.s32 $0x1000, s21  }
0x2b6: {  	[tilespmem:s22+$0xFB00] =	vst v0  }
0x2b7: {  	v0 =	vld [tilespmem:s21+$0x6B10];
	_ =	sdelay $0x4  }
0x2b8: {  	v0 =	vadd.f32 v0, v19;
	_ =	sdelay $0x1  }
0x2b9: {  	[tilespmem:s22+$0xFB10] =	vst v0  }
0x2ba: {  	v0 =	vld [tilespmem:s21+$0x6B20];
	_ =	sdelay $0x4  }
0x2bb: {  	v0 =	vadd.f32 v0, v18;
	_ =	sdelay $0x1  }
0x2bc: {  	[tilespmem:s22+$0xFB20] =	vst v0  }
0x2bd: {  	v0 =	vld [tilespmem:s21+$0x6B30];
	_ =	sdelay $0x4  }
0x2be: {  	v0 =	vadd.f32 v0, v17;
	_ =	sdelay $0x1  }
0x2bf: {  	[tilespmem:s22+$0xFB30] =	vst v0  }
0x2c0: {  	v0 =	vld [tilespmem:s21+$0x6B40];
	_ =	sdelay $0x4  }
0x2c1: {  	v0 =	vadd.f32 v0, v16;
	_ =	sdelay $0x1  }
0x2c2: {  	[tilespmem:s22+$0xFB40] =	vst v0  }
0x2c3: {  	v0 =	vld [tilespmem:s21+$0x6B50];
	_ =	sdelay $0x4  }
0x2c4: {  	v0 =	vadd.f32 v0, v15;
	_ =	sdelay $0x1  }
0x2c5: {  	[tilespmem:s22+$0xFB50] =	vst v0  }
0x2c6: {  	v0 =	vld [tilespmem:s21+$0x6B60];
	_ =	sdelay $0x4  }
0x2c7: {  	v0 =	vadd.f32 v0, v14;
	_ =	sdelay $0x1  }
0x2c8: {  	[tilespmem:s22+$0xFB60] =	vst v0  }
0x2c9: {  	v0 =	vld [tilespmem:s21+$0x6B70];
	_ =	sdelay $0x4  }
0x2ca: {  	v0 =	vadd.f32 v0, v13;
	_ =	sdelay $0x1  }
0x2cb: {  	[tilespmem:s22+$0xFB70] =	vst v0  }
0x2cc: {  	v0 =	vld [tilespmem:s21+$0x6F00];
	_ =	sdelay $0x4  }
0x2cd: {  	v0 =	vadd.f32 v0, v12  }
0x2ce: {  	s22 =	sadd.s32 $0x1400, s21  }
0x2cf: {  	[tilespmem:s22+$0xFB00] =	vst v0  }
0x2d0: {  	v0 =	vld [tilespmem:s21+$0x6F10];
	_ =	sdelay $0x4  }
0x2d1: {  	v0 =	vadd.f32 v0, v10;
	_ =	sdelay $0x1  }
0x2d2: {  	[tilespmem:s22+$0xFB10] =	vst v0  }
0x2d3: {  	v0 =	vld [tilespmem:s21+$0x6F20];
	_ =	sdelay $0x4  }
0x2d4: {  	v0 =	vadd.f32 v0, v11;
	_ =	sdelay $0x1  }
0x2d5: {  	[tilespmem:s22+$0xFB20] =	vst v0  }
0x2d6: {  	v0 =	vld [tilespmem:s21+$0x6F30];
	_ =	sdelay $0x4  }
0x2d7: {  	v0 =	vadd.f32 v0, v9;
	_ =	sdelay $0x1  }
0x2d8: {  	[tilespmem:s22+$0xFB30] =	vst v0  }
0x2d9: {  	v0 =	vld [tilespmem:s21+$0x6F40];
	_ =	sdelay $0x4  }
0x2da: {  	v0 =	vadd.f32 v0, v8;
	_ =	sdelay $0x1  }
0x2db: {  	[tilespmem:s22+$0xFB40] =	vst v0  }
0x2dc: {  	v0 =	vld [tilespmem:s21+$0x6F50];
	_ =	sdelay $0x4  }
0x2dd: {  	v0 =	vadd.f32 v0, v7;
	_ =	sdelay $0x1  }
0x2de: {  	[tilespmem:s22+$0xFB50] =	vst v0  }
0x2df: {  	v0 =	vld [tilespmem:s21+$0x6F60];
	_ =	sdelay $0x4  }
0x2e0: {  	v0 =	vadd.f32 v0, v6;
	_ =	sdelay $0x1  }
0x2e1: {  	[tilespmem:s22+$0xFB60] =	vst v0  }
0x2e2: {  	v0 =	vld [tilespmem:s21+$0x6F70];
	_ =	sdelay $0x1  }
.Ltmp2:
0x2e3: {  	(pc) =	sbr.rel @p0 .LBB2_7-.Ltmp2, $4  }
0x2e4: {  	s21 =	sshrl.u32 s25, $0x3  }
0x2e5: {  	s21 =	smul.u32 $0x2800, s21  }
0x2e6: {  	s1 =	sadd.s32 $0x80, s1;
	v0 =	vadd.f32 v0, v5  }
0x2e7: {  	s25 =	sand.u32 $0x380, s1;
	s21 =	sadd.s32 s0, s21  }
0x2e8: {  	s1 =	sadd.s32 s25, s21;
	[tilespmem:s22+$0xFB70] =	vst v0  }
0x2e9: {  	v0 =	vld [tilespmem:s1+$0x6B00];
	_ =	sdelay $0x4  }
0x2ea: {  	v0 =	vadd.f32 v0, v20  }
0x2eb: {  	s21 =	sadd.s32 $0x1000, s1  }
0x2ec: {  	[tilespmem:s21+$0xFB00] =	vst v0  }
0x2ed: {  	v0 =	vld [tilespmem:s1+$0x6B10];
	_ =	sdelay $0x4  }
0x2ee: {  	v0 =	vadd.f32 v0, v19;
	_ =	sdelay $0x1  }
0x2ef: {  	[tilespmem:s21+$0xFB10] =	vst v0  }
0x2f0: {  	v0 =	vld [tilespmem:s1+$0x6B20];
	_ =	sdelay $0x4  }
0x2f1: {  	v0 =	vadd.f32 v0, v18;
	_ =	sdelay $0x1  }
0x2f2: {  	[tilespmem:s21+$0xFB20] =	vst v0  }
0x2f3: {  	v0 =	vld [tilespmem:s1+$0x6B30];
	_ =	sdelay $0x4  }
0x2f4: {  	v0 =	vadd.f32 v0, v17;
	_ =	sdelay $0x1  }
0x2f5: {  	[tilespmem:s21+$0xFB30] =	vst v0  }
0x2f6: {  	v0 =	vld [tilespmem:s1+$0x6B40];
	_ =	sdelay $0x4  }
0x2f7: {  	v0 =	vadd.f32 v0, v16;
	_ =	sdelay $0x1  }
0x2f8: {  	[tilespmem:s21+$0xFB40] =	vst v0  }
0x2f9: {  	v0 =	vld [tilespmem:s1+$0x6B50];
	_ =	sdelay $0x4  }
0x2fa: {  	v0 =	vadd.f32 v0, v15;
	_ =	sdelay $0x1  }
0x2fb: {  	[tilespmem:s21+$0xFB50] =	vst v0  }
0x2fc: {  	v0 =	vld [tilespmem:s1+$0x6B60];
	_ =	sdelay $0x4  }
0x2fd: {  	v0 =	vadd.f32 v0, v14;
	_ =	sdelay $0x1  }
0x2fe: {  	[tilespmem:s21+$0xFB60] =	vst v0  }
0x2ff: {  	v0 =	vld [tilespmem:s1+$0x6B70];
	_ =	sdelay $0x4  }
0x300: {  	v0 =	vadd.f32 v0, v13;
	_ =	sdelay $0x1  }
0x301: {  	[tilespmem:s21+$0xFB70] =	vst v0  }
0x302: {  	v0 =	vld [tilespmem:s1+$0x6F00];
	_ =	sdelay $0x4  }
0x303: {  	v0 =	vadd.f32 v0, v12  }
0x304: {  	s25 =	sadd.s32 $0x1400, s1  }
0x305: {  	[tilespmem:s25+$0xFB00] =	vst v0  }
0x306: {  	v0 =	vld [tilespmem:s1+$0x6F10];
	_ =	sdelay $0x4  }
0x307: {  	v0 =	vadd.f32 v0, v10;
	_ =	sdelay $0x1  }
0x308: {  	[tilespmem:s25+$0xFB10] =	vst v0  }
0x309: {  	v0 =	vld [tilespmem:s1+$0x6F20];
	_ =	sdelay $0x4  }
0x30a: {  	v0 =	vadd.f32 v0, v11;
	_ =	sdelay $0x1  }
0x30b: {  	[tilespmem:s25+$0xFB20] =	vst v0  }
0x30c: {  	v0 =	vld [tilespmem:s1+$0x6F30];
	_ =	sdelay $0x4  }
0x30d: {  	v0 =	vadd.f32 v0, v9;
	_ =	sdelay $0x1  }
0x30e: {  	[tilespmem:s25+$0xFB30] =	vst v0  }
0x30f: {  	v0 =	vld [tilespmem:s1+$0x6F40];
	_ =	sdelay $0x4  }
0x310: {  	v0 =	vadd.f32 v0, v8;
	_ =	sdelay $0x1  }
0x311: {  	[tilespmem:s25+$0xFB40] =	vst v0  }
0x312: {  	v0 =	vld [tilespmem:s1+$0x6F50];
	_ =	sdelay $0x4  }
0x313: {  	v0 =	vadd.f32 v0, v7;
	_ =	sdelay $0x1  }
0x314: {  	[tilespmem:s25+$0xFB50] =	vst v0  }
0x315: {  	v0 =	vld [tilespmem:s1+$0x6F60];
	_ =	sdelay $0x4  }
0x316: {  	v0 =	vadd.f32 v0, v6;
	_ =	sdelay $0x1  }
0x317: {  	[tilespmem:s25+$0xFB60] =	vst v0  }
0x318: {  	v0 =	vld [tilespmem:s1+$0x6F70];
	_ =	sdelay $0x4  }
0x319: {  	v0 =	vadd.f32 v0, v5;
	_ =	sdelay $0x1  }
0x31a: {  	[tilespmem:s25+$0xFB70] =	vst v0  }
0x31b: {  	v20 =	vld [tilespmem:$0x5400]  }
0x31c: {  	v19 =	vld [tilespmem:$0x5410]  }
0x31d: {  	v18 =	vld [tilespmem:$0x5420]  }
0x31e: {  	v17 =	vld [tilespmem:$0x5430]  }
0x31f: {  	s21 =	simm.s32 $0x0;
	v16 =	vld [tilespmem:$0x5440]  }
0x320: {  	s1 =	smul.u32 $0x2800, s21;
	v15 =	vld [tilespmem:$0x5450]  }
0x321: {  	s22 =	simm.s32 $0x0;
	v14 =	vld [tilespmem:$0x5460]  }
0x322: {  	s21 =	sand.u32 $0x380, s22;
	s1 =	sadd.s32 s0, s1;
	v13 =	vld [tilespmem:$0x5470]  }
0x323: {  	s1 =	sadd.s32 s21, s1;
	v12 =	vld [tilespmem:$0x5480]  }
0x324: {  	v0 =	vld [tilespmem:s1+$0x7300]  }
0x325: {  	v10 =	vld [tilespmem:$0x5490]  }
0x326: {  	v11 =	vld [tilespmem:$0x54A0]  }
0x327: {  	v9 =	vld [tilespmem:$0x54B0]  }
0x328: {  	v8 =	vld [tilespmem:$0x54C0]  }
0x329: {  	v7 =	vld [tilespmem:$0x54D0];
	v0 =	vadd.f32 v0, v20  }
0x32a: {  	s21 =	sadd.s32 $0x1800, s1;
	v6 =	vld [tilespmem:$0x54E0]  }
0x32b: {  	v5 =	vld [tilespmem:$0x54F0];
	[tilespmem:s21+$0xFB00] =	vst v0  }
0x32c: {  	v0 =	vld [tilespmem:s1+$0x7310];
	_ =	sdelay $0x4  }
0x32d: {  	v0 =	vadd.f32 v0, v19;
	_ =	sdelay $0x1  }
0x32e: {  	[tilespmem:s21+$0xFB10] =	vst v0  }
0x32f: {  	v0 =	vld [tilespmem:s1+$0x7320];
	_ =	sdelay $0x4  }
0x330: {  	v0 =	vadd.f32 v0, v18;
	_ =	sdelay $0x1  }
0x331: {  	[tilespmem:s21+$0xFB20] =	vst v0  }
0x332: {  	v0 =	vld [tilespmem:s1+$0x7330];
	_ =	sdelay $0x4  }
0x333: {  	v0 =	vadd.f32 v0, v17;
	_ =	sdelay $0x1  }
0x334: {  	[tilespmem:s21+$0xFB30] =	vst v0  }
0x335: {  	v0 =	vld [tilespmem:s1+$0x7340];
	_ =	sdelay $0x4  }
0x336: {  	v0 =	vadd.f32 v0, v16;
	_ =	sdelay $0x1  }
0x337: {  	[tilespmem:s21+$0xFB40] =	vst v0  }
0x338: {  	v0 =	vld [tilespmem:s1+$0x7350];
	_ =	sdelay $0x4  }
0x339: {  	v0 =	vadd.f32 v0, v15;
	_ =	sdelay $0x1  }
0x33a: {  	[tilespmem:s21+$0xFB50] =	vst v0  }
0x33b: {  	v0 =	vld [tilespmem:s1+$0x7360];
	_ =	sdelay $0x4  }
0x33c: {  	v0 =	vadd.f32 v0, v14;
	_ =	sdelay $0x1  }
0x33d: {  	[tilespmem:s21+$0xFB60] =	vst v0  }
0x33e: {  	v0 =	vld [tilespmem:s1+$0x7370];
	_ =	sdelay $0x4  }
0x33f: {  	v0 =	vadd.f32 v0, v13;
	_ =	sdelay $0x1  }
0x340: {  	[tilespmem:s21+$0xFB70] =	vst v0  }
0x341: {  	v0 =	vld [tilespmem:s1+$0x7700];
	_ =	sdelay $0x4  }
0x342: {  	v0 =	vadd.f32 v0, v12  }
0x343: {  	s22 =	sadd.s32 $0x1C00, s1  }
0x344: {  	[tilespmem:s22+$0xFB00] =	vst v0  }
0x345: {  	v0 =	vld [tilespmem:s1+$0x7710];
	_ =	sdelay $0x4  }
0x346: {  	v0 =	vadd.f32 v0, v10;
	_ =	sdelay $0x1  }
0x347: {  	[tilespmem:s22+$0xFB10] =	vst v0  }
0x348: {  	v0 =	vld [tilespmem:s1+$0x7720];
	_ =	sdelay $0x4  }
0x349: {  	v0 =	vadd.f32 v0, v11;
	_ =	sdelay $0x1  }
0x34a: {  	[tilespmem:s22+$0xFB20] =	vst v0  }
0x34b: {  	v0 =	vld [tilespmem:s1+$0x7730];
	_ =	sdelay $0x4  }
0x34c: {  	v0 =	vadd.f32 v0, v9;
	_ =	sdelay $0x1  }
0x34d: {  	[tilespmem:s22+$0xFB30] =	vst v0  }
0x34e: {  	v0 =	vld [tilespmem:s1+$0x7740];
	_ =	sdelay $0x4  }
0x34f: {  	v0 =	vadd.f32 v0, v8;
	_ =	sdelay $0x1  }
0x350: {  	[tilespmem:s22+$0xFB40] =	vst v0  }
0x351: {  	v0 =	vld [tilespmem:s1+$0x7750];
	_ =	sdelay $0x4  }
0x352: {  	v0 =	vadd.f32 v0, v7;
	_ =	sdelay $0x1  }
0x353: {  	[tilespmem:s22+$0xFB50] =	vst v0  }
0x354: {  	v0 =	vld [tilespmem:s1+$0x7760];
	_ =	sdelay $0x4  }
0x355: {  	v0 =	vadd.f32 v0, v6;
	_ =	sdelay $0x1  }
0x356: {  	[tilespmem:s22+$0xFB60] =	vst v0  }
0x357: {  	v0 =	vld [tilespmem:s1+$0x7770];
	_ =	sdelay $0x1  }
0x358: {  	s24 =	simm.s32 $0x0  }
0x359: {  	s25 =	smul.u32 $0x2800, s24  }
0x35a: {  	s1 =	simm.s32 $0x80  }
0x35b: {  	s24 =	simm.s32 $0x2;
	s21 =	sadd.s32 s0, s25;
	s25 =	sand.u32 $0x380, s1;
	v0 =	vadd.f32 v0, v5  }
.LBB2_9:
0x35c: {  	p0 =	sne.s32 s24, $0xF  }
0x35d: {  	s21 =	sadd.s32 s25, s21;
	[tilespmem:s22+$0xFB70] =	vst v0;
	s25 =	smov.u32 s24;
	s24 =	sadd.s32 $0x1, s24  }
0x35e: {  	v0 =	vld [tilespmem:s21+$0x7300];
	_ =	sdelay $0x4  }
0x35f: {  	v0 =	vadd.f32 v0, v20  }
0x360: {  	s22 =	sadd.s32 $0x1800, s21  }
0x361: {  	[tilespmem:s22+$0xFB00] =	vst v0  }
0x362: {  	v0 =	vld [tilespmem:s21+$0x7310];
	_ =	sdelay $0x4  }
0x363: {  	v0 =	vadd.f32 v0, v19;
	_ =	sdelay $0x1  }
0x364: {  	[tilespmem:s22+$0xFB10] =	vst v0  }
0x365: {  	v0 =	vld [tilespmem:s21+$0x7320];
	_ =	sdelay $0x4  }
0x366: {  	v0 =	vadd.f32 v0, v18;
	_ =	sdelay $0x1  }
0x367: {  	[tilespmem:s22+$0xFB20] =	vst v0  }
0x368: {  	v0 =	vld [tilespmem:s21+$0x7330];
	_ =	sdelay $0x4  }
0x369: {  	v0 =	vadd.f32 v0, v17;
	_ =	sdelay $0x1  }
0x36a: {  	[tilespmem:s22+$0xFB30] =	vst v0  }
0x36b: {  	v0 =	vld [tilespmem:s21+$0x7340];
	_ =	sdelay $0x4  }
0x36c: {  	v0 =	vadd.f32 v0, v16;
	_ =	sdelay $0x1  }
0x36d: {  	[tilespmem:s22+$0xFB40] =	vst v0  }
0x36e: {  	v0 =	vld [tilespmem:s21+$0x7350];
	_ =	sdelay $0x4  }
0x36f: {  	v0 =	vadd.f32 v0, v15;
	_ =	sdelay $0x1  }
0x370: {  	[tilespmem:s22+$0xFB50] =	vst v0  }
0x371: {  	v0 =	vld [tilespmem:s21+$0x7360];
	_ =	sdelay $0x4  }
0x372: {  	v0 =	vadd.f32 v0, v14;
	_ =	sdelay $0x1  }
0x373: {  	[tilespmem:s22+$0xFB60] =	vst v0  }
0x374: {  	v0 =	vld [tilespmem:s21+$0x7370];
	_ =	sdelay $0x4  }
0x375: {  	v0 =	vadd.f32 v0, v13;
	_ =	sdelay $0x1  }
0x376: {  	[tilespmem:s22+$0xFB70] =	vst v0  }
0x377: {  	v0 =	vld [tilespmem:s21+$0x7700];
	_ =	sdelay $0x4  }
0x378: {  	v0 =	vadd.f32 v0, v12  }
0x379: {  	s22 =	sadd.s32 $0x1C00, s21  }
0x37a: {  	[tilespmem:s22+$0xFB00] =	vst v0  }
0x37b: {  	v0 =	vld [tilespmem:s21+$0x7710];
	_ =	sdelay $0x4  }
0x37c: {  	v0 =	vadd.f32 v0, v10;
	_ =	sdelay $0x1  }
0x37d: {  	[tilespmem:s22+$0xFB10] =	vst v0  }
0x37e: {  	v0 =	vld [tilespmem:s21+$0x7720];
	_ =	sdelay $0x4  }
0x37f: {  	v0 =	vadd.f32 v0, v11;
	_ =	sdelay $0x1  }
0x380: {  	[tilespmem:s22+$0xFB20] =	vst v0  }
0x381: {  	v0 =	vld [tilespmem:s21+$0x7730];
	_ =	sdelay $0x4  }
0x382: {  	v0 =	vadd.f32 v0, v9;
	_ =	sdelay $0x1  }
0x383: {  	[tilespmem:s22+$0xFB30] =	vst v0  }
0x384: {  	v0 =	vld [tilespmem:s21+$0x7740];
	_ =	sdelay $0x4  }
0x385: {  	v0 =	vadd.f32 v0, v8;
	_ =	sdelay $0x1  }
0x386: {  	[tilespmem:s22+$0xFB40] =	vst v0  }
0x387: {  	v0 =	vld [tilespmem:s21+$0x7750];
	_ =	sdelay $0x4  }
0x388: {  	v0 =	vadd.f32 v0, v7;
	_ =	sdelay $0x1  }
0x389: {  	[tilespmem:s22+$0xFB50] =	vst v0  }
0x38a: {  	v0 =	vld [tilespmem:s21+$0x7760];
	_ =	sdelay $0x4  }
0x38b: {  	v0 =	vadd.f32 v0, v6;
	_ =	sdelay $0x1  }
0x38c: {  	[tilespmem:s22+$0xFB60] =	vst v0  }
0x38d: {  	v0 =	vld [tilespmem:s21+$0x7770];
	_ =	sdelay $0x1  }
.Ltmp3:
0x38e: {  	(pc) =	sbr.rel @p0 .LBB2_9-.Ltmp3, $4  }
0x38f: {  	s21 =	sshrl.u32 s25, $0x3  }
0x390: {  	s21 =	smul.u32 $0x2800, s21  }
0x391: {  	s1 =	sadd.s32 $0x80, s1;
	v0 =	vadd.f32 v0, v5  }
0x392: {  	s25 =	sand.u32 $0x380, s1;
	s21 =	sadd.s32 s0, s21  }
0x393: {  	s1 =	sadd.s32 s25, s21;
	[tilespmem:s22+$0xFB70] =	vst v0  }
0x394: {  	v0 =	vld [tilespmem:s1+$0x7300];
	_ =	sdelay $0x4  }
0x395: {  	v0 =	vadd.f32 v0, v20  }
0x396: {  	s21 =	sadd.s32 $0x1800, s1  }
0x397: {  	[tilespmem:s21+$0xFB00] =	vst v0  }
0x398: {  	v0 =	vld [tilespmem:s1+$0x7310];
	_ =	sdelay $0x4  }
0x399: {  	v0 =	vadd.f32 v0, v19;
	_ =	sdelay $0x1  }
0x39a: {  	[tilespmem:s21+$0xFB10] =	vst v0  }
0x39b: {  	v0 =	vld [tilespmem:s1+$0x7320];
	_ =	sdelay $0x4  }
0x39c: {  	v0 =	vadd.f32 v0, v18;
	_ =	sdelay $0x1  }
0x39d: {  	[tilespmem:s21+$0xFB20] =	vst v0  }
0x39e: {  	v0 =	vld [tilespmem:s1+$0x7330];
	_ =	sdelay $0x4  }
0x39f: {  	v0 =	vadd.f32 v0, v17;
	_ =	sdelay $0x1  }
0x3a0: {  	[tilespmem:s21+$0xFB30] =	vst v0  }
0x3a1: {  	v0 =	vld [tilespmem:s1+$0x7340];
	_ =	sdelay $0x4  }
0x3a2: {  	v0 =	vadd.f32 v0, v16;
	_ =	sdelay $0x1  }
0x3a3: {  	[tilespmem:s21+$0xFB40] =	vst v0  }
0x3a4: {  	v0 =	vld [tilespmem:s1+$0x7350];
	_ =	sdelay $0x4  }
0x3a5: {  	v0 =	vadd.f32 v0, v15;
	_ =	sdelay $0x1  }
0x3a6: {  	[tilespmem:s21+$0xFB50] =	vst v0  }
0x3a7: {  	v0 =	vld [tilespmem:s1+$0x7360];
	_ =	sdelay $0x4  }
0x3a8: {  	v0 =	vadd.f32 v0, v14;
	_ =	sdelay $0x1  }
0x3a9: {  	[tilespmem:s21+$0xFB60] =	vst v0  }
0x3aa: {  	v0 =	vld [tilespmem:s1+$0x7370];
	_ =	sdelay $0x4  }
0x3ab: {  	v0 =	vadd.f32 v0, v13;
	_ =	sdelay $0x1  }
0x3ac: {  	[tilespmem:s21+$0xFB70] =	vst v0  }
0x3ad: {  	v0 =	vld [tilespmem:s1+$0x7700];
	_ =	sdelay $0x4  }
0x3ae: {  	v0 =	vadd.f32 v0, v12  }
0x3af: {  	s25 =	sadd.s32 $0x1C00, s1  }
0x3b0: {  	[tilespmem:s25+$0xFB00] =	vst v0  }
0x3b1: {  	v0 =	vld [tilespmem:s1+$0x7710];
	_ =	sdelay $0x4  }
0x3b2: {  	v0 =	vadd.f32 v0, v10;
	_ =	sdelay $0x1  }
0x3b3: {  	[tilespmem:s25+$0xFB10] =	vst v0  }
0x3b4: {  	v0 =	vld [tilespmem:s1+$0x7720];
	_ =	sdelay $0x4  }
0x3b5: {  	v0 =	vadd.f32 v0, v11;
	_ =	sdelay $0x1  }
0x3b6: {  	[tilespmem:s25+$0xFB20] =	vst v0  }
0x3b7: {  	v0 =	vld [tilespmem:s1+$0x7730];
	_ =	sdelay $0x4  }
0x3b8: {  	v0 =	vadd.f32 v0, v9;
	_ =	sdelay $0x1  }
0x3b9: {  	[tilespmem:s25+$0xFB30] =	vst v0  }
0x3ba: {  	v0 =	vld [tilespmem:s1+$0x7740];
	_ =	sdelay $0x4  }
0x3bb: {  	v0 =	vadd.f32 v0, v8;
	_ =	sdelay $0x1  }
0x3bc: {  	[tilespmem:s25+$0xFB40] =	vst v0  }
0x3bd: {  	v0 =	vld [tilespmem:s1+$0x7750];
	_ =	sdelay $0x4  }
0x3be: {  	v0 =	vadd.f32 v0, v7;
	_ =	sdelay $0x1  }
0x3bf: {  	[tilespmem:s25+$0xFB50] =	vst v0  }
0x3c0: {  	v0 =	vld [tilespmem:s1+$0x7760];
	_ =	sdelay $0x4  }
0x3c1: {  	v0 =	vadd.f32 v0, v6;
	_ =	sdelay $0x1  }
0x3c2: {  	[tilespmem:s25+$0xFB60] =	vst v0  }
0x3c3: {  	v0 =	vld [tilespmem:s1+$0x7770];
	_ =	sdelay $0x4  }
0x3c4: {  	v0 =	vadd.f32 v0, v5;
	_ =	sdelay $0x1  }
0x3c5: {  	[tilespmem:s25+$0xFB70] =	vst v0  }
0x3c6: {  	v20 =	vld [tilespmem:$0x5500]  }
0x3c7: {  	v19 =	vld [tilespmem:$0x5510]  }
0x3c8: {  	v18 =	vld [tilespmem:$0x5520]  }
0x3c9: {  	v17 =	vld [tilespmem:$0x5530]  }
0x3ca: {  	s21 =	simm.s32 $0x0;
	v16 =	vld [tilespmem:$0x5540]  }
0x3cb: {  	s1 =	smul.u32 $0x2800, s21;
	v15 =	vld [tilespmem:$0x5550]  }
0x3cc: {  	s22 =	simm.s32 $0x0;
	v14 =	vld [tilespmem:$0x5560]  }
0x3cd: {  	s21 =	sand.u32 $0x380, s22;
	s1 =	sadd.s32 s0, s1;
	v13 =	vld [tilespmem:$0x5570]  }
0x3ce: {  	s1 =	sadd.s32 s21, s1;
	v12 =	vld [tilespmem:$0x5580]  }
0x3cf: {  	v0 =	vld [tilespmem:s1+$0x7B00]  }
0x3d0: {  	v10 =	vld [tilespmem:$0x5590]  }
0x3d1: {  	v11 =	vld [tilespmem:$0x55A0]  }
0x3d2: {  	v9 =	vld [tilespmem:$0x55B0]  }
0x3d3: {  	v8 =	vld [tilespmem:$0x55C0]  }
0x3d4: {  	v7 =	vld [tilespmem:$0x55D0];
	v0 =	vadd.f32 v0, v20  }
0x3d5: {  	s21 =	sadd.s32 $0x2000, s1;
	v6 =	vld [tilespmem:$0x55E0]  }
0x3d6: {  	v5 =	vld [tilespmem:$0x55F0];
	[tilespmem:s21+$0xFB00] =	vst v0  }
0x3d7: {  	v0 =	vld [tilespmem:s1+$0x7B10];
	_ =	sdelay $0x4  }
0x3d8: {  	v0 =	vadd.f32 v0, v19;
	_ =	sdelay $0x1  }
0x3d9: {  	[tilespmem:s21+$0xFB10] =	vst v0  }
0x3da: {  	v0 =	vld [tilespmem:s1+$0x7B20];
	_ =	sdelay $0x4  }
0x3db: {  	v0 =	vadd.f32 v0, v18;
	_ =	sdelay $0x1  }
0x3dc: {  	[tilespmem:s21+$0xFB20] =	vst v0  }
0x3dd: {  	v0 =	vld [tilespmem:s1+$0x7B30];
	_ =	sdelay $0x4  }
0x3de: {  	v0 =	vadd.f32 v0, v17;
	_ =	sdelay $0x1  }
0x3df: {  	[tilespmem:s21+$0xFB30] =	vst v0  }
0x3e0: {  	v0 =	vld [tilespmem:s1+$0x7B40];
	_ =	sdelay $0x4  }
0x3e1: {  	v0 =	vadd.f32 v0, v16;
	_ =	sdelay $0x1  }
0x3e2: {  	[tilespmem:s21+$0xFB40] =	vst v0  }
0x3e3: {  	v0 =	vld [tilespmem:s1+$0x7B50];
	_ =	sdelay $0x4  }
0x3e4: {  	v0 =	vadd.f32 v0, v15;
	_ =	sdelay $0x1  }
0x3e5: {  	[tilespmem:s21+$0xFB50] =	vst v0  }
0x3e6: {  	v0 =	vld [tilespmem:s1+$0x7B60];
	_ =	sdelay $0x4  }
0x3e7: {  	v0 =	vadd.f32 v0, v14;
	_ =	sdelay $0x1  }
0x3e8: {  	[tilespmem:s21+$0xFB60] =	vst v0  }
0x3e9: {  	v0 =	vld [tilespmem:s1+$0x7B70];
	_ =	sdelay $0x4  }
0x3ea: {  	v0 =	vadd.f32 v0, v13;
	_ =	sdelay $0x1  }
0x3eb: {  	[tilespmem:s21+$0xFB70] =	vst v0  }
0x3ec: {  	v0 =	vld [tilespmem:s1+$0x7F00];
	_ =	sdelay $0x4  }
0x3ed: {  	v0 =	vadd.f32 v0, v12  }
0x3ee: {  	s22 =	sadd.s32 $0x2400, s1  }
0x3ef: {  	[tilespmem:s22+$0xFB00] =	vst v0  }
0x3f0: {  	v0 =	vld [tilespmem:s1+$0x7F10];
	_ =	sdelay $0x4  }
0x3f1: {  	v0 =	vadd.f32 v0, v10;
	_ =	sdelay $0x1  }
0x3f2: {  	[tilespmem:s22+$0xFB10] =	vst v0  }
0x3f3: {  	v0 =	vld [tilespmem:s1+$0x7F20];
	_ =	sdelay $0x4  }
0x3f4: {  	v0 =	vadd.f32 v0, v11;
	_ =	sdelay $0x1  }
0x3f5: {  	[tilespmem:s22+$0xFB20] =	vst v0  }
0x3f6: {  	v0 =	vld [tilespmem:s1+$0x7F30];
	_ =	sdelay $0x4  }
0x3f7: {  	v0 =	vadd.f32 v0, v9;
	_ =	sdelay $0x1  }
0x3f8: {  	[tilespmem:s22+$0xFB30] =	vst v0  }
0x3f9: {  	v0 =	vld [tilespmem:s1+$0x7F40];
	_ =	sdelay $0x4  }
0x3fa: {  	v0 =	vadd.f32 v0, v8;
	_ =	sdelay $0x1  }
0x3fb: {  	[tilespmem:s22+$0xFB40] =	vst v0  }
0x3fc: {  	v0 =	vld [tilespmem:s1+$0x7F50];
	_ =	sdelay $0x4  }
0x3fd: {  	v0 =	vadd.f32 v0, v7;
	_ =	sdelay $0x1  }
0x3fe: {  	[tilespmem:s22+$0xFB50] =	vst v0  }
0x3ff: {  	v0 =	vld [tilespmem:s1+$0x7F60];
	_ =	sdelay $0x4  }
0x400: {  	v0 =	vadd.f32 v0, v6;
	_ =	sdelay $0x1  }
0x401: {  	[tilespmem:s22+$0xFB60] =	vst v0  }
0x402: {  	v0 =	vld [tilespmem:s1+$0x7F70];
	_ =	sdelay $0x1  }
0x403: {  	s24 =	simm.s32 $0x0  }
0x404: {  	s25 =	smul.u32 $0x2800, s24  }
0x405: {  	s1 =	simm.s32 $0x80  }
0x406: {  	s24 =	simm.s32 $0x2;
	s21 =	sadd.s32 s0, s25;
	s25 =	sand.u32 $0x380, s1;
	v0 =	vadd.f32 v0, v5  }
.LBB2_11:
0x407: {  	p0 =	sne.s32 s24, $0xF  }
0x408: {  	s21 =	sadd.s32 s25, s21;
	[tilespmem:s22+$0xFB70] =	vst v0;
	s25 =	smov.u32 s24;
	s24 =	sadd.s32 $0x1, s24  }
0x409: {  	v0 =	vld [tilespmem:s21+$0x7B00];
	_ =	sdelay $0x4  }
0x40a: {  	v0 =	vadd.f32 v0, v20  }
0x40b: {  	s22 =	sadd.s32 $0x2000, s21  }
0x40c: {  	[tilespmem:s22+$0xFB00] =	vst v0  }
0x40d: {  	v0 =	vld [tilespmem:s21+$0x7B10];
	_ =	sdelay $0x4  }
0x40e: {  	v0 =	vadd.f32 v0, v19;
	_ =	sdelay $0x1  }
0x40f: {  	[tilespmem:s22+$0xFB10] =	vst v0  }
0x410: {  	v0 =	vld [tilespmem:s21+$0x7B20];
	_ =	sdelay $0x4  }
0x411: {  	v0 =	vadd.f32 v0, v18;
	_ =	sdelay $0x1  }
0x412: {  	[tilespmem:s22+$0xFB20] =	vst v0  }
0x413: {  	v0 =	vld [tilespmem:s21+$0x7B30];
	_ =	sdelay $0x4  }
0x414: {  	v0 =	vadd.f32 v0, v17;
	_ =	sdelay $0x1  }
0x415: {  	[tilespmem:s22+$0xFB30] =	vst v0  }
0x416: {  	v0 =	vld [tilespmem:s21+$0x7B40];
	_ =	sdelay $0x4  }
0x417: {  	v0 =	vadd.f32 v0, v16;
	_ =	sdelay $0x1  }
0x418: {  	[tilespmem:s22+$0xFB40] =	vst v0  }
0x419: {  	v0 =	vld [tilespmem:s21+$0x7B50];
	_ =	sdelay $0x4  }
0x41a: {  	v0 =	vadd.f32 v0, v15;
	_ =	sdelay $0x1  }
0x41b: {  	[tilespmem:s22+$0xFB50] =	vst v0  }
0x41c: {  	v0 =	vld [tilespmem:s21+$0x7B60];
	_ =	sdelay $0x4  }
0x41d: {  	v0 =	vadd.f32 v0, v14;
	_ =	sdelay $0x1  }
0x41e: {  	[tilespmem:s22+$0xFB60] =	vst v0  }
0x41f: {  	v0 =	vld [tilespmem:s21+$0x7B70];
	_ =	sdelay $0x4  }
0x420: {  	v0 =	vadd.f32 v0, v13;
	_ =	sdelay $0x1  }
0x421: {  	[tilespmem:s22+$0xFB70] =	vst v0  }
0x422: {  	v0 =	vld [tilespmem:s21+$0x7F00];
	_ =	sdelay $0x4  }
0x423: {  	v0 =	vadd.f32 v0, v12  }
0x424: {  	s22 =	sadd.s32 $0x2400, s21  }
0x425: {  	[tilespmem:s22+$0xFB00] =	vst v0  }
0x426: {  	v0 =	vld [tilespmem:s21+$0x7F10];
	_ =	sdelay $0x4  }
0x427: {  	v0 =	vadd.f32 v0, v10;
	_ =	sdelay $0x1  }
0x428: {  	[tilespmem:s22+$0xFB10] =	vst v0  }
0x429: {  	v0 =	vld [tilespmem:s21+$0x7F20];
	_ =	sdelay $0x4  }
0x42a: {  	v0 =	vadd.f32 v0, v11;
	_ =	sdelay $0x1  }
0x42b: {  	[tilespmem:s22+$0xFB20] =	vst v0  }
0x42c: {  	v0 =	vld [tilespmem:s21+$0x7F30];
	_ =	sdelay $0x4  }
0x42d: {  	v0 =	vadd.f32 v0, v9;
	_ =	sdelay $0x1  }
0x42e: {  	[tilespmem:s22+$0xFB30] =	vst v0  }
0x42f: {  	v0 =	vld [tilespmem:s21+$0x7F40];
	_ =	sdelay $0x4  }
0x430: {  	v0 =	vadd.f32 v0, v8;
	_ =	sdelay $0x1  }
0x431: {  	[tilespmem:s22+$0xFB40] =	vst v0  }
0x432: {  	v0 =	vld [tilespmem:s21+$0x7F50];
	_ =	sdelay $0x4  }
0x433: {  	v0 =	vadd.f32 v0, v7;
	_ =	sdelay $0x1  }
0x434: {  	[tilespmem:s22+$0xFB50] =	vst v0  }
0x435: {  	v0 =	vld [tilespmem:s21+$0x7F60];
	_ =	sdelay $0x4  }
0x436: {  	v0 =	vadd.f32 v0, v6;
	_ =	sdelay $0x1  }
0x437: {  	[tilespmem:s22+$0xFB60] =	vst v0  }
0x438: {  	v0 =	vld [tilespmem:s21+$0x7F70];
	_ =	sdelay $0x1  }
.Ltmp4:
0x439: {  	(pc) =	sbr.rel @p0 .LBB2_11-.Ltmp4, $4  }
0x43a: {  	s21 =	sshrl.u32 s25, $0x3  }
0x43b: {  	s21 =	smul.u32 $0x2800, s21  }
0x43c: {  	s1 =	sadd.s32 $0x80, s1;
	v0 =	vadd.f32 v0, v5  }
0x43d: {  	s25 =	sand.u32 $0x380, s1;
	s21 =	sadd.s32 s0, s21  }
0x43e: {  	s1 =	sadd.s32 s25, s21;
	[tilespmem:s22+$0xFB70] =	vst v0  }
0x43f: {  	v0 =	vld [tilespmem:s1+$0x7B00];
	_ =	sdelay $0x4  }
0x440: {  	v0 =	vadd.f32 v0, v20  }
0x441: {  	s21 =	sadd.s32 $0x2000, s1  }
0x442: {  	[tilespmem:s21+$0xFB00] =	vst v0  }
0x443: {  	v0 =	vld [tilespmem:s1+$0x7B10];
	_ =	sdelay $0x4  }
0x444: {  	v0 =	vadd.f32 v0, v19;
	_ =	sdelay $0x1  }
0x445: {  	[tilespmem:s21+$0xFB10] =	vst v0  }
0x446: {  	v0 =	vld [tilespmem:s1+$0x7B20];
	_ =	sdelay $0x4  }
0x447: {  	v0 =	vadd.f32 v0, v18;
	_ =	sdelay $0x1  }
0x448: {  	[tilespmem:s21+$0xFB20] =	vst v0  }
0x449: {  	v0 =	vld [tilespmem:s1+$0x7B30];
	_ =	sdelay $0x4  }
0x44a: {  	v0 =	vadd.f32 v0, v17;
	_ =	sdelay $0x1  }
0x44b: {  	[tilespmem:s21+$0xFB30] =	vst v0  }
0x44c: {  	v0 =	vld [tilespmem:s1+$0x7B40];
	_ =	sdelay $0x4  }
0x44d: {  	v0 =	vadd.f32 v0, v16;
	_ =	sdelay $0x1  }
0x44e: {  	[tilespmem:s21+$0xFB40] =	vst v0  }
0x44f: {  	v0 =	vld [tilespmem:s1+$0x7B50];
	_ =	sdelay $0x4  }
0x450: {  	v0 =	vadd.f32 v0, v15;
	_ =	sdelay $0x1  }
0x451: {  	[tilespmem:s21+$0xFB50] =	vst v0  }
0x452: {  	v0 =	vld [tilespmem:s1+$0x7B60];
	_ =	sdelay $0x4  }
0x453: {  	v0 =	vadd.f32 v0, v14;
	_ =	sdelay $0x1  }
0x454: {  	[tilespmem:s21+$0xFB60] =	vst v0  }
0x455: {  	v0 =	vld [tilespmem:s1+$0x7B70];
	_ =	sdelay $0x4  }
0x456: {  	v0 =	vadd.f32 v0, v13;
	_ =	sdelay $0x1  }
0x457: {  	[tilespmem:s21+$0xFB70] =	vst v0  }
0x458: {  	v0 =	vld [tilespmem:s1+$0x7F00];
	_ =	sdelay $0x4  }
0x459: {  	v0 =	vadd.f32 v0, v12  }
0x45a: {  	s24 =	sadd.s32 $0x2400, s1  }
0x45b: {  	[tilespmem:s24+$0xFB00] =	vst v0  }
0x45c: {  	v0 =	vld [tilespmem:s1+$0x7F10];
	_ =	sdelay $0x4  }
0x45d: {  	v0 =	vadd.f32 v0, v10;
	_ =	sdelay $0x1  }
0x45e: {  	[tilespmem:s24+$0xFB10] =	vst v0  }
0x45f: {  	v0 =	vld [tilespmem:s1+$0x7F20];
	_ =	sdelay $0x4  }
0x460: {  	v0 =	vadd.f32 v0, v11;
	_ =	sdelay $0x1  }
0x461: {  	[tilespmem:s24+$0xFB20] =	vst v0  }
0x462: {  	v0 =	vld [tilespmem:s1+$0x7F30];
	_ =	sdelay $0x4  }
0x463: {  	v0 =	vadd.f32 v0, v9;
	_ =	sdelay $0x1  }
0x464: {  	[tilespmem:s24+$0xFB30] =	vst v0  }
0x465: {  	v0 =	vld [tilespmem:s1+$0x7F40];
	_ =	sdelay $0x4  }
0x466: {  	v0 =	vadd.f32 v0, v8;
	_ =	sdelay $0x1  }
0x467: {  	[tilespmem:s24+$0xFB40] =	vst v0  }
0x468: {  	v0 =	vld [tilespmem:s1+$0x7F50];
	_ =	sdelay $0x4  }
0x469: {  	v0 =	vadd.f32 v0, v7;
	_ =	sdelay $0x1  }
0x46a: {  	[tilespmem:s24+$0xFB50] =	vst v0  }
0x46b: {  	v0 =	vld [tilespmem:s1+$0x7F60];
	_ =	sdelay $0x4  }
0x46c: {  	v0 =	vadd.f32 v0, v6;
	_ =	sdelay $0x1  }
0x46d: {  	[tilespmem:s24+$0xFB60] =	vst v0  }
0x46e: {  	v0 =	vld [tilespmem:s1+$0x7F70];
	_ =	sdelay $0x2  }
0x46f: {  	s1 =	smul.u32 $0x5000, s30;
	_ =	sdelay $0x1  }
0x470: {  	s2 =	sadd.s32 $0x5, s2;
	p0 =	sgt.u32 s30, $0x3D;
	s25 =	sadd.s32 s6, s1;
	v0 =	vadd.f32 v0, v5  }
0x471: {  	s30 =	sadd.s32 $0x1, s30;
	s1 =	sadd.s32 @!p0 s1, s17;
	s22 =	sshrl.u32 s25, $0x3  }
0x472: {  	s25 =	sadd.s32 $0xFB00, s0;
	s1 =	sshrl.u32 @!p0 s1, $0x3;
	[tilespmem:s24+$0xFB70] =	vst v0;
	s24 =	sadd.s32 s8, s22  }
0x473: {  	[hbm4b:s24+s5] =	stream.linear.scatter [tilespmem:s25], [sflag:s2], $0x5000, $0x38;
	[tilespmem:$0x19B00] =	vst v63  }
0x474: {  	s0 =	sadd.s32 @!p0 $0x5B00, s0;
	s1 =	sadd.s32 @!p0 s7, s1;
	s2 =	simm.s32 @!p0 $0x0  }
0x475: {  	[tilespmem:s0], [sflag:s31] =	stream.linear.gather @!p0 [hbm4b:s1+s2], $0x5000, $0x38;
	[tilespmem:$0x19B00] =	vst v63  }
0x476: {  	p0 =	sne.s32 s30, $0x40  }
.Ltmp5:
0x477: {  	_ = 	snop;
	(pc) =	sbr.rel @p0 .LBB2_2-.Ltmp5, $1  }
0x478: {  	_ =	sdelay $0x3  }
0x479: {  	s29 =	sadd.s32 $0x1, s29  }
0x47a: {  	_ =	swait.ge [sflag:s26], $0x5000;
	p0 =	sne.s32 s29, s18  }
.Ltmp6:
0x47b: {  	[sflag:s26] =	ssyncset.done $0x0;
	(pc) =	sbr.rel @p0 .LBB2_1-.Ltmp6, $4  }
0x47c: {  	[sflag:s26] =	ssyncadd.s32 $0xFFFFB000  }
0x47d: {  	_ =	swait.ge [sflag:s28], $0x5000  }
0x47e: {  	[sflag:s28] =	ssyncset.done $0x0  }
0x47f: {  	[sflag:s28] =	ssyncadd.s32 $0xFFFFB000  }
0x480: {  	_ =	sfence.sel $0x180000  }
0x481: {  	[bflag:$0x0] =	sbarrier.arrive $0xFFFF  }
0x482: {  	_ =	strace $0x90000047  }
0x483: {  	s0 =	stileid.u32;
	[bflag:$0x2] =	sbarrier.arrive $0xFFFF  }
0x484: {  	p0 =	sne.s32 s0, $0x0;
	s0 =	rddreg [dreg:$0x4]  }
0x485: {  	s0 =	sadd.s32 @!p0 $0x100000, s0  }
0x486: {  	[sflag:s0] =	ssyncadd.tile.s32 @!p0 $0x1;
	_ =	shalt  }
.Lfunc_end2:
_tile_overlayer_lowered:
.L_overlay_start_2:
0x487: {  	(tag) =	ssettag $0x2  }
0x488: {  	s0 =	rddreg [dreg:$0x0];
	s2 =	stileid.u32  }
0x489: {  	s1 =	rddreg [dreg:$0x1];
	p0 =	sne.s32 s2, $0x0  }
0x48a: {  	s3 =	rddreg [dreg:$0x2];
	[bflag:$0x3] =	sbarrier.arrive $0xFFFF;
	s2 =	simm.s32 @!p0 $0x1C07  }
0x48b: {  	[timem:s3], [sflag:s2] =	dma.local @!p0 [hbm:s0], s1  }
0x48c: {  	s0 =	simm.s32 @!p0 $0x7  }
0x48d: {  	_ =	swait.ge @!p0 [sflag:s0], s1  }
0x48e: {  	s1 =	ssub.s32 @!p0 $0x0, s1;
	[sflag:s0] =	ssyncset.done @!p0 $0x0  }
0x48f: {  	[sflag:s0] =	ssyncadd.s32 @!p0 s1  }
0x490: {  	[bflag:$0x3] =	sbarrier.arrive $0xFFFF  }
0x491: {  	_ =	shalt  }

</sc_bundles>
